<compile_context>
chip_gen: v7x
topology: tpu7x:2x2x1
jax: 0.10.2.dev20260603
libtpu: 0.0.44.dev20260713+nightly
codegen_flags: <defaults>
</compile_context>

<pallas_src>
import functools

import jax
import jax.numpy as jnp
from jax import lax
from jax.experimental import pallas as pl
from jax.experimental.pallas import tpu as pltpu
from jax.experimental.pallas import tpu_sc as plsc

N = 10000
E = 320000
D_IN = 128
D_HID = 128
D_OUT = 16

K = 125
NROWS = E // K
NC, NS = 2, 16
NW = NC * NS
ROWS_W = NROWS // NW
HR = ROWS_W // 2
ZR = 640
ZLAST = N - 15 * ZR


def _per_tile_strip(sid, fn):
  @pl.when(sid < 15)
  def _():
    fn(sid * ZR, ZR)
  @pl.when(sid == 15)
  def _():
    fn(15 * ZR, ZLAST)


def _build_agg(D, with_deg):
  mesh = plsc.VectorSubcoreMesh(core_axis_name="c", subcore_axis_name="s")

  out_type = [jax.ShapeDtypeStruct((N, D), jnp.float32),
              jax.ShapeDtypeStruct((N, D), jnp.float32)]
  if with_deg:
    out_type += [jax.ShapeDtypeStruct((N,), jnp.float32),
                 jax.ShapeDtypeStruct((N,), jnp.float32)]

  scratch = [
      pltpu.VMEM_SHARED((N, D), jnp.float32),
      pltpu.VMEM((HR, K), jnp.int32),
      pltpu.VMEM((HR, K), jnp.int32),
      pltpu.VMEM((K, D), jnp.float32),
      pltpu.VMEM((K, D), jnp.float32),
      pltpu.VMEM((16, D), jnp.float32),
      pltpu.SemaphoreType.DMA,
      pltpu.SemaphoreType.DMA,
      pltpu.SemaphoreType.DMA,
      pltpu.SemaphoreType.DMA,
      pltpu.SemaphoreType.DMA,
  ]
  if with_deg:
    scratch += [
        pltpu.VMEM_SHARED((N,), jnp.float32),
        pltpu.VMEM((128,), jnp.float32),
        pltpu.VMEM((640,), jnp.float32),
        pltpu.SemaphoreType.DMA,
        pltpu.SemaphoreType.DMA,
    ]

  def body(x_hbm, srcm, dstm, *rest):
    if with_deg:
      (agg_a, agg_b, deg_a, deg_b, agg_sh, src_v, dst_v, gbuf0, gbuf1, zbuf,
       gsem0, gsem1, ssem0, ssem1, zsem,
       deg_sh, ones_v, zb1, dsem0, dsem1) = rest
    else:
      (agg_a, agg_b, agg_sh, src_v, dst_v, gbuf0, gbuf1, zbuf,
       gsem0, gsem1, ssem0, ssem1, zsem) = rest
    gbufs, gsems, ssems = (gbuf0, gbuf1), (gsem0, gsem1), (ssem0, ssem1)
    if with_deg:
      dsems = (dsem0, dsem1)

    cid = lax.axis_index("c")
    sid = lax.axis_index("s")
    wid = cid * NS + sid

    zeros16 = jnp.zeros((16,), jnp.float32)

    def zstore(t, _):
      i = t // (D // 16)
      j = t % (D // 16)
      zbuf[i, pl.ds(j * 16, 16)] = zeros16
      return ()
    lax.fori_loop(0, 16 * (D // 16), zstore, ())

    def zero_fire(base, nrows):
      def zfire(q, _):
        pltpu.async_copy(zbuf, agg_sh.at[pl.ds(base + q * 16, 16)], zsem)
        return ()
      lax.fori_loop(0, nrows // 16, zfire, ())
    def zero_drain(base, nrows):
      def zdrain(q, _):
        pltpu.make_async_copy(zbuf, agg_sh.at[pl.ds(base, 16)], zsem).wait()
        return ()
      lax.fori_loop(0, nrows // 16, zdrain, ())
    _per_tile_strip(sid, zero_fire)

    if with_deg:
      def zstore1(t, _):
        zb1[pl.ds(t * 16, 16)] = zeros16
        return ()
      lax.fori_loop(0, 640 // 16, zstore1, ())
      def ostore(t, _):
        ones_v[pl.ds(t * 16, 16)] = jnp.full((16,), 1.0, jnp.float32)
        return ()
      lax.fori_loop(0, 128 // 16, ostore, ())
      @pl.when(sid < 15)
      def _():
        pltpu.sync_copy(zb1, deg_sh.at[pl.ds(sid * 640, 640)])
      @pl.when(sid == 15)
      def _():
        pltpu.sync_copy(zb1.at[pl.ds(0, 400)], deg_sh.at[pl.ds(9600, 400)])

    def wait_gather(b):
      pltpu.make_async_copy(x_hbm.at[src_v.at[0]], gbufs[b], gsems[b]).wait()

    def wait_scatter(b):
      pltpu.make_async_copy(gbufs[b], agg_sh.at[dst_v.at[0]],
                            ssems[b]).wait()
      if with_deg:
        pltpu.make_async_copy(ones_v.at[pl.ds(0, K)], deg_sh.at[dst_v.at[0]],
                              dsems[b]).wait()

    def stage_and_prime(p):
      pbase = wid * ROWS_W + p * HR
      pltpu.sync_copy(srcm.at[pl.ds(pbase, HR)], src_v)
      pltpu.sync_copy(dstm.at[pl.ds(pbase, HR)], dst_v)
      for b in range(2):
        pltpu.async_copy(x_hbm.at[src_v.at[b]], gbufs[b], gsems[b],
                         priority=1)

    def run_ring():
      def pair(jj, _):
        for b in range(2):
          j = 2 * jj + b
          wait_gather(b)
          pltpu.async_copy(gbufs[b], agg_sh.at[dst_v.at[j]], ssems[b],
                           add=True)
          if with_deg:
            pltpu.async_copy(ones_v.at[pl.ds(0, K)], deg_sh.at[dst_v.at[j]],
                             dsems[b], add=True)
        for b in range(2):
          j = 2 * jj + b
          @pl.when(j + 2 < HR)
          def _(b=b, j=j):
            wait_scatter(b)
            pltpu.async_copy(x_hbm.at[src_v.at[j + 2]], gbufs[b], gsems[b],
                             priority=1)
        return ()
      lax.fori_loop(0, HR // 2, pair, ())
      for b in range(2):
        wait_scatter(b)

    stage_and_prime(0)
    _per_tile_strip(sid, zero_drain)
    plsc.subcore_barrier()
    run_ring()
    stage_and_prime(1)
    run_ring()

    plsc.subcore_barrier()

    for c, agg_o in ((0, agg_a), (1, agg_b)):
      @pl.when(cid == c)
      def _(agg_o=agg_o):
        def drain_strip(base, nrows):
          pltpu.sync_copy(agg_sh.at[pl.ds(base, nrows)],
                          agg_o.at[pl.ds(base, nrows)])
        _per_tile_strip(sid, drain_strip)
    if with_deg:
      for c, deg_o in ((0, deg_a), (1, deg_b)):
        @pl.when(cid == c)
        def _(deg_o=deg_o):
          def deg_strip(base, nrows):
            pltpu.sync_copy(deg_sh.at[pl.ds(base, nrows)],
                            zb1.at[pl.ds(0, nrows)])
            pltpu.sync_copy(zb1.at[pl.ds(0, nrows)],
                            deg_o.at[pl.ds(base, nrows)])
          _per_tile_strip(sid, deg_strip)

  return pl.kernel(body, out_type=out_type, mesh=mesh,
                   scratch_types=scratch)


_agg128_deg = _build_agg(D_HID, with_deg=True)
_agg128 = _build_agg(D_HID, with_deg=False)



def _dense_relu(agg_a, agg_b, deg_a, deg_b, W, b):
  def body(aa, ab, da, db, w, bb, out):
    dinv = 1.0 / jnp.maximum(da[...] + db[...], 1.0)
    acc = (aa[...] + ab[...]) * dinv
    out[...] = jnp.maximum(
        jnp.dot(acc, w[...], preferred_element_type=jnp.float32) + bb[...],
        0.0)
  return pl.pallas_call(
      body,
      out_shape=jax.ShapeDtypeStruct((N, W.shape[1]), jnp.float32),
  )(agg_a, agg_b, deg_a, deg_b, W, b)


def _dense_final(agg_a, agg_b, deg_a, deg_b, W, b):
  def body(aa, ab, da, db, w, bb, out):
    dinv = 1.0 / jnp.maximum(da[...] + db[...], 1.0)
    acc = (aa[...] + ab[...]) * dinv
    out[...] = jnp.dot(acc, w[...],
                       preferred_element_type=jnp.float32) + bb[...]
  return pl.pallas_call(
      body,
      out_shape=jax.ShapeDtypeStruct((N, W.shape[1]), jnp.float32),
  )(agg_a, agg_b, deg_a, deg_b, W, b)


def kernel(nodes, edge_index, W1, b1, W2, b2, W3, b3):
  ei = edge_index.astype(jnp.int32)
  srcm = ei[0].reshape(NROWS, K)
  dstm = ei[1].reshape(NROWS, K)
  b1r = b1.reshape(1, D_HID)
  b2r = b2.reshape(1, D_HID)
  b3r = b3.reshape(1, D_OUT)

  a1a, a1b, dega, degb = _agg128_deg(nodes, srcm, dstm)
  dega = dega.reshape(N, 1)
  degb = degb.reshape(N, 1)
  h1 = _dense_relu(a1a, a1b, dega, degb, W1, b1r)
  a2a, a2b = _agg128(h1, srcm, dstm)
  h2 = _dense_relu(a2a, a2b, dega, degb, W2, b2r)
  a3a, a3b = _agg128(h2, srcm, dstm)
  return _dense_final(a3a, a3b, dega, degb, W3, b3r)

# --- scband reference (transcript-rebuilt; emitter-appended) ---
"""Pipeline reference for scband-gnnclassifier-63513976373550 (READ-ONLY COPY).

The authoritative reference and input builder live on the scoring server;
editing this copy changes nothing except your own understanding.
"""

import jax, jax.numpy as jnp
import numpy as np

N_NODES = 10000
N_EDGES = 320000
D_IN = 128
D_HID = 128
D_OUT = 16


def setup_inputs(seed: int = 0) -> dict:
    key = jax.random.key(seed)
    ks = jax.random.split(key, 9)
    edge_index = jax.random.randint(ks[0], (2, N_EDGES), 0, N_NODES, dtype=jnp.int64) if jax.config.jax_enable_x64 else jax.random.randint(ks[0], (2, N_EDGES), 0, N_NODES).astype(jnp.int32)
    nodes = jax.random.normal(ks[1], (N_NODES, D_IN), dtype=jnp.float32)
    s1 = 1.0 / np.sqrt(D_IN)
    s2 = 1.0 / np.sqrt(D_HID)
    W1 = jax.random.uniform(ks[2], (D_IN, D_HID), dtype=jnp.float32, minval=-s1, maxval=s1)
    b1 = jnp.zeros((D_HID,), dtype=jnp.float32)
    W2 = jax.random.uniform(ks[3], (D_HID, D_HID), dtype=jnp.float32, minval=-s2, maxval=s2)
    b2 = jnp.zeros((D_HID,), dtype=jnp.float32)
    W3 = jax.random.uniform(ks[4], (D_HID, D_OUT), dtype=jnp.float32, minval=-s2, maxval=s2)
    b3 = jnp.zeros((D_OUT,), dtype=jnp.float32)
    return {"nodes": nodes, "edge_index": edge_index, "W1": W1, "b1": b1, "W2": W2, "b2": b2, "W3": W3, "b3": b3}


def _gconv(x, src, dst, deg_inv, W, b, act):
    # gather messages from source nodes
    m = jnp.take(x, src, axis=0)
    # scatter-add (sum aggregation) to destination nodes
    agg = jax.ops.segment_sum(m, dst, num_segments=N_NODES)
    # mean normalization by in-degree (DGL GraphConv-style norm)
    agg = agg * deg_inv[:, None]
    h = agg @ W + b
    if act is not None:
        h = act(h)
    return h


def reference(nodes, edge_index, W1, b1, W2, b2, W3, b3):
    src = edge_index[0]
    dst = edge_index[1]
    deg = jax.ops.segment_sum(jnp.ones((N_EDGES,), dtype=jnp.float32), dst, num_segments=N_NODES)
    deg_inv = 1.0 / jnp.maximum(deg, 1.0)
    x = _gconv(nodes, src, dst, deg_inv, W1, b1, jax.nn.relu)
    x = _gconv(x, src, dst, deg_inv, W2, b2, jax.nn.relu)
    x = _gconv(x, src, dst, deg_inv, W3, b3, None)
    return x

if __name__ == "__main__":
    import jax
    _d = setup_inputs()
    print(jax.jit(kernel)(*tuple(_d.values())))

</pallas_src>

<mosaic_0001>
#map = affine_map<(d0, d1) -> (0, 0)>
#map1 = affine_map<(d0, d1) -> (0)>
module attributes {stable_mosaic.version = 14 : i64} {
  func.func @body(%arg0: i32, %arg1: i32, %arg2: memref<10000x128xf32, #tpu.memory_space<hbm>>, %arg3: memref<2560x125xi32, #tpu.memory_space<hbm>>, %arg4: memref<2560x125xi32, #tpu.memory_space<hbm>>, %arg5: memref<10000x128xf32, #tpu.memory_space<hbm>>, %arg6: memref<10000x128xf32, #tpu.memory_space<hbm>>, %arg7: memref<10000xf32, #tpu.memory_space<hbm>>, %arg8: memref<10000xf32, #tpu.memory_space<hbm>>, %arg9: memref<10000x128xf32, #tpu.memory_space<vmem_shared>>, %arg10: memref<40x125xi32, #tpu.memory_space<vmem>>, %arg11: memref<40x125xi32, #tpu.memory_space<vmem>>, %arg12: memref<125x128xf32, #tpu.memory_space<vmem>>, %arg13: memref<125x128xf32, #tpu.memory_space<vmem>>, %arg14: memref<16x128xf32, #tpu.memory_space<vmem>>, %arg15: memref<!tpu.dma_semaphore, #tpu.memory_space<semaphore_mem>>, %arg16: memref<!tpu.dma_semaphore, #tpu.memory_space<semaphore_mem>>, %arg17: memref<!tpu.dma_semaphore, #tpu.memory_space<semaphore_mem>>, %arg18: memref<!tpu.dma_semaphore, #tpu.memory_space<semaphore_mem>>, %arg19: memref<!tpu.dma_semaphore, #tpu.memory_space<semaphore_mem>>, %arg20: memref<10000xf32, #tpu.memory_space<vmem_shared>>, %arg21: memref<128xf32, #tpu.memory_space<vmem>>, %arg22: memref<640xf32, #tpu.memory_space<vmem>>, %arg23: memref<!tpu.dma_semaphore, #tpu.memory_space<semaphore_mem>>, %arg24: memref<!tpu.dma_semaphore, #tpu.memory_space<semaphore_mem>>) attributes {dimension_semantics = [#tpu.dimension_semantics<core_parallel>, #tpu.dimension_semantics<subcore_parallel>], iteration_bounds = array<i64: 2, 16>, scalar_prefetch = 0 : i64, scratch_operands = 16 : i64, tpu.core_type = #tpu.core_type<sc_vector_subcore>, window_params = [{transform_indices = #map}, {transform_indices = #map}, {transform_indices = #map}, {transform_indices = #map}, {transform_indices = #map}, {transform_indices = #map1}, {transform_indices = #map1}]} {
    %mul3A = arith.constant 16 : i32
    %mul3A_0 = arith.muli %arg0, %mul3A : i32
    %add3A = arith.addi %mul3A_0, %arg1 : i32
    %broadcast_in_dim3A = arith.constant 0.000000e+00 : f32
    %broadcast_in_dim3A_1 = vector.broadcast %broadcast_in_dim3A : f32 to vector<16xf32>
    %scan3A = arith.constant 0 : i32
    %scan3A_2 = arith.constant 128 : i32
    %scan3A_3 = arith.addi %scan3A, %scan3A_2 : i32
    %scan3A_4 = arith.constant 1 : i32
    scf.for %scan3A_167 = %scan3A to %scan3A_3 step %scan3A_4  : i32 {
      %jit3A = arith.constant 8 : i32
      %div3A = arith.divsi %scan3A_167, %jit3A : i32
      %sign3A = arith.constant 0 : i32
      %sign3A_168 = arith.cmpi sgt, %scan3A_167, %sign3A : i32
      %sign3A_169 = arith.extui %sign3A_168 : i1 to i32
      %sign3A_170 = arith.constant 0 : i32
      %sign3A_171 = arith.cmpi slt, %scan3A_167, %sign3A_170 : i32
      %sign3A_172 = arith.extui %sign3A_171 : i1 to i32
      %sign3A_173 = arith.subi %sign3A_169, %sign3A_172 : i32
      %sign3A_174 = arith.constant 0 : i32
      %sign3A_175 = arith.cmpi sgt, %jit3A, %sign3A_174 : i32
      %sign3A_176 = arith.extui %sign3A_175 : i1 to i32
      %sign3A_177 = arith.constant 0 : i32
      %sign3A_178 = arith.cmpi slt, %jit3A, %sign3A_177 : i32
      %sign3A_179 = arith.extui %sign3A_178 : i1 to i32
      %sign3A_180 = arith.subi %sign3A_176, %sign3A_179 : i32
      %ne3A = arith.cmpi ne, %sign3A_173, %sign3A_180 : i32
      %rem3A = arith.remsi %scan3A_167, %jit3A : i32
      %ne3A_181 = arith.constant 0 : i32
      %ne3A_182 = arith.cmpi ne, %rem3A, %ne3A_181 : i32
      %and3A = arith.andi %ne3A, %ne3A_182 : i1
      %sub3A = arith.constant 1 : i32
      %sub3A_183 = arith.subi %div3A, %sub3A : i32
      %select_n3A = arith.select %and3A, %sub3A_183, %div3A : i32
      %jit3A_184 = arith.constant 8 : i32
      %eq3A_185 = arith.constant 0 : i32
      %eq3A_186 = arith.cmpi eq, %jit3A_184, %eq3A_185 : i32
      %jit3A_187 = arith.constant 1 : i32
      %select_n3A_188 = arith.select %eq3A_186, %jit3A_187, %jit3A_184 : i32
      %rem3A_189 = arith.remsi %scan3A_167, %select_n3A_188 : i32
      %ne3A_190 = arith.constant 0 : i32
      %ne3A_191 = arith.cmpi ne, %rem3A_189, %ne3A_190 : i32
      %lt3A_192 = arith.constant 0 : i32
      %lt3A_193 = arith.cmpi slt, %rem3A_189, %lt3A_192 : i32
      %lt3A_194 = arith.constant 0 : i32
      %lt3A_195 = arith.cmpi slt, %select_n3A_188, %lt3A_194 : i32
      %ne3A_196 = arith.xori %lt3A_193, %lt3A_195 : i1
      %and3A_197 = arith.andi %ne3A_196, %ne3A_191 : i1
      %add3A_198 = arith.addi %rem3A_189, %select_n3A_188 : i32
      %select_n3A_199 = arith.select %and3A_197, %add3A_198, %rem3A_189 : i32
      %mul3A_200 = arith.constant 16 : i32
      %mul3A_201 = arith.muli %select_n3A_199, %mul3A_200 : i32
      %swap3A = arith.index_cast %select_n3A : i32 to index
      %swap3A_202 = arith.index_cast %mul3A_201 : i32 to index
      %swap3A_203 = tpu.vector_load %arg14[%swap3A, %swap3A_202] {strides = array<i32>} : memref<16x128xf32, #tpu.memory_space<vmem>>, vector<1x16xf32>,
      %swap3A_204 = vector.shape_cast %swap3A_203 : vector<1x16xf32> to vector<16xf32>
      %swap3A_205 = vector.shape_cast %broadcast_in_dim3A_1 : vector<16xf32> to vector<1x16xf32>
      tpu.vector_store %arg14[%swap3A, %swap3A_202], %swap3A_205 {strides = array<i32>} : memref<16x128xf32, #tpu.memory_space<vmem>>, vector<1x16xf32>,
    }
    %scan3A_5 = arith.constant 128 : i32
    %lt3A = arith.constant 15 : i32
    %lt3A_6 = arith.cmpi slt, %arg1, %lt3A : i32
    %convert_element_type3A = arith.extui %lt3A_6 : i1 to i32
    %cond3A = arith.constant 0 : i32
    %cond3A_7 = arith.cmpi ne, %convert_element_type3A, %cond3A : i32
    scf.if %cond3A_7 {
      %mul3A_167 = arith.constant 640 : i32
      %mul3A_168 = arith.muli %arg1, %mul3A_167 : i32
      %scan3A_169 = arith.constant 0 : i32
      %scan3A_170 = arith.constant 40 : i32
      %scan3A_171 = arith.addi %scan3A_169, %scan3A_170 : i32
      %scan3A_172 = arith.constant 1 : i32
      scf.for %scan3A_174 = %scan3A_169 to %scan3A_171 step %scan3A_172  : i32 {
        %mul3A_175 = arith.constant 16 : i32
        %mul3A_176 = arith.muli %scan3A_174, %mul3A_175 : i32
        %add3A_177 = arith.addi %mul3A_168, %mul3A_176 : i32
        %dma_start3A_178 = arith.constant 0 : i32
        %dma_start3A_179 = tpu.memref_slice %arg9[%add3A_177, %dma_start3A_178] : memref<10000x128xf32, #tpu.memory_space<vmem_shared>> -> memref<16x128xf32, #tpu.memory_space<vmem_shared>>
        %dma_start3A_180 = arith.constant 0 : i32
        %dma_start3A_181 = tpu.memref_slice %arg9[%add3A_177, %dma_start3A_180] : memref<10000x128xf32, #tpu.memory_space<vmem_shared>> -> memref<16x128xf32, #tpu.memory_space<vmem_shared>>
        tpu.enqueue_dma source(%arg14 : memref<16x128xf32, #tpu.memory_space<vmem>>) target(%dma_start3A_181 : memref<16x128xf32, #tpu.memory_space<vmem_shared>>) target_semaphore(%arg19 : memref<!tpu.dma_semaphore, #tpu.memory_space<semaphore_mem>>)
      }
      %scan3A_173 = arith.constant 40 : i32
    } else {
    }
    %eq3A = arith.constant 15 : i32
    %eq3A_8 = arith.cmpi eq, %arg1, %eq3A : i32
    %convert_element_type3A_9 = arith.extui %eq3A_8 : i1 to i32
    %cond3A_10 = arith.constant 0 : i32
    %cond3A_11 = arith.cmpi ne, %convert_element_type3A_9, %cond3A_10 : i32
    scf.if %cond3A_11 {
      %scan3A_167 = arith.constant 0 : i32
      %scan3A_168 = arith.constant 25 : i32
      %scan3A_169 = arith.addi %scan3A_167, %scan3A_168 : i32
      %scan3A_170 = arith.constant 1 : i32
      scf.for %scan3A_172 = %scan3A_167 to %scan3A_169 step %scan3A_170  : i32 {
        %mul3A_173 = arith.constant 16 : i32
        %mul3A_174 = arith.muli %scan3A_172, %mul3A_173 : i32
        %add3A_175 = arith.constant 9600 : i32
        %add3A_176 = arith.addi %add3A_175, %mul3A_174 : i32
        %dma_start3A_177 = arith.constant 0 : i32
        %dma_start3A_178 = tpu.memref_slice %arg9[%add3A_176, %dma_start3A_177] : memref<10000x128xf32, #tpu.memory_space<vmem_shared>> -> memref<16x128xf32, #tpu.memory_space<vmem_shared>>
        %dma_start3A_179 = arith.constant 0 : i32
        %dma_start3A_180 = tpu.memref_slice %arg9[%add3A_176, %dma_start3A_179] : memref<10000x128xf32, #tpu.memory_space<vmem_shared>> -> memref<16x128xf32, #tpu.memory_space<vmem_shared>>
        tpu.enqueue_dma source(%arg14 : memref<16x128xf32, #tpu.memory_space<vmem>>) target(%dma_start3A_180 : memref<16x128xf32, #tpu.memory_space<vmem_shared>>) target_semaphore(%arg19 : memref<!tpu.dma_semaphore, #tpu.memory_space<semaphore_mem>>)
      }
      %scan3A_171 = arith.constant 25 : i32
    } else {
    }
    %scan3A_12 = arith.constant 0 : i32
    %scan3A_13 = arith.constant 40 : i32
    %scan3A_14 = arith.addi %scan3A_12, %scan3A_13 : i32
    %scan3A_15 = arith.constant 1 : i32
    scf.for %scan3A_167 = %scan3A_12 to %scan3A_14 step %scan3A_15  : i32 {
      %mul3A_168 = arith.constant 16 : i32
      %mul3A_169 = arith.muli %scan3A_167, %mul3A_168 : i32
      %swap3A = arith.index_cast %mul3A_169 : i32 to index
      %swap3A_170 = tpu.vector_load %arg22[%swap3A] {strides = array<i32>} : memref<640xf32, #tpu.memory_space<vmem>>, vector<16xf32>,
      %swap3A_171 = vector.shape_cast %swap3A_170 : vector<16xf32> to vector<16xf32>
      %swap3A_172 = vector.shape_cast %broadcast_in_dim3A_1 : vector<16xf32> to vector<16xf32>
      tpu.vector_store %arg22[%swap3A], %swap3A_172 {strides = array<i32>} : memref<640xf32, #tpu.memory_space<vmem>>, vector<16xf32>,
    }
    %scan3A_16 = arith.constant 40 : i32
    %scan3A_17 = arith.constant 0 : i32
    %scan3A_18 = arith.constant 8 : i32
    %scan3A_19 = arith.addi %scan3A_17, %scan3A_18 : i32
    %scan3A_20 = arith.constant 1 : i32
    scf.for %scan3A_167 = %scan3A_17 to %scan3A_19 step %scan3A_20  : i32 {
      %broadcast_in_dim3A_168 = arith.constant 1.000000e+00 : f32
      %broadcast_in_dim3A_169 = vector.broadcast %broadcast_in_dim3A_168 : f32 to vector<16xf32>
      %mul3A_170 = arith.constant 16 : i32
      %mul3A_171 = arith.muli %scan3A_167, %mul3A_170 : i32
      %swap3A = arith.index_cast %mul3A_171 : i32 to index
      %swap3A_172 = tpu.vector_load %arg21[%swap3A] {strides = array<i32>} : memref<128xf32, #tpu.memory_space<vmem>>, vector<16xf32>,
      %swap3A_173 = vector.shape_cast %swap3A_172 : vector<16xf32> to vector<16xf32>
      %swap3A_174 = vector.shape_cast %broadcast_in_dim3A_169 : vector<16xf32> to vector<16xf32>
      tpu.vector_store %arg21[%swap3A], %swap3A_174 {strides = array<i32>} : memref<128xf32, #tpu.memory_space<vmem>>, vector<16xf32>,
    }
    %scan3A_21 = arith.constant 8 : i32
    %lt3A_22 = arith.constant 15 : i32
    %lt3A_23 = arith.cmpi slt, %arg1, %lt3A_22 : i32
    %convert_element_type3A_24 = arith.extui %lt3A_23 : i1 to i32
    %cond3A_25 = arith.constant 0 : i32
    %cond3A_26 = arith.cmpi ne, %convert_element_type3A_24, %cond3A_25 : i32
    scf.if %cond3A_26 {
      %mul3A_167 = arith.constant 640 : i32
      %mul3A_168 = arith.muli %arg1, %mul3A_167 : i32
      "tpu.region"() ({
        %run_scoped3A = tpu.sem_alloc : memref<!tpu.dma_semaphore, #tpu.memory_space<semaphore_mem>>
        %dma_start3A_169 = tpu.memref_slice %arg20[%mul3A_168] : memref<10000xf32, #tpu.memory_space<vmem_shared>> -> memref<640xf32, #tpu.memory_space<vmem_shared>>
        %dma_start3A_170 = tpu.memref_slice %arg20[%mul3A_168] : memref<10000xf32, #tpu.memory_space<vmem_shared>> -> memref<640xf32, #tpu.memory_space<vmem_shared>>
        tpu.enqueue_dma source(%arg22 : memref<640xf32, #tpu.memory_space<vmem>>) target(%dma_start3A_170 : memref<640xf32, #tpu.memory_space<vmem_shared>>) target_semaphore(%run_scoped3A : memref<!tpu.dma_semaphore, #tpu.memory_space<semaphore_mem>>)
        %dma_wait3A_171 = tpu.memref_slice %arg20[%mul3A_168] : memref<10000xf32, #tpu.memory_space<vmem_shared>> -> memref<640xf32, #tpu.memory_space<vmem_shared>>
        %dma_wait3A_172 = tpu.memref_slice %arg20[%mul3A_168] : memref<10000xf32, #tpu.memory_space<vmem_shared>> -> memref<640xf32, #tpu.memory_space<vmem_shared>>
        tpu.wait_dma2 semaphore(%run_scoped3A : memref<!tpu.dma_semaphore, #tpu.memory_space<semaphore_mem>>) src(%arg22 : memref<640xf32, #tpu.memory_space<vmem>>) dst(%dma_wait3A_172 : memref<640xf32, #tpu.memory_space<vmem_shared>>)
        tpu.yield
      }) : () -> ()
    } else {
    }
    %eq3A_27 = arith.constant 15 : i32
    %eq3A_28 = arith.cmpi eq, %arg1, %eq3A_27 : i32
    %convert_element_type3A_29 = arith.extui %eq3A_28 : i1 to i32
    %cond3A_30 = arith.constant 0 : i32
    %cond3A_31 = arith.cmpi ne, %convert_element_type3A_29, %cond3A_30 : i32
    scf.if %cond3A_31 {
      "tpu.region"() ({
        %run_scoped3A = tpu.sem_alloc : memref<!tpu.dma_semaphore, #tpu.memory_space<semaphore_mem>>
        %dma_start3A_167 = arith.constant 0 : i32
        %dma_start3A_168 = tpu.memref_slice %arg22[%dma_start3A_167] : memref<640xf32, #tpu.memory_space<vmem>> -> memref<400xf32, #tpu.memory_space<vmem>>
        %dma_start3A_169 = arith.constant 9600 : i32
        %dma_start3A_170 = tpu.memref_slice %arg20[%dma_start3A_169] : memref<10000xf32, #tpu.memory_space<vmem_shared>> -> memref<400xf32, #tpu.memory_space<vmem_shared>>
        %dma_start3A_171 = arith.constant 9600 : i32
        %dma_start3A_172 = tpu.memref_slice %arg20[%dma_start3A_171] : memref<10000xf32, #tpu.memory_space<vmem_shared>> -> memref<400xf32, #tpu.memory_space<vmem_shared>>
        %dma_start3A_173 = arith.constant 0 : i32
        %dma_start3A_174 = tpu.memref_slice %arg22[%dma_start3A_173] : memref<640xf32, #tpu.memory_space<vmem>> -> memref<400xf32, #tpu.memory_space<vmem>>
        tpu.enqueue_dma source(%dma_start3A_174 : memref<400xf32, #tpu.memory_space<vmem>>) target(%dma_start3A_172 : memref<400xf32, #tpu.memory_space<vmem_shared>>) target_semaphore(%run_scoped3A : memref<!tpu.dma_semaphore, #tpu.memory_space<semaphore_mem>>)
        %dma_wait3A_175 = arith.constant 0 : i32
        %dma_wait3A_176 = tpu.memref_slice %arg22[%dma_wait3A_175] : memref<640xf32, #tpu.memory_space<vmem>> -> memref<400xf32, #tpu.memory_space<vmem>>
        %dma_wait3A_177 = arith.constant 9600 : i32
        %dma_wait3A_178 = tpu.memref_slice %arg20[%dma_wait3A_177] : memref<10000xf32, #tpu.memory_space<vmem_shared>> -> memref<400xf32, #tpu.memory_space<vmem_shared>>
        %dma_wait3A_179 = arith.constant 9600 : i32
        %dma_wait3A_180 = tpu.memref_slice %arg20[%dma_wait3A_179] : memref<10000xf32, #tpu.memory_space<vmem_shared>> -> memref<400xf32, #tpu.memory_space<vmem_shared>>
        %dma_wait3A_181 = arith.constant 0 : i32
        %dma_wait3A_182 = tpu.memref_slice %arg22[%dma_wait3A_181] : memref<640xf32, #tpu.memory_space<vmem>> -> memref<400xf32, #tpu.memory_space<vmem>>
        tpu.wait_dma2 semaphore(%run_scoped3A : memref<!tpu.dma_semaphore, #tpu.memory_space<semaphore_mem>>) src(%dma_wait3A_182 : memref<400xf32, #tpu.memory_space<vmem>>) dst(%dma_wait3A_180 : memref<400xf32, #tpu.memory_space<vmem_shared>>)
        tpu.yield
      }) : () -> ()
    } else {
    }
    %mul3A_32 = arith.constant 80 : i32
    %mul3A_33 = arith.muli %add3A, %mul3A_32 : i32
    %add3A_34 = arith.constant 0 : i32
    %add3A_35 = arith.addi %mul3A_33, %add3A_34 : i32
    "tpu.region"() ({
      %run_scoped3A = tpu.sem_alloc : memref<!tpu.dma_semaphore, #tpu.memory_space<semaphore_mem>>
      %dma_start3A_167 = arith.constant 0 : i32
      %dma_start3A_168 = tpu.memref_slice %arg3[%add3A_35, %dma_start3A_167] : memref<2560x125xi32, #tpu.memory_space<hbm>> -> memref<40x125xi32, #tpu.memory_space<hbm>>
      %dma_start3A_169 = arith.constant 0 : i32
      %dma_start3A_170 = tpu.memref_slice %arg3[%add3A_35, %dma_start3A_169] : memref<2560x125xi32, #tpu.memory_space<hbm>> -> memref<40x125xi32, #tpu.memory_space<hbm>>
      tpu.enqueue_dma source(%dma_start3A_170 : memref<40x125xi32, #tpu.memory_space<hbm>>) target(%arg10 : memref<40x125xi32, #tpu.memory_space<vmem>>) target_semaphore(%run_scoped3A : memref<!tpu.dma_semaphore, #tpu.memory_space<semaphore_mem>>)
      %dma_wait3A_171 = arith.constant 0 : i32
      %dma_wait3A_172 = tpu.memref_slice %arg3[%add3A_35, %dma_wait3A_171] : memref<2560x125xi32, #tpu.memory_space<hbm>> -> memref<40x125xi32, #tpu.memory_space<hbm>>
      %dma_wait3A_173 = arith.constant 0 : i32
      %dma_wait3A_174 = tpu.memref_slice %arg3[%add3A_35, %dma_wait3A_173] : memref<2560x125xi32, #tpu.memory_space<hbm>> -> memref<40x125xi32, #tpu.memory_space<hbm>>
      tpu.wait_dma2 semaphore(%run_scoped3A : memref<!tpu.dma_semaphore, #tpu.memory_space<semaphore_mem>>) src(%dma_wait3A_174 : memref<40x125xi32, #tpu.memory_space<hbm>>) dst(%arg10 : memref<40x125xi32, #tpu.memory_space<vmem>>)
      tpu.yield
    }) : () -> ()
    "tpu.region"() ({
      %run_scoped3A = tpu.sem_alloc : memref<!tpu.dma_semaphore, #tpu.memory_space<semaphore_mem>>
      %dma_start3A_167 = arith.constant 0 : i32
      %dma_start3A_168 = tpu.memref_slice %arg4[%add3A_35, %dma_start3A_167] : memref<2560x125xi32, #tpu.memory_space<hbm>> -> memref<40x125xi32, #tpu.memory_space<hbm>>
      %dma_start3A_169 = arith.constant 0 : i32
      %dma_start3A_170 = tpu.memref_slice %arg4[%add3A_35, %dma_start3A_169] : memref<2560x125xi32, #tpu.memory_space<hbm>> -> memref<40x125xi32, #tpu.memory_space<hbm>>
      tpu.enqueue_dma source(%dma_start3A_170 : memref<40x125xi32, #tpu.memory_space<hbm>>) target(%arg11 : memref<40x125xi32, #tpu.memory_space<vmem>>) target_semaphore(%run_scoped3A : memref<!tpu.dma_semaphore, #tpu.memory_space<semaphore_mem>>)
      %dma_wait3A_171 = arith.constant 0 : i32
      %dma_wait3A_172 = tpu.memref_slice %arg4[%add3A_35, %dma_wait3A_171] : memref<2560x125xi32, #tpu.memory_space<hbm>> -> memref<40x125xi32, #tpu.memory_space<hbm>>
      %dma_wait3A_173 = arith.constant 0 : i32
      %dma_wait3A_174 = tpu.memref_slice %arg4[%add3A_35, %dma_wait3A_173] : memref<2560x125xi32, #tpu.memory_space<hbm>> -> memref<40x125xi32, #tpu.memory_space<hbm>>
      tpu.wait_dma2 semaphore(%run_scoped3A : memref<!tpu.dma_semaphore, #tpu.memory_space<semaphore_mem>>) src(%dma_wait3A_174 : memref<40x125xi32, #tpu.memory_space<hbm>>) dst(%arg11 : memref<40x125xi32, #tpu.memory_space<vmem>>)
      tpu.yield
    }) : () -> ()
    %dma_start3A = arith.constant 0 : i32
    %dma_start3A_36 = arith.constant 0 : i32
    %dma_start3A_37 = tpu.memref_slice %arg10[%dma_start3A, %dma_start3A_36] : memref<40x125xi32, #tpu.memory_space<vmem>> -> memref<1x125xi32, #tpu.memory_space<vmem>>
    %dma_start3A_38 = tpu.memref_squeeze %dma_start3A_37 : memref<1x125xi32, #tpu.memory_space<vmem>> -> memref<125xi32, #tpu.memory_space<vmem>>
    %dma_start3A_39 = arith.constant 0 : i32
    %dma_start3A_40 = arith.constant 0 : i32
    %dma_start3A_41 = tpu.memref_slice %arg2[%dma_start3A_39, %dma_start3A_40] : memref<10000x128xf32, #tpu.memory_space<hbm>> -> memref<10000x128xf32, #tpu.memory_space<hbm>>
    tpu.enqueue_indirect_dma source(%dma_start3A_41 : memref<10000x128xf32, #tpu.memory_space<hbm>>) target(%arg12 : memref<125x128xf32, #tpu.memory_space<vmem>>) offsets(%dma_start3A_38 : memref<125xi32, #tpu.memory_space<vmem>>) semaphore(%arg15 : memref<!tpu.dma_semaphore, #tpu.memory_space<semaphore_mem>>)
    %dma_start3A_42 = arith.constant 1 : i32
    %dma_start3A_43 = arith.constant 0 : i32
    %dma_start3A_44 = tpu.memref_slice %arg10[%dma_start3A_42, %dma_start3A_43] : memref<40x125xi32, #tpu.memory_space<vmem>> -> memref<1x125xi32, #tpu.memory_space<vmem>>
    %dma_start3A_45 = tpu.memref_squeeze %dma_start3A_44 : memref<1x125xi32, #tpu.memory_space<vmem>> -> memref<125xi32, #tpu.memory_space<vmem>>
    %dma_start3A_46 = arith.constant 0 : i32
    %dma_start3A_47 = arith.constant 0 : i32
    %dma_start3A_48 = tpu.memref_slice %arg2[%dma_start3A_46, %dma_start3A_47] : memref<10000x128xf32, #tpu.memory_space<hbm>> -> memref<10000x128xf32, #tpu.memory_space<hbm>>
    tpu.enqueue_indirect_dma source(%dma_start3A_48 : memref<10000x128xf32, #tpu.memory_space<hbm>>) target(%arg13 : memref<125x128xf32, #tpu.memory_space<vmem>>) offsets(%dma_start3A_45 : memref<125xi32, #tpu.memory_space<vmem>>) semaphore(%arg16 : memref<!tpu.dma_semaphore, #tpu.memory_space<semaphore_mem>>)
    %lt3A_49 = arith.constant 15 : i32
    %lt3A_50 = arith.cmpi slt, %arg1, %lt3A_49 : i32
    %convert_element_type3A_51 = arith.extui %lt3A_50 : i1 to i32
    %cond3A_52 = arith.constant 0 : i32
    %cond3A_53 = arith.cmpi ne, %convert_element_type3A_51, %cond3A_52 : i32
    scf.if %cond3A_53 {
      %mul3A_167 = arith.constant 640 : i32
      %mul3A_168 = arith.muli %arg1, %mul3A_167 : i32
      %scan3A_169 = arith.constant 0 : i32
      %scan3A_170 = arith.constant 40 : i32
      %scan3A_171 = arith.addi %scan3A_169, %scan3A_170 : i32
      %scan3A_172 = arith.constant 1 : i32
      scf.for %scan3A_174 = %scan3A_169 to %scan3A_171 step %scan3A_172  : i32 {
        %dma_wait3A_175 = arith.constant 0 : i32
        %dma_wait3A_176 = tpu.memref_slice %arg9[%mul3A_168, %dma_wait3A_175] : memref<10000x128xf32, #tpu.memory_space<vmem_shared>> -> memref<16x128xf32, #tpu.memory_space<vmem_shared>>
        %dma_wait3A_177 = arith.constant 0 : i32
        %dma_wait3A_178 = tpu.memref_slice %arg9[%mul3A_168, %dma_wait3A_177] : memref<10000x128xf32, #tpu.memory_space<vmem_shared>> -> memref<16x128xf32, #tpu.memory_space<vmem_shared>>
        tpu.wait_dma2 semaphore(%arg19 : memref<!tpu.dma_semaphore, #tpu.memory_space<semaphore_mem>>) src(%arg14 : memref<16x128xf32, #tpu.memory_space<vmem>>) dst(%dma_wait3A_178 : memref<16x128xf32, #tpu.memory_space<vmem_shared>>)
      }
      %scan3A_173 = arith.constant 40 : i32
    } else {
    }
    %eq3A_54 = arith.constant 15 : i32
    %eq3A_55 = arith.cmpi eq, %arg1, %eq3A_54 : i32
    %convert_element_type3A_56 = arith.extui %eq3A_55 : i1 to i32
    %cond3A_57 = arith.constant 0 : i32
    %cond3A_58 = arith.cmpi ne, %convert_element_type3A_56, %cond3A_57 : i32
    scf.if %cond3A_58 {
      %scan3A_167 = arith.constant 0 : i32
      %scan3A_168 = arith.constant 25 : i32
      %scan3A_169 = arith.addi %scan3A_167, %scan3A_168 : i32
      %scan3A_170 = arith.constant 1 : i32
      scf.for %scan3A_172 = %scan3A_167 to %scan3A_169 step %scan3A_170  : i32 {
        %dma_wait3A_173 = arith.constant 9600 : i32
        %dma_wait3A_174 = arith.constant 0 : i32
        %dma_wait3A_175 = tpu.memref_slice %arg9[%dma_wait3A_173, %dma_wait3A_174] : memref<10000x128xf32, #tpu.memory_space<vmem_shared>> -> memref<16x128xf32, #tpu.memory_space<vmem_shared>>
        %dma_wait3A_176 = arith.constant 9600 : i32
        %dma_wait3A_177 = arith.constant 0 : i32
        %dma_wait3A_178 = tpu.memref_slice %arg9[%dma_wait3A_176, %dma_wait3A_177] : memref<10000x128xf32, #tpu.memory_space<vmem_shared>> -> memref<16x128xf32, #tpu.memory_space<vmem_shared>>
        tpu.wait_dma2 semaphore(%arg19 : memref<!tpu.dma_semaphore, #tpu.memory_space<semaphore_mem>>) src(%arg14 : memref<16x128xf32, #tpu.memory_space<vmem>>) dst(%dma_wait3A_178 : memref<16x128xf32, #tpu.memory_space<vmem_shared>>)
      }
      %scan3A_171 = arith.constant 25 : i32
    } else {
    }
    %barrier3A = arith.constant 0 : index
    tpu.barrier barrier_id(%barrier3A)
    %scan3A_59 = arith.constant 0 : i32
    %scan3A_60 = arith.constant 20 : i32
    %scan3A_61 = arith.addi %scan3A_59, %scan3A_60 : i32
    %scan3A_62 = arith.constant 1 : i32
    scf.for %scan3A_167 = %scan3A_59 to %scan3A_61 step %scan3A_62  : i32 {
      %mul3A_168 = arith.constant 2 : i32
      %mul3A_169 = arith.muli %mul3A_168, %scan3A_167 : i32
      %add3A_170 = arith.constant 0 : i32
      %add3A_171 = arith.addi %mul3A_169, %add3A_170 : i32
      %dma_wait3A_172 = arith.constant 0 : i32
      %dma_wait3A_173 = arith.constant 0 : i32
      %dma_wait3A_174 = tpu.memref_slice %arg10[%dma_wait3A_172, %dma_wait3A_173] : memref<40x125xi32, #tpu.memory_space<vmem>> -> memref<1x125xi32, #tpu.memory_space<vmem>>
      %dma_wait3A_175 = tpu.memref_squeeze %dma_wait3A_174 : memref<1x125xi32, #tpu.memory_space<vmem>> -> memref<125xi32, #tpu.memory_space<vmem>>
      %dma_wait3A_176 = arith.constant 0 : i32
      %dma_wait3A_177 = arith.constant 0 : i32
      %dma_wait3A_178 = tpu.memref_slice %arg2[%dma_wait3A_176, %dma_wait3A_177] : memref<10000x128xf32, #tpu.memory_space<hbm>> -> memref<10000x128xf32, #tpu.memory_space<hbm>>
      tpu.wait_indirect_dma semaphore(%arg15 : memref<!tpu.dma_semaphore, #tpu.memory_space<semaphore_mem>>) src(%dma_wait3A_178 : memref<10000x128xf32, #tpu.memory_space<hbm>>) dst(%arg12 : memref<125x128xf32, #tpu.memory_space<vmem>>)
      %dma_start3A_179 = arith.constant 0 : i32
      %dma_start3A_180 = tpu.memref_slice %arg11[%add3A_171, %dma_start3A_179] : memref<40x125xi32, #tpu.memory_space<vmem>> -> memref<1x125xi32, #tpu.memory_space<vmem>>
      %dma_start3A_181 = tpu.memref_squeeze %dma_start3A_180 : memref<1x125xi32, #tpu.memory_space<vmem>> -> memref<125xi32, #tpu.memory_space<vmem>>
      %dma_start3A_182 = arith.constant 0 : i32
      %dma_start3A_183 = arith.constant 0 : i32
      %dma_start3A_184 = tpu.memref_slice %arg9[%dma_start3A_182, %dma_start3A_183] : memref<10000x128xf32, #tpu.memory_space<vmem_shared>> -> memref<10000x128xf32, #tpu.memory_space<vmem_shared>>
      tpu.enqueue_indirect_dma source(%arg12 : memref<125x128xf32, #tpu.memory_space<vmem>>) target(%dma_start3A_184 : memref<10000x128xf32, #tpu.memory_space<vmem_shared>>) offsets(%dma_start3A_181 : memref<125xi32, #tpu.memory_space<vmem>>) semaphore(%arg17 : memref<!tpu.dma_semaphore, #tpu.memory_space<semaphore_mem>>) {add = true}
      %dma_start3A_185 = arith.constant 0 : i32
      %dma_start3A_186 = tpu.memref_slice %arg21[%dma_start3A_185] : memref<128xf32, #tpu.memory_space<vmem>> -> memref<125xf32, #tpu.memory_space<vmem>>
      %dma_start3A_187 = arith.constant 0 : i32
      %dma_start3A_188 = tpu.memref_slice %arg11[%add3A_171, %dma_start3A_187] : memref<40x125xi32, #tpu.memory_space<vmem>> -> memref<1x125xi32, #tpu.memory_space<vmem>>
      %dma_start3A_189 = tpu.memref_squeeze %dma_start3A_188 : memref<1x125xi32, #tpu.memory_space<vmem>> -> memref<125xi32, #tpu.memory_space<vmem>>
      %dma_start3A_190 = arith.constant 0 : i32
      %dma_start3A_191 = tpu.memref_slice %arg20[%dma_start3A_190] : memref<10000xf32, #tpu.memory_space<vmem_shared>> -> memref<10000xf32, #tpu.memory_space<vmem_shared>>
      tpu.enqueue_indirect_dma source(%dma_start3A_186 : memref<125xf32, #tpu.memory_space<vmem>>) target(%dma_start3A_191 : memref<10000xf32, #tpu.memory_space<vmem_shared>>) offsets(%dma_start3A_189 : memref<125xi32, #tpu.memory_space<vmem>>) semaphore(%arg23 : memref<!tpu.dma_semaphore, #tpu.memory_space<semaphore_mem>>) {add = true}
      %mul3A_192 = arith.constant 2 : i32
      %mul3A_193 = arith.muli %mul3A_192, %scan3A_167 : i32
      %add3A_194 = arith.constant 1 : i32
      %add3A_195 = arith.addi %mul3A_193, %add3A_194 : i32
      %dma_wait3A_196 = arith.constant 0 : i32
      %dma_wait3A_197 = arith.constant 0 : i32
      %dma_wait3A_198 = tpu.memref_slice %arg10[%dma_wait3A_196, %dma_wait3A_197] : memref<40x125xi32, #tpu.memory_space<vmem>> -> memref<1x125xi32, #tpu.memory_space<vmem>>
      %dma_wait3A_199 = tpu.memref_squeeze %dma_wait3A_198 : memref<1x125xi32, #tpu.memory_space<vmem>> -> memref<125xi32, #tpu.memory_space<vmem>>
      %dma_wait3A_200 = arith.constant 0 : i32
      %dma_wait3A_201 = arith.constant 0 : i32
      %dma_wait3A_202 = tpu.memref_slice %arg2[%dma_wait3A_200, %dma_wait3A_201] : memref<10000x128xf32, #tpu.memory_space<hbm>> -> memref<10000x128xf32, #tpu.memory_space<hbm>>
      tpu.wait_indirect_dma semaphore(%arg16 : memref<!tpu.dma_semaphore, #tpu.memory_space<semaphore_mem>>) src(%dma_wait3A_202 : memref<10000x128xf32, #tpu.memory_space<hbm>>) dst(%arg13 : memref<125x128xf32, #tpu.memory_space<vmem>>)
      %dma_start3A_203 = arith.constant 0 : i32
      %dma_start3A_204 = tpu.memref_slice %arg11[%add3A_195, %dma_start3A_203] : memref<40x125xi32, #tpu.memory_space<vmem>> -> memref<1x125xi32, #tpu.memory_space<vmem>>
      %dma_start3A_205 = tpu.memref_squeeze %dma_start3A_204 : memref<1x125xi32, #tpu.memory_space<vmem>> -> memref<125xi32, #tpu.memory_space<vmem>>
      %dma_start3A_206 = arith.constant 0 : i32
      %dma_start3A_207 = arith.constant 0 : i32
      %dma_start3A_208 = tpu.memref_slice %arg9[%dma_start3A_206, %dma_start3A_207] : memref<10000x128xf32, #tpu.memory_space<vmem_shared>> -> memref<10000x128xf32, #tpu.memory_space<vmem_shared>>
      tpu.enqueue_indirect_dma source(%arg13 : memref<125x128xf32, #tpu.memory_space<vmem>>) target(%dma_start3A_208 : memref<10000x128xf32, #tpu.memory_space<vmem_shared>>) offsets(%dma_start3A_205 : memref<125xi32, #tpu.memory_space<vmem>>) semaphore(%arg18 : memref<!tpu.dma_semaphore, #tpu.memory_space<semaphore_mem>>) {add = true}
      %dma_start3A_209 = arith.constant 0 : i32
      %dma_start3A_210 = tpu.memref_slice %arg21[%dma_start3A_209] : memref<128xf32, #tpu.memory_space<vmem>> -> memref<125xf32, #tpu.memory_space<vmem>>
      %dma_start3A_211 = arith.constant 0 : i32
      %dma_start3A_212 = tpu.memref_slice %arg11[%add3A_195, %dma_start3A_211] : memref<40x125xi32, #tpu.memory_space<vmem>> -> memref<1x125xi32, #tpu.memory_space<vmem>>
      %dma_start3A_213 = tpu.memref_squeeze %dma_start3A_212 : memref<1x125xi32, #tpu.memory_space<vmem>> -> memref<125xi32, #tpu.memory_space<vmem>>
      %dma_start3A_214 = arith.constant 0 : i32
      %dma_start3A_215 = tpu.memref_slice %arg20[%dma_start3A_214] : memref<10000xf32, #tpu.memory_space<vmem_shared>> -> memref<10000xf32, #tpu.memory_space<vmem_shared>>
      tpu.enqueue_indirect_dma source(%dma_start3A_210 : memref<125xf32, #tpu.memory_space<vmem>>) target(%dma_start3A_215 : memref<10000xf32, #tpu.memory_space<vmem_shared>>) offsets(%dma_start3A_213 : memref<125xi32, #tpu.memory_space<vmem>>) semaphore(%arg24 : memref<!tpu.dma_semaphore, #tpu.memory_space<semaphore_mem>>) {add = true}
      %mul3A_216 = arith.constant 2 : i32
      %mul3A_217 = arith.muli %mul3A_216, %scan3A_167 : i32
      %add3A_218 = arith.constant 0 : i32
      %add3A_219 = arith.addi %mul3A_217, %add3A_218 : i32
      %add3A_220 = arith.constant 2 : i32
      %add3A_221 = arith.addi %add3A_219, %add3A_220 : i32
      %lt3A_222 = arith.constant 40 : i32
      %lt3A_223 = arith.cmpi slt, %add3A_221, %lt3A_222 : i32
      %convert_element_type3A_224 = arith.extui %lt3A_223 : i1 to i32
      %cond3A_225 = arith.constant 0 : i32
      %cond3A_226 = arith.cmpi ne, %convert_element_type3A_224, %cond3A_225 : i32
      scf.if %cond3A_226 {
        %dma_wait3A_238 = arith.constant 0 : i32
        %dma_wait3A_239 = arith.constant 0 : i32
        %dma_wait3A_240 = tpu.memref_slice %arg11[%dma_wait3A_238, %dma_wait3A_239] : memref<40x125xi32, #tpu.memory_space<vmem>> -> memref<1x125xi32, #tpu.memory_space<vmem>>
        %dma_wait3A_241 = tpu.memref_squeeze %dma_wait3A_240 : memref<1x125xi32, #tpu.memory_space<vmem>> -> memref<125xi32, #tpu.memory_space<vmem>>
        %dma_wait3A_242 = arith.constant 0 : i32
        %dma_wait3A_243 = arith.constant 0 : i32
        %dma_wait3A_244 = tpu.memref_slice %arg9[%dma_wait3A_242, %dma_wait3A_243] : memref<10000x128xf32, #tpu.memory_space<vmem_shared>> -> memref<10000x128xf32, #tpu.memory_space<vmem_shared>>
        tpu.wait_indirect_dma semaphore(%arg17 : memref<!tpu.dma_semaphore, #tpu.memory_space<semaphore_mem>>) src(%arg12 : memref<125x128xf32, #tpu.memory_space<vmem>>) dst(%dma_wait3A_244 : memref<10000x128xf32, #tpu.memory_space<vmem_shared>>)
        %dma_wait3A_245 = arith.constant 0 : i32
        %dma_wait3A_246 = arith.constant 0 : i32
        %dma_wait3A_247 = tpu.memref_slice %arg21[%dma_wait3A_246] : memref<128xf32, #tpu.memory_space<vmem>> -> memref<125xf32, #tpu.memory_space<vmem>>
        %dma_wait3A_248 = arith.constant 0 : i32
        %dma_wait3A_249 = tpu.memref_slice %arg11[%dma_wait3A_245, %dma_wait3A_248] : memref<40x125xi32, #tpu.memory_space<vmem>> -> memref<1x125xi32, #tpu.memory_space<vmem>>
        %dma_wait3A_250 = tpu.memref_squeeze %dma_wait3A_249 : memref<1x125xi32, #tpu.memory_space<vmem>> -> memref<125xi32, #tpu.memory_space<vmem>>
        %dma_wait3A_251 = arith.constant 0 : i32
        %dma_wait3A_252 = tpu.memref_slice %arg20[%dma_wait3A_251] : memref<10000xf32, #tpu.memory_space<vmem_shared>> -> memref<10000xf32, #tpu.memory_space<vmem_shared>>
        tpu.wait_indirect_dma semaphore(%arg23 : memref<!tpu.dma_semaphore, #tpu.memory_space<semaphore_mem>>) src(%dma_wait3A_247 : memref<125xf32, #tpu.memory_space<vmem>>) dst(%dma_wait3A_252 : memref<10000xf32, #tpu.memory_space<vmem_shared>>)
        %add3A_253 = arith.constant 2 : i32
        %add3A_254 = arith.addi %add3A_219, %add3A_253 : i32
        %dma_start3A_255 = arith.constant 0 : i32
        %dma_start3A_256 = tpu.memref_slice %arg10[%add3A_254, %dma_start3A_255] : memref<40x125xi32, #tpu.memory_space<vmem>> -> memref<1x125xi32, #tpu.memory_space<vmem>>
        %dma_start3A_257 = tpu.memref_squeeze %dma_start3A_256 : memref<1x125xi32, #tpu.memory_space<vmem>> -> memref<125xi32, #tpu.memory_space<vmem>>
        %dma_start3A_258 = arith.constant 0 : i32
        %dma_start3A_259 = arith.constant 0 : i32
        %dma_start3A_260 = tpu.memref_slice %arg2[%dma_start3A_258, %dma_start3A_259] : memref<10000x128xf32, #tpu.memory_space<hbm>> -> memref<10000x128xf32, #tpu.memory_space<hbm>>
        tpu.enqueue_indirect_dma source(%dma_start3A_260 : memref<10000x128xf32, #tpu.memory_space<hbm>>) target(%arg12 : memref<125x128xf32, #tpu.memory_space<vmem>>) offsets(%dma_start3A_257 : memref<125xi32, #tpu.memory_space<vmem>>) semaphore(%arg15 : memref<!tpu.dma_semaphore, #tpu.memory_space<semaphore_mem>>)
      } else {
      }
      %mul3A_227 = arith.constant 2 : i32
      %mul3A_228 = arith.muli %mul3A_227, %scan3A_167 : i32
      %add3A_229 = arith.constant 1 : i32
      %add3A_230 = arith.addi %mul3A_228, %add3A_229 : i32
      %add3A_231 = arith.constant 2 : i32
      %add3A_232 = arith.addi %add3A_230, %add3A_231 : i32
      %lt3A_233 = arith.constant 40 : i32
      %lt3A_234 = arith.cmpi slt, %add3A_232, %lt3A_233 : i32
      %convert_element_type3A_235 = arith.extui %lt3A_234 : i1 to i32
      %cond3A_236 = arith.constant 0 : i32
      %cond3A_237 = arith.cmpi ne, %convert_element_type3A_235, %cond3A_236 : i32
      scf.if %cond3A_237 {
        %dma_wait3A_238 = arith.constant 0 : i32
        %dma_wait3A_239 = arith.constant 0 : i32
        %dma_wait3A_240 = tpu.memref_slice %arg11[%dma_wait3A_238, %dma_wait3A_239] : memref<40x125xi32, #tpu.memory_space<vmem>> -> memref<1x125xi32, #tpu.memory_space<vmem>>
        %dma_wait3A_241 = tpu.memref_squeeze %dma_wait3A_240 : memref<1x125xi32, #tpu.memory_space<vmem>> -> memref<125xi32, #tpu.memory_space<vmem>>
        %dma_wait3A_242 = arith.constant 0 : i32
        %dma_wait3A_243 = arith.constant 0 : i32
        %dma_wait3A_244 = tpu.memref_slice %arg9[%dma_wait3A_242, %dma_wait3A_243] : memref<10000x128xf32, #tpu.memory_space<vmem_shared>> -> memref<10000x128xf32, #tpu.memory_space<vmem_shared>>
        tpu.wait_indirect_dma semaphore(%arg18 : memref<!tpu.dma_semaphore, #tpu.memory_space<semaphore_mem>>) src(%arg13 : memref<125x128xf32, #tpu.memory_space<vmem>>) dst(%dma_wait3A_244 : memref<10000x128xf32, #tpu.memory_space<vmem_shared>>)
        %dma_wait3A_245 = arith.constant 0 : i32
        %dma_wait3A_246 = arith.constant 0 : i32
        %dma_wait3A_247 = tpu.memref_slice %arg21[%dma_wait3A_246] : memref<128xf32, #tpu.memory_space<vmem>> -> memref<125xf32, #tpu.memory_space<vmem>>
        %dma_wait3A_248 = arith.constant 0 : i32
        %dma_wait3A_249 = tpu.memref_slice %arg11[%dma_wait3A_245, %dma_wait3A_248] : memref<40x125xi32, #tpu.memory_space<vmem>> -> memref<1x125xi32, #tpu.memory_space<vmem>>
        %dma_wait3A_250 = tpu.memref_squeeze %dma_wait3A_249 : memref<1x125xi32, #tpu.memory_space<vmem>> -> memref<125xi32, #tpu.memory_space<vmem>>
        %dma_wait3A_251 = arith.constant 0 : i32
        %dma_wait3A_252 = tpu.memref_slice %arg20[%dma_wait3A_251] : memref<10000xf32, #tpu.memory_space<vmem_shared>> -> memref<10000xf32, #tpu.memory_space<vmem_shared>>
        tpu.wait_indirect_dma semaphore(%arg24 : memref<!tpu.dma_semaphore, #tpu.memory_space<semaphore_mem>>) src(%dma_wait3A_247 : memref<125xf32, #tpu.memory_space<vmem>>) dst(%dma_wait3A_252 : memref<10000xf32, #tpu.memory_space<vmem_shared>>)
        %add3A_253 = arith.constant 2 : i32
        %add3A_254 = arith.addi %add3A_230, %add3A_253 : i32
        %dma_start3A_255 = arith.constant 0 : i32
        %dma_start3A_256 = tpu.memref_slice %arg10[%add3A_254, %dma_start3A_255] : memref<40x125xi32, #tpu.memory_space<vmem>> -> memref<1x125xi32, #tpu.memory_space<vmem>>
        %dma_start3A_257 = tpu.memref_squeeze %dma_start3A_256 : memref<1x125xi32, #tpu.memory_space<vmem>> -> memref<125xi32, #tpu.memory_space<vmem>>
        %dma_start3A_258 = arith.constant 0 : i32
        %dma_start3A_259 = arith.constant 0 : i32
        %dma_start3A_260 = tpu.memref_slice %arg2[%dma_start3A_258, %dma_start3A_259] : memref<10000x128xf32, #tpu.memory_space<hbm>> -> memref<10000x128xf32, #tpu.memory_space<hbm>>
        tpu.enqueue_indirect_dma source(%dma_start3A_260 : memref<10000x128xf32, #tpu.memory_space<hbm>>) target(%arg13 : memref<125x128xf32, #tpu.memory_space<vmem>>) offsets(%dma_start3A_257 : memref<125xi32, #tpu.memory_space<vmem>>) semaphore(%arg16 : memref<!tpu.dma_semaphore, #tpu.memory_space<semaphore_mem>>)
      } else {
      }
    }
    %scan3A_63 = arith.constant 20 : i32
    %dma_wait3A = arith.constant 0 : i32
    %dma_wait3A_64 = arith.constant 0 : i32
    %dma_wait3A_65 = tpu.memref_slice %arg11[%dma_wait3A, %dma_wait3A_64] : memref<40x125xi32, #tpu.memory_space<vmem>> -> memref<1x125xi32, #tpu.memory_space<vmem>>
    %dma_wait3A_66 = tpu.memref_squeeze %dma_wait3A_65 : memref<1x125xi32, #tpu.memory_space<vmem>> -> memref<125xi32, #tpu.memory_space<vmem>>
    %dma_wait3A_67 = arith.constant 0 : i32
    %dma_wait3A_68 = arith.constant 0 : i32
    %dma_wait3A_69 = tpu.memref_slice %arg9[%dma_wait3A_67, %dma_wait3A_68] : memref<10000x128xf32, #tpu.memory_space<vmem_shared>> -> memref<10000x128xf32, #tpu.memory_space<vmem_shared>>
    tpu.wait_indirect_dma semaphore(%arg17 : memref<!tpu.dma_semaphore, #tpu.memory_space<semaphore_mem>>) src(%arg12 : memref<125x128xf32, #tpu.memory_space<vmem>>) dst(%dma_wait3A_69 : memref<10000x128xf32, #tpu.memory_space<vmem_shared>>)
    %dma_wait3A_70 = arith.constant 0 : i32
    %dma_wait3A_71 = arith.constant 0 : i32
    %dma_wait3A_72 = tpu.memref_slice %arg21[%dma_wait3A_71] : memref<128xf32, #tpu.memory_space<vmem>> -> memref<125xf32, #tpu.memory_space<vmem>>
    %dma_wait3A_73 = arith.constant 0 : i32
    %dma_wait3A_74 = tpu.memref_slice %arg11[%dma_wait3A_70, %dma_wait3A_73] : memref<40x125xi32, #tpu.memory_space<vmem>> -> memref<1x125xi32, #tpu.memory_space<vmem>>
    %dma_wait3A_75 = tpu.memref_squeeze %dma_wait3A_74 : memref<1x125xi32, #tpu.memory_space<vmem>> -> memref<125xi32, #tpu.memory_space<vmem>>
    %dma_wait3A_76 = arith.constant 0 : i32
    %dma_wait3A_77 = tpu.memref_slice %arg20[%dma_wait3A_76] : memref<10000xf32, #tpu.memory_space<vmem_shared>> -> memref<10000xf32, #tpu.memory_space<vmem_shared>>
    tpu.wait_indirect_dma semaphore(%arg23 : memref<!tpu.dma_semaphore, #tpu.memory_space<semaphore_mem>>) src(%dma_wait3A_72 : memref<125xf32, #tpu.memory_space<vmem>>) dst(%dma_wait3A_77 : memref<10000xf32, #tpu.memory_space<vmem_shared>>)
    %dma_wait3A_78 = arith.constant 0 : i32
    %dma_wait3A_79 = arith.constant 0 : i32
    %dma_wait3A_80 = tpu.memref_slice %arg11[%dma_wait3A_78, %dma_wait3A_79] : memref<40x125xi32, #tpu.memory_space<vmem>> -> memref<1x125xi32, #tpu.memory_space<vmem>>
    %dma_wait3A_81 = tpu.memref_squeeze %dma_wait3A_80 : memref<1x125xi32, #tpu.memory_space<vmem>> -> memref<125xi32, #tpu.memory_space<vmem>>
    %dma_wait3A_82 = arith.constant 0 : i32
    %dma_wait3A_83 = arith.constant 0 : i32
    %dma_wait3A_84 = tpu.memref_slice %arg9[%dma_wait3A_82, %dma_wait3A_83] : memref<10000x128xf32, #tpu.memory_space<vmem_shared>> -> memref<10000x128xf32, #tpu.memory_space<vmem_shared>>
    tpu.wait_indirect_dma semaphore(%arg18 : memref<!tpu.dma_semaphore, #tpu.memory_space<semaphore_mem>>) src(%arg13 : memref<125x128xf32, #tpu.memory_space<vmem>>) dst(%dma_wait3A_84 : memref<10000x128xf32, #tpu.memory_space<vmem_shared>>)
    %dma_wait3A_85 = arith.constant 0 : i32
    %dma_wait3A_86 = arith.constant 0 : i32
    %dma_wait3A_87 = tpu.memref_slice %arg21[%dma_wait3A_86] : memref<128xf32, #tpu.memory_space<vmem>> -> memref<125xf32, #tpu.memory_space<vmem>>
    %dma_wait3A_88 = arith.constant 0 : i32
    %dma_wait3A_89 = tpu.memref_slice %arg11[%dma_wait3A_85, %dma_wait3A_88] : memref<40x125xi32, #tpu.memory_space<vmem>> -> memref<1x125xi32, #tpu.memory_space<vmem>>
    %dma_wait3A_90 = tpu.memref_squeeze %dma_wait3A_89 : memref<1x125xi32, #tpu.memory_space<vmem>> -> memref<125xi32, #tpu.memory_space<vmem>>
    %dma_wait3A_91 = arith.constant 0 : i32
    %dma_wait3A_92 = tpu.memref_slice %arg20[%dma_wait3A_91] : memref<10000xf32, #tpu.memory_space<vmem_shared>> -> memref<10000xf32, #tpu.memory_space<vmem_shared>>
    tpu.wait_indirect_dma semaphore(%arg24 : memref<!tpu.dma_semaphore, #tpu.memory_space<semaphore_mem>>) src(%dma_wait3A_87 : memref<125xf32, #tpu.memory_space<vmem>>) dst(%dma_wait3A_92 : memref<10000xf32, #tpu.memory_space<vmem_shared>>)
    %mul3A_93 = arith.constant 80 : i32
    %mul3A_94 = arith.muli %add3A, %mul3A_93 : i32
    %add3A_95 = arith.constant 40 : i32
    %add3A_96 = arith.addi %mul3A_94, %add3A_95 : i32
    "tpu.region"() ({
      %run_scoped3A = tpu.sem_alloc : memref<!tpu.dma_semaphore, #tpu.memory_space<semaphore_mem>>
      %dma_start3A_167 = arith.constant 0 : i32
      %dma_start3A_168 = tpu.memref_slice %arg3[%add3A_96, %dma_start3A_167] : memref<2560x125xi32, #tpu.memory_space<hbm>> -> memref<40x125xi32, #tpu.memory_space<hbm>>
      %dma_start3A_169 = arith.constant 0 : i32
      %dma_start3A_170 = tpu.memref_slice %arg3[%add3A_96, %dma_start3A_169] : memref<2560x125xi32, #tpu.memory_space<hbm>> -> memref<40x125xi32, #tpu.memory_space<hbm>>
      tpu.enqueue_dma source(%dma_start3A_170 : memref<40x125xi32, #tpu.memory_space<hbm>>) target(%arg10 : memref<40x125xi32, #tpu.memory_space<vmem>>) target_semaphore(%run_scoped3A : memref<!tpu.dma_semaphore, #tpu.memory_space<semaphore_mem>>)
      %dma_wait3A_171 = arith.constant 0 : i32
      %dma_wait3A_172 = tpu.memref_slice %arg3[%add3A_96, %dma_wait3A_171] : memref<2560x125xi32, #tpu.memory_space<hbm>> -> memref<40x125xi32, #tpu.memory_space<hbm>>
      %dma_wait3A_173 = arith.constant 0 : i32
      %dma_wait3A_174 = tpu.memref_slice %arg3[%add3A_96, %dma_wait3A_173] : memref<2560x125xi32, #tpu.memory_space<hbm>> -> memref<40x125xi32, #tpu.memory_space<hbm>>
      tpu.wait_dma2 semaphore(%run_scoped3A : memref<!tpu.dma_semaphore, #tpu.memory_space<semaphore_mem>>) src(%dma_wait3A_174 : memref<40x125xi32, #tpu.memory_space<hbm>>) dst(%arg10 : memref<40x125xi32, #tpu.memory_space<vmem>>)
      tpu.yield
    }) : () -> ()
    "tpu.region"() ({
      %run_scoped3A = tpu.sem_alloc : memref<!tpu.dma_semaphore, #tpu.memory_space<semaphore_mem>>
      %dma_start3A_167 = arith.constant 0 : i32
      %dma_start3A_168 = tpu.memref_slice %arg4[%add3A_96, %dma_start3A_167] : memref<2560x125xi32, #tpu.memory_space<hbm>> -> memref<40x125xi32, #tpu.memory_space<hbm>>
      %dma_start3A_169 = arith.constant 0 : i32
      %dma_start3A_170 = tpu.memref_slice %arg4[%add3A_96, %dma_start3A_169] : memref<2560x125xi32, #tpu.memory_space<hbm>> -> memref<40x125xi32, #tpu.memory_space<hbm>>
      tpu.enqueue_dma source(%dma_start3A_170 : memref<40x125xi32, #tpu.memory_space<hbm>>) target(%arg11 : memref<40x125xi32, #tpu.memory_space<vmem>>) target_semaphore(%run_scoped3A : memref<!tpu.dma_semaphore, #tpu.memory_space<semaphore_mem>>)
      %dma_wait3A_171 = arith.constant 0 : i32
      %dma_wait3A_172 = tpu.memref_slice %arg4[%add3A_96, %dma_wait3A_171] : memref<2560x125xi32, #tpu.memory_space<hbm>> -> memref<40x125xi32, #tpu.memory_space<hbm>>
      %dma_wait3A_173 = arith.constant 0 : i32
      %dma_wait3A_174 = tpu.memref_slice %arg4[%add3A_96, %dma_wait3A_173] : memref<2560x125xi32, #tpu.memory_space<hbm>> -> memref<40x125xi32, #tpu.memory_space<hbm>>
      tpu.wait_dma2 semaphore(%run_scoped3A : memref<!tpu.dma_semaphore, #tpu.memory_space<semaphore_mem>>) src(%dma_wait3A_174 : memref<40x125xi32, #tpu.memory_space<hbm>>) dst(%arg11 : memref<40x125xi32, #tpu.memory_space<vmem>>)
      tpu.yield
    }) : () -> ()
    %dma_start3A_97 = arith.constant 0 : i32
    %dma_start3A_98 = arith.constant 0 : i32
    %dma_start3A_99 = tpu.memref_slice %arg10[%dma_start3A_97, %dma_start3A_98] : memref<40x125xi32, #tpu.memory_space<vmem>> -> memref<1x125xi32, #tpu.memory_space<vmem>>
    %dma_start3A_100 = tpu.memref_squeeze %dma_start3A_99 : memref<1x125xi32, #tpu.memory_space<vmem>> -> memref<125xi32, #tpu.memory_space<vmem>>
    %dma_start3A_101 = arith.constant 0 : i32
    %dma_start3A_102 = arith.constant 0 : i32
    %dma_start3A_103 = tpu.memref_slice %arg2[%dma_start3A_101, %dma_start3A_102] : memref<10000x128xf32, #tpu.memory_space<hbm>> -> memref<10000x128xf32, #tpu.memory_space<hbm>>
    tpu.enqueue_indirect_dma source(%dma_start3A_103 : memref<10000x128xf32, #tpu.memory_space<hbm>>) target(%arg12 : memref<125x128xf32, #tpu.memory_space<vmem>>) offsets(%dma_start3A_100 : memref<125xi32, #tpu.memory_space<vmem>>) semaphore(%arg15 : memref<!tpu.dma_semaphore, #tpu.memory_space<semaphore_mem>>)
    %dma_start3A_104 = arith.constant 1 : i32
    %dma_start3A_105 = arith.constant 0 : i32
    %dma_start3A_106 = tpu.memref_slice %arg10[%dma_start3A_104, %dma_start3A_105] : memref<40x125xi32, #tpu.memory_space<vmem>> -> memref<1x125xi32, #tpu.memory_space<vmem>>
    %dma_start3A_107 = tpu.memref_squeeze %dma_start3A_106 : memref<1x125xi32, #tpu.memory_space<vmem>> -> memref<125xi32, #tpu.memory_space<vmem>>
    %dma_start3A_108 = arith.constant 0 : i32
    %dma_start3A_109 = arith.constant 0 : i32
    %dma_start3A_110 = tpu.memref_slice %arg2[%dma_start3A_108, %dma_start3A_109] : memref<10000x128xf32, #tpu.memory_space<hbm>> -> memref<10000x128xf32, #tpu.memory_space<hbm>>
    tpu.enqueue_indirect_dma source(%dma_start3A_110 : memref<10000x128xf32, #tpu.memory_space<hbm>>) target(%arg13 : memref<125x128xf32, #tpu.memory_space<vmem>>) offsets(%dma_start3A_107 : memref<125xi32, #tpu.memory_space<vmem>>) semaphore(%arg16 : memref<!tpu.dma_semaphore, #tpu.memory_space<semaphore_mem>>)
    %scan3A_111 = arith.constant 0 : i32
    %scan3A_112 = arith.constant 20 : i32
    %scan3A_113 = arith.addi %scan3A_111, %scan3A_112 : i32
    %scan3A_114 = arith.constant 1 : i32
    scf.for %scan3A_167 = %scan3A_111 to %scan3A_113 step %scan3A_114  : i32 {
      %mul3A_168 = arith.constant 2 : i32
      %mul3A_169 = arith.muli %mul3A_168, %scan3A_167 : i32
      %add3A_170 = arith.constant 0 : i32
      %add3A_171 = arith.addi %mul3A_169, %add3A_170 : i32
      %dma_wait3A_172 = arith.constant 0 : i32
      %dma_wait3A_173 = arith.constant 0 : i32
      %dma_wait3A_174 = tpu.memref_slice %arg10[%dma_wait3A_172, %dma_wait3A_173] : memref<40x125xi32, #tpu.memory_space<vmem>> -> memref<1x125xi32, #tpu.memory_space<vmem>>
      %dma_wait3A_175 = tpu.memref_squeeze %dma_wait3A_174 : memref<1x125xi32, #tpu.memory_space<vmem>> -> memref<125xi32, #tpu.memory_space<vmem>>
      %dma_wait3A_176 = arith.constant 0 : i32
      %dma_wait3A_177 = arith.constant 0 : i32
      %dma_wait3A_178 = tpu.memref_slice %arg2[%dma_wait3A_176, %dma_wait3A_177] : memref<10000x128xf32, #tpu.memory_space<hbm>> -> memref<10000x128xf32, #tpu.memory_space<hbm>>
      tpu.wait_indirect_dma semaphore(%arg15 : memref<!tpu.dma_semaphore, #tpu.memory_space<semaphore_mem>>) src(%dma_wait3A_178 : memref<10000x128xf32, #tpu.memory_space<hbm>>) dst(%arg12 : memref<125x128xf32, #tpu.memory_space<vmem>>)
      %dma_start3A_179 = arith.constant 0 : i32
      %dma_start3A_180 = tpu.memref_slice %arg11[%add3A_171, %dma_start3A_179] : memref<40x125xi32, #tpu.memory_space<vmem>> -> memref<1x125xi32, #tpu.memory_space<vmem>>
      %dma_start3A_181 = tpu.memref_squeeze %dma_start3A_180 : memref<1x125xi32, #tpu.memory_space<vmem>> -> memref<125xi32, #tpu.memory_space<vmem>>
      %dma_start3A_182 = arith.constant 0 : i32
      %dma_start3A_183 = arith.constant 0 : i32
      %dma_start3A_184 = tpu.memref_slice %arg9[%dma_start3A_182, %dma_start3A_183] : memref<10000x128xf32, #tpu.memory_space<vmem_shared>> -> memref<10000x128xf32, #tpu.memory_space<vmem_shared>>
      tpu.enqueue_indirect_dma source(%arg12 : memref<125x128xf32, #tpu.memory_space<vmem>>) target(%dma_start3A_184 : memref<10000x128xf32, #tpu.memory_space<vmem_shared>>) offsets(%dma_start3A_181 : memref<125xi32, #tpu.memory_space<vmem>>) semaphore(%arg17 : memref<!tpu.dma_semaphore, #tpu.memory_space<semaphore_mem>>) {add = true}
      %dma_start3A_185 = arith.constant 0 : i32
      %dma_start3A_186 = tpu.memref_slice %arg21[%dma_start3A_185] : memref<128xf32, #tpu.memory_space<vmem>> -> memref<125xf32, #tpu.memory_space<vmem>>
      %dma_start3A_187 = arith.constant 0 : i32
      %dma_start3A_188 = tpu.memref_slice %arg11[%add3A_171, %dma_start3A_187] : memref<40x125xi32, #tpu.memory_space<vmem>> -> memref<1x125xi32, #tpu.memory_space<vmem>>
      %dma_start3A_189 = tpu.memref_squeeze %dma_start3A_188 : memref<1x125xi32, #tpu.memory_space<vmem>> -> memref<125xi32, #tpu.memory_space<vmem>>
      %dma_start3A_190 = arith.constant 0 : i32
      %dma_start3A_191 = tpu.memref_slice %arg20[%dma_start3A_190] : memref<10000xf32, #tpu.memory_space<vmem_shared>> -> memref<10000xf32, #tpu.memory_space<vmem_shared>>
      tpu.enqueue_indirect_dma source(%dma_start3A_186 : memref<125xf32, #tpu.memory_space<vmem>>) target(%dma_start3A_191 : memref<10000xf32, #tpu.memory_space<vmem_shared>>) offsets(%dma_start3A_189 : memref<125xi32, #tpu.memory_space<vmem>>) semaphore(%arg23 : memref<!tpu.dma_semaphore, #tpu.memory_space<semaphore_mem>>) {add = true}
      %mul3A_192 = arith.constant 2 : i32
      %mul3A_193 = arith.muli %mul3A_192, %scan3A_167 : i32
      %add3A_194 = arith.constant 1 : i32
      %add3A_195 = arith.addi %mul3A_193, %add3A_194 : i32
      %dma_wait3A_196 = arith.constant 0 : i32
      %dma_wait3A_197 = arith.constant 0 : i32
      %dma_wait3A_198 = tpu.memref_slice %arg10[%dma_wait3A_196, %dma_wait3A_197] : memref<40x125xi32, #tpu.memory_space<vmem>> -> memref<1x125xi32, #tpu.memory_space<vmem>>
      %dma_wait3A_199 = tpu.memref_squeeze %dma_wait3A_198 : memref<1x125xi32, #tpu.memory_space<vmem>> -> memref<125xi32, #tpu.memory_space<vmem>>
      %dma_wait3A_200 = arith.constant 0 : i32
      %dma_wait3A_201 = arith.constant 0 : i32
      %dma_wait3A_202 = tpu.memref_slice %arg2[%dma_wait3A_200, %dma_wait3A_201] : memref<10000x128xf32, #tpu.memory_space<hbm>> -> memref<10000x128xf32, #tpu.memory_space<hbm>>
      tpu.wait_indirect_dma semaphore(%arg16 : memref<!tpu.dma_semaphore, #tpu.memory_space<semaphore_mem>>) src(%dma_wait3A_202 : memref<10000x128xf32, #tpu.memory_space<hbm>>) dst(%arg13 : memref<125x128xf32, #tpu.memory_space<vmem>>)
      %dma_start3A_203 = arith.constant 0 : i32
      %dma_start3A_204 = tpu.memref_slice %arg11[%add3A_195, %dma_start3A_203] : memref<40x125xi32, #tpu.memory_space<vmem>> -> memref<1x125xi32, #tpu.memory_space<vmem>>
      %dma_start3A_205 = tpu.memref_squeeze %dma_start3A_204 : memref<1x125xi32, #tpu.memory_space<vmem>> -> memref<125xi32, #tpu.memory_space<vmem>>
      %dma_start3A_206 = arith.constant 0 : i32
      %dma_start3A_207 = arith.constant 0 : i32
      %dma_start3A_208 = tpu.memref_slice %arg9[%dma_start3A_206, %dma_start3A_207] : memref<10000x128xf32, #tpu.memory_space<vmem_shared>> -> memref<10000x128xf32, #tpu.memory_space<vmem_shared>>
      tpu.enqueue_indirect_dma source(%arg13 : memref<125x128xf32, #tpu.memory_space<vmem>>) target(%dma_start3A_208 : memref<10000x128xf32, #tpu.memory_space<vmem_shared>>) offsets(%dma_start3A_205 : memref<125xi32, #tpu.memory_space<vmem>>) semaphore(%arg18 : memref<!tpu.dma_semaphore, #tpu.memory_space<semaphore_mem>>) {add = true}
      %dma_start3A_209 = arith.constant 0 : i32
      %dma_start3A_210 = tpu.memref_slice %arg21[%dma_start3A_209] : memref<128xf32, #tpu.memory_space<vmem>> -> memref<125xf32, #tpu.memory_space<vmem>>
      %dma_start3A_211 = arith.constant 0 : i32
      %dma_start3A_212 = tpu.memref_slice %arg11[%add3A_195, %dma_start3A_211] : memref<40x125xi32, #tpu.memory_space<vmem>> -> memref<1x125xi32, #tpu.memory_space<vmem>>
      %dma_start3A_213 = tpu.memref_squeeze %dma_start3A_212 : memref<1x125xi32, #tpu.memory_space<vmem>> -> memref<125xi32, #tpu.memory_space<vmem>>
      %dma_start3A_214 = arith.constant 0 : i32
      %dma_start3A_215 = tpu.memref_slice %arg20[%dma_start3A_214] : memref<10000xf32, #tpu.memory_space<vmem_shared>> -> memref<10000xf32, #tpu.memory_space<vmem_shared>>
      tpu.enqueue_indirect_dma source(%dma_start3A_210 : memref<125xf32, #tpu.memory_space<vmem>>) target(%dma_start3A_215 : memref<10000xf32, #tpu.memory_space<vmem_shared>>) offsets(%dma_start3A_213 : memref<125xi32, #tpu.memory_space<vmem>>) semaphore(%arg24 : memref<!tpu.dma_semaphore, #tpu.memory_space<semaphore_mem>>) {add = true}
      %mul3A_216 = arith.constant 2 : i32
      %mul3A_217 = arith.muli %mul3A_216, %scan3A_167 : i32
      %add3A_218 = arith.constant 0 : i32
      %add3A_219 = arith.addi %mul3A_217, %add3A_218 : i32
      %add3A_220 = arith.constant 2 : i32
      %add3A_221 = arith.addi %add3A_219, %add3A_220 : i32
      %lt3A_222 = arith.constant 40 : i32
      %lt3A_223 = arith.cmpi slt, %add3A_221, %lt3A_222 : i32
      %convert_element_type3A_224 = arith.extui %lt3A_223 : i1 to i32
      %cond3A_225 = arith.constant 0 : i32
      %cond3A_226 = arith.cmpi ne, %convert_element_type3A_224, %cond3A_225 : i32
      scf.if %cond3A_226 {
        %dma_wait3A_238 = arith.constant 0 : i32
        %dma_wait3A_239 = arith.constant 0 : i32
        %dma_wait3A_240 = tpu.memref_slice %arg11[%dma_wait3A_238, %dma_wait3A_239] : memref<40x125xi32, #tpu.memory_space<vmem>> -> memref<1x125xi32, #tpu.memory_space<vmem>>
        %dma_wait3A_241 = tpu.memref_squeeze %dma_wait3A_240 : memref<1x125xi32, #tpu.memory_space<vmem>> -> memref<125xi32, #tpu.memory_space<vmem>>
        %dma_wait3A_242 = arith.constant 0 : i32
        %dma_wait3A_243 = arith.constant 0 : i32
        %dma_wait3A_244 = tpu.memref_slice %arg9[%dma_wait3A_242, %dma_wait3A_243] : memref<10000x128xf32, #tpu.memory_space<vmem_shared>> -> memref<10000x128xf32, #tpu.memory_space<vmem_shared>>
        tpu.wait_indirect_dma semaphore(%arg17 : memref<!tpu.dma_semaphore, #tpu.memory_space<semaphore_mem>>) src(%arg12 : memref<125x128xf32, #tpu.memory_space<vmem>>) dst(%dma_wait3A_244 : memref<10000x128xf32, #tpu.memory_space<vmem_shared>>)
        %dma_wait3A_245 = arith.constant 0 : i32
        %dma_wait3A_246 = arith.constant 0 : i32
        %dma_wait3A_247 = tpu.memref_slice %arg21[%dma_wait3A_246] : memref<128xf32, #tpu.memory_space<vmem>> -> memref<125xf32, #tpu.memory_space<vmem>>
        %dma_wait3A_248 = arith.constant 0 : i32
        %dma_wait3A_249 = tpu.memref_slice %arg11[%dma_wait3A_245, %dma_wait3A_248] : memref<40x125xi32, #tpu.memory_space<vmem>> -> memref<1x125xi32, #tpu.memory_space<vmem>>
        %dma_wait3A_250 = tpu.memref_squeeze %dma_wait3A_249 : memref<1x125xi32, #tpu.memory_space<vmem>> -> memref<125xi32, #tpu.memory_space<vmem>>
        %dma_wait3A_251 = arith.constant 0 : i32
        %dma_wait3A_252 = tpu.memref_slice %arg20[%dma_wait3A_251] : memref<10000xf32, #tpu.memory_space<vmem_shared>> -> memref<10000xf32, #tpu.memory_space<vmem_shared>>
        tpu.wait_indirect_dma semaphore(%arg23 : memref<!tpu.dma_semaphore, #tpu.memory_space<semaphore_mem>>) src(%dma_wait3A_247 : memref<125xf32, #tpu.memory_space<vmem>>) dst(%dma_wait3A_252 : memref<10000xf32, #tpu.memory_space<vmem_shared>>)
        %add3A_253 = arith.constant 2 : i32
        %add3A_254 = arith.addi %add3A_219, %add3A_253 : i32
        %dma_start3A_255 = arith.constant 0 : i32
        %dma_start3A_256 = tpu.memref_slice %arg10[%add3A_254, %dma_start3A_255] : memref<40x125xi32, #tpu.memory_space<vmem>> -> memref<1x125xi32, #tpu.memory_space<vmem>>
        %dma_start3A_257 = tpu.memref_squeeze %dma_start3A_256 : memref<1x125xi32, #tpu.memory_space<vmem>> -> memref<125xi32, #tpu.memory_space<vmem>>
        %dma_start3A_258 = arith.constant 0 : i32
        %dma_start3A_259 = arith.constant 0 : i32
        %dma_start3A_260 = tpu.memref_slice %arg2[%dma_start3A_258, %dma_start3A_259] : memref<10000x128xf32, #tpu.memory_space<hbm>> -> memref<10000x128xf32, #tpu.memory_space<hbm>>
        tpu.enqueue_indirect_dma source(%dma_start3A_260 : memref<10000x128xf32, #tpu.memory_space<hbm>>) target(%arg12 : memref<125x128xf32, #tpu.memory_space<vmem>>) offsets(%dma_start3A_257 : memref<125xi32, #tpu.memory_space<vmem>>) semaphore(%arg15 : memref<!tpu.dma_semaphore, #tpu.memory_space<semaphore_mem>>)
      } else {
      }
      %mul3A_227 = arith.constant 2 : i32
      %mul3A_228 = arith.muli %mul3A_227, %scan3A_167 : i32
      %add3A_229 = arith.constant 1 : i32
      %add3A_230 = arith.addi %mul3A_228, %add3A_229 : i32
      %add3A_231 = arith.constant 2 : i32
      %add3A_232 = arith.addi %add3A_230, %add3A_231 : i32
      %lt3A_233 = arith.constant 40 : i32
      %lt3A_234 = arith.cmpi slt, %add3A_232, %lt3A_233 : i32
      %convert_element_type3A_235 = arith.extui %lt3A_234 : i1 to i32
      %cond3A_236 = arith.constant 0 : i32
      %cond3A_237 = arith.cmpi ne, %convert_element_type3A_235, %cond3A_236 : i32
      scf.if %cond3A_237 {
        %dma_wait3A_238 = arith.constant 0 : i32
        %dma_wait3A_239 = arith.constant 0 : i32
        %dma_wait3A_240 = tpu.memref_slice %arg11[%dma_wait3A_238, %dma_wait3A_239] : memref<40x125xi32, #tpu.memory_space<vmem>> -> memref<1x125xi32, #tpu.memory_space<vmem>>
        %dma_wait3A_241 = tpu.memref_squeeze %dma_wait3A_240 : memref<1x125xi32, #tpu.memory_space<vmem>> -> memref<125xi32, #tpu.memory_space<vmem>>
        %dma_wait3A_242 = arith.constant 0 : i32
        %dma_wait3A_243 = arith.constant 0 : i32
        %dma_wait3A_244 = tpu.memref_slice %arg9[%dma_wait3A_242, %dma_wait3A_243] : memref<10000x128xf32, #tpu.memory_space<vmem_shared>> -> memref<10000x128xf32, #tpu.memory_space<vmem_shared>>
        tpu.wait_indirect_dma semaphore(%arg18 : memref<!tpu.dma_semaphore, #tpu.memory_space<semaphore_mem>>) src(%arg13 : memref<125x128xf32, #tpu.memory_space<vmem>>) dst(%dma_wait3A_244 : memref<10000x128xf32, #tpu.memory_space<vmem_shared>>)
        %dma_wait3A_245 = arith.constant 0 : i32
        %dma_wait3A_246 = arith.constant 0 : i32
        %dma_wait3A_247 = tpu.memref_slice %arg21[%dma_wait3A_246] : memref<128xf32, #tpu.memory_space<vmem>> -> memref<125xf32, #tpu.memory_space<vmem>>
        %dma_wait3A_248 = arith.constant 0 : i32
        %dma_wait3A_249 = tpu.memref_slice %arg11[%dma_wait3A_245, %dma_wait3A_248] : memref<40x125xi32, #tpu.memory_space<vmem>> -> memref<1x125xi32, #tpu.memory_space<vmem>>
        %dma_wait3A_250 = tpu.memref_squeeze %dma_wait3A_249 : memref<1x125xi32, #tpu.memory_space<vmem>> -> memref<125xi32, #tpu.memory_space<vmem>>
        %dma_wait3A_251 = arith.constant 0 : i32
        %dma_wait3A_252 = tpu.memref_slice %arg20[%dma_wait3A_251] : memref<10000xf32, #tpu.memory_space<vmem_shared>> -> memref<10000xf32, #tpu.memory_space<vmem_shared>>
        tpu.wait_indirect_dma semaphore(%arg24 : memref<!tpu.dma_semaphore, #tpu.memory_space<semaphore_mem>>) src(%dma_wait3A_247 : memref<125xf32, #tpu.memory_space<vmem>>) dst(%dma_wait3A_252 : memref<10000xf32, #tpu.memory_space<vmem_shared>>)
        %add3A_253 = arith.constant 2 : i32
        %add3A_254 = arith.addi %add3A_230, %add3A_253 : i32
        %dma_start3A_255 = arith.constant 0 : i32
        %dma_start3A_256 = tpu.memref_slice %arg10[%add3A_254, %dma_start3A_255] : memref<40x125xi32, #tpu.memory_space<vmem>> -> memref<1x125xi32, #tpu.memory_space<vmem>>
        %dma_start3A_257 = tpu.memref_squeeze %dma_start3A_256 : memref<1x125xi32, #tpu.memory_space<vmem>> -> memref<125xi32, #tpu.memory_space<vmem>>
        %dma_start3A_258 = arith.constant 0 : i32
        %dma_start3A_259 = arith.constant 0 : i32
        %dma_start3A_260 = tpu.memref_slice %arg2[%dma_start3A_258, %dma_start3A_259] : memref<10000x128xf32, #tpu.memory_space<hbm>> -> memref<10000x128xf32, #tpu.memory_space<hbm>>
        tpu.enqueue_indirect_dma source(%dma_start3A_260 : memref<10000x128xf32, #tpu.memory_space<hbm>>) target(%arg13 : memref<125x128xf32, #tpu.memory_space<vmem>>) offsets(%dma_start3A_257 : memref<125xi32, #tpu.memory_space<vmem>>) semaphore(%arg16 : memref<!tpu.dma_semaphore, #tpu.memory_space<semaphore_mem>>)
      } else {
      }
    }
    %scan3A_115 = arith.constant 20 : i32
    %dma_wait3A_116 = arith.constant 0 : i32
    %dma_wait3A_117 = arith.constant 0 : i32
    %dma_wait3A_118 = tpu.memref_slice %arg11[%dma_wait3A_116, %dma_wait3A_117] : memref<40x125xi32, #tpu.memory_space<vmem>> -> memref<1x125xi32, #tpu.memory_space<vmem>>
    %dma_wait3A_119 = tpu.memref_squeeze %dma_wait3A_118 : memref<1x125xi32, #tpu.memory_space<vmem>> -> memref<125xi32, #tpu.memory_space<vmem>>
    %dma_wait3A_120 = arith.constant 0 : i32
    %dma_wait3A_121 = arith.constant 0 : i32
    %dma_wait3A_122 = tpu.memref_slice %arg9[%dma_wait3A_120, %dma_wait3A_121] : memref<10000x128xf32, #tpu.memory_space<vmem_shared>> -> memref<10000x128xf32, #tpu.memory_space<vmem_shared>>
    tpu.wait_indirect_dma semaphore(%arg17 : memref<!tpu.dma_semaphore, #tpu.memory_space<semaphore_mem>>) src(%arg12 : memref<125x128xf32, #tpu.memory_space<vmem>>) dst(%dma_wait3A_122 : memref<10000x128xf32, #tpu.memory_space<vmem_shared>>)
    %dma_wait3A_123 = arith.constant 0 : i32
    %dma_wait3A_124 = arith.constant 0 : i32
    %dma_wait3A_125 = tpu.memref_slice %arg21[%dma_wait3A_124] : memref<128xf32, #tpu.memory_space<vmem>> -> memref<125xf32, #tpu.memory_space<vmem>>
    %dma_wait3A_126 = arith.constant 0 : i32
    %dma_wait3A_127 = tpu.memref_slice %arg11[%dma_wait3A_123, %dma_wait3A_126] : memref<40x125xi32, #tpu.memory_space<vmem>> -> memref<1x125xi32, #tpu.memory_space<vmem>>
    %dma_wait3A_128 = tpu.memref_squeeze %dma_wait3A_127 : memref<1x125xi32, #tpu.memory_space<vmem>> -> memref<125xi32, #tpu.memory_space<vmem>>
    %dma_wait3A_129 = arith.constant 0 : i32
    %dma_wait3A_130 = tpu.memref_slice %arg20[%dma_wait3A_129] : memref<10000xf32, #tpu.memory_space<vmem_shared>> -> memref<10000xf32, #tpu.memory_space<vmem_shared>>
    tpu.wait_indirect_dma semaphore(%arg23 : memref<!tpu.dma_semaphore, #tpu.memory_space<semaphore_mem>>) src(%dma_wait3A_125 : memref<125xf32, #tpu.memory_space<vmem>>) dst(%dma_wait3A_130 : memref<10000xf32, #tpu.memory_space<vmem_shared>>)
    %dma_wait3A_131 = arith.constant 0 : i32
    %dma_wait3A_132 = arith.constant 0 : i32
    %dma_wait3A_133 = tpu.memref_slice %arg11[%dma_wait3A_131, %dma_wait3A_132] : memref<40x125xi32, #tpu.memory_space<vmem>> -> memref<1x125xi32, #tpu.memory_space<vmem>>
    %dma_wait3A_134 = tpu.memref_squeeze %dma_wait3A_133 : memref<1x125xi32, #tpu.memory_space<vmem>> -> memref<125xi32, #tpu.memory_space<vmem>>
    %dma_wait3A_135 = arith.constant 0 : i32
    %dma_wait3A_136 = arith.constant 0 : i32
    %dma_wait3A_137 = tpu.memref_slice %arg9[%dma_wait3A_135, %dma_wait3A_136] : memref<10000x128xf32, #tpu.memory_space<vmem_shared>> -> memref<10000x128xf32, #tpu.memory_space<vmem_shared>>
    tpu.wait_indirect_dma semaphore(%arg18 : memref<!tpu.dma_semaphore, #tpu.memory_space<semaphore_mem>>) src(%arg13 : memref<125x128xf32, #tpu.memory_space<vmem>>) dst(%dma_wait3A_137 : memref<10000x128xf32, #tpu.memory_space<vmem_shared>>)
    %dma_wait3A_138 = arith.constant 0 : i32
    %dma_wait3A_139 = arith.constant 0 : i32
    %dma_wait3A_140 = tpu.memref_slice %arg21[%dma_wait3A_139] : memref<128xf32, #tpu.memory_space<vmem>> -> memref<125xf32, #tpu.memory_space<vmem>>
    %dma_wait3A_141 = arith.constant 0 : i32
    %dma_wait3A_142 = tpu.memref_slice %arg11[%dma_wait3A_138, %dma_wait3A_141] : memref<40x125xi32, #tpu.memory_space<vmem>> -> memref<1x125xi32, #tpu.memory_space<vmem>>
    %dma_wait3A_143 = tpu.memref_squeeze %dma_wait3A_142 : memref<1x125xi32, #tpu.memory_space<vmem>> -> memref<125xi32, #tpu.memory_space<vmem>>
    %dma_wait3A_144 = arith.constant 0 : i32
    %dma_wait3A_145 = tpu.memref_slice %arg20[%dma_wait3A_144] : memref<10000xf32, #tpu.memory_space<vmem_shared>> -> memref<10000xf32, #tpu.memory_space<vmem_shared>>
    tpu.wait_indirect_dma semaphore(%arg24 : memref<!tpu.dma_semaphore, #tpu.memory_space<semaphore_mem>>) src(%dma_wait3A_140 : memref<125xf32, #tpu.memory_space<vmem>>) dst(%dma_wait3A_145 : memref<10000xf32, #tpu.memory_space<vmem_shared>>)
    %barrier3A_146 = arith.constant 0 : index
    tpu.barrier barrier_id(%barrier3A_146)
    %eq3A_147 = arith.constant 0 : i32
    %eq3A_148 = arith.cmpi eq, %arg0, %eq3A_147 : i32
    %convert_element_type3A_149 = arith.extui %eq3A_148 : i1 to i32
    %cond3A_150 = arith.constant 0 : i32
    %cond3A_151 = arith.cmpi ne, %convert_element_type3A_149, %cond3A_150 : i32
    scf.if %cond3A_151 {
      %lt3A_167 = arith.constant 15 : i32
      %lt3A_168 = arith.cmpi slt, %arg1, %lt3A_167 : i32
      %convert_element_type3A_169 = arith.extui %lt3A_168 : i1 to i32
      %cond3A_170 = arith.constant 0 : i32
      %cond3A_171 = arith.cmpi ne, %convert_element_type3A_169, %cond3A_170 : i32
      scf.if %cond3A_171 {
        %mul3A_177 = arith.constant 640 : i32
        %mul3A_178 = arith.muli %arg1, %mul3A_177 : i32
        "tpu.region"() ({
          %run_scoped3A = tpu.sem_alloc : memref<!tpu.dma_semaphore, #tpu.memory_space<semaphore_mem>>
          %dma_start3A_179 = arith.constant 0 : i32
          %dma_start3A_180 = tpu.memref_slice %arg5[%mul3A_178, %dma_start3A_179] : memref<10000x128xf32, #tpu.memory_space<hbm>> -> memref<640x128xf32, #tpu.memory_space<hbm>>
          %dma_start3A_181 = arith.constant 0 : i32
          %dma_start3A_182 = tpu.memref_slice %arg9[%mul3A_178, %dma_start3A_181] : memref<10000x128xf32, #tpu.memory_space<vmem_shared>> -> memref<640x128xf32, #tpu.memory_space<vmem_shared>>
          tpu.enqueue_dma source(%dma_start3A_182 : memref<640x128xf32, #tpu.memory_space<vmem_shared>>) target(%dma_start3A_180 : memref<640x128xf32, #tpu.memory_space<hbm>>) target_semaphore(%run_scoped3A : memref<!tpu.dma_semaphore, #tpu.memory_space<semaphore_mem>>)
          %dma_wait3A_183 = arith.constant 0 : i32
          %dma_wait3A_184 = tpu.memref_slice %arg5[%mul3A_178, %dma_wait3A_183] : memref<10000x128xf32, #tpu.memory_space<hbm>> -> memref<640x128xf32, #tpu.memory_space<hbm>>
          %dma_wait3A_185 = arith.constant 0 : i32
          %dma_wait3A_186 = tpu.memref_slice %arg9[%mul3A_178, %dma_wait3A_185] : memref<10000x128xf32, #tpu.memory_space<vmem_shared>> -> memref<640x128xf32, #tpu.memory_space<vmem_shared>>
          tpu.wait_dma2 semaphore(%run_scoped3A : memref<!tpu.dma_semaphore, #tpu.memory_space<semaphore_mem>>) src(%dma_wait3A_186 : memref<640x128xf32, #tpu.memory_space<vmem_shared>>) dst(%dma_wait3A_184 : memref<640x128xf32, #tpu.memory_space<hbm>>)
          tpu.yield
        }) : () -> ()
      } else {
      }
      %eq3A_172 = arith.constant 15 : i32
      %eq3A_173 = arith.cmpi eq, %arg1, %eq3A_172 : i32
      %convert_element_type3A_174 = arith.extui %eq3A_173 : i1 to i32
      %cond3A_175 = arith.constant 0 : i32
      %cond3A_176 = arith.cmpi ne, %convert_element_type3A_174, %cond3A_175 : i32
      scf.if %cond3A_176 {
        "tpu.region"() ({
          %run_scoped3A = tpu.sem_alloc : memref<!tpu.dma_semaphore, #tpu.memory_space<semaphore_mem>>
          %dma_start3A_177 = arith.constant 9600 : i32
          %dma_start3A_178 = arith.constant 0 : i32
          %dma_start3A_179 = tpu.memref_slice %arg5[%dma_start3A_177, %dma_start3A_178] : memref<10000x128xf32, #tpu.memory_space<hbm>> -> memref<400x128xf32, #tpu.memory_space<hbm>>
          %dma_start3A_180 = arith.constant 9600 : i32
          %dma_start3A_181 = arith.constant 0 : i32
          %dma_start3A_182 = tpu.memref_slice %arg9[%dma_start3A_180, %dma_start3A_181] : memref<10000x128xf32, #tpu.memory_space<vmem_shared>> -> memref<400x128xf32, #tpu.memory_space<vmem_shared>>
          tpu.enqueue_dma source(%dma_start3A_182 : memref<400x128xf32, #tpu.memory_space<vmem_shared>>) target(%dma_start3A_179 : memref<400x128xf32, #tpu.memory_space<hbm>>) target_semaphore(%run_scoped3A : memref<!tpu.dma_semaphore, #tpu.memory_space<semaphore_mem>>)
          %dma_wait3A_183 = arith.constant 9600 : i32
          %dma_wait3A_184 = arith.constant 0 : i32
          %dma_wait3A_185 = tpu.memref_slice %arg5[%dma_wait3A_183, %dma_wait3A_184] : memref<10000x128xf32, #tpu.memory_space<hbm>> -> memref<400x128xf32, #tpu.memory_space<hbm>>
          %dma_wait3A_186 = arith.constant 9600 : i32
          %dma_wait3A_187 = arith.constant 0 : i32
          %dma_wait3A_188 = tpu.memref_slice %arg9[%dma_wait3A_186, %dma_wait3A_187] : memref<10000x128xf32, #tpu.memory_space<vmem_shared>> -> memref<400x128xf32, #tpu.memory_space<vmem_shared>>
          tpu.wait_dma2 semaphore(%run_scoped3A : memref<!tpu.dma_semaphore, #tpu.memory_space<semaphore_mem>>) src(%dma_wait3A_188 : memref<400x128xf32, #tpu.memory_space<vmem_shared>>) dst(%dma_wait3A_185 : memref<400x128xf32, #tpu.memory_space<hbm>>)
          tpu.yield
        }) : () -> ()
      } else {
      }
    } else {
    }
    %eq3A_152 = arith.constant 1 : i32
    %eq3A_153 = arith.cmpi eq, %arg0, %eq3A_152 : i32
    %convert_element_type3A_154 = arith.extui %eq3A_153 : i1 to i32
    %cond3A_155 = arith.constant 0 : i32
    %cond3A_156 = arith.cmpi ne, %convert_element_type3A_154, %cond3A_155 : i32
    scf.if %cond3A_156 {
      %lt3A_167 = arith.constant 15 : i32
      %lt3A_168 = arith.cmpi slt, %arg1, %lt3A_167 : i32
      %convert_element_type3A_169 = arith.extui %lt3A_168 : i1 to i32
      %cond3A_170 = arith.constant 0 : i32
      %cond3A_171 = arith.cmpi ne, %convert_element_type3A_169, %cond3A_170 : i32
      scf.if %cond3A_171 {
        %mul3A_177 = arith.constant 640 : i32
        %mul3A_178 = arith.muli %arg1, %mul3A_177 : i32
        "tpu.region"() ({
          %run_scoped3A = tpu.sem_alloc : memref<!tpu.dma_semaphore, #tpu.memory_space<semaphore_mem>>
          %dma_start3A_179 = arith.constant 0 : i32
          %dma_start3A_180 = tpu.memref_slice %arg6[%mul3A_178, %dma_start3A_179] : memref<10000x128xf32, #tpu.memory_space<hbm>> -> memref<640x128xf32, #tpu.memory_space<hbm>>
          %dma_start3A_181 = arith.constant 0 : i32
          %dma_start3A_182 = tpu.memref_slice %arg9[%mul3A_178, %dma_start3A_181] : memref<10000x128xf32, #tpu.memory_space<vmem_shared>> -> memref<640x128xf32, #tpu.memory_space<vmem_shared>>
          tpu.enqueue_dma source(%dma_start3A_182 : memref<640x128xf32, #tpu.memory_space<vmem_shared>>) target(%dma_start3A_180 : memref<640x128xf32, #tpu.memory_space<hbm>>) target_semaphore(%run_scoped3A : memref<!tpu.dma_semaphore, #tpu.memory_space<semaphore_mem>>)
          %dma_wait3A_183 = arith.constant 0 : i32
          %dma_wait3A_184 = tpu.memref_slice %arg6[%mul3A_178, %dma_wait3A_183] : memref<10000x128xf32, #tpu.memory_space<hbm>> -> memref<640x128xf32, #tpu.memory_space<hbm>>
          %dma_wait3A_185 = arith.constant 0 : i32
          %dma_wait3A_186 = tpu.memref_slice %arg9[%mul3A_178, %dma_wait3A_185] : memref<10000x128xf32, #tpu.memory_space<vmem_shared>> -> memref<640x128xf32, #tpu.memory_space<vmem_shared>>
          tpu.wait_dma2 semaphore(%run_scoped3A : memref<!tpu.dma_semaphore, #tpu.memory_space<semaphore_mem>>) src(%dma_wait3A_186 : memref<640x128xf32, #tpu.memory_space<vmem_shared>>) dst(%dma_wait3A_184 : memref<640x128xf32, #tpu.memory_space<hbm>>)
          tpu.yield
        }) : () -> ()
      } else {
      }
      %eq3A_172 = arith.constant 15 : i32
      %eq3A_173 = arith.cmpi eq, %arg1, %eq3A_172 : i32
      %convert_element_type3A_174 = arith.extui %eq3A_173 : i1 to i32
      %cond3A_175 = arith.constant 0 : i32
      %cond3A_176 = arith.cmpi ne, %convert_element_type3A_174, %cond3A_175 : i32
      scf.if %cond3A_176 {
        "tpu.region"() ({
          %run_scoped3A = tpu.sem_alloc : memref<!tpu.dma_semaphore, #tpu.memory_space<semaphore_mem>>
          %dma_start3A_177 = arith.constant 9600 : i32
          %dma_start3A_178 = arith.constant 0 : i32
          %dma_start3A_179 = tpu.memref_slice %arg6[%dma_start3A_177, %dma_start3A_178] : memref<10000x128xf32, #tpu.memory_space<hbm>> -> memref<400x128xf32, #tpu.memory_space<hbm>>
          %dma_start3A_180 = arith.constant 9600 : i32
          %dma_start3A_181 = arith.constant 0 : i32
          %dma_start3A_182 = tpu.memref_slice %arg9[%dma_start3A_180, %dma_start3A_181] : memref<10000x128xf32, #tpu.memory_space<vmem_shared>> -> memref<400x128xf32, #tpu.memory_space<vmem_shared>>
          tpu.enqueue_dma source(%dma_start3A_182 : memref<400x128xf32, #tpu.memory_space<vmem_shared>>) target(%dma_start3A_179 : memref<400x128xf32, #tpu.memory_space<hbm>>) target_semaphore(%run_scoped3A : memref<!tpu.dma_semaphore, #tpu.memory_space<semaphore_mem>>)
          %dma_wait3A_183 = arith.constant 9600 : i32
          %dma_wait3A_184 = arith.constant 0 : i32
          %dma_wait3A_185 = tpu.memref_slice %arg6[%dma_wait3A_183, %dma_wait3A_184] : memref<10000x128xf32, #tpu.memory_space<hbm>> -> memref<400x128xf32, #tpu.memory_space<hbm>>
          %dma_wait3A_186 = arith.constant 9600 : i32
          %dma_wait3A_187 = arith.constant 0 : i32
          %dma_wait3A_188 = tpu.memref_slice %arg9[%dma_wait3A_186, %dma_wait3A_187] : memref<10000x128xf32, #tpu.memory_space<vmem_shared>> -> memref<400x128xf32, #tpu.memory_space<vmem_shared>>
          tpu.wait_dma2 semaphore(%run_scoped3A : memref<!tpu.dma_semaphore, #tpu.memory_space<semaphore_mem>>) src(%dma_wait3A_188 : memref<400x128xf32, #tpu.memory_space<vmem_shared>>) dst(%dma_wait3A_185 : memref<400x128xf32, #tpu.memory_space<hbm>>)
          tpu.yield
        }) : () -> ()
      } else {
      }
    } else {
    }
    %eq3A_157 = arith.constant 0 : i32
    %eq3A_158 = arith.cmpi eq, %arg0, %eq3A_157 : i32
    %convert_element_type3A_159 = arith.extui %eq3A_158 : i1 to i32
    %cond3A_160 = arith.constant 0 : i32
    %cond3A_161 = arith.cmpi ne, %convert_element_type3A_159, %cond3A_160 : i32
    scf.if %cond3A_161 {
      %lt3A_167 = arith.constant 15 : i32
      %lt3A_168 = arith.cmpi slt, %arg1, %lt3A_167 : i32
      %convert_element_type3A_169 = arith.extui %lt3A_168 : i1 to i32
      %cond3A_170 = arith.constant 0 : i32
      %cond3A_171 = arith.cmpi ne, %convert_element_type3A_169, %cond3A_170 : i32
      scf.if %cond3A_171 {
        %mul3A_177 = arith.constant 640 : i32
        %mul3A_178 = arith.muli %arg1, %mul3A_177 : i32
        "tpu.region"() ({
          %run_scoped3A = tpu.sem_alloc : memref<!tpu.dma_semaphore, #tpu.memory_space<semaphore_mem>>
          %dma_start3A_179 = arith.constant 0 : i32
          %dma_start3A_180 = tpu.memref_slice %arg22[%dma_start3A_179] : memref<640xf32, #tpu.memory_space<vmem>> -> memref<640xf32, #tpu.memory_space<vmem>>
          %dma_start3A_181 = tpu.memref_slice %arg20[%mul3A_178] : memref<10000xf32, #tpu.memory_space<vmem_shared>> -> memref<640xf32, #tpu.memory_space<vmem_shared>>
          %dma_start3A_182 = arith.constant 0 : i32
          %dma_start3A_183 = tpu.memref_slice %arg22[%dma_start3A_182] : memref<640xf32, #tpu.memory_space<vmem>> -> memref<640xf32, #tpu.memory_space<vmem>>
          %dma_start3A_184 = tpu.memref_slice %arg20[%mul3A_178] : memref<10000xf32, #tpu.memory_space<vmem_shared>> -> memref<640xf32, #tpu.memory_space<vmem_shared>>
          tpu.enqueue_dma source(%dma_start3A_184 : memref<640xf32, #tpu.memory_space<vmem_shared>>) target(%dma_start3A_183 : memref<640xf32, #tpu.memory_space<vmem>>) target_semaphore(%run_scoped3A : memref<!tpu.dma_semaphore, #tpu.memory_space<semaphore_mem>>)
          %dma_wait3A_185 = arith.constant 0 : i32
          %dma_wait3A_186 = tpu.memref_slice %arg22[%dma_wait3A_185] : memref<640xf32, #tpu.memory_space<vmem>> -> memref<640xf32, #tpu.memory_space<vmem>>
          %dma_wait3A_187 = tpu.memref_slice %arg20[%mul3A_178] : memref<10000xf32, #tpu.memory_space<vmem_shared>> -> memref<640xf32, #tpu.memory_space<vmem_shared>>
          %dma_wait3A_188 = arith.constant 0 : i32
          %dma_wait3A_189 = tpu.memref_slice %arg22[%dma_wait3A_188] : memref<640xf32, #tpu.memory_space<vmem>> -> memref<640xf32, #tpu.memory_space<vmem>>
          %dma_wait3A_190 = tpu.memref_slice %arg20[%mul3A_178] : memref<10000xf32, #tpu.memory_space<vmem_shared>> -> memref<640xf32, #tpu.memory_space<vmem_shared>>
          tpu.wait_dma2 semaphore(%run_scoped3A : memref<!tpu.dma_semaphore, #tpu.memory_space<semaphore_mem>>) src(%dma_wait3A_190 : memref<640xf32, #tpu.memory_space<vmem_shared>>) dst(%dma_wait3A_189 : memref<640xf32, #tpu.memory_space<vmem>>)
          tpu.yield
        }) : () -> ()
        "tpu.region"() ({
          %run_scoped3A = tpu.sem_alloc : memref<!tpu.dma_semaphore, #tpu.memory_space<semaphore_mem>>
          %dma_start3A_179 = arith.constant 0 : i32
          %dma_start3A_180 = tpu.memref_slice %arg22[%dma_start3A_179] : memref<640xf32, #tpu.memory_space<vmem>> -> memref<640xf32, #tpu.memory_space<vmem>>
          %dma_start3A_181 = tpu.memref_slice %arg7[%mul3A_178] : memref<10000xf32, #tpu.memory_space<hbm>> -> memref<640xf32, #tpu.memory_space<hbm>>
          %dma_start3A_182 = tpu.memref_slice %arg7[%mul3A_178] : memref<10000xf32, #tpu.memory_space<hbm>> -> memref<640xf32, #tpu.memory_space<hbm>>
          %dma_start3A_183 = arith.constant 0 : i32
          %dma_start3A_184 = tpu.memref_slice %arg22[%dma_start3A_183] : memref<640xf32, #tpu.memory_space<vmem>> -> memref<640xf32, #tpu.memory_space<vmem>>
          tpu.enqueue_dma source(%dma_start3A_184 : memref<640xf32, #tpu.memory_space<vmem>>) target(%dma_start3A_182 : memref<640xf32, #tpu.memory_space<hbm>>) target_semaphore(%run_scoped3A : memref<!tpu.dma_semaphore, #tpu.memory_space<semaphore_mem>>)
          %dma_wait3A_185 = arith.constant 0 : i32
          %dma_wait3A_186 = tpu.memref_slice %arg22[%dma_wait3A_185] : memref<640xf32, #tpu.memory_space<vmem>> -> memref<640xf32, #tpu.memory_space<vmem>>
          %dma_wait3A_187 = tpu.memref_slice %arg7[%mul3A_178] : memref<10000xf32, #tpu.memory_space<hbm>> -> memref<640xf32, #tpu.memory_space<hbm>>
          %dma_wait3A_188 = tpu.memref_slice %arg7[%mul3A_178] : memref<10000xf32, #tpu.memory_space<hbm>> -> memref<640xf32, #tpu.memory_space<hbm>>
          %dma_wait3A_189 = arith.constant 0 : i32
          %dma_wait3A_190 = tpu.memref_slice %arg22[%dma_wait3A_189] : memref<640xf32, #tpu.memory_space<vmem>> -> memref<640xf32, #tpu.memory_space<vmem>>
          tpu.wait_dma2 semaphore(%run_scoped3A : memref<!tpu.dma_semaphore, #tpu.memory_space<semaphore_mem>>) src(%dma_wait3A_190 : memref<640xf32, #tpu.memory_space<vmem>>) dst(%dma_wait3A_188 : memref<640xf32, #tpu.memory_space<hbm>>)
          tpu.yield
        }) : () -> ()
      } else {
      }
      %eq3A_172 = arith.constant 15 : i32
      %eq3A_173 = arith.cmpi eq, %arg1, %eq3A_172 : i32
      %convert_element_type3A_174 = arith.extui %eq3A_173 : i1 to i32
      %cond3A_175 = arith.constant 0 : i32
      %cond3A_176 = arith.cmpi ne, %convert_element_type3A_174, %cond3A_175 : i32
      scf.if %cond3A_176 {
        "tpu.region"() ({
          %run_scoped3A = tpu.sem_alloc : memref<!tpu.dma_semaphore, #tpu.memory_space<semaphore_mem>>
          %dma_start3A_177 = arith.constant 0 : i32
          %dma_start3A_178 = tpu.memref_slice %arg22[%dma_start3A_177] : memref<640xf32, #tpu.memory_space<vmem>> -> memref<400xf32, #tpu.memory_space<vmem>>
          %dma_start3A_179 = arith.constant 9600 : i32
          %dma_start3A_180 = tpu.memref_slice %arg20[%dma_start3A_179] : memref<10000xf32, #tpu.memory_space<vmem_shared>> -> memref<400xf32, #tpu.memory_space<vmem_shared>>
          %dma_start3A_181 = arith.constant 0 : i32
          %dma_start3A_182 = tpu.memref_slice %arg22[%dma_start3A_181] : memref<640xf32, #tpu.memory_space<vmem>> -> memref<400xf32, #tpu.memory_space<vmem>>
          %dma_start3A_183 = arith.constant 9600 : i32
          %dma_start3A_184 = tpu.memref_slice %arg20[%dma_start3A_183] : memref<10000xf32, #tpu.memory_space<vmem_shared>> -> memref<400xf32, #tpu.memory_space<vmem_shared>>
          tpu.enqueue_dma source(%dma_start3A_184 : memref<400xf32, #tpu.memory_space<vmem_shared>>) target(%dma_start3A_182 : memref<400xf32, #tpu.memory_space<vmem>>) target_semaphore(%run_scoped3A : memref<!tpu.dma_semaphore, #tpu.memory_space<semaphore_mem>>)
          %dma_wait3A_185 = arith.constant 0 : i32
          %dma_wait3A_186 = tpu.memref_slice %arg22[%dma_wait3A_185] : memref<640xf32, #tpu.memory_space<vmem>> -> memref<400xf32, #tpu.memory_space<vmem>>
          %dma_wait3A_187 = arith.constant 9600 : i32
          %dma_wait3A_188 = tpu.memref_slice %arg20[%dma_wait3A_187] : memref<10000xf32, #tpu.memory_space<vmem_shared>> -> memref<400xf32, #tpu.memory_space<vmem_shared>>
          %dma_wait3A_189 = arith.constant 0 : i32
          %dma_wait3A_190 = tpu.memref_slice %arg22[%dma_wait3A_189] : memref<640xf32, #tpu.memory_space<vmem>> -> memref<400xf32, #tpu.memory_space<vmem>>
          %dma_wait3A_191 = arith.constant 9600 : i32
          %dma_wait3A_192 = tpu.memref_slice %arg20[%dma_wait3A_191] : memref<10000xf32, #tpu.memory_space<vmem_shared>> -> memref<400xf32, #tpu.memory_space<vmem_shared>>
          tpu.wait_dma2 semaphore(%run_scoped3A : memref<!tpu.dma_semaphore, #tpu.memory_space<semaphore_mem>>) src(%dma_wait3A_192 : memref<400xf32, #tpu.memory_space<vmem_shared>>) dst(%dma_wait3A_190 : memref<400xf32, #tpu.memory_space<vmem>>)
          tpu.yield
        }) : () -> ()
        "tpu.region"() ({
          %run_scoped3A = tpu.sem_alloc : memref<!tpu.dma_semaphore, #tpu.memory_space<semaphore_mem>>
          %dma_start3A_177 = arith.constant 0 : i32
          %dma_start3A_178 = tpu.memref_slice %arg22[%dma_start3A_177] : memref<640xf32, #tpu.memory_space<vmem>> -> memref<400xf32, #tpu.memory_space<vmem>>
          %dma_start3A_179 = arith.constant 9600 : i32
          %dma_start3A_180 = tpu.memref_slice %arg7[%dma_start3A_179] : memref<10000xf32, #tpu.memory_space<hbm>> -> memref<400xf32, #tpu.memory_space<hbm>>
          %dma_start3A_181 = arith.constant 9600 : i32
          %dma_start3A_182 = tpu.memref_slice %arg7[%dma_start3A_181] : memref<10000xf32, #tpu.memory_space<hbm>> -> memref<400xf32, #tpu.memory_space<hbm>>
          %dma_start3A_183 = arith.constant 0 : i32
          %dma_start3A_184 = tpu.memref_slice %arg22[%dma_start3A_183] : memref<640xf32, #tpu.memory_space<vmem>> -> memref<400xf32, #tpu.memory_space<vmem>>
          tpu.enqueue_dma source(%dma_start3A_184 : memref<400xf32, #tpu.memory_space<vmem>>) target(%dma_start3A_182 : memref<400xf32, #tpu.memory_space<hbm>>) target_semaphore(%run_scoped3A : memref<!tpu.dma_semaphore, #tpu.memory_space<semaphore_mem>>)
          %dma_wait3A_185 = arith.constant 0 : i32
          %dma_wait3A_186 = tpu.memref_slice %arg22[%dma_wait3A_185] : memref<640xf32, #tpu.memory_space<vmem>> -> memref<400xf32, #tpu.memory_space<vmem>>
          %dma_wait3A_187 = arith.constant 9600 : i32
          %dma_wait3A_188 = tpu.memref_slice %arg7[%dma_wait3A_187] : memref<10000xf32, #tpu.memory_space<hbm>> -> memref<400xf32, #tpu.memory_space<hbm>>
          %dma_wait3A_189 = arith.constant 9600 : i32
          %dma_wait3A_190 = tpu.memref_slice %arg7[%dma_wait3A_189] : memref<10000xf32, #tpu.memory_space<hbm>> -> memref<400xf32, #tpu.memory_space<hbm>>
          %dma_wait3A_191 = arith.constant 0 : i32
          %dma_wait3A_192 = tpu.memref_slice %arg22[%dma_wait3A_191] : memref<640xf32, #tpu.memory_space<vmem>> -> memref<400xf32, #tpu.memory_space<vmem>>
          tpu.wait_dma2 semaphore(%run_scoped3A : memref<!tpu.dma_semaphore, #tpu.memory_space<semaphore_mem>>) src(%dma_wait3A_192 : memref<400xf32, #tpu.memory_space<vmem>>) dst(%dma_wait3A_190 : memref<400xf32, #tpu.memory_space<hbm>>)
          tpu.yield
        }) : () -> ()
      } else {
      }
    } else {
    }
    %eq3A_162 = arith.constant 1 : i32
    %eq3A_163 = arith.cmpi eq, %arg0, %eq3A_162 : i32
    %convert_element_type3A_164 = arith.extui %eq3A_163 : i1 to i32
    %cond3A_165 = arith.constant 0 : i32
    %cond3A_166 = arith.cmpi ne, %convert_element_type3A_164, %cond3A_165 : i32
    scf.if %cond3A_166 {
      %lt3A_167 = arith.constant 15 : i32
      %lt3A_168 = arith.cmpi slt, %arg1, %lt3A_167 : i32
      %convert_element_type3A_169 = arith.extui %lt3A_168 : i1 to i32
      %cond3A_170 = arith.constant 0 : i32
      %cond3A_171 = arith.cmpi ne, %convert_element_type3A_169, %cond3A_170 : i32
      scf.if %cond3A_171 {
        %mul3A_177 = arith.constant 640 : i32
        %mul3A_178 = arith.muli %arg1, %mul3A_177 : i32
        "tpu.region"() ({
          %run_scoped3A = tpu.sem_alloc : memref<!tpu.dma_semaphore, #tpu.memory_space<semaphore_mem>>
          %dma_start3A_179 = arith.constant 0 : i32
          %dma_start3A_180 = tpu.memref_slice %arg22[%dma_start3A_179] : memref<640xf32, #tpu.memory_space<vmem>> -> memref<640xf32, #tpu.memory_space<vmem>>
          %dma_start3A_181 = tpu.memref_slice %arg20[%mul3A_178] : memref<10000xf32, #tpu.memory_space<vmem_shared>> -> memref<640xf32, #tpu.memory_space<vmem_shared>>
          %dma_start3A_182 = arith.constant 0 : i32
          %dma_start3A_183 = tpu.memref_slice %arg22[%dma_start3A_182] : memref<640xf32, #tpu.memory_space<vmem>> -> memref<640xf32, #tpu.memory_space<vmem>>
          %dma_start3A_184 = tpu.memref_slice %arg20[%mul3A_178] : memref<10000xf32, #tpu.memory_space<vmem_shared>> -> memref<640xf32, #tpu.memory_space<vmem_shared>>
          tpu.enqueue_dma source(%dma_start3A_184 : memref<640xf32, #tpu.memory_space<vmem_shared>>) target(%dma_start3A_183 : memref<640xf32, #tpu.memory_space<vmem>>) target_semaphore(%run_scoped3A : memref<!tpu.dma_semaphore, #tpu.memory_space<semaphore_mem>>)
          %dma_wait3A_185 = arith.constant 0 : i32
          %dma_wait3A_186 = tpu.memref_slice %arg22[%dma_wait3A_185] : memref<640xf32, #tpu.memory_space<vmem>> -> memref<640xf32, #tpu.memory_space<vmem>>
          %dma_wait3A_187 = tpu.memref_slice %arg20[%mul3A_178] : memref<10000xf32, #tpu.memory_space<vmem_shared>> -> memref<640xf32, #tpu.memory_space<vmem_shared>>
          %dma_wait3A_188 = arith.constant 0 : i32
          %dma_wait3A_189 = tpu.memref_slice %arg22[%dma_wait3A_188] : memref<640xf32, #tpu.memory_space<vmem>> -> memref<640xf32, #tpu.memory_space<vmem>>
          %dma_wait3A_190 = tpu.memref_slice %arg20[%mul3A_178] : memref<10000xf32, #tpu.memory_space<vmem_shared>> -> memref<640xf32, #tpu.memory_space<vmem_shared>>
          tpu.wait_dma2 semaphore(%run_scoped3A : memref<!tpu.dma_semaphore, #tpu.memory_space<semaphore_mem>>) src(%dma_wait3A_190 : memref<640xf32, #tpu.memory_space<vmem_shared>>) dst(%dma_wait3A_189 : memref<640xf32, #tpu.memory_space<vmem>>)
          tpu.yield
        }) : () -> ()
        "tpu.region"() ({
          %run_scoped3A = tpu.sem_alloc : memref<!tpu.dma_semaphore, #tpu.memory_space<semaphore_mem>>
          %dma_start3A_179 = arith.constant 0 : i32
          %dma_start3A_180 = tpu.memref_slice %arg22[%dma_start3A_179] : memref<640xf32, #tpu.memory_space<vmem>> -> memref<640xf32, #tpu.memory_space<vmem>>
          %dma_start3A_181 = tpu.memref_slice %arg8[%mul3A_178] : memref<10000xf32, #tpu.memory_space<hbm>> -> memref<640xf32, #tpu.memory_space<hbm>>
          %dma_start3A_182 = tpu.memref_slice %arg8[%mul3A_178] : memref<10000xf32, #tpu.memory_space<hbm>> -> memref<640xf32, #tpu.memory_space<hbm>>
          %dma_start3A_183 = arith.constant 0 : i32
          %dma_start3A_184 = tpu.memref_slice %arg22[%dma_start3A_183] : memref<640xf32, #tpu.memory_space<vmem>> -> memref<640xf32, #tpu.memory_space<vmem>>
          tpu.enqueue_dma source(%dma_start3A_184 : memref<640xf32, #tpu.memory_space<vmem>>) target(%dma_start3A_182 : memref<640xf32, #tpu.memory_space<hbm>>) target_semaphore(%run_scoped3A : memref<!tpu.dma_semaphore, #tpu.memory_space<semaphore_mem>>)
          %dma_wait3A_185 = arith.constant 0 : i32
          %dma_wait3A_186 = tpu.memref_slice %arg22[%dma_wait3A_185] : memref<640xf32, #tpu.memory_space<vmem>> -> memref<640xf32, #tpu.memory_space<vmem>>
          %dma_wait3A_187 = tpu.memref_slice %arg8[%mul3A_178] : memref<10000xf32, #tpu.memory_space<hbm>> -> memref<640xf32, #tpu.memory_space<hbm>>
          %dma_wait3A_188 = tpu.memref_slice %arg8[%mul3A_178] : memref<10000xf32, #tpu.memory_space<hbm>> -> memref<640xf32, #tpu.memory_space<hbm>>
          %dma_wait3A_189 = arith.constant 0 : i32
          %dma_wait3A_190 = tpu.memref_slice %arg22[%dma_wait3A_189] : memref<640xf32, #tpu.memory_space<vmem>> -> memref<640xf32, #tpu.memory_space<vmem>>
          tpu.wait_dma2 semaphore(%run_scoped3A : memref<!tpu.dma_semaphore, #tpu.memory_space<semaphore_mem>>) src(%dma_wait3A_190 : memref<640xf32, #tpu.memory_space<vmem>>) dst(%dma_wait3A_188 : memref<640xf32, #tpu.memory_space<hbm>>)
          tpu.yield
        }) : () -> ()
      } else {
      }
      %eq3A_172 = arith.constant 15 : i32
      %eq3A_173 = arith.cmpi eq, %arg1, %eq3A_172 : i32
      %convert_element_type3A_174 = arith.extui %eq3A_173 : i1 to i32
      %cond3A_175 = arith.constant 0 : i32
      %cond3A_176 = arith.cmpi ne, %convert_element_type3A_174, %cond3A_175 : i32
      scf.if %cond3A_176 {
        "tpu.region"() ({
          %run_scoped3A = tpu.sem_alloc : memref<!tpu.dma_semaphore, #tpu.memory_space<semaphore_mem>>
          %dma_start3A_177 = arith.constant 0 : i32
          %dma_start3A_178 = tpu.memref_slice %arg22[%dma_start3A_177] : memref<640xf32, #tpu.memory_space<vmem>> -> memref<400xf32, #tpu.memory_space<vmem>>
          %dma_start3A_179 = arith.constant 9600 : i32
          %dma_start3A_180 = tpu.memref_slice %arg20[%dma_start3A_179] : memref<10000xf32, #tpu.memory_space<vmem_shared>> -> memref<400xf32, #tpu.memory_space<vmem_shared>>
          %dma_start3A_181 = arith.constant 0 : i32
          %dma_start3A_182 = tpu.memref_slice %arg22[%dma_start3A_181] : memref<640xf32, #tpu.memory_space<vmem>> -> memref<400xf32, #tpu.memory_space<vmem>>
          %dma_start3A_183 = arith.constant 9600 : i32
          %dma_start3A_184 = tpu.memref_slice %arg20[%dma_start3A_183] : memref<10000xf32, #tpu.memory_space<vmem_shared>> -> memref<400xf32, #tpu.memory_space<vmem_shared>>
          tpu.enqueue_dma source(%dma_start3A_184 : memref<400xf32, #tpu.memory_space<vmem_shared>>) target(%dma_start3A_182 : memref<400xf32, #tpu.memory_space<vmem>>) target_semaphore(%run_scoped3A : memref<!tpu.dma_semaphore, #tpu.memory_space<semaphore_mem>>)
          %dma_wait3A_185 = arith.constant 0 : i32
          %dma_wait3A_186 = tpu.memref_slice %arg22[%dma_wait3A_185] : memref<640xf32, #tpu.memory_space<vmem>> -> memref<400xf32, #tpu.memory_space<vmem>>
          %dma_wait3A_187 = arith.constant 9600 : i32
          %dma_wait3A_188 = tpu.memref_slice %arg20[%dma_wait3A_187] : memref<10000xf32, #tpu.memory_space<vmem_shared>> -> memref<400xf32, #tpu.memory_space<vmem_shared>>
          %dma_wait3A_189 = arith.constant 0 : i32
          %dma_wait3A_190 = tpu.memref_slice %arg22[%dma_wait3A_189] : memref<640xf32, #tpu.memory_space<vmem>> -> memref<400xf32, #tpu.memory_space<vmem>>
          %dma_wait3A_191 = arith.constant 9600 : i32
          %dma_wait3A_192 = tpu.memref_slice %arg20[%dma_wait3A_191] : memref<10000xf32, #tpu.memory_space<vmem_shared>> -> memref<400xf32, #tpu.memory_space<vmem_shared>>
          tpu.wait_dma2 semaphore(%run_scoped3A : memref<!tpu.dma_semaphore, #tpu.memory_space<semaphore_mem>>) src(%dma_wait3A_192 : memref<400xf32, #tpu.memory_space<vmem_shared>>) dst(%dma_wait3A_190 : memref<400xf32, #tpu.memory_space<vmem>>)
          tpu.yield
        }) : () -> ()
        "tpu.region"() ({
          %run_scoped3A = tpu.sem_alloc : memref<!tpu.dma_semaphore, #tpu.memory_space<semaphore_mem>>
          %dma_start3A_177 = arith.constant 0 : i32
          %dma_start3A_178 = tpu.memref_slice %arg22[%dma_start3A_177] : memref<640xf32, #tpu.memory_space<vmem>> -> memref<400xf32, #tpu.memory_space<vmem>>
          %dma_start3A_179 = arith.constant 9600 : i32
          %dma_start3A_180 = tpu.memref_slice %arg8[%dma_start3A_179] : memref<10000xf32, #tpu.memory_space<hbm>> -> memref<400xf32, #tpu.memory_space<hbm>>
          %dma_start3A_181 = arith.constant 9600 : i32
          %dma_start3A_182 = tpu.memref_slice %arg8[%dma_start3A_181] : memref<10000xf32, #tpu.memory_space<hbm>> -> memref<400xf32, #tpu.memory_space<hbm>>
          %dma_start3A_183 = arith.constant 0 : i32
          %dma_start3A_184 = tpu.memref_slice %arg22[%dma_start3A_183] : memref<640xf32, #tpu.memory_space<vmem>> -> memref<400xf32, #tpu.memory_space<vmem>>
          tpu.enqueue_dma source(%dma_start3A_184 : memref<400xf32, #tpu.memory_space<vmem>>) target(%dma_start3A_182 : memref<400xf32, #tpu.memory_space<hbm>>) target_semaphore(%run_scoped3A : memref<!tpu.dma_semaphore, #tpu.memory_space<semaphore_mem>>)
          %dma_wait3A_185 = arith.constant 0 : i32
          %dma_wait3A_186 = tpu.memref_slice %arg22[%dma_wait3A_185] : memref<640xf32, #tpu.memory_space<vmem>> -> memref<400xf32, #tpu.memory_space<vmem>>
          %dma_wait3A_187 = arith.constant 9600 : i32
          %dma_wait3A_188 = tpu.memref_slice %arg8[%dma_wait3A_187] : memref<10000xf32, #tpu.memory_space<hbm>> -> memref<400xf32, #tpu.memory_space<hbm>>
          %dma_wait3A_189 = arith.constant 9600 : i32
          %dma_wait3A_190 = tpu.memref_slice %arg8[%dma_wait3A_189] : memref<10000xf32, #tpu.memory_space<hbm>> -> memref<400xf32, #tpu.memory_space<hbm>>
          %dma_wait3A_191 = arith.constant 0 : i32
          %dma_wait3A_192 = tpu.memref_slice %arg22[%dma_wait3A_191] : memref<640xf32, #tpu.memory_space<vmem>> -> memref<400xf32, #tpu.memory_space<vmem>>
          tpu.wait_dma2 semaphore(%run_scoped3A : memref<!tpu.dma_semaphore, #tpu.memory_space<semaphore_mem>>) src(%dma_wait3A_192 : memref<400xf32, #tpu.memory_space<vmem>>) dst(%dma_wait3A_190 : memref<400xf32, #tpu.memory_space<hbm>>)
          tpu.yield
        }) : () -> ()
      } else {
      }
    } else {
    }
    return
  }
}

#map = affine_map<(d0, d1) -> (0, 0)>
module attributes {stable_mosaic.version = 14 : i64} {
  func.func @body(%arg0: i32, %arg1: i32, %arg2: memref<10000x128xf32, #tpu.memory_space<hbm>>, %arg3: memref<2560x125xi32, #tpu.memory_space<hbm>>, %arg4: memref<2560x125xi32, #tpu.memory_space<hbm>>, %arg5: memref<10000x128xf32, #tpu.memory_space<hbm>>, %arg6: memref<10000x128xf32, #tpu.memory_space<hbm>>, %arg7: memref<10000x128xf32, #tpu.memory_space<vmem_shared>>, %arg8: memref<40x125xi32, #tpu.memory_space<vmem>>, %arg9: memref<40x125xi32, #tpu.memory_space<vmem>>, %arg10: memref<125x128xf32, #tpu.memory_space<vmem>>, %arg11: memref<125x128xf32, #tpu.memory_space<vmem>>, %arg12: memref<16x128xf32, #tpu.memory_space<vmem>>, %arg13: memref<!tpu.dma_semaphore, #tpu.memory_space<semaphore_mem>>, %arg14: memref<!tpu.dma_semaphore, #tpu.memory_space<semaphore_mem>>, %arg15: memref<!tpu.dma_semaphore, #tpu.memory_space<semaphore_mem>>, %arg16: memref<!tpu.dma_semaphore, #tpu.memory_space<semaphore_mem>>, %arg17: memref<!tpu.dma_semaphore, #tpu.memory_space<semaphore_mem>>) attributes {dimension_semantics = [#tpu.dimension_semantics<core_parallel>, #tpu.dimension_semantics<subcore_parallel>], iteration_bounds = array<i64: 2, 16>, scalar_prefetch = 0 : i64, scratch_operands = 11 : i64, tpu.core_type = #tpu.core_type<sc_vector_subcore>, window_params = [{transform_indices = #map}, {transform_indices = #map}, {transform_indices = #map}, {transform_indices = #map}, {transform_indices = #map}]} {
    %mul3A = arith.constant 16 : i32
    %mul3A_0 = arith.muli %arg0, %mul3A : i32
    %add3A = arith.addi %mul3A_0, %arg1 : i32
    %broadcast_in_dim3A = arith.constant 0.000000e+00 : f32
    %broadcast_in_dim3A_1 = vector.broadcast %broadcast_in_dim3A : f32 to vector<16xf32>
    %scan3A = arith.constant 0 : i32
    %scan3A_2 = arith.constant 128 : i32
    %scan3A_3 = arith.addi %scan3A, %scan3A_2 : i32
    %scan3A_4 = arith.constant 1 : i32
    scf.for %scan3A_105 = %scan3A to %scan3A_3 step %scan3A_4  : i32 {
      %jit3A = arith.constant 8 : i32
      %div3A = arith.divsi %scan3A_105, %jit3A : i32
      %sign3A = arith.constant 0 : i32
      %sign3A_106 = arith.cmpi sgt, %scan3A_105, %sign3A : i32
      %sign3A_107 = arith.extui %sign3A_106 : i1 to i32
      %sign3A_108 = arith.constant 0 : i32
      %sign3A_109 = arith.cmpi slt, %scan3A_105, %sign3A_108 : i32
      %sign3A_110 = arith.extui %sign3A_109 : i1 to i32
      %sign3A_111 = arith.subi %sign3A_107, %sign3A_110 : i32
      %sign3A_112 = arith.constant 0 : i32
      %sign3A_113 = arith.cmpi sgt, %jit3A, %sign3A_112 : i32
      %sign3A_114 = arith.extui %sign3A_113 : i1 to i32
      %sign3A_115 = arith.constant 0 : i32
      %sign3A_116 = arith.cmpi slt, %jit3A, %sign3A_115 : i32
      %sign3A_117 = arith.extui %sign3A_116 : i1 to i32
      %sign3A_118 = arith.subi %sign3A_114, %sign3A_117 : i32
      %ne3A = arith.cmpi ne, %sign3A_111, %sign3A_118 : i32
      %rem3A = arith.remsi %scan3A_105, %jit3A : i32
      %ne3A_119 = arith.constant 0 : i32
      %ne3A_120 = arith.cmpi ne, %rem3A, %ne3A_119 : i32
      %and3A = arith.andi %ne3A, %ne3A_120 : i1
      %sub3A = arith.constant 1 : i32
      %sub3A_121 = arith.subi %div3A, %sub3A : i32
      %select_n3A = arith.select %and3A, %sub3A_121, %div3A : i32
      %jit3A_122 = arith.constant 8 : i32
      %eq3A_123 = arith.constant 0 : i32
      %eq3A_124 = arith.cmpi eq, %jit3A_122, %eq3A_123 : i32
      %jit3A_125 = arith.constant 1 : i32
      %select_n3A_126 = arith.select %eq3A_124, %jit3A_125, %jit3A_122 : i32
      %rem3A_127 = arith.remsi %scan3A_105, %select_n3A_126 : i32
      %ne3A_128 = arith.constant 0 : i32
      %ne3A_129 = arith.cmpi ne, %rem3A_127, %ne3A_128 : i32
      %lt3A_130 = arith.constant 0 : i32
      %lt3A_131 = arith.cmpi slt, %rem3A_127, %lt3A_130 : i32
      %lt3A_132 = arith.constant 0 : i32
      %lt3A_133 = arith.cmpi slt, %select_n3A_126, %lt3A_132 : i32
      %ne3A_134 = arith.xori %lt3A_131, %lt3A_133 : i1
      %and3A_135 = arith.andi %ne3A_134, %ne3A_129 : i1
      %add3A_136 = arith.addi %rem3A_127, %select_n3A_126 : i32
      %select_n3A_137 = arith.select %and3A_135, %add3A_136, %rem3A_127 : i32
      %mul3A_138 = arith.constant 16 : i32
      %mul3A_139 = arith.muli %select_n3A_137, %mul3A_138 : i32
      %swap3A = arith.index_cast %select_n3A : i32 to index
      %swap3A_140 = arith.index_cast %mul3A_139 : i32 to index
      %swap3A_141 = tpu.vector_load %arg12[%swap3A, %swap3A_140] {strides = array<i32>} : memref<16x128xf32, #tpu.memory_space<vmem>>, vector<1x16xf32>,
      %swap3A_142 = vector.shape_cast %swap3A_141 : vector<1x16xf32> to vector<16xf32>
      %swap3A_143 = vector.shape_cast %broadcast_in_dim3A_1 : vector<16xf32> to vector<1x16xf32>
      tpu.vector_store %arg12[%swap3A, %swap3A_140], %swap3A_143 {strides = array<i32>} : memref<16x128xf32, #tpu.memory_space<vmem>>, vector<1x16xf32>,
    }
    %scan3A_5 = arith.constant 128 : i32
    %lt3A = arith.constant 15 : i32
    %lt3A_6 = arith.cmpi slt, %arg1, %lt3A : i32
    %convert_element_type3A = arith.extui %lt3A_6 : i1 to i32
    %cond3A = arith.constant 0 : i32
    %cond3A_7 = arith.cmpi ne, %convert_element_type3A, %cond3A : i32
    scf.if %cond3A_7 {
      %mul3A_105 = arith.constant 640 : i32
      %mul3A_106 = arith.muli %arg1, %mul3A_105 : i32
      %scan3A_107 = arith.constant 0 : i32
      %scan3A_108 = arith.constant 40 : i32
      %scan3A_109 = arith.addi %scan3A_107, %scan3A_108 : i32
      %scan3A_110 = arith.constant 1 : i32
      scf.for %scan3A_112 = %scan3A_107 to %scan3A_109 step %scan3A_110  : i32 {
        %mul3A_113 = arith.constant 16 : i32
        %mul3A_114 = arith.muli %scan3A_112, %mul3A_113 : i32
        %add3A_115 = arith.addi %mul3A_106, %mul3A_114 : i32
        %dma_start3A_116 = arith.constant 0 : i32
        %dma_start3A_117 = tpu.memref_slice %arg7[%add3A_115, %dma_start3A_116] : memref<10000x128xf32, #tpu.memory_space<vmem_shared>> -> memref<16x128xf32, #tpu.memory_space<vmem_shared>>
        %dma_start3A_118 = arith.constant 0 : i32
        %dma_start3A_119 = tpu.memref_slice %arg7[%add3A_115, %dma_start3A_118] : memref<10000x128xf32, #tpu.memory_space<vmem_shared>> -> memref<16x128xf32, #tpu.memory_space<vmem_shared>>
        tpu.enqueue_dma source(%arg12 : memref<16x128xf32, #tpu.memory_space<vmem>>) target(%dma_start3A_119 : memref<16x128xf32, #tpu.memory_space<vmem_shared>>) target_semaphore(%arg17 : memref<!tpu.dma_semaphore, #tpu.memory_space<semaphore_mem>>)
      }
      %scan3A_111 = arith.constant 40 : i32
    } else {
    }
    %eq3A = arith.constant 15 : i32
    %eq3A_8 = arith.cmpi eq, %arg1, %eq3A : i32
    %convert_element_type3A_9 = arith.extui %eq3A_8 : i1 to i32
    %cond3A_10 = arith.constant 0 : i32
    %cond3A_11 = arith.cmpi ne, %convert_element_type3A_9, %cond3A_10 : i32
    scf.if %cond3A_11 {
      %scan3A_105 = arith.constant 0 : i32
      %scan3A_106 = arith.constant 25 : i32
      %scan3A_107 = arith.addi %scan3A_105, %scan3A_106 : i32
      %scan3A_108 = arith.constant 1 : i32
      scf.for %scan3A_110 = %scan3A_105 to %scan3A_107 step %scan3A_108  : i32 {
        %mul3A_111 = arith.constant 16 : i32
        %mul3A_112 = arith.muli %scan3A_110, %mul3A_111 : i32
        %add3A_113 = arith.constant 9600 : i32
        %add3A_114 = arith.addi %add3A_113, %mul3A_112 : i32
        %dma_start3A_115 = arith.constant 0 : i32
        %dma_start3A_116 = tpu.memref_slice %arg7[%add3A_114, %dma_start3A_115] : memref<10000x128xf32, #tpu.memory_space<vmem_shared>> -> memref<16x128xf32, #tpu.memory_space<vmem_shared>>
        %dma_start3A_117 = arith.constant 0 : i32
        %dma_start3A_118 = tpu.memref_slice %arg7[%add3A_114, %dma_start3A_117] : memref<10000x128xf32, #tpu.memory_space<vmem_shared>> -> memref<16x128xf32, #tpu.memory_space<vmem_shared>>
        tpu.enqueue_dma source(%arg12 : memref<16x128xf32, #tpu.memory_space<vmem>>) target(%dma_start3A_118 : memref<16x128xf32, #tpu.memory_space<vmem_shared>>) target_semaphore(%arg17 : memref<!tpu.dma_semaphore, #tpu.memory_space<semaphore_mem>>)
      }
      %scan3A_109 = arith.constant 25 : i32
    } else {
    }
    %mul3A_12 = arith.constant 80 : i32
    %mul3A_13 = arith.muli %add3A, %mul3A_12 : i32
    %add3A_14 = arith.constant 0 : i32
    %add3A_15 = arith.addi %mul3A_13, %add3A_14 : i32
    "tpu.region"() ({
      %run_scoped3A = tpu.sem_alloc : memref<!tpu.dma_semaphore, #tpu.memory_space<semaphore_mem>>
      %dma_start3A_105 = arith.constant 0 : i32
      %dma_start3A_106 = tpu.memref_slice %arg3[%add3A_15, %dma_start3A_105] : memref<2560x125xi32, #tpu.memory_space<hbm>> -> memref<40x125xi32, #tpu.memory_space<hbm>>
      %dma_start3A_107 = arith.constant 0 : i32
      %dma_start3A_108 = tpu.memref_slice %arg3[%add3A_15, %dma_start3A_107] : memref<2560x125xi32, #tpu.memory_space<hbm>> -> memref<40x125xi32, #tpu.memory_space<hbm>>
      tpu.enqueue_dma source(%dma_start3A_108 : memref<40x125xi32, #tpu.memory_space<hbm>>) target(%arg8 : memref<40x125xi32, #tpu.memory_space<vmem>>) target_semaphore(%run_scoped3A : memref<!tpu.dma_semaphore, #tpu.memory_space<semaphore_mem>>)
      %dma_wait3A_109 = arith.constant 0 : i32
      %dma_wait3A_110 = tpu.memref_slice %arg3[%add3A_15, %dma_wait3A_109] : memref<2560x125xi32, #tpu.memory_space<hbm>> -> memref<40x125xi32, #tpu.memory_space<hbm>>
      %dma_wait3A_111 = arith.constant 0 : i32
      %dma_wait3A_112 = tpu.memref_slice %arg3[%add3A_15, %dma_wait3A_111] : memref<2560x125xi32, #tpu.memory_space<hbm>> -> memref<40x125xi32, #tpu.memory_space<hbm>>
      tpu.wait_dma2 semaphore(%run_scoped3A : memref<!tpu.dma_semaphore, #tpu.memory_space<semaphore_mem>>) src(%dma_wait3A_112 : memref<40x125xi32, #tpu.memory_space<hbm>>) dst(%arg8 : memref<40x125xi32, #tpu.memory_space<vmem>>)
      tpu.yield
    }) : () -> ()
    "tpu.region"() ({
      %run_scoped3A = tpu.sem_alloc : memref<!tpu.dma_semaphore, #tpu.memory_space<semaphore_mem>>
      %dma_start3A_105 = arith.constant 0 : i32
      %dma_start3A_106 = tpu.memref_slice %arg4[%add3A_15, %dma_start3A_105] : memref<2560x125xi32, #tpu.memory_space<hbm>> -> memref<40x125xi32, #tpu.memory_space<hbm>>
      %dma_start3A_107 = arith.constant 0 : i32
      %dma_start3A_108 = tpu.memref_slice %arg4[%add3A_15, %dma_start3A_107] : memref<2560x125xi32, #tpu.memory_space<hbm>> -> memref<40x125xi32, #tpu.memory_space<hbm>>
      tpu.enqueue_dma source(%dma_start3A_108 : memref<40x125xi32, #tpu.memory_space<hbm>>) target(%arg9 : memref<40x125xi32, #tpu.memory_space<vmem>>) target_semaphore(%run_scoped3A : memref<!tpu.dma_semaphore, #tpu.memory_space<semaphore_mem>>)
      %dma_wait3A_109 = arith.constant 0 : i32
      %dma_wait3A_110 = tpu.memref_slice %arg4[%add3A_15, %dma_wait3A_109] : memref<2560x125xi32, #tpu.memory_space<hbm>> -> memref<40x125xi32, #tpu.memory_space<hbm>>
      %dma_wait3A_111 = arith.constant 0 : i32
      %dma_wait3A_112 = tpu.memref_slice %arg4[%add3A_15, %dma_wait3A_111] : memref<2560x125xi32, #tpu.memory_space<hbm>> -> memref<40x125xi32, #tpu.memory_space<hbm>>
      tpu.wait_dma2 semaphore(%run_scoped3A : memref<!tpu.dma_semaphore, #tpu.memory_space<semaphore_mem>>) src(%dma_wait3A_112 : memref<40x125xi32, #tpu.memory_space<hbm>>) dst(%arg9 : memref<40x125xi32, #tpu.memory_space<vmem>>)
      tpu.yield
    }) : () -> ()
    %dma_start3A = arith.constant 0 : i32
    %dma_start3A_16 = arith.constant 0 : i32
    %dma_start3A_17 = tpu.memref_slice %arg8[%dma_start3A, %dma_start3A_16] : memref<40x125xi32, #tpu.memory_space<vmem>> -> memref<1x125xi32, #tpu.memory_space<vmem>>
    %dma_start3A_18 = tpu.memref_squeeze %dma_start3A_17 : memref<1x125xi32, #tpu.memory_space<vmem>> -> memref<125xi32, #tpu.memory_space<vmem>>
    %dma_start3A_19 = arith.constant 0 : i32
    %dma_start3A_20 = arith.constant 0 : i32
    %dma_start3A_21 = tpu.memref_slice %arg2[%dma_start3A_19, %dma_start3A_20] : memref<10000x128xf32, #tpu.memory_space<hbm>> -> memref<10000x128xf32, #tpu.memory_space<hbm>>
    tpu.enqueue_indirect_dma source(%dma_start3A_21 : memref<10000x128xf32, #tpu.memory_space<hbm>>) target(%arg10 : memref<125x128xf32, #tpu.memory_space<vmem>>) offsets(%dma_start3A_18 : memref<125xi32, #tpu.memory_space<vmem>>) semaphore(%arg13 : memref<!tpu.dma_semaphore, #tpu.memory_space<semaphore_mem>>)
    %dma_start3A_22 = arith.constant 1 : i32
    %dma_start3A_23 = arith.constant 0 : i32
    %dma_start3A_24 = tpu.memref_slice %arg8[%dma_start3A_22, %dma_start3A_23] : memref<40x125xi32, #tpu.memory_space<vmem>> -> memref<1x125xi32, #tpu.memory_space<vmem>>
    %dma_start3A_25 = tpu.memref_squeeze %dma_start3A_24 : memref<1x125xi32, #tpu.memory_space<vmem>> -> memref<125xi32, #tpu.memory_space<vmem>>
    %dma_start3A_26 = arith.constant 0 : i32
    %dma_start3A_27 = arith.constant 0 : i32
    %dma_start3A_28 = tpu.memref_slice %arg2[%dma_start3A_26, %dma_start3A_27] : memref<10000x128xf32, #tpu.memory_space<hbm>> -> memref<10000x128xf32, #tpu.memory_space<hbm>>
    tpu.enqueue_indirect_dma source(%dma_start3A_28 : memref<10000x128xf32, #tpu.memory_space<hbm>>) target(%arg11 : memref<125x128xf32, #tpu.memory_space<vmem>>) offsets(%dma_start3A_25 : memref<125xi32, #tpu.memory_space<vmem>>) semaphore(%arg14 : memref<!tpu.dma_semaphore, #tpu.memory_space<semaphore_mem>>)
    %lt3A_29 = arith.constant 15 : i32
    %lt3A_30 = arith.cmpi slt, %arg1, %lt3A_29 : i32
    %convert_element_type3A_31 = arith.extui %lt3A_30 : i1 to i32
    %cond3A_32 = arith.constant 0 : i32
    %cond3A_33 = arith.cmpi ne, %convert_element_type3A_31, %cond3A_32 : i32
    scf.if %cond3A_33 {
      %mul3A_105 = arith.constant 640 : i32
      %mul3A_106 = arith.muli %arg1, %mul3A_105 : i32
      %scan3A_107 = arith.constant 0 : i32
      %scan3A_108 = arith.constant 40 : i32
      %scan3A_109 = arith.addi %scan3A_107, %scan3A_108 : i32
      %scan3A_110 = arith.constant 1 : i32
      scf.for %scan3A_112 = %scan3A_107 to %scan3A_109 step %scan3A_110  : i32 {
        %dma_wait3A_113 = arith.constant 0 : i32
        %dma_wait3A_114 = tpu.memref_slice %arg7[%mul3A_106, %dma_wait3A_113] : memref<10000x128xf32, #tpu.memory_space<vmem_shared>> -> memref<16x128xf32, #tpu.memory_space<vmem_shared>>
        %dma_wait3A_115 = arith.constant 0 : i32
        %dma_wait3A_116 = tpu.memref_slice %arg7[%mul3A_106, %dma_wait3A_115] : memref<10000x128xf32, #tpu.memory_space<vmem_shared>> -> memref<16x128xf32, #tpu.memory_space<vmem_shared>>
        tpu.wait_dma2 semaphore(%arg17 : memref<!tpu.dma_semaphore, #tpu.memory_space<semaphore_mem>>) src(%arg12 : memref<16x128xf32, #tpu.memory_space<vmem>>) dst(%dma_wait3A_116 : memref<16x128xf32, #tpu.memory_space<vmem_shared>>)
      }
      %scan3A_111 = arith.constant 40 : i32
    } else {
    }
    %eq3A_34 = arith.constant 15 : i32
    %eq3A_35 = arith.cmpi eq, %arg1, %eq3A_34 : i32
    %convert_element_type3A_36 = arith.extui %eq3A_35 : i1 to i32
    %cond3A_37 = arith.constant 0 : i32
    %cond3A_38 = arith.cmpi ne, %convert_element_type3A_36, %cond3A_37 : i32
    scf.if %cond3A_38 {
      %scan3A_105 = arith.constant 0 : i32
      %scan3A_106 = arith.constant 25 : i32
      %scan3A_107 = arith.addi %scan3A_105, %scan3A_106 : i32
      %scan3A_108 = arith.constant 1 : i32
      scf.for %scan3A_110 = %scan3A_105 to %scan3A_107 step %scan3A_108  : i32 {
        %dma_wait3A_111 = arith.constant 9600 : i32
        %dma_wait3A_112 = arith.constant 0 : i32
        %dma_wait3A_113 = tpu.memref_slice %arg7[%dma_wait3A_111, %dma_wait3A_112] : memref<10000x128xf32, #tpu.memory_space<vmem_shared>> -> memref<16x128xf32, #tpu.memory_space<vmem_shared>>
        %dma_wait3A_114 = arith.constant 9600 : i32
        %dma_wait3A_115 = arith.constant 0 : i32
        %dma_wait3A_116 = tpu.memref_slice %arg7[%dma_wait3A_114, %dma_wait3A_115] : memref<10000x128xf32, #tpu.memory_space<vmem_shared>> -> memref<16x128xf32, #tpu.memory_space<vmem_shared>>
        tpu.wait_dma2 semaphore(%arg17 : memref<!tpu.dma_semaphore, #tpu.memory_space<semaphore_mem>>) src(%arg12 : memref<16x128xf32, #tpu.memory_space<vmem>>) dst(%dma_wait3A_116 : memref<16x128xf32, #tpu.memory_space<vmem_shared>>)
      }
      %scan3A_109 = arith.constant 25 : i32
    } else {
    }
    %barrier3A = arith.constant 0 : index
    tpu.barrier barrier_id(%barrier3A)
    %scan3A_39 = arith.constant 0 : i32
    %scan3A_40 = arith.constant 20 : i32
    %scan3A_41 = arith.addi %scan3A_39, %scan3A_40 : i32
    %scan3A_42 = arith.constant 1 : i32
    scf.for %scan3A_105 = %scan3A_39 to %scan3A_41 step %scan3A_42  : i32 {
      %mul3A_106 = arith.constant 2 : i32
      %mul3A_107 = arith.muli %mul3A_106, %scan3A_105 : i32
      %add3A_108 = arith.constant 0 : i32
      %add3A_109 = arith.addi %mul3A_107, %add3A_108 : i32
      %dma_wait3A_110 = arith.constant 0 : i32
      %dma_wait3A_111 = arith.constant 0 : i32
      %dma_wait3A_112 = tpu.memref_slice %arg8[%dma_wait3A_110, %dma_wait3A_111] : memref<40x125xi32, #tpu.memory_space<vmem>> -> memref<1x125xi32, #tpu.memory_space<vmem>>
      %dma_wait3A_113 = tpu.memref_squeeze %dma_wait3A_112 : memref<1x125xi32, #tpu.memory_space<vmem>> -> memref<125xi32, #tpu.memory_space<vmem>>
      %dma_wait3A_114 = arith.constant 0 : i32
      %dma_wait3A_115 = arith.constant 0 : i32
      %dma_wait3A_116 = tpu.memref_slice %arg2[%dma_wait3A_114, %dma_wait3A_115] : memref<10000x128xf32, #tpu.memory_space<hbm>> -> memref<10000x128xf32, #tpu.memory_space<hbm>>
      tpu.wait_indirect_dma semaphore(%arg13 : memref<!tpu.dma_semaphore, #tpu.memory_space<semaphore_mem>>) src(%dma_wait3A_116 : memref<10000x128xf32, #tpu.memory_space<hbm>>) dst(%arg10 : memref<125x128xf32, #tpu.memory_space<vmem>>)
      %dma_start3A_117 = arith.constant 0 : i32
      %dma_start3A_118 = tpu.memref_slice %arg9[%add3A_109, %dma_start3A_117] : memref<40x125xi32, #tpu.memory_space<vmem>> -> memref<1x125xi32, #tpu.memory_space<vmem>>
      %dma_start3A_119 = tpu.memref_squeeze %dma_start3A_118 : memref<1x125xi32, #tpu.memory_space<vmem>> -> memref<125xi32, #tpu.memory_space<vmem>>
      %dma_start3A_120 = arith.constant 0 : i32
      %dma_start3A_121 = arith.constant 0 : i32
      %dma_start3A_122 = tpu.memref_slice %arg7[%dma_start3A_120, %dma_start3A_121] : memref<10000x128xf32, #tpu.memory_space<vmem_shared>> -> memref<10000x128xf32, #tpu.memory_space<vmem_shared>>
      tpu.enqueue_indirect_dma source(%arg10 : memref<125x128xf32, #tpu.memory_space<vmem>>) target(%dma_start3A_122 : memref<10000x128xf32, #tpu.memory_space<vmem_shared>>) offsets(%dma_start3A_119 : memref<125xi32, #tpu.memory_space<vmem>>) semaphore(%arg15 : memref<!tpu.dma_semaphore, #tpu.memory_space<semaphore_mem>>) {add = true}
      %mul3A_123 = arith.constant 2 : i32
      %mul3A_124 = arith.muli %mul3A_123, %scan3A_105 : i32
      %add3A_125 = arith.constant 1 : i32
      %add3A_126 = arith.addi %mul3A_124, %add3A_125 : i32
      %dma_wait3A_127 = arith.constant 0 : i32
      %dma_wait3A_128 = arith.constant 0 : i32
      %dma_wait3A_129 = tpu.memref_slice %arg8[%dma_wait3A_127, %dma_wait3A_128] : memref<40x125xi32, #tpu.memory_space<vmem>> -> memref<1x125xi32, #tpu.memory_space<vmem>>
      %dma_wait3A_130 = tpu.memref_squeeze %dma_wait3A_129 : memref<1x125xi32, #tpu.memory_space<vmem>> -> memref<125xi32, #tpu.memory_space<vmem>>
      %dma_wait3A_131 = arith.constant 0 : i32
      %dma_wait3A_132 = arith.constant 0 : i32
      %dma_wait3A_133 = tpu.memref_slice %arg2[%dma_wait3A_131, %dma_wait3A_132] : memref<10000x128xf32, #tpu.memory_space<hbm>> -> memref<10000x128xf32, #tpu.memory_space<hbm>>
      tpu.wait_indirect_dma semaphore(%arg14 : memref<!tpu.dma_semaphore, #tpu.memory_space<semaphore_mem>>) src(%dma_wait3A_133 : memref<10000x128xf32, #tpu.memory_space<hbm>>) dst(%arg11 : memref<125x128xf32, #tpu.memory_space<vmem>>)
      %dma_start3A_134 = arith.constant 0 : i32
      %dma_start3A_135 = tpu.memref_slice %arg9[%add3A_126, %dma_start3A_134] : memref<40x125xi32, #tpu.memory_space<vmem>> -> memref<1x125xi32, #tpu.memory_space<vmem>>
      %dma_start3A_136 = tpu.memref_squeeze %dma_start3A_135 : memref<1x125xi32, #tpu.memory_space<vmem>> -> memref<125xi32, #tpu.memory_space<vmem>>
      %dma_start3A_137 = arith.constant 0 : i32
      %dma_start3A_138 = arith.constant 0 : i32
      %dma_start3A_139 = tpu.memref_slice %arg7[%dma_start3A_137, %dma_start3A_138] : memref<10000x128xf32, #tpu.memory_space<vmem_shared>> -> memref<10000x128xf32, #tpu.memory_space<vmem_shared>>
      tpu.enqueue_indirect_dma source(%arg11 : memref<125x128xf32, #tpu.memory_space<vmem>>) target(%dma_start3A_139 : memref<10000x128xf32, #tpu.memory_space<vmem_shared>>) offsets(%dma_start3A_136 : memref<125xi32, #tpu.memory_space<vmem>>) semaphore(%arg16 : memref<!tpu.dma_semaphore, #tpu.memory_space<semaphore_mem>>) {add = true}
      %mul3A_140 = arith.constant 2 : i32
      %mul3A_141 = arith.muli %mul3A_140, %scan3A_105 : i32
      %add3A_142 = arith.constant 0 : i32
      %add3A_143 = arith.addi %mul3A_141, %add3A_142 : i32
      %add3A_144 = arith.constant 2 : i32
      %add3A_145 = arith.addi %add3A_143, %add3A_144 : i32
      %lt3A_146 = arith.constant 40 : i32
      %lt3A_147 = arith.cmpi slt, %add3A_145, %lt3A_146 : i32
      %convert_element_type3A_148 = arith.extui %lt3A_147 : i1 to i32
      %cond3A_149 = arith.constant 0 : i32
      %cond3A_150 = arith.cmpi ne, %convert_element_type3A_148, %cond3A_149 : i32
      scf.if %cond3A_150 {
        %dma_wait3A_162 = arith.constant 0 : i32
        %dma_wait3A_163 = arith.constant 0 : i32
        %dma_wait3A_164 = tpu.memref_slice %arg9[%dma_wait3A_162, %dma_wait3A_163] : memref<40x125xi32, #tpu.memory_space<vmem>> -> memref<1x125xi32, #tpu.memory_space<vmem>>
        %dma_wait3A_165 = tpu.memref_squeeze %dma_wait3A_164 : memref<1x125xi32, #tpu.memory_space<vmem>> -> memref<125xi32, #tpu.memory_space<vmem>>
        %dma_wait3A_166 = arith.constant 0 : i32
        %dma_wait3A_167 = arith.constant 0 : i32
        %dma_wait3A_168 = tpu.memref_slice %arg7[%dma_wait3A_166, %dma_wait3A_167] : memref<10000x128xf32, #tpu.memory_space<vmem_shared>> -> memref<10000x128xf32, #tpu.memory_space<vmem_shared>>
        tpu.wait_indirect_dma semaphore(%arg15 : memref<!tpu.dma_semaphore, #tpu.memory_space<semaphore_mem>>) src(%arg10 : memref<125x128xf32, #tpu.memory_space<vmem>>) dst(%dma_wait3A_168 : memref<10000x128xf32, #tpu.memory_space<vmem_shared>>)
        %add3A_169 = arith.constant 2 : i32
        %add3A_170 = arith.addi %add3A_143, %add3A_169 : i32
        %dma_start3A_171 = arith.constant 0 : i32
        %dma_start3A_172 = tpu.memref_slice %arg8[%add3A_170, %dma_start3A_171] : memref<40x125xi32, #tpu.memory_space<vmem>> -> memref<1x125xi32, #tpu.memory_space<vmem>>
        %dma_start3A_173 = tpu.memref_squeeze %dma_start3A_172 : memref<1x125xi32, #tpu.memory_space<vmem>> -> memref<125xi32, #tpu.memory_space<vmem>>
        %dma_start3A_174 = arith.constant 0 : i32
        %dma_start3A_175 = arith.constant 0 : i32
        %dma_start3A_176 = tpu.memref_slice %arg2[%dma_start3A_174, %dma_start3A_175] : memref<10000x128xf32, #tpu.memory_space<hbm>> -> memref<10000x128xf32, #tpu.memory_space<hbm>>
        tpu.enqueue_indirect_dma source(%dma_start3A_176 : memref<10000x128xf32, #tpu.memory_space<hbm>>) target(%arg10 : memref<125x128xf32, #tpu.memory_space<vmem>>) offsets(%dma_start3A_173 : memref<125xi32, #tpu.memory_space<vmem>>) semaphore(%arg13 : memref<!tpu.dma_semaphore, #tpu.memory_space<semaphore_mem>>)
      } else {
      }
      %mul3A_151 = arith.constant 2 : i32
      %mul3A_152 = arith.muli %mul3A_151, %scan3A_105 : i32
      %add3A_153 = arith.constant 1 : i32
      %add3A_154 = arith.addi %mul3A_152, %add3A_153 : i32
      %add3A_155 = arith.constant 2 : i32
      %add3A_156 = arith.addi %add3A_154, %add3A_155 : i32
      %lt3A_157 = arith.constant 40 : i32
      %lt3A_158 = arith.cmpi slt, %add3A_156, %lt3A_157 : i32
      %convert_element_type3A_159 = arith.extui %lt3A_158 : i1 to i32
      %cond3A_160 = arith.constant 0 : i32
      %cond3A_161 = arith.cmpi ne, %convert_element_type3A_159, %cond3A_160 : i32
      scf.if %cond3A_161 {
        %dma_wait3A_162 = arith.constant 0 : i32
        %dma_wait3A_163 = arith.constant 0 : i32
        %dma_wait3A_164 = tpu.memref_slice %arg9[%dma_wait3A_162, %dma_wait3A_163] : memref<40x125xi32, #tpu.memory_space<vmem>> -> memref<1x125xi32, #tpu.memory_space<vmem>>
        %dma_wait3A_165 = tpu.memref_squeeze %dma_wait3A_164 : memref<1x125xi32, #tpu.memory_space<vmem>> -> memref<125xi32, #tpu.memory_space<vmem>>
        %dma_wait3A_166 = arith.constant 0 : i32
        %dma_wait3A_167 = arith.constant 0 : i32
        %dma_wait3A_168 = tpu.memref_slice %arg7[%dma_wait3A_166, %dma_wait3A_167] : memref<10000x128xf32, #tpu.memory_space<vmem_shared>> -> memref<10000x128xf32, #tpu.memory_space<vmem_shared>>
        tpu.wait_indirect_dma semaphore(%arg16 : memref<!tpu.dma_semaphore, #tpu.memory_space<semaphore_mem>>) src(%arg11 : memref<125x128xf32, #tpu.memory_space<vmem>>) dst(%dma_wait3A_168 : memref<10000x128xf32, #tpu.memory_space<vmem_shared>>)
        %add3A_169 = arith.constant 2 : i32
        %add3A_170 = arith.addi %add3A_154, %add3A_169 : i32
        %dma_start3A_171 = arith.constant 0 : i32
        %dma_start3A_172 = tpu.memref_slice %arg8[%add3A_170, %dma_start3A_171] : memref<40x125xi32, #tpu.memory_space<vmem>> -> memref<1x125xi32, #tpu.memory_space<vmem>>
        %dma_start3A_173 = tpu.memref_squeeze %dma_start3A_172 : memref<1x125xi32, #tpu.memory_space<vmem>> -> memref<125xi32, #tpu.memory_space<vmem>>
        %dma_start3A_174 = arith.constant 0 : i32
        %dma_start3A_175 = arith.constant 0 : i32
        %dma_start3A_176 = tpu.memref_slice %arg2[%dma_start3A_174, %dma_start3A_175] : memref<10000x128xf32, #tpu.memory_space<hbm>> -> memref<10000x128xf32, #tpu.memory_space<hbm>>
        tpu.enqueue_indirect_dma source(%dma_start3A_176 : memref<10000x128xf32, #tpu.memory_space<hbm>>) target(%arg11 : memref<125x128xf32, #tpu.memory_space<vmem>>) offsets(%dma_start3A_173 : memref<125xi32, #tpu.memory_space<vmem>>) semaphore(%arg14 : memref<!tpu.dma_semaphore, #tpu.memory_space<semaphore_mem>>)
      } else {
      }
    }
    %scan3A_43 = arith.constant 20 : i32
    %dma_wait3A = arith.constant 0 : i32
    %dma_wait3A_44 = arith.constant 0 : i32
    %dma_wait3A_45 = tpu.memref_slice %arg9[%dma_wait3A, %dma_wait3A_44] : memref<40x125xi32, #tpu.memory_space<vmem>> -> memref<1x125xi32, #tpu.memory_space<vmem>>
    %dma_wait3A_46 = tpu.memref_squeeze %dma_wait3A_45 : memref<1x125xi32, #tpu.memory_space<vmem>> -> memref<125xi32, #tpu.memory_space<vmem>>
    %dma_wait3A_47 = arith.constant 0 : i32
    %dma_wait3A_48 = arith.constant 0 : i32
    %dma_wait3A_49 = tpu.memref_slice %arg7[%dma_wait3A_47, %dma_wait3A_48] : memref<10000x128xf32, #tpu.memory_space<vmem_shared>> -> memref<10000x128xf32, #tpu.memory_space<vmem_shared>>
    tpu.wait_indirect_dma semaphore(%arg15 : memref<!tpu.dma_semaphore, #tpu.memory_space<semaphore_mem>>) src(%arg10 : memref<125x128xf32, #tpu.memory_space<vmem>>) dst(%dma_wait3A_49 : memref<10000x128xf32, #tpu.memory_space<vmem_shared>>)
    %dma_wait3A_50 = arith.constant 0 : i32
    %dma_wait3A_51 = arith.constant 0 : i32
    %dma_wait3A_52 = tpu.memref_slice %arg9[%dma_wait3A_50, %dma_wait3A_51] : memref<40x125xi32, #tpu.memory_space<vmem>> -> memref<1x125xi32, #tpu.memory_space<vmem>>
    %dma_wait3A_53 = tpu.memref_squeeze %dma_wait3A_52 : memref<1x125xi32, #tpu.memory_space<vmem>> -> memref<125xi32, #tpu.memory_space<vmem>>
    %dma_wait3A_54 = arith.constant 0 : i32
    %dma_wait3A_55 = arith.constant 0 : i32
    %dma_wait3A_56 = tpu.memref_slice %arg7[%dma_wait3A_54, %dma_wait3A_55] : memref<10000x128xf32, #tpu.memory_space<vmem_shared>> -> memref<10000x128xf32, #tpu.memory_space<vmem_shared>>
    tpu.wait_indirect_dma semaphore(%arg16 : memref<!tpu.dma_semaphore, #tpu.memory_space<semaphore_mem>>) src(%arg11 : memref<125x128xf32, #tpu.memory_space<vmem>>) dst(%dma_wait3A_56 : memref<10000x128xf32, #tpu.memory_space<vmem_shared>>)
    %mul3A_57 = arith.constant 80 : i32
    %mul3A_58 = arith.muli %add3A, %mul3A_57 : i32
    %add3A_59 = arith.constant 40 : i32
    %add3A_60 = arith.addi %mul3A_58, %add3A_59 : i32
    "tpu.region"() ({
      %run_scoped3A = tpu.sem_alloc : memref<!tpu.dma_semaphore, #tpu.memory_space<semaphore_mem>>
      %dma_start3A_105 = arith.constant 0 : i32
      %dma_start3A_106 = tpu.memref_slice %arg3[%add3A_60, %dma_start3A_105] : memref<2560x125xi32, #tpu.memory_space<hbm>> -> memref<40x125xi32, #tpu.memory_space<hbm>>
      %dma_start3A_107 = arith.constant 0 : i32
      %dma_start3A_108 = tpu.memref_slice %arg3[%add3A_60, %dma_start3A_107] : memref<2560x125xi32, #tpu.memory_space<hbm>> -> memref<40x125xi32, #tpu.memory_space<hbm>>
      tpu.enqueue_dma source(%dma_start3A_108 : memref<40x125xi32, #tpu.memory_space<hbm>>) target(%arg8 : memref<40x125xi32, #tpu.memory_space<vmem>>) target_semaphore(%run_scoped3A : memref<!tpu.dma_semaphore, #tpu.memory_space<semaphore_mem>>)
      %dma_wait3A_109 = arith.constant 0 : i32
      %dma_wait3A_110 = tpu.memref_slice %arg3[%add3A_60, %dma_wait3A_109] : memref<2560x125xi32, #tpu.memory_space<hbm>> -> memref<40x125xi32, #tpu.memory_space<hbm>>
      %dma_wait3A_111 = arith.constant 0 : i32
      %dma_wait3A_112 = tpu.memref_slice %arg3[%add3A_60, %dma_wait3A_111] : memref<2560x125xi32, #tpu.memory_space<hbm>> -> memref<40x125xi32, #tpu.memory_space<hbm>>
      tpu.wait_dma2 semaphore(%run_scoped3A : memref<!tpu.dma_semaphore, #tpu.memory_space<semaphore_mem>>) src(%dma_wait3A_112 : memref<40x125xi32, #tpu.memory_space<hbm>>) dst(%arg8 : memref<40x125xi32, #tpu.memory_space<vmem>>)
      tpu.yield
    }) : () -> ()
    "tpu.region"() ({
      %run_scoped3A = tpu.sem_alloc : memref<!tpu.dma_semaphore, #tpu.memory_space<semaphore_mem>>
      %dma_start3A_105 = arith.constant 0 : i32
      %dma_start3A_106 = tpu.memref_slice %arg4[%add3A_60, %dma_start3A_105] : memref<2560x125xi32, #tpu.memory_space<hbm>> -> memref<40x125xi32, #tpu.memory_space<hbm>>
      %dma_start3A_107 = arith.constant 0 : i32
      %dma_start3A_108 = tpu.memref_slice %arg4[%add3A_60, %dma_start3A_107] : memref<2560x125xi32, #tpu.memory_space<hbm>> -> memref<40x125xi32, #tpu.memory_space<hbm>>
      tpu.enqueue_dma source(%dma_start3A_108 : memref<40x125xi32, #tpu.memory_space<hbm>>) target(%arg9 : memref<40x125xi32, #tpu.memory_space<vmem>>) target_semaphore(%run_scoped3A : memref<!tpu.dma_semaphore, #tpu.memory_space<semaphore_mem>>)
      %dma_wait3A_109 = arith.constant 0 : i32
      %dma_wait3A_110 = tpu.memref_slice %arg4[%add3A_60, %dma_wait3A_109] : memref<2560x125xi32, #tpu.memory_space<hbm>> -> memref<40x125xi32, #tpu.memory_space<hbm>>
      %dma_wait3A_111 = arith.constant 0 : i32
      %dma_wait3A_112 = tpu.memref_slice %arg4[%add3A_60, %dma_wait3A_111] : memref<2560x125xi32, #tpu.memory_space<hbm>> -> memref<40x125xi32, #tpu.memory_space<hbm>>
      tpu.wait_dma2 semaphore(%run_scoped3A : memref<!tpu.dma_semaphore, #tpu.memory_space<semaphore_mem>>) src(%dma_wait3A_112 : memref<40x125xi32, #tpu.memory_space<hbm>>) dst(%arg9 : memref<40x125xi32, #tpu.memory_space<vmem>>)
      tpu.yield
    }) : () -> ()
    %dma_start3A_61 = arith.constant 0 : i32
    %dma_start3A_62 = arith.constant 0 : i32
    %dma_start3A_63 = tpu.memref_slice %arg8[%dma_start3A_61, %dma_start3A_62] : memref<40x125xi32, #tpu.memory_space<vmem>> -> memref<1x125xi32, #tpu.memory_space<vmem>>
    %dma_start3A_64 = tpu.memref_squeeze %dma_start3A_63 : memref<1x125xi32, #tpu.memory_space<vmem>> -> memref<125xi32, #tpu.memory_space<vmem>>
    %dma_start3A_65 = arith.constant 0 : i32
    %dma_start3A_66 = arith.constant 0 : i32
    %dma_start3A_67 = tpu.memref_slice %arg2[%dma_start3A_65, %dma_start3A_66] : memref<10000x128xf32, #tpu.memory_space<hbm>> -> memref<10000x128xf32, #tpu.memory_space<hbm>>
    tpu.enqueue_indirect_dma source(%dma_start3A_67 : memref<10000x128xf32, #tpu.memory_space<hbm>>) target(%arg10 : memref<125x128xf32, #tpu.memory_space<vmem>>) offsets(%dma_start3A_64 : memref<125xi32, #tpu.memory_space<vmem>>) semaphore(%arg13 : memref<!tpu.dma_semaphore, #tpu.memory_space<semaphore_mem>>)
    %dma_start3A_68 = arith.constant 1 : i32
    %dma_start3A_69 = arith.constant 0 : i32
    %dma_start3A_70 = tpu.memref_slice %arg8[%dma_start3A_68, %dma_start3A_69] : memref<40x125xi32, #tpu.memory_space<vmem>> -> memref<1x125xi32, #tpu.memory_space<vmem>>
    %dma_start3A_71 = tpu.memref_squeeze %dma_start3A_70 : memref<1x125xi32, #tpu.memory_space<vmem>> -> memref<125xi32, #tpu.memory_space<vmem>>
    %dma_start3A_72 = arith.constant 0 : i32
    %dma_start3A_73 = arith.constant 0 : i32
    %dma_start3A_74 = tpu.memref_slice %arg2[%dma_start3A_72, %dma_start3A_73] : memref<10000x128xf32, #tpu.memory_space<hbm>> -> memref<10000x128xf32, #tpu.memory_space<hbm>>
    tpu.enqueue_indirect_dma source(%dma_start3A_74 : memref<10000x128xf32, #tpu.memory_space<hbm>>) target(%arg11 : memref<125x128xf32, #tpu.memory_space<vmem>>) offsets(%dma_start3A_71 : memref<125xi32, #tpu.memory_space<vmem>>) semaphore(%arg14 : memref<!tpu.dma_semaphore, #tpu.memory_space<semaphore_mem>>)
    %scan3A_75 = arith.constant 0 : i32
    %scan3A_76 = arith.constant 20 : i32
    %scan3A_77 = arith.addi %scan3A_75, %scan3A_76 : i32
    %scan3A_78 = arith.constant 1 : i32
    scf.for %scan3A_105 = %scan3A_75 to %scan3A_77 step %scan3A_78  : i32 {
      %mul3A_106 = arith.constant 2 : i32
      %mul3A_107 = arith.muli %mul3A_106, %scan3A_105 : i32
      %add3A_108 = arith.constant 0 : i32
      %add3A_109 = arith.addi %mul3A_107, %add3A_108 : i32
      %dma_wait3A_110 = arith.constant 0 : i32
      %dma_wait3A_111 = arith.constant 0 : i32
      %dma_wait3A_112 = tpu.memref_slice %arg8[%dma_wait3A_110, %dma_wait3A_111] : memref<40x125xi32, #tpu.memory_space<vmem>> -> memref<1x125xi32, #tpu.memory_space<vmem>>
      %dma_wait3A_113 = tpu.memref_squeeze %dma_wait3A_112 : memref<1x125xi32, #tpu.memory_space<vmem>> -> memref<125xi32, #tpu.memory_space<vmem>>
      %dma_wait3A_114 = arith.constant 0 : i32
      %dma_wait3A_115 = arith.constant 0 : i32
      %dma_wait3A_116 = tpu.memref_slice %arg2[%dma_wait3A_114, %dma_wait3A_115] : memref<10000x128xf32, #tpu.memory_space<hbm>> -> memref<10000x128xf32, #tpu.memory_space<hbm>>
      tpu.wait_indirect_dma semaphore(%arg13 : memref<!tpu.dma_semaphore, #tpu.memory_space<semaphore_mem>>) src(%dma_wait3A_116 : memref<10000x128xf32, #tpu.memory_space<hbm>>) dst(%arg10 : memref<125x128xf32, #tpu.memory_space<vmem>>)
      %dma_start3A_117 = arith.constant 0 : i32
      %dma_start3A_118 = tpu.memref_slice %arg9[%add3A_109, %dma_start3A_117] : memref<40x125xi32, #tpu.memory_space<vmem>> -> memref<1x125xi32, #tpu.memory_space<vmem>>
      %dma_start3A_119 = tpu.memref_squeeze %dma_start3A_118 : memref<1x125xi32, #tpu.memory_space<vmem>> -> memref<125xi32, #tpu.memory_space<vmem>>
      %dma_start3A_120 = arith.constant 0 : i32
      %dma_start3A_121 = arith.constant 0 : i32
      %dma_start3A_122 = tpu.memref_slice %arg7[%dma_start3A_120, %dma_start3A_121] : memref<10000x128xf32, #tpu.memory_space<vmem_shared>> -> memref<10000x128xf32, #tpu.memory_space<vmem_shared>>
      tpu.enqueue_indirect_dma source(%arg10 : memref<125x128xf32, #tpu.memory_space<vmem>>) target(%dma_start3A_122 : memref<10000x128xf32, #tpu.memory_space<vmem_shared>>) offsets(%dma_start3A_119 : memref<125xi32, #tpu.memory_space<vmem>>) semaphore(%arg15 : memref<!tpu.dma_semaphore, #tpu.memory_space<semaphore_mem>>) {add = true}
      %mul3A_123 = arith.constant 2 : i32
      %mul3A_124 = arith.muli %mul3A_123, %scan3A_105 : i32
      %add3A_125 = arith.constant 1 : i32
      %add3A_126 = arith.addi %mul3A_124, %add3A_125 : i32
      %dma_wait3A_127 = arith.constant 0 : i32
      %dma_wait3A_128 = arith.constant 0 : i32
      %dma_wait3A_129 = tpu.memref_slice %arg8[%dma_wait3A_127, %dma_wait3A_128] : memref<40x125xi32, #tpu.memory_space<vmem>> -> memref<1x125xi32, #tpu.memory_space<vmem>>
      %dma_wait3A_130 = tpu.memref_squeeze %dma_wait3A_129 : memref<1x125xi32, #tpu.memory_space<vmem>> -> memref<125xi32, #tpu.memory_space<vmem>>
      %dma_wait3A_131 = arith.constant 0 : i32
      %dma_wait3A_132 = arith.constant 0 : i32
      %dma_wait3A_133 = tpu.memref_slice %arg2[%dma_wait3A_131, %dma_wait3A_132] : memref<10000x128xf32, #tpu.memory_space<hbm>> -> memref<10000x128xf32, #tpu.memory_space<hbm>>
      tpu.wait_indirect_dma semaphore(%arg14 : memref<!tpu.dma_semaphore, #tpu.memory_space<semaphore_mem>>) src(%dma_wait3A_133 : memref<10000x128xf32, #tpu.memory_space<hbm>>) dst(%arg11 : memref<125x128xf32, #tpu.memory_space<vmem>>)
      %dma_start3A_134 = arith.constant 0 : i32
      %dma_start3A_135 = tpu.memref_slice %arg9[%add3A_126, %dma_start3A_134] : memref<40x125xi32, #tpu.memory_space<vmem>> -> memref<1x125xi32, #tpu.memory_space<vmem>>
      %dma_start3A_136 = tpu.memref_squeeze %dma_start3A_135 : memref<1x125xi32, #tpu.memory_space<vmem>> -> memref<125xi32, #tpu.memory_space<vmem>>
      %dma_start3A_137 = arith.constant 0 : i32
      %dma_start3A_138 = arith.constant 0 : i32
      %dma_start3A_139 = tpu.memref_slice %arg7[%dma_start3A_137, %dma_start3A_138] : memref<10000x128xf32, #tpu.memory_space<vmem_shared>> -> memref<10000x128xf32, #tpu.memory_space<vmem_shared>>
      tpu.enqueue_indirect_dma source(%arg11 : memref<125x128xf32, #tpu.memory_space<vmem>>) target(%dma_start3A_139 : memref<10000x128xf32, #tpu.memory_space<vmem_shared>>) offsets(%dma_start3A_136 : memref<125xi32, #tpu.memory_space<vmem>>) semaphore(%arg16 : memref<!tpu.dma_semaphore, #tpu.memory_space<semaphore_mem>>) {add = true}
      %mul3A_140 = arith.constant 2 : i32
      %mul3A_141 = arith.muli %mul3A_140, %scan3A_105 : i32
      %add3A_142 = arith.constant 0 : i32
      %add3A_143 = arith.addi %mul3A_141, %add3A_142 : i32
      %add3A_144 = arith.constant 2 : i32
      %add3A_145 = arith.addi %add3A_143, %add3A_144 : i32
      %lt3A_146 = arith.constant 40 : i32
      %lt3A_147 = arith.cmpi slt, %add3A_145, %lt3A_146 : i32
      %convert_element_type3A_148 = arith.extui %lt3A_147 : i1 to i32
      %cond3A_149 = arith.constant 0 : i32
      %cond3A_150 = arith.cmpi ne, %convert_element_type3A_148, %cond3A_149 : i32
      scf.if %cond3A_150 {
        %dma_wait3A_162 = arith.constant 0 : i32
        %dma_wait3A_163 = arith.constant 0 : i32
        %dma_wait3A_164 = tpu.memref_slice %arg9[%dma_wait3A_162, %dma_wait3A_163] : memref<40x125xi32, #tpu.memory_space<vmem>> -> memref<1x125xi32, #tpu.memory_space<vmem>>
        %dma_wait3A_165 = tpu.memref_squeeze %dma_wait3A_164 : memref<1x125xi32, #tpu.memory_space<vmem>> -> memref<125xi32, #tpu.memory_space<vmem>>
        %dma_wait3A_166 = arith.constant 0 : i32
        %dma_wait3A_167 = arith.constant 0 : i32
        %dma_wait3A_168 = tpu.memref_slice %arg7[%dma_wait3A_166, %dma_wait3A_167] : memref<10000x128xf32, #tpu.memory_space<vmem_shared>> -> memref<10000x128xf32, #tpu.memory_space<vmem_shared>>
        tpu.wait_indirect_dma semaphore(%arg15 : memref<!tpu.dma_semaphore, #tpu.memory_space<semaphore_mem>>) src(%arg10 : memref<125x128xf32, #tpu.memory_space<vmem>>) dst(%dma_wait3A_168 : memref<10000x128xf32, #tpu.memory_space<vmem_shared>>)
        %add3A_169 = arith.constant 2 : i32
        %add3A_170 = arith.addi %add3A_143, %add3A_169 : i32
        %dma_start3A_171 = arith.constant 0 : i32
        %dma_start3A_172 = tpu.memref_slice %arg8[%add3A_170, %dma_start3A_171] : memref<40x125xi32, #tpu.memory_space<vmem>> -> memref<1x125xi32, #tpu.memory_space<vmem>>
        %dma_start3A_173 = tpu.memref_squeeze %dma_start3A_172 : memref<1x125xi32, #tpu.memory_space<vmem>> -> memref<125xi32, #tpu.memory_space<vmem>>
        %dma_start3A_174 = arith.constant 0 : i32
        %dma_start3A_175 = arith.constant 0 : i32
        %dma_start3A_176 = tpu.memref_slice %arg2[%dma_start3A_174, %dma_start3A_175] : memref<10000x128xf32, #tpu.memory_space<hbm>> -> memref<10000x128xf32, #tpu.memory_space<hbm>>
        tpu.enqueue_indirect_dma source(%dma_start3A_176 : memref<10000x128xf32, #tpu.memory_space<hbm>>) target(%arg10 : memref<125x128xf32, #tpu.memory_space<vmem>>) offsets(%dma_start3A_173 : memref<125xi32, #tpu.memory_space<vmem>>) semaphore(%arg13 : memref<!tpu.dma_semaphore, #tpu.memory_space<semaphore_mem>>)
      } else {
      }
      %mul3A_151 = arith.constant 2 : i32
      %mul3A_152 = arith.muli %mul3A_151, %scan3A_105 : i32
      %add3A_153 = arith.constant 1 : i32
      %add3A_154 = arith.addi %mul3A_152, %add3A_153 : i32
      %add3A_155 = arith.constant 2 : i32
      %add3A_156 = arith.addi %add3A_154, %add3A_155 : i32
      %lt3A_157 = arith.constant 40 : i32
      %lt3A_158 = arith.cmpi slt, %add3A_156, %lt3A_157 : i32
      %convert_element_type3A_159 = arith.extui %lt3A_158 : i1 to i32
      %cond3A_160 = arith.constant 0 : i32
      %cond3A_161 = arith.cmpi ne, %convert_element_type3A_159, %cond3A_160 : i32
      scf.if %cond3A_161 {
        %dma_wait3A_162 = arith.constant 0 : i32
        %dma_wait3A_163 = arith.constant 0 : i32
        %dma_wait3A_164 = tpu.memref_slice %arg9[%dma_wait3A_162, %dma_wait3A_163] : memref<40x125xi32, #tpu.memory_space<vmem>> -> memref<1x125xi32, #tpu.memory_space<vmem>>
        %dma_wait3A_165 = tpu.memref_squeeze %dma_wait3A_164 : memref<1x125xi32, #tpu.memory_space<vmem>> -> memref<125xi32, #tpu.memory_space<vmem>>
        %dma_wait3A_166 = arith.constant 0 : i32
        %dma_wait3A_167 = arith.constant 0 : i32
        %dma_wait3A_168 = tpu.memref_slice %arg7[%dma_wait3A_166, %dma_wait3A_167] : memref<10000x128xf32, #tpu.memory_space<vmem_shared>> -> memref<10000x128xf32, #tpu.memory_space<vmem_shared>>
        tpu.wait_indirect_dma semaphore(%arg16 : memref<!tpu.dma_semaphore, #tpu.memory_space<semaphore_mem>>) src(%arg11 : memref<125x128xf32, #tpu.memory_space<vmem>>) dst(%dma_wait3A_168 : memref<10000x128xf32, #tpu.memory_space<vmem_shared>>)
        %add3A_169 = arith.constant 2 : i32
        %add3A_170 = arith.addi %add3A_154, %add3A_169 : i32
        %dma_start3A_171 = arith.constant 0 : i32
        %dma_start3A_172 = tpu.memref_slice %arg8[%add3A_170, %dma_start3A_171] : memref<40x125xi32, #tpu.memory_space<vmem>> -> memref<1x125xi32, #tpu.memory_space<vmem>>
        %dma_start3A_173 = tpu.memref_squeeze %dma_start3A_172 : memref<1x125xi32, #tpu.memory_space<vmem>> -> memref<125xi32, #tpu.memory_space<vmem>>
        %dma_start3A_174 = arith.constant 0 : i32
        %dma_start3A_175 = arith.constant 0 : i32
        %dma_start3A_176 = tpu.memref_slice %arg2[%dma_start3A_174, %dma_start3A_175] : memref<10000x128xf32, #tpu.memory_space<hbm>> -> memref<10000x128xf32, #tpu.memory_space<hbm>>
        tpu.enqueue_indirect_dma source(%dma_start3A_176 : memref<10000x128xf32, #tpu.memory_space<hbm>>) target(%arg11 : memref<125x128xf32, #tpu.memory_space<vmem>>) offsets(%dma_start3A_173 : memref<125xi32, #tpu.memory_space<vmem>>) semaphore(%arg14 : memref<!tpu.dma_semaphore, #tpu.memory_space<semaphore_mem>>)
      } else {
      }
    }
    %scan3A_79 = arith.constant 20 : i32
    %dma_wait3A_80 = arith.constant 0 : i32
    %dma_wait3A_81 = arith.constant 0 : i32
    %dma_wait3A_82 = tpu.memref_slice %arg9[%dma_wait3A_80, %dma_wait3A_81] : memref<40x125xi32, #tpu.memory_space<vmem>> -> memref<1x125xi32, #tpu.memory_space<vmem>>
    %dma_wait3A_83 = tpu.memref_squeeze %dma_wait3A_82 : memref<1x125xi32, #tpu.memory_space<vmem>> -> memref<125xi32, #tpu.memory_space<vmem>>
    %dma_wait3A_84 = arith.constant 0 : i32
    %dma_wait3A_85 = arith.constant 0 : i32
    %dma_wait3A_86 = tpu.memref_slice %arg7[%dma_wait3A_84, %dma_wait3A_85] : memref<10000x128xf32, #tpu.memory_space<vmem_shared>> -> memref<10000x128xf32, #tpu.memory_space<vmem_shared>>
    tpu.wait_indirect_dma semaphore(%arg15 : memref<!tpu.dma_semaphore, #tpu.memory_space<semaphore_mem>>) src(%arg10 : memref<125x128xf32, #tpu.memory_space<vmem>>) dst(%dma_wait3A_86 : memref<10000x128xf32, #tpu.memory_space<vmem_shared>>)
    %dma_wait3A_87 = arith.constant 0 : i32
    %dma_wait3A_88 = arith.constant 0 : i32
    %dma_wait3A_89 = tpu.memref_slice %arg9[%dma_wait3A_87, %dma_wait3A_88] : memref<40x125xi32, #tpu.memory_space<vmem>> -> memref<1x125xi32, #tpu.memory_space<vmem>>
    %dma_wait3A_90 = tpu.memref_squeeze %dma_wait3A_89 : memref<1x125xi32, #tpu.memory_space<vmem>> -> memref<125xi32, #tpu.memory_space<vmem>>
    %dma_wait3A_91 = arith.constant 0 : i32
    %dma_wait3A_92 = arith.constant 0 : i32
    %dma_wait3A_93 = tpu.memref_slice %arg7[%dma_wait3A_91, %dma_wait3A_92] : memref<10000x128xf32, #tpu.memory_space<vmem_shared>> -> memref<10000x128xf32, #tpu.memory_space<vmem_shared>>
    tpu.wait_indirect_dma semaphore(%arg16 : memref<!tpu.dma_semaphore, #tpu.memory_space<semaphore_mem>>) src(%arg11 : memref<125x128xf32, #tpu.memory_space<vmem>>) dst(%dma_wait3A_93 : memref<10000x128xf32, #tpu.memory_space<vmem_shared>>)
    %barrier3A_94 = arith.constant 0 : index
    tpu.barrier barrier_id(%barrier3A_94)
    %eq3A_95 = arith.constant 0 : i32
    %eq3A_96 = arith.cmpi eq, %arg0, %eq3A_95 : i32
    %convert_element_type3A_97 = arith.extui %eq3A_96 : i1 to i32
    %cond3A_98 = arith.constant 0 : i32
    %cond3A_99 = arith.cmpi ne, %convert_element_type3A_97, %cond3A_98 : i32
    scf.if %cond3A_99 {
      %lt3A_105 = arith.constant 15 : i32
      %lt3A_106 = arith.cmpi slt, %arg1, %lt3A_105 : i32
      %convert_element_type3A_107 = arith.extui %lt3A_106 : i1 to i32
      %cond3A_108 = arith.constant 0 : i32
      %cond3A_109 = arith.cmpi ne, %convert_element_type3A_107, %cond3A_108 : i32
      scf.if %cond3A_109 {
        %mul3A_115 = arith.constant 640 : i32
        %mul3A_116 = arith.muli %arg1, %mul3A_115 : i32
        "tpu.region"() ({
          %run_scoped3A = tpu.sem_alloc : memref<!tpu.dma_semaphore, #tpu.memory_space<semaphore_mem>>
          %dma_start3A_117 = arith.constant 0 : i32
          %dma_start3A_118 = tpu.memref_slice %arg5[%mul3A_116, %dma_start3A_117] : memref<10000x128xf32, #tpu.memory_space<hbm>> -> memref<640x128xf32, #tpu.memory_space<hbm>>
          %dma_start3A_119 = arith.constant 0 : i32
          %dma_start3A_120 = tpu.memref_slice %arg7[%mul3A_116, %dma_start3A_119] : memref<10000x128xf32, #tpu.memory_space<vmem_shared>> -> memref<640x128xf32, #tpu.memory_space<vmem_shared>>
          tpu.enqueue_dma source(%dma_start3A_120 : memref<640x128xf32, #tpu.memory_space<vmem_shared>>) target(%dma_start3A_118 : memref<640x128xf32, #tpu.memory_space<hbm>>) target_semaphore(%run_scoped3A : memref<!tpu.dma_semaphore, #tpu.memory_space<semaphore_mem>>)
          %dma_wait3A_121 = arith.constant 0 : i32
          %dma_wait3A_122 = tpu.memref_slice %arg5[%mul3A_116, %dma_wait3A_121] : memref<10000x128xf32, #tpu.memory_space<hbm>> -> memref<640x128xf32, #tpu.memory_space<hbm>>
          %dma_wait3A_123 = arith.constant 0 : i32
          %dma_wait3A_124 = tpu.memref_slice %arg7[%mul3A_116, %dma_wait3A_123] : memref<10000x128xf32, #tpu.memory_space<vmem_shared>> -> memref<640x128xf32, #tpu.memory_space<vmem_shared>>
          tpu.wait_dma2 semaphore(%run_scoped3A : memref<!tpu.dma_semaphore, #tpu.memory_space<semaphore_mem>>) src(%dma_wait3A_124 : memref<640x128xf32, #tpu.memory_space<vmem_shared>>) dst(%dma_wait3A_122 : memref<640x128xf32, #tpu.memory_space<hbm>>)
          tpu.yield
        }) : () -> ()
      } else {
      }
      %eq3A_110 = arith.constant 15 : i32
      %eq3A_111 = arith.cmpi eq, %arg1, %eq3A_110 : i32
      %convert_element_type3A_112 = arith.extui %eq3A_111 : i1 to i32
      %cond3A_113 = arith.constant 0 : i32
      %cond3A_114 = arith.cmpi ne, %convert_element_type3A_112, %cond3A_113 : i32
      scf.if %cond3A_114 {
        "tpu.region"() ({
          %run_scoped3A = tpu.sem_alloc : memref<!tpu.dma_semaphore, #tpu.memory_space<semaphore_mem>>
          %dma_start3A_115 = arith.constant 9600 : i32
          %dma_start3A_116 = arith.constant 0 : i32
          %dma_start3A_117 = tpu.memref_slice %arg5[%dma_start3A_115, %dma_start3A_116] : memref<10000x128xf32, #tpu.memory_space<hbm>> -> memref<400x128xf32, #tpu.memory_space<hbm>>
          %dma_start3A_118 = arith.constant 9600 : i32
          %dma_start3A_119 = arith.constant 0 : i32
          %dma_start3A_120 = tpu.memref_slice %arg7[%dma_start3A_118, %dma_start3A_119] : memref<10000x128xf32, #tpu.memory_space<vmem_shared>> -> memref<400x128xf32, #tpu.memory_space<vmem_shared>>
          tpu.enqueue_dma source(%dma_start3A_120 : memref<400x128xf32, #tpu.memory_space<vmem_shared>>) target(%dma_start3A_117 : memref<400x128xf32, #tpu.memory_space<hbm>>) target_semaphore(%run_scoped3A : memref<!tpu.dma_semaphore, #tpu.memory_space<semaphore_mem>>)
          %dma_wait3A_121 = arith.constant 9600 : i32
          %dma_wait3A_122 = arith.constant 0 : i32
          %dma_wait3A_123 = tpu.memref_slice %arg5[%dma_wait3A_121, %dma_wait3A_122] : memref<10000x128xf32, #tpu.memory_space<hbm>> -> memref<400x128xf32, #tpu.memory_space<hbm>>
          %dma_wait3A_124 = arith.constant 9600 : i32
          %dma_wait3A_125 = arith.constant 0 : i32
          %dma_wait3A_126 = tpu.memref_slice %arg7[%dma_wait3A_124, %dma_wait3A_125] : memref<10000x128xf32, #tpu.memory_space<vmem_shared>> -> memref<400x128xf32, #tpu.memory_space<vmem_shared>>
          tpu.wait_dma2 semaphore(%run_scoped3A : memref<!tpu.dma_semaphore, #tpu.memory_space<semaphore_mem>>) src(%dma_wait3A_126 : memref<400x128xf32, #tpu.memory_space<vmem_shared>>) dst(%dma_wait3A_123 : memref<400x128xf32, #tpu.memory_space<hbm>>)
          tpu.yield
        }) : () -> ()
      } else {
      }
    } else {
    }
    %eq3A_100 = arith.constant 1 : i32
    %eq3A_101 = arith.cmpi eq, %arg0, %eq3A_100 : i32
    %convert_element_type3A_102 = arith.extui %eq3A_101 : i1 to i32
    %cond3A_103 = arith.constant 0 : i32
    %cond3A_104 = arith.cmpi ne, %convert_element_type3A_102, %cond3A_103 : i32
    scf.if %cond3A_104 {
      %lt3A_105 = arith.constant 15 : i32
      %lt3A_106 = arith.cmpi slt, %arg1, %lt3A_105 : i32
      %convert_element_type3A_107 = arith.extui %lt3A_106 : i1 to i32
      %cond3A_108 = arith.constant 0 : i32
      %cond3A_109 = arith.cmpi ne, %convert_element_type3A_107, %cond3A_108 : i32
      scf.if %cond3A_109 {
        %mul3A_115 = arith.constant 640 : i32
        %mul3A_116 = arith.muli %arg1, %mul3A_115 : i32
        "tpu.region"() ({
          %run_scoped3A = tpu.sem_alloc : memref<!tpu.dma_semaphore, #tpu.memory_space<semaphore_mem>>
          %dma_start3A_117 = arith.constant 0 : i32
          %dma_start3A_118 = tpu.memref_slice %arg6[%mul3A_116, %dma_start3A_117] : memref<10000x128xf32, #tpu.memory_space<hbm>> -> memref<640x128xf32, #tpu.memory_space<hbm>>
          %dma_start3A_119 = arith.constant 0 : i32
          %dma_start3A_120 = tpu.memref_slice %arg7[%mul3A_116, %dma_start3A_119] : memref<10000x128xf32, #tpu.memory_space<vmem_shared>> -> memref<640x128xf32, #tpu.memory_space<vmem_shared>>
          tpu.enqueue_dma source(%dma_start3A_120 : memref<640x128xf32, #tpu.memory_space<vmem_shared>>) target(%dma_start3A_118 : memref<640x128xf32, #tpu.memory_space<hbm>>) target_semaphore(%run_scoped3A : memref<!tpu.dma_semaphore, #tpu.memory_space<semaphore_mem>>)
          %dma_wait3A_121 = arith.constant 0 : i32
          %dma_wait3A_122 = tpu.memref_slice %arg6[%mul3A_116, %dma_wait3A_121] : memref<10000x128xf32, #tpu.memory_space<hbm>> -> memref<640x128xf32, #tpu.memory_space<hbm>>
          %dma_wait3A_123 = arith.constant 0 : i32
          %dma_wait3A_124 = tpu.memref_slice %arg7[%mul3A_116, %dma_wait3A_123] : memref<10000x128xf32, #tpu.memory_space<vmem_shared>> -> memref<640x128xf32, #tpu.memory_space<vmem_shared>>
          tpu.wait_dma2 semaphore(%run_scoped3A : memref<!tpu.dma_semaphore, #tpu.memory_space<semaphore_mem>>) src(%dma_wait3A_124 : memref<640x128xf32, #tpu.memory_space<vmem_shared>>) dst(%dma_wait3A_122 : memref<640x128xf32, #tpu.memory_space<hbm>>)
          tpu.yield
        }) : () -> ()
      } else {
      }
      %eq3A_110 = arith.constant 15 : i32
      %eq3A_111 = arith.cmpi eq, %arg1, %eq3A_110 : i32
      %convert_element_type3A_112 = arith.extui %eq3A_111 : i1 to i32
      %cond3A_113 = arith.constant 0 : i32
      %cond3A_114 = arith.cmpi ne, %convert_element_type3A_112, %cond3A_113 : i32
      scf.if %cond3A_114 {
        "tpu.region"() ({
          %run_scoped3A = tpu.sem_alloc : memref<!tpu.dma_semaphore, #tpu.memory_space<semaphore_mem>>
          %dma_start3A_115 = arith.constant 9600 : i32
          %dma_start3A_116 = arith.constant 0 : i32
          %dma_start3A_117 = tpu.memref_slice %arg6[%dma_start3A_115, %dma_start3A_116] : memref<10000x128xf32, #tpu.memory_space<hbm>> -> memref<400x128xf32, #tpu.memory_space<hbm>>
          %dma_start3A_118 = arith.constant 9600 : i32
          %dma_start3A_119 = arith.constant 0 : i32
          %dma_start3A_120 = tpu.memref_slice %arg7[%dma_start3A_118, %dma_start3A_119] : memref<10000x128xf32, #tpu.memory_space<vmem_shared>> -> memref<400x128xf32, #tpu.memory_space<vmem_shared>>
          tpu.enqueue_dma source(%dma_start3A_120 : memref<400x128xf32, #tpu.memory_space<vmem_shared>>) target(%dma_start3A_117 : memref<400x128xf32, #tpu.memory_space<hbm>>) target_semaphore(%run_scoped3A : memref<!tpu.dma_semaphore, #tpu.memory_space<semaphore_mem>>)
          %dma_wait3A_121 = arith.constant 9600 : i32
          %dma_wait3A_122 = arith.constant 0 : i32
          %dma_wait3A_123 = tpu.memref_slice %arg6[%dma_wait3A_121, %dma_wait3A_122] : memref<10000x128xf32, #tpu.memory_space<hbm>> -> memref<400x128xf32, #tpu.memory_space<hbm>>
          %dma_wait3A_124 = arith.constant 9600 : i32
          %dma_wait3A_125 = arith.constant 0 : i32
          %dma_wait3A_126 = tpu.memref_slice %arg7[%dma_wait3A_124, %dma_wait3A_125] : memref<10000x128xf32, #tpu.memory_space<vmem_shared>> -> memref<400x128xf32, #tpu.memory_space<vmem_shared>>
          tpu.wait_dma2 semaphore(%run_scoped3A : memref<!tpu.dma_semaphore, #tpu.memory_space<semaphore_mem>>) src(%dma_wait3A_126 : memref<400x128xf32, #tpu.memory_space<vmem_shared>>) dst(%dma_wait3A_123 : memref<400x128xf32, #tpu.memory_space<hbm>>)
          tpu.yield
        }) : () -> ()
      } else {
      }
    } else {
    }
    return
  }
}

#map = affine_map<(d0, d1) -> (0, 0)>
module attributes {stable_mosaic.version = 14 : i64} {
  func.func @body(%arg0: i32, %arg1: i32, %arg2: memref<10000x128xf32, #tpu.memory_space<hbm>>, %arg3: memref<2560x125xi32, #tpu.memory_space<hbm>>, %arg4: memref<2560x125xi32, #tpu.memory_space<hbm>>, %arg5: memref<10000x128xf32, #tpu.memory_space<hbm>>, %arg6: memref<10000x128xf32, #tpu.memory_space<hbm>>, %arg7: memref<10000x128xf32, #tpu.memory_space<vmem_shared>>, %arg8: memref<40x125xi32, #tpu.memory_space<vmem>>, %arg9: memref<40x125xi32, #tpu.memory_space<vmem>>, %arg10: memref<125x128xf32, #tpu.memory_space<vmem>>, %arg11: memref<125x128xf32, #tpu.memory_space<vmem>>, %arg12: memref<16x128xf32, #tpu.memory_space<vmem>>, %arg13: memref<!tpu.dma_semaphore, #tpu.memory_space<semaphore_mem>>, %arg14: memref<!tpu.dma_semaphore, #tpu.memory_space<semaphore_mem>>, %arg15: memref<!tpu.dma_semaphore, #tpu.memory_space<semaphore_mem>>, %arg16: memref<!tpu.dma_semaphore, #tpu.memory_space<semaphore_mem>>, %arg17: memref<!tpu.dma_semaphore, #tpu.memory_space<semaphore_mem>>) attributes {dimension_semantics = [#tpu.dimension_semantics<core_parallel>, #tpu.dimension_semantics<subcore_parallel>], iteration_bounds = array<i64: 2, 16>, scalar_prefetch = 0 : i64, scratch_operands = 11 : i64, tpu.core_type = #tpu.core_type<sc_vector_subcore>, window_params = [{transform_indices = #map}, {transform_indices = #map}, {transform_indices = #map}, {transform_indices = #map}, {transform_indices = #map}]} {
    %mul3A = arith.constant 16 : i32
    %mul3A_0 = arith.muli %arg0, %mul3A : i32
    %add3A = arith.addi %mul3A_0, %arg1 : i32
    %broadcast_in_dim3A = arith.constant 0.000000e+00 : f32
    %broadcast_in_dim3A_1 = vector.broadcast %broadcast_in_dim3A : f32 to vector<16xf32>
    %scan3A = arith.constant 0 : i32
    %scan3A_2 = arith.constant 128 : i32
    %scan3A_3 = arith.addi %scan3A, %scan3A_2 : i32
    %scan3A_4 = arith.constant 1 : i32
    scf.for %scan3A_105 = %scan3A to %scan3A_3 step %scan3A_4  : i32 {
      %jit3A = arith.constant 8 : i32
      %div3A = arith.divsi %scan3A_105, %jit3A : i32
      %sign3A = arith.constant 0 : i32
      %sign3A_106 = arith.cmpi sgt, %scan3A_105, %sign3A : i32
      %sign3A_107 = arith.extui %sign3A_106 : i1 to i32
      %sign3A_108 = arith.constant 0 : i32
      %sign3A_109 = arith.cmpi slt, %scan3A_105, %sign3A_108 : i32
      %sign3A_110 = arith.extui %sign3A_109 : i1 to i32
      %sign3A_111 = arith.subi %sign3A_107, %sign3A_110 : i32
      %sign3A_112 = arith.constant 0 : i32
      %sign3A_113 = arith.cmpi sgt, %jit3A, %sign3A_112 : i32
      %sign3A_114 = arith.extui %sign3A_113 : i1 to i32
      %sign3A_115 = arith.constant 0 : i32
      %sign3A_116 = arith.cmpi slt, %jit3A, %sign3A_115 : i32
      %sign3A_117 = arith.extui %sign3A_116 : i1 to i32
      %sign3A_118 = arith.subi %sign3A_114, %sign3A_117 : i32
      %ne3A = arith.cmpi ne, %sign3A_111, %sign3A_118 : i32
      %rem3A = arith.remsi %scan3A_105, %jit3A : i32
      %ne3A_119 = arith.constant 0 : i32
      %ne3A_120 = arith.cmpi ne, %rem3A, %ne3A_119 : i32
      %and3A = arith.andi %ne3A, %ne3A_120 : i1
      %sub3A = arith.constant 1 : i32
      %sub3A_121 = arith.subi %div3A, %sub3A : i32
      %select_n3A = arith.select %and3A, %sub3A_121, %div3A : i32
      %jit3A_122 = arith.constant 8 : i32
      %eq3A_123 = arith.constant 0 : i32
      %eq3A_124 = arith.cmpi eq, %jit3A_122, %eq3A_123 : i32
      %jit3A_125 = arith.constant 1 : i32
      %select_n3A_126 = arith.select %eq3A_124, %jit3A_125, %jit3A_122 : i32
      %rem3A_127 = arith.remsi %scan3A_105, %select_n3A_126 : i32
      %ne3A_128 = arith.constant 0 : i32
      %ne3A_129 = arith.cmpi ne, %rem3A_127, %ne3A_128 : i32
      %lt3A_130 = arith.constant 0 : i32
      %lt3A_131 = arith.cmpi slt, %rem3A_127, %lt3A_130 : i32
      %lt3A_132 = arith.constant 0 : i32
      %lt3A_133 = arith.cmpi slt, %select_n3A_126, %lt3A_132 : i32
      %ne3A_134 = arith.xori %lt3A_131, %lt3A_133 : i1
      %and3A_135 = arith.andi %ne3A_134, %ne3A_129 : i1
      %add3A_136 = arith.addi %rem3A_127, %select_n3A_126 : i32
      %select_n3A_137 = arith.select %and3A_135, %add3A_136, %rem3A_127 : i32
      %mul3A_138 = arith.constant 16 : i32
      %mul3A_139 = arith.muli %select_n3A_137, %mul3A_138 : i32
      %swap3A = arith.index_cast %select_n3A : i32 to index
      %swap3A_140 = arith.index_cast %mul3A_139 : i32 to index
      %swap3A_141 = tpu.vector_load %arg12[%swap3A, %swap3A_140] {strides = array<i32>} : memref<16x128xf32, #tpu.memory_space<vmem>>, vector<1x16xf32>,
      %swap3A_142 = vector.shape_cast %swap3A_141 : vector<1x16xf32> to vector<16xf32>
      %swap3A_143 = vector.shape_cast %broadcast_in_dim3A_1 : vector<16xf32> to vector<1x16xf32>
      tpu.vector_store %arg12[%swap3A, %swap3A_140], %swap3A_143 {strides = array<i32>} : memref<16x128xf32, #tpu.memory_space<vmem>>, vector<1x16xf32>,
    }
    %scan3A_5 = arith.constant 128 : i32
    %lt3A = arith.constant 15 : i32
    %lt3A_6 = arith.cmpi slt, %arg1, %lt3A : i32
    %convert_element_type3A = arith.extui %lt3A_6 : i1 to i32
    %cond3A = arith.constant 0 : i32
    %cond3A_7 = arith.cmpi ne, %convert_element_type3A, %cond3A : i32
    scf.if %cond3A_7 {
      %mul3A_105 = arith.constant 640 : i32
      %mul3A_106 = arith.muli %arg1, %mul3A_105 : i32
      %scan3A_107 = arith.constant 0 : i32
      %scan3A_108 = arith.constant 40 : i32
      %scan3A_109 = arith.addi %scan3A_107, %scan3A_108 : i32
      %scan3A_110 = arith.constant 1 : i32
      scf.for %scan3A_112 = %scan3A_107 to %scan3A_109 step %scan3A_110  : i32 {
        %mul3A_113 = arith.constant 16 : i32
        %mul3A_114 = arith.muli %scan3A_112, %mul3A_113 : i32
        %add3A_115 = arith.addi %mul3A_106, %mul3A_114 : i32
        %dma_start3A_116 = arith.constant 0 : i32
        %dma_start3A_117 = tpu.memref_slice %arg7[%add3A_115, %dma_start3A_116] : memref<10000x128xf32, #tpu.memory_space<vmem_shared>> -> memref<16x128xf32, #tpu.memory_space<vmem_shared>>
        %dma_start3A_118 = arith.constant 0 : i32
        %dma_start3A_119 = tpu.memref_slice %arg7[%add3A_115, %dma_start3A_118] : memref<10000x128xf32, #tpu.memory_space<vmem_shared>> -> memref<16x128xf32, #tpu.memory_space<vmem_shared>>
        tpu.enqueue_dma source(%arg12 : memref<16x128xf32, #tpu.memory_space<vmem>>) target(%dma_start3A_119 : memref<16x128xf32, #tpu.memory_space<vmem_shared>>) target_semaphore(%arg17 : memref<!tpu.dma_semaphore, #tpu.memory_space<semaphore_mem>>)
      }
      %scan3A_111 = arith.constant 40 : i32
    } else {
    }
    %eq3A = arith.constant 15 : i32
    %eq3A_8 = arith.cmpi eq, %arg1, %eq3A : i32
    %convert_element_type3A_9 = arith.extui %eq3A_8 : i1 to i32
    %cond3A_10 = arith.constant 0 : i32
    %cond3A_11 = arith.cmpi ne, %convert_element_type3A_9, %cond3A_10 : i32
    scf.if %cond3A_11 {
      %scan3A_105 = arith.constant 0 : i32
      %scan3A_106 = arith.constant 25 : i32
      %scan3A_107 = arith.addi %scan3A_105, %scan3A_106 : i32
      %scan3A_108 = arith.constant 1 : i32
      scf.for %scan3A_110 = %scan3A_105 to %scan3A_107 step %scan3A_108  : i32 {
        %mul3A_111 = arith.constant 16 : i32
        %mul3A_112 = arith.muli %scan3A_110, %mul3A_111 : i32
        %add3A_113 = arith.constant 9600 : i32
        %add3A_114 = arith.addi %add3A_113, %mul3A_112 : i32
        %dma_start3A_115 = arith.constant 0 : i32
        %dma_start3A_116 = tpu.memref_slice %arg7[%add3A_114, %dma_start3A_115] : memref<10000x128xf32, #tpu.memory_space<vmem_shared>> -> memref<16x128xf32, #tpu.memory_space<vmem_shared>>
        %dma_start3A_117 = arith.constant 0 : i32
        %dma_start3A_118 = tpu.memref_slice %arg7[%add3A_114, %dma_start3A_117] : memref<10000x128xf32, #tpu.memory_space<vmem_shared>> -> memref<16x128xf32, #tpu.memory_space<vmem_shared>>
        tpu.enqueue_dma source(%arg12 : memref<16x128xf32, #tpu.memory_space<vmem>>) target(%dma_start3A_118 : memref<16x128xf32, #tpu.memory_space<vmem_shared>>) target_semaphore(%arg17 : memref<!tpu.dma_semaphore, #tpu.memory_space<semaphore_mem>>)
      }
      %scan3A_109 = arith.constant 25 : i32
    } else {
    }
    %mul3A_12 = arith.constant 80 : i32
    %mul3A_13 = arith.muli %add3A, %mul3A_12 : i32
    %add3A_14 = arith.constant 0 : i32
    %add3A_15 = arith.addi %mul3A_13, %add3A_14 : i32
    "tpu.region"() ({
      %run_scoped3A = tpu.sem_alloc : memref<!tpu.dma_semaphore, #tpu.memory_space<semaphore_mem>>
      %dma_start3A_105 = arith.constant 0 : i32
      %dma_start3A_106 = tpu.memref_slice %arg3[%add3A_15, %dma_start3A_105] : memref<2560x125xi32, #tpu.memory_space<hbm>> -> memref<40x125xi32, #tpu.memory_space<hbm>>
      %dma_start3A_107 = arith.constant 0 : i32
      %dma_start3A_108 = tpu.memref_slice %arg3[%add3A_15, %dma_start3A_107] : memref<2560x125xi32, #tpu.memory_space<hbm>> -> memref<40x125xi32, #tpu.memory_space<hbm>>
      tpu.enqueue_dma source(%dma_start3A_108 : memref<40x125xi32, #tpu.memory_space<hbm>>) target(%arg8 : memref<40x125xi32, #tpu.memory_space<vmem>>) target_semaphore(%run_scoped3A : memref<!tpu.dma_semaphore, #tpu.memory_space<semaphore_mem>>)
      %dma_wait3A_109 = arith.constant 0 : i32
      %dma_wait3A_110 = tpu.memref_slice %arg3[%add3A_15, %dma_wait3A_109] : memref<2560x125xi32, #tpu.memory_space<hbm>> -> memref<40x125xi32, #tpu.memory_space<hbm>>
      %dma_wait3A_111 = arith.constant 0 : i32
      %dma_wait3A_112 = tpu.memref_slice %arg3[%add3A_15, %dma_wait3A_111] : memref<2560x125xi32, #tpu.memory_space<hbm>> -> memref<40x125xi32, #tpu.memory_space<hbm>>
      tpu.wait_dma2 semaphore(%run_scoped3A : memref<!tpu.dma_semaphore, #tpu.memory_space<semaphore_mem>>) src(%dma_wait3A_112 : memref<40x125xi32, #tpu.memory_space<hbm>>) dst(%arg8 : memref<40x125xi32, #tpu.memory_space<vmem>>)
      tpu.yield
    }) : () -> ()
    "tpu.region"() ({
      %run_scoped3A = tpu.sem_alloc : memref<!tpu.dma_semaphore, #tpu.memory_space<semaphore_mem>>
      %dma_start3A_105 = arith.constant 0 : i32
      %dma_start3A_106 = tpu.memref_slice %arg4[%add3A_15, %dma_start3A_105] : memref<2560x125xi32, #tpu.memory_space<hbm>> -> memref<40x125xi32, #tpu.memory_space<hbm>>
      %dma_start3A_107 = arith.constant 0 : i32
      %dma_start3A_108 = tpu.memref_slice %arg4[%add3A_15, %dma_start3A_107] : memref<2560x125xi32, #tpu.memory_space<hbm>> -> memref<40x125xi32, #tpu.memory_space<hbm>>
      tpu.enqueue_dma source(%dma_start3A_108 : memref<40x125xi32, #tpu.memory_space<hbm>>) target(%arg9 : memref<40x125xi32, #tpu.memory_space<vmem>>) target_semaphore(%run_scoped3A : memref<!tpu.dma_semaphore, #tpu.memory_space<semaphore_mem>>)
      %dma_wait3A_109 = arith.constant 0 : i32
      %dma_wait3A_110 = tpu.memref_slice %arg4[%add3A_15, %dma_wait3A_109] : memref<2560x125xi32, #tpu.memory_space<hbm>> -> memref<40x125xi32, #tpu.memory_space<hbm>>
      %dma_wait3A_111 = arith.constant 0 : i32
      %dma_wait3A_112 = tpu.memref_slice %arg4[%add3A_15, %dma_wait3A_111] : memref<2560x125xi32, #tpu.memory_space<hbm>> -> memref<40x125xi32, #tpu.memory_space<hbm>>
      tpu.wait_dma2 semaphore(%run_scoped3A : memref<!tpu.dma_semaphore, #tpu.memory_space<semaphore_mem>>) src(%dma_wait3A_112 : memref<40x125xi32, #tpu.memory_space<hbm>>) dst(%arg9 : memref<40x125xi32, #tpu.memory_space<vmem>>)
      tpu.yield
    }) : () -> ()
    %dma_start3A = arith.constant 0 : i32
    %dma_start3A_16 = arith.constant 0 : i32
    %dma_start3A_17 = tpu.memref_slice %arg8[%dma_start3A, %dma_start3A_16] : memref<40x125xi32, #tpu.memory_space<vmem>> -> memref<1x125xi32, #tpu.memory_space<vmem>>
    %dma_start3A_18 = tpu.memref_squeeze %dma_start3A_17 : memref<1x125xi32, #tpu.memory_space<vmem>> -> memref<125xi32, #tpu.memory_space<vmem>>
    %dma_start3A_19 = arith.constant 0 : i32
    %dma_start3A_20 = arith.constant 0 : i32
    %dma_start3A_21 = tpu.memref_slice %arg2[%dma_start3A_19, %dma_start3A_20] : memref<10000x128xf32, #tpu.memory_space<hbm>> -> memref<10000x128xf32, #tpu.memory_space<hbm>>
    tpu.enqueue_indirect_dma source(%dma_start3A_21 : memref<10000x128xf32, #tpu.memory_space<hbm>>) target(%arg10 : memref<125x128xf32, #tpu.memory_space<vmem>>) offsets(%dma_start3A_18 : memref<125xi32, #tpu.memory_space<vmem>>) semaphore(%arg13 : memref<!tpu.dma_semaphore, #tpu.memory_space<semaphore_mem>>)
    %dma_start3A_22 = arith.constant 1 : i32
    %dma_start3A_23 = arith.constant 0 : i32
    %dma_start3A_24 = tpu.memref_slice %arg8[%dma_start3A_22, %dma_start3A_23] : memref<40x125xi32, #tpu.memory_space<vmem>> -> memref<1x125xi32, #tpu.memory_space<vmem>>
    %dma_start3A_25 = tpu.memref_squeeze %dma_start3A_24 : memref<1x125xi32, #tpu.memory_space<vmem>> -> memref<125xi32, #tpu.memory_space<vmem>>
    %dma_start3A_26 = arith.constant 0 : i32
    %dma_start3A_27 = arith.constant 0 : i32
    %dma_start3A_28 = tpu.memref_slice %arg2[%dma_start3A_26, %dma_start3A_27] : memref<10000x128xf32, #tpu.memory_space<hbm>> -> memref<10000x128xf32, #tpu.memory_space<hbm>>
    tpu.enqueue_indirect_dma source(%dma_start3A_28 : memref<10000x128xf32, #tpu.memory_space<hbm>>) target(%arg11 : memref<125x128xf32, #tpu.memory_space<vmem>>) offsets(%dma_start3A_25 : memref<125xi32, #tpu.memory_space<vmem>>) semaphore(%arg14 : memref<!tpu.dma_semaphore, #tpu.memory_space<semaphore_mem>>)
    %lt3A_29 = arith.constant 15 : i32
    %lt3A_30 = arith.cmpi slt, %arg1, %lt3A_29 : i32
    %convert_element_type3A_31 = arith.extui %lt3A_30 : i1 to i32
    %cond3A_32 = arith.constant 0 : i32
    %cond3A_33 = arith.cmpi ne, %convert_element_type3A_31, %cond3A_32 : i32
    scf.if %cond3A_33 {
      %mul3A_105 = arith.constant 640 : i32
      %mul3A_106 = arith.muli %arg1, %mul3A_105 : i32
      %scan3A_107 = arith.constant 0 : i32
      %scan3A_108 = arith.constant 40 : i32
      %scan3A_109 = arith.addi %scan3A_107, %scan3A_108 : i32
      %scan3A_110 = arith.constant 1 : i32
      scf.for %scan3A_112 = %scan3A_107 to %scan3A_109 step %scan3A_110  : i32 {
        %dma_wait3A_113 = arith.constant 0 : i32
        %dma_wait3A_114 = tpu.memref_slice %arg7[%mul3A_106, %dma_wait3A_113] : memref<10000x128xf32, #tpu.memory_space<vmem_shared>> -> memref<16x128xf32, #tpu.memory_space<vmem_shared>>
        %dma_wait3A_115 = arith.constant 0 : i32
        %dma_wait3A_116 = tpu.memref_slice %arg7[%mul3A_106, %dma_wait3A_115] : memref<10000x128xf32, #tpu.memory_space<vmem_shared>> -> memref<16x128xf32, #tpu.memory_space<vmem_shared>>
        tpu.wait_dma2 semaphore(%arg17 : memref<!tpu.dma_semaphore, #tpu.memory_space<semaphore_mem>>) src(%arg12 : memref<16x128xf32, #tpu.memory_space<vmem>>) dst(%dma_wait3A_116 : memref<16x128xf32, #tpu.memory_space<vmem_shared>>)
      }
      %scan3A_111 = arith.constant 40 : i32
    } else {
    }
    %eq3A_34 = arith.constant 15 : i32
    %eq3A_35 = arith.cmpi eq, %arg1, %eq3A_34 : i32
    %convert_element_type3A_36 = arith.extui %eq3A_35 : i1 to i32
    %cond3A_37 = arith.constant 0 : i32
    %cond3A_38 = arith.cmpi ne, %convert_element_type3A_36, %cond3A_37 : i32
    scf.if %cond3A_38 {
      %scan3A_105 = arith.constant 0 : i32
      %scan3A_106 = arith.constant 25 : i32
      %scan3A_107 = arith.addi %scan3A_105, %scan3A_106 : i32
      %scan3A_108 = arith.constant 1 : i32
      scf.for %scan3A_110 = %scan3A_105 to %scan3A_107 step %scan3A_108  : i32 {
        %dma_wait3A_111 = arith.constant 9600 : i32
        %dma_wait3A_112 = arith.constant 0 : i32
        %dma_wait3A_113 = tpu.memref_slice %arg7[%dma_wait3A_111, %dma_wait3A_112] : memref<10000x128xf32, #tpu.memory_space<vmem_shared>> -> memref<16x128xf32, #tpu.memory_space<vmem_shared>>
        %dma_wait3A_114 = arith.constant 9600 : i32
        %dma_wait3A_115 = arith.constant 0 : i32
        %dma_wait3A_116 = tpu.memref_slice %arg7[%dma_wait3A_114, %dma_wait3A_115] : memref<10000x128xf32, #tpu.memory_space<vmem_shared>> -> memref<16x128xf32, #tpu.memory_space<vmem_shared>>
        tpu.wait_dma2 semaphore(%arg17 : memref<!tpu.dma_semaphore, #tpu.memory_space<semaphore_mem>>) src(%arg12 : memref<16x128xf32, #tpu.memory_space<vmem>>) dst(%dma_wait3A_116 : memref<16x128xf32, #tpu.memory_space<vmem_shared>>)
      }
      %scan3A_109 = arith.constant 25 : i32
    } else {
    }
    %barrier3A = arith.constant 0 : index
    tpu.barrier barrier_id(%barrier3A)
    %scan3A_39 = arith.constant 0 : i32
    %scan3A_40 = arith.constant 20 : i32
    %scan3A_41 = arith.addi %scan3A_39, %scan3A_40 : i32
    %scan3A_42 = arith.constant 1 : i32
    scf.for %scan3A_105 = %scan3A_39 to %scan3A_41 step %scan3A_42  : i32 {
      %mul3A_106 = arith.constant 2 : i32
      %mul3A_107 = arith.muli %mul3A_106, %scan3A_105 : i32
      %add3A_108 = arith.constant 0 : i32
      %add3A_109 = arith.addi %mul3A_107, %add3A_108 : i32
      %dma_wait3A_110 = arith.constant 0 : i32
      %dma_wait3A_111 = arith.constant 0 : i32
      %dma_wait3A_112 = tpu.memref_slice %arg8[%dma_wait3A_110, %dma_wait3A_111] : memref<40x125xi32, #tpu.memory_space<vmem>> -> memref<1x125xi32, #tpu.memory_space<vmem>>
      %dma_wait3A_113 = tpu.memref_squeeze %dma_wait3A_112 : memref<1x125xi32, #tpu.memory_space<vmem>> -> memref<125xi32, #tpu.memory_space<vmem>>
      %dma_wait3A_114 = arith.constant 0 : i32
      %dma_wait3A_115 = arith.constant 0 : i32
      %dma_wait3A_116 = tpu.memref_slice %arg2[%dma_wait3A_114, %dma_wait3A_115] : memref<10000x128xf32, #tpu.memory_space<hbm>> -> memref<10000x128xf32, #tpu.memory_space<hbm>>
      tpu.wait_indirect_dma semaphore(%arg13 : memref<!tpu.dma_semaphore, #tpu.memory_space<semaphore_mem>>) src(%dma_wait3A_116 : memref<10000x128xf32, #tpu.memory_space<hbm>>) dst(%arg10 : memref<125x128xf32, #tpu.memory_space<vmem>>)
      %dma_start3A_117 = arith.constant 0 : i32
      %dma_start3A_118 = tpu.memref_slice %arg9[%add3A_109, %dma_start3A_117] : memref<40x125xi32, #tpu.memory_space<vmem>> -> memref<1x125xi32, #tpu.memory_space<vmem>>
      %dma_start3A_119 = tpu.memref_squeeze %dma_start3A_118 : memref<1x125xi32, #tpu.memory_space<vmem>> -> memref<125xi32, #tpu.memory_space<vmem>>
      %dma_start3A_120 = arith.constant 0 : i32
      %dma_start3A_121 = arith.constant 0 : i32
      %dma_start3A_122 = tpu.memref_slice %arg7[%dma_start3A_120, %dma_start3A_121] : memref<10000x128xf32, #tpu.memory_space<vmem_shared>> -> memref<10000x128xf32, #tpu.memory_space<vmem_shared>>
      tpu.enqueue_indirect_dma source(%arg10 : memref<125x128xf32, #tpu.memory_space<vmem>>) target(%dma_start3A_122 : memref<10000x128xf32, #tpu.memory_space<vmem_shared>>) offsets(%dma_start3A_119 : memref<125xi32, #tpu.memory_space<vmem>>) semaphore(%arg15 : memref<!tpu.dma_semaphore, #tpu.memory_space<semaphore_mem>>) {add = true}
      %mul3A_123 = arith.constant 2 : i32
      %mul3A_124 = arith.muli %mul3A_123, %scan3A_105 : i32
      %add3A_125 = arith.constant 1 : i32
      %add3A_126 = arith.addi %mul3A_124, %add3A_125 : i32
      %dma_wait3A_127 = arith.constant 0 : i32
      %dma_wait3A_128 = arith.constant 0 : i32
      %dma_wait3A_129 = tpu.memref_slice %arg8[%dma_wait3A_127, %dma_wait3A_128] : memref<40x125xi32, #tpu.memory_space<vmem>> -> memref<1x125xi32, #tpu.memory_space<vmem>>
      %dma_wait3A_130 = tpu.memref_squeeze %dma_wait3A_129 : memref<1x125xi32, #tpu.memory_space<vmem>> -> memref<125xi32, #tpu.memory_space<vmem>>
      %dma_wait3A_131 = arith.constant 0 : i32
      %dma_wait3A_132 = arith.constant 0 : i32
      %dma_wait3A_133 = tpu.memref_slice %arg2[%dma_wait3A_131, %dma_wait3A_132] : memref<10000x128xf32, #tpu.memory_space<hbm>> -> memref<10000x128xf32, #tpu.memory_space<hbm>>
      tpu.wait_indirect_dma semaphore(%arg14 : memref<!tpu.dma_semaphore, #tpu.memory_space<semaphore_mem>>) src(%dma_wait3A_133 : memref<10000x128xf32, #tpu.memory_space<hbm>>) dst(%arg11 : memref<125x128xf32, #tpu.memory_space<vmem>>)
      %dma_start3A_134 = arith.constant 0 : i32
      %dma_start3A_135 = tpu.memref_slice %arg9[%add3A_126, %dma_start3A_134] : memref<40x125xi32, #tpu.memory_space<vmem>> -> memref<1x125xi32, #tpu.memory_space<vmem>>
      %dma_start3A_136 = tpu.memref_squeeze %dma_start3A_135 : memref<1x125xi32, #tpu.memory_space<vmem>> -> memref<125xi32, #tpu.memory_space<vmem>>
      %dma_start3A_137 = arith.constant 0 : i32
      %dma_start3A_138 = arith.constant 0 : i32
      %dma_start3A_139 = tpu.memref_slice %arg7[%dma_start3A_137, %dma_start3A_138] : memref<10000x128xf32, #tpu.memory_space<vmem_shared>> -> memref<10000x128xf32, #tpu.memory_space<vmem_shared>>
      tpu.enqueue_indirect_dma source(%arg11 : memref<125x128xf32, #tpu.memory_space<vmem>>) target(%dma_start3A_139 : memref<10000x128xf32, #tpu.memory_space<vmem_shared>>) offsets(%dma_start3A_136 : memref<125xi32, #tpu.memory_space<vmem>>) semaphore(%arg16 : memref<!tpu.dma_semaphore, #tpu.memory_space<semaphore_mem>>) {add = true}
      %mul3A_140 = arith.constant 2 : i32
      %mul3A_141 = arith.muli %mul3A_140, %scan3A_105 : i32
      %add3A_142 = arith.constant 0 : i32
      %add3A_143 = arith.addi %mul3A_141, %add3A_142 : i32
      %add3A_144 = arith.constant 2 : i32
      %add3A_145 = arith.addi %add3A_143, %add3A_144 : i32
      %lt3A_146 = arith.constant 40 : i32
      %lt3A_147 = arith.cmpi slt, %add3A_145, %lt3A_146 : i32
      %convert_element_type3A_148 = arith.extui %lt3A_147 : i1 to i32
      %cond3A_149 = arith.constant 0 : i32
      %cond3A_150 = arith.cmpi ne, %convert_element_type3A_148, %cond3A_149 : i32
      scf.if %cond3A_150 {
        %dma_wait3A_162 = arith.constant 0 : i32
        %dma_wait3A_163 = arith.constant 0 : i32
        %dma_wait3A_164 = tpu.memref_slice %arg9[%dma_wait3A_162, %dma_wait3A_163] : memref<40x125xi32, #tpu.memory_space<vmem>> -> memref<1x125xi32, #tpu.memory_space<vmem>>
        %dma_wait3A_165 = tpu.memref_squeeze %dma_wait3A_164 : memref<1x125xi32, #tpu.memory_space<vmem>> -> memref<125xi32, #tpu.memory_space<vmem>>
        %dma_wait3A_166 = arith.constant 0 : i32
        %dma_wait3A_167 = arith.constant 0 : i32
        %dma_wait3A_168 = tpu.memref_slice %arg7[%dma_wait3A_166, %dma_wait3A_167] : memref<10000x128xf32, #tpu.memory_space<vmem_shared>> -> memref<10000x128xf32, #tpu.memory_space<vmem_shared>>
        tpu.wait_indirect_dma semaphore(%arg15 : memref<!tpu.dma_semaphore, #tpu.memory_space<semaphore_mem>>) src(%arg10 : memref<125x128xf32, #tpu.memory_space<vmem>>) dst(%dma_wait3A_168 : memref<10000x128xf32, #tpu.memory_space<vmem_shared>>)
        %add3A_169 = arith.constant 2 : i32
        %add3A_170 = arith.addi %add3A_143, %add3A_169 : i32
        %dma_start3A_171 = arith.constant 0 : i32
        %dma_start3A_172 = tpu.memref_slice %arg8[%add3A_170, %dma_start3A_171] : memref<40x125xi32, #tpu.memory_space<vmem>> -> memref<1x125xi32, #tpu.memory_space<vmem>>
        %dma_start3A_173 = tpu.memref_squeeze %dma_start3A_172 : memref<1x125xi32, #tpu.memory_space<vmem>> -> memref<125xi32, #tpu.memory_space<vmem>>
        %dma_start3A_174 = arith.constant 0 : i32
        %dma_start3A_175 = arith.constant 0 : i32
        %dma_start3A_176 = tpu.memref_slice %arg2[%dma_start3A_174, %dma_start3A_175] : memref<10000x128xf32, #tpu.memory_space<hbm>> -> memref<10000x128xf32, #tpu.memory_space<hbm>>
        tpu.enqueue_indirect_dma source(%dma_start3A_176 : memref<10000x128xf32, #tpu.memory_space<hbm>>) target(%arg10 : memref<125x128xf32, #tpu.memory_space<vmem>>) offsets(%dma_start3A_173 : memref<125xi32, #tpu.memory_space<vmem>>) semaphore(%arg13 : memref<!tpu.dma_semaphore, #tpu.memory_space<semaphore_mem>>)
      } else {
      }
      %mul3A_151 = arith.constant 2 : i32
      %mul3A_152 = arith.muli %mul3A_151, %scan3A_105 : i32
      %add3A_153 = arith.constant 1 : i32
      %add3A_154 = arith.addi %mul3A_152, %add3A_153 : i32
      %add3A_155 = arith.constant 2 : i32
      %add3A_156 = arith.addi %add3A_154, %add3A_155 : i32
      %lt3A_157 = arith.constant 40 : i32
      %lt3A_158 = arith.cmpi slt, %add3A_156, %lt3A_157 : i32
      %convert_element_type3A_159 = arith.extui %lt3A_158 : i1 to i32
      %cond3A_160 = arith.constant 0 : i32
      %cond3A_161 = arith.cmpi ne, %convert_element_type3A_159, %cond3A_160 : i32
      scf.if %cond3A_161 {
        %dma_wait3A_162 = arith.constant 0 : i32
        %dma_wait3A_163 = arith.constant 0 : i32
        %dma_wait3A_164 = tpu.memref_slice %arg9[%dma_wait3A_162, %dma_wait3A_163] : memref<40x125xi32, #tpu.memory_space<vmem>> -> memref<1x125xi32, #tpu.memory_space<vmem>>
        %dma_wait3A_165 = tpu.memref_squeeze %dma_wait3A_164 : memref<1x125xi32, #tpu.memory_space<vmem>> -> memref<125xi32, #tpu.memory_space<vmem>>
        %dma_wait3A_166 = arith.constant 0 : i32
        %dma_wait3A_167 = arith.constant 0 : i32
        %dma_wait3A_168 = tpu.memref_slice %arg7[%dma_wait3A_166, %dma_wait3A_167] : memref<10000x128xf32, #tpu.memory_space<vmem_shared>> -> memref<10000x128xf32, #tpu.memory_space<vmem_shared>>
        tpu.wait_indirect_dma semaphore(%arg16 : memref<!tpu.dma_semaphore, #tpu.memory_space<semaphore_mem>>) src(%arg11 : memref<125x128xf32, #tpu.memory_space<vmem>>) dst(%dma_wait3A_168 : memref<10000x128xf32, #tpu.memory_space<vmem_shared>>)
        %add3A_169 = arith.constant 2 : i32
        %add3A_170 = arith.addi %add3A_154, %add3A_169 : i32
        %dma_start3A_171 = arith.constant 0 : i32
        %dma_start3A_172 = tpu.memref_slice %arg8[%add3A_170, %dma_start3A_171] : memref<40x125xi32, #tpu.memory_space<vmem>> -> memref<1x125xi32, #tpu.memory_space<vmem>>
        %dma_start3A_173 = tpu.memref_squeeze %dma_start3A_172 : memref<1x125xi32, #tpu.memory_space<vmem>> -> memref<125xi32, #tpu.memory_space<vmem>>
        %dma_start3A_174 = arith.constant 0 : i32
        %dma_start3A_175 = arith.constant 0 : i32
        %dma_start3A_176 = tpu.memref_slice %arg2[%dma_start3A_174, %dma_start3A_175] : memref<10000x128xf32, #tpu.memory_space<hbm>> -> memref<10000x128xf32, #tpu.memory_space<hbm>>
        tpu.enqueue_indirect_dma source(%dma_start3A_176 : memref<10000x128xf32, #tpu.memory_space<hbm>>) target(%arg11 : memref<125x128xf32, #tpu.memory_space<vmem>>) offsets(%dma_start3A_173 : memref<125xi32, #tpu.memory_space<vmem>>) semaphore(%arg14 : memref<!tpu.dma_semaphore, #tpu.memory_space<semaphore_mem>>)
      } else {
      }
    }
    %scan3A_43 = arith.constant 20 : i32
    %dma_wait3A = arith.constant 0 : i32
    %dma_wait3A_44 = arith.constant 0 : i32
    %dma_wait3A_45 = tpu.memref_slice %arg9[%dma_wait3A, %dma_wait3A_44] : memref<40x125xi32, #tpu.memory_space<vmem>> -> memref<1x125xi32, #tpu.memory_space<vmem>>
    %dma_wait3A_46 = tpu.memref_squeeze %dma_wait3A_45 : memref<1x125xi32, #tpu.memory_space<vmem>> -> memref<125xi32, #tpu.memory_space<vmem>>
    %dma_wait3A_47 = arith.constant 0 : i32
    %dma_wait3A_48 = arith.constant 0 : i32
    %dma_wait3A_49 = tpu.memref_slice %arg7[%dma_wait3A_47, %dma_wait3A_48] : memref<10000x128xf32, #tpu.memory_space<vmem_shared>> -> memref<10000x128xf32, #tpu.memory_space<vmem_shared>>
    tpu.wait_indirect_dma semaphore(%arg15 : memref<!tpu.dma_semaphore, #tpu.memory_space<semaphore_mem>>) src(%arg10 : memref<125x128xf32, #tpu.memory_space<vmem>>) dst(%dma_wait3A_49 : memref<10000x128xf32, #tpu.memory_space<vmem_shared>>)
    %dma_wait3A_50 = arith.constant 0 : i32
    %dma_wait3A_51 = arith.constant 0 : i32
    %dma_wait3A_52 = tpu.memref_slice %arg9[%dma_wait3A_50, %dma_wait3A_51] : memref<40x125xi32, #tpu.memory_space<vmem>> -> memref<1x125xi32, #tpu.memory_space<vmem>>
    %dma_wait3A_53 = tpu.memref_squeeze %dma_wait3A_52 : memref<1x125xi32, #tpu.memory_space<vmem>> -> memref<125xi32, #tpu.memory_space<vmem>>
    %dma_wait3A_54 = arith.constant 0 : i32
    %dma_wait3A_55 = arith.constant 0 : i32
    %dma_wait3A_56 = tpu.memref_slice %arg7[%dma_wait3A_54, %dma_wait3A_55] : memref<10000x128xf32, #tpu.memory_space<vmem_shared>> -> memref<10000x128xf32, #tpu.memory_space<vmem_shared>>
    tpu.wait_indirect_dma semaphore(%arg16 : memref<!tpu.dma_semaphore, #tpu.memory_space<semaphore_mem>>) src(%arg11 : memref<125x128xf32, #tpu.memory_space<vmem>>) dst(%dma_wait3A_56 : memref<10000x128xf32, #tpu.memory_space<vmem_shared>>)
    %mul3A_57 = arith.constant 80 : i32
    %mul3A_58 = arith.muli %add3A, %mul3A_57 : i32
    %add3A_59 = arith.constant 40 : i32
    %add3A_60 = arith.addi %mul3A_58, %add3A_59 : i32
    "tpu.region"() ({
      %run_scoped3A = tpu.sem_alloc : memref<!tpu.dma_semaphore, #tpu.memory_space<semaphore_mem>>
      %dma_start3A_105 = arith.constant 0 : i32
      %dma_start3A_106 = tpu.memref_slice %arg3[%add3A_60, %dma_start3A_105] : memref<2560x125xi32, #tpu.memory_space<hbm>> -> memref<40x125xi32, #tpu.memory_space<hbm>>
      %dma_start3A_107 = arith.constant 0 : i32
      %dma_start3A_108 = tpu.memref_slice %arg3[%add3A_60, %dma_start3A_107] : memref<2560x125xi32, #tpu.memory_space<hbm>> -> memref<40x125xi32, #tpu.memory_space<hbm>>
      tpu.enqueue_dma source(%dma_start3A_108 : memref<40x125xi32, #tpu.memory_space<hbm>>) target(%arg8 : memref<40x125xi32, #tpu.memory_space<vmem>>) target_semaphore(%run_scoped3A : memref<!tpu.dma_semaphore, #tpu.memory_space<semaphore_mem>>)
      %dma_wait3A_109 = arith.constant 0 : i32
      %dma_wait3A_110 = tpu.memref_slice %arg3[%add3A_60, %dma_wait3A_109] : memref<2560x125xi32, #tpu.memory_space<hbm>> -> memref<40x125xi32, #tpu.memory_space<hbm>>
      %dma_wait3A_111 = arith.constant 0 : i32
      %dma_wait3A_112 = tpu.memref_slice %arg3[%add3A_60, %dma_wait3A_111] : memref<2560x125xi32, #tpu.memory_space<hbm>> -> memref<40x125xi32, #tpu.memory_space<hbm>>
      tpu.wait_dma2 semaphore(%run_scoped3A : memref<!tpu.dma_semaphore, #tpu.memory_space<semaphore_mem>>) src(%dma_wait3A_112 : memref<40x125xi32, #tpu.memory_space<hbm>>) dst(%arg8 : memref<40x125xi32, #tpu.memory_space<vmem>>)
      tpu.yield
    }) : () -> ()
    "tpu.region"() ({
      %run_scoped3A = tpu.sem_alloc : memref<!tpu.dma_semaphore, #tpu.memory_space<semaphore_mem>>
      %dma_start3A_105 = arith.constant 0 : i32
      %dma_start3A_106 = tpu.memref_slice %arg4[%add3A_60, %dma_start3A_105] : memref<2560x125xi32, #tpu.memory_space<hbm>> -> memref<40x125xi32, #tpu.memory_space<hbm>>
      %dma_start3A_107 = arith.constant 0 : i32
      %dma_start3A_108 = tpu.memref_slice %arg4[%add3A_60, %dma_start3A_107] : memref<2560x125xi32, #tpu.memory_space<hbm>> -> memref<40x125xi32, #tpu.memory_space<hbm>>
      tpu.enqueue_dma source(%dma_start3A_108 : memref<40x125xi32, #tpu.memory_space<hbm>>) target(%arg9 : memref<40x125xi32, #tpu.memory_space<vmem>>) target_semaphore(%run_scoped3A : memref<!tpu.dma_semaphore, #tpu.memory_space<semaphore_mem>>)
      %dma_wait3A_109 = arith.constant 0 : i32
      %dma_wait3A_110 = tpu.memref_slice %arg4[%add3A_60, %dma_wait3A_109] : memref<2560x125xi32, #tpu.memory_space<hbm>> -> memref<40x125xi32, #tpu.memory_space<hbm>>
      %dma_wait3A_111 = arith.constant 0 : i32
      %dma_wait3A_112 = tpu.memref_slice %arg4[%add3A_60, %dma_wait3A_111] : memref<2560x125xi32, #tpu.memory_space<hbm>> -> memref<40x125xi32, #tpu.memory_space<hbm>>
      tpu.wait_dma2 semaphore(%run_scoped3A : memref<!tpu.dma_semaphore, #tpu.memory_space<semaphore_mem>>) src(%dma_wait3A_112 : memref<40x125xi32, #tpu.memory_space<hbm>>) dst(%arg9 : memref<40x125xi32, #tpu.memory_space<vmem>>)
      tpu.yield
    }) : () -> ()
    %dma_start3A_61 = arith.constant 0 : i32
    %dma_start3A_62 = arith.constant 0 : i32
    %dma_start3A_63 = tpu.memref_slice %arg8[%dma_start3A_61, %dma_start3A_62] : memref<40x125xi32, #tpu.memory_space<vmem>> -> memref<1x125xi32, #tpu.memory_space<vmem>>
    %dma_start3A_64 = tpu.memref_squeeze %dma_start3A_63 : memref<1x125xi32, #tpu.memory_space<vmem>> -> memref<125xi32, #tpu.memory_space<vmem>>
    %dma_start3A_65 = arith.constant 0 : i32
    %dma_start3A_66 = arith.constant 0 : i32
    %dma_start3A_67 = tpu.memref_slice %arg2[%dma_start3A_65, %dma_start3A_66] : memref<10000x128xf32, #tpu.memory_space<hbm>> -> memref<10000x128xf32, #tpu.memory_space<hbm>>
    tpu.enqueue_indirect_dma source(%dma_start3A_67 : memref<10000x128xf32, #tpu.memory_space<hbm>>) target(%arg10 : memref<125x128xf32, #tpu.memory_space<vmem>>) offsets(%dma_start3A_64 : memref<125xi32, #tpu.memory_space<vmem>>) semaphore(%arg13 : memref<!tpu.dma_semaphore, #tpu.memory_space<semaphore_mem>>)
    %dma_start3A_68 = arith.constant 1 : i32
    %dma_start3A_69 = arith.constant 0 : i32
    %dma_start3A_70 = tpu.memref_slice %arg8[%dma_start3A_68, %dma_start3A_69] : memref<40x125xi32, #tpu.memory_space<vmem>> -> memref<1x125xi32, #tpu.memory_space<vmem>>
    %dma_start3A_71 = tpu.memref_squeeze %dma_start3A_70 : memref<1x125xi32, #tpu.memory_space<vmem>> -> memref<125xi32, #tpu.memory_space<vmem>>
    %dma_start3A_72 = arith.constant 0 : i32
    %dma_start3A_73 = arith.constant 0 : i32
    %dma_start3A_74 = tpu.memref_slice %arg2[%dma_start3A_72, %dma_start3A_73] : memref<10000x128xf32, #tpu.memory_space<hbm>> -> memref<10000x128xf32, #tpu.memory_space<hbm>>
    tpu.enqueue_indirect_dma source(%dma_start3A_74 : memref<10000x128xf32, #tpu.memory_space<hbm>>) target(%arg11 : memref<125x128xf32, #tpu.memory_space<vmem>>) offsets(%dma_start3A_71 : memref<125xi32, #tpu.memory_space<vmem>>) semaphore(%arg14 : memref<!tpu.dma_semaphore, #tpu.memory_space<semaphore_mem>>)
    %scan3A_75 = arith.constant 0 : i32
    %scan3A_76 = arith.constant 20 : i32
    %scan3A_77 = arith.addi %scan3A_75, %scan3A_76 : i32
    %scan3A_78 = arith.constant 1 : i32
    scf.for %scan3A_105 = %scan3A_75 to %scan3A_77 step %scan3A_78  : i32 {
      %mul3A_106 = arith.constant 2 : i32
      %mul3A_107 = arith.muli %mul3A_106, %scan3A_105 : i32
      %add3A_108 = arith.constant 0 : i32
      %add3A_109 = arith.addi %mul3A_107, %add3A_108 : i32
      %dma_wait3A_110 = arith.constant 0 : i32
      %dma_wait3A_111 = arith.constant 0 : i32
      %dma_wait3A_112 = tpu.memref_slice %arg8[%dma_wait3A_110, %dma_wait3A_111] : memref<40x125xi32, #tpu.memory_space<vmem>> -> memref<1x125xi32, #tpu.memory_space<vmem>>
      %dma_wait3A_113 = tpu.memref_squeeze %dma_wait3A_112 : memref<1x125xi32, #tpu.memory_space<vmem>> -> memref<125xi32, #tpu.memory_space<vmem>>
      %dma_wait3A_114 = arith.constant 0 : i32
      %dma_wait3A_115 = arith.constant 0 : i32
      %dma_wait3A_116 = tpu.memref_slice %arg2[%dma_wait3A_114, %dma_wait3A_115] : memref<10000x128xf32, #tpu.memory_space<hbm>> -> memref<10000x128xf32, #tpu.memory_space<hbm>>
      tpu.wait_indirect_dma semaphore(%arg13 : memref<!tpu.dma_semaphore, #tpu.memory_space<semaphore_mem>>) src(%dma_wait3A_116 : memref<10000x128xf32, #tpu.memory_space<hbm>>) dst(%arg10 : memref<125x128xf32, #tpu.memory_space<vmem>>)
      %dma_start3A_117 = arith.constant 0 : i32
      %dma_start3A_118 = tpu.memref_slice %arg9[%add3A_109, %dma_start3A_117] : memref<40x125xi32, #tpu.memory_space<vmem>> -> memref<1x125xi32, #tpu.memory_space<vmem>>
      %dma_start3A_119 = tpu.memref_squeeze %dma_start3A_118 : memref<1x125xi32, #tpu.memory_space<vmem>> -> memref<125xi32, #tpu.memory_space<vmem>>
      %dma_start3A_120 = arith.constant 0 : i32
      %dma_start3A_121 = arith.constant 0 : i32
      %dma_start3A_122 = tpu.memref_slice %arg7[%dma_start3A_120, %dma_start3A_121] : memref<10000x128xf32, #tpu.memory_space<vmem_shared>> -> memref<10000x128xf32, #tpu.memory_space<vmem_shared>>
      tpu.enqueue_indirect_dma source(%arg10 : memref<125x128xf32, #tpu.memory_space<vmem>>) target(%dma_start3A_122 : memref<10000x128xf32, #tpu.memory_space<vmem_shared>>) offsets(%dma_start3A_119 : memref<125xi32, #tpu.memory_space<vmem>>) semaphore(%arg15 : memref<!tpu.dma_semaphore, #tpu.memory_space<semaphore_mem>>) {add = true}
      %mul3A_123 = arith.constant 2 : i32
      %mul3A_124 = arith.muli %mul3A_123, %scan3A_105 : i32
      %add3A_125 = arith.constant 1 : i32
      %add3A_126 = arith.addi %mul3A_124, %add3A_125 : i32
      %dma_wait3A_127 = arith.constant 0 : i32
      %dma_wait3A_128 = arith.constant 0 : i32
      %dma_wait3A_129 = tpu.memref_slice %arg8[%dma_wait3A_127, %dma_wait3A_128] : memref<40x125xi32, #tpu.memory_space<vmem>> -> memref<1x125xi32, #tpu.memory_space<vmem>>
      %dma_wait3A_130 = tpu.memref_squeeze %dma_wait3A_129 : memref<1x125xi32, #tpu.memory_space<vmem>> -> memref<125xi32, #tpu.memory_space<vmem>>
      %dma_wait3A_131 = arith.constant 0 : i32
      %dma_wait3A_132 = arith.constant 0 : i32
      %dma_wait3A_133 = tpu.memref_slice %arg2[%dma_wait3A_131, %dma_wait3A_132] : memref<10000x128xf32, #tpu.memory_space<hbm>> -> memref<10000x128xf32, #tpu.memory_space<hbm>>
      tpu.wait_indirect_dma semaphore(%arg14 : memref<!tpu.dma_semaphore, #tpu.memory_space<semaphore_mem>>) src(%dma_wait3A_133 : memref<10000x128xf32, #tpu.memory_space<hbm>>) dst(%arg11 : memref<125x128xf32, #tpu.memory_space<vmem>>)
      %dma_start3A_134 = arith.constant 0 : i32
      %dma_start3A_135 = tpu.memref_slice %arg9[%add3A_126, %dma_start3A_134] : memref<40x125xi32, #tpu.memory_space<vmem>> -> memref<1x125xi32, #tpu.memory_space<vmem>>
      %dma_start3A_136 = tpu.memref_squeeze %dma_start3A_135 : memref<1x125xi32, #tpu.memory_space<vmem>> -> memref<125xi32, #tpu.memory_space<vmem>>
      %dma_start3A_137 = arith.constant 0 : i32
      %dma_start3A_138 = arith.constant 0 : i32
      %dma_start3A_139 = tpu.memref_slice %arg7[%dma_start3A_137, %dma_start3A_138] : memref<10000x128xf32, #tpu.memory_space<vmem_shared>> -> memref<10000x128xf32, #tpu.memory_space<vmem_shared>>
      tpu.enqueue_indirect_dma source(%arg11 : memref<125x128xf32, #tpu.memory_space<vmem>>) target(%dma_start3A_139 : memref<10000x128xf32, #tpu.memory_space<vmem_shared>>) offsets(%dma_start3A_136 : memref<125xi32, #tpu.memory_space<vmem>>) semaphore(%arg16 : memref<!tpu.dma_semaphore, #tpu.memory_space<semaphore_mem>>) {add = true}
      %mul3A_140 = arith.constant 2 : i32
      %mul3A_141 = arith.muli %mul3A_140, %scan3A_105 : i32
      %add3A_142 = arith.constant 0 : i32
      %add3A_143 = arith.addi %mul3A_141, %add3A_142 : i32
      %add3A_144 = arith.constant 2 : i32
      %add3A_145 = arith.addi %add3A_143, %add3A_144 : i32
      %lt3A_146 = arith.constant 40 : i32
      %lt3A_147 = arith.cmpi slt, %add3A_145, %lt3A_146 : i32
      %convert_element_type3A_148 = arith.extui %lt3A_147 : i1 to i32
      %cond3A_149 = arith.constant 0 : i32
      %cond3A_150 = arith.cmpi ne, %convert_element_type3A_148, %cond3A_149 : i32
      scf.if %cond3A_150 {
        %dma_wait3A_162 = arith.constant 0 : i32
        %dma_wait3A_163 = arith.constant 0 : i32
        %dma_wait3A_164 = tpu.memref_slice %arg9[%dma_wait3A_162, %dma_wait3A_163] : memref<40x125xi32, #tpu.memory_space<vmem>> -> memref<1x125xi32, #tpu.memory_space<vmem>>
        %dma_wait3A_165 = tpu.memref_squeeze %dma_wait3A_164 : memref<1x125xi32, #tpu.memory_space<vmem>> -> memref<125xi32, #tpu.memory_space<vmem>>
        %dma_wait3A_166 = arith.constant 0 : i32
        %dma_wait3A_167 = arith.constant 0 : i32
        %dma_wait3A_168 = tpu.memref_slice %arg7[%dma_wait3A_166, %dma_wait3A_167] : memref<10000x128xf32, #tpu.memory_space<vmem_shared>> -> memref<10000x128xf32, #tpu.memory_space<vmem_shared>>
        tpu.wait_indirect_dma semaphore(%arg15 : memref<!tpu.dma_semaphore, #tpu.memory_space<semaphore_mem>>) src(%arg10 : memref<125x128xf32, #tpu.memory_space<vmem>>) dst(%dma_wait3A_168 : memref<10000x128xf32, #tpu.memory_space<vmem_shared>>)
        %add3A_169 = arith.constant 2 : i32
        %add3A_170 = arith.addi %add3A_143, %add3A_169 : i32
        %dma_start3A_171 = arith.constant 0 : i32
        %dma_start3A_172 = tpu.memref_slice %arg8[%add3A_170, %dma_start3A_171] : memref<40x125xi32, #tpu.memory_space<vmem>> -> memref<1x125xi32, #tpu.memory_space<vmem>>
        %dma_start3A_173 = tpu.memref_squeeze %dma_start3A_172 : memref<1x125xi32, #tpu.memory_space<vmem>> -> memref<125xi32, #tpu.memory_space<vmem>>
        %dma_start3A_174 = arith.constant 0 : i32
        %dma_start3A_175 = arith.constant 0 : i32
        %dma_start3A_176 = tpu.memref_slice %arg2[%dma_start3A_174, %dma_start3A_175] : memref<10000x128xf32, #tpu.memory_space<hbm>> -> memref<10000x128xf32, #tpu.memory_space<hbm>>
        tpu.enqueue_indirect_dma source(%dma_start3A_176 : memref<10000x128xf32, #tpu.memory_space<hbm>>) target(%arg10 : memref<125x128xf32, #tpu.memory_space<vmem>>) offsets(%dma_start3A_173 : memref<125xi32, #tpu.memory_space<vmem>>) semaphore(%arg13 : memref<!tpu.dma_semaphore, #tpu.memory_space<semaphore_mem>>)
      } else {
      }
      %mul3A_151 = arith.constant 2 : i32
      %mul3A_152 = arith.muli %mul3A_151, %scan3A_105 : i32
      %add3A_153 = arith.constant 1 : i32
      %add3A_154 = arith.addi %mul3A_152, %add3A_153 : i32
      %add3A_155 = arith.constant 2 : i32
      %add3A_156 = arith.addi %add3A_154, %add3A_155 : i32
      %lt3A_157 = arith.constant 40 : i32
      %lt3A_158 = arith.cmpi slt, %add3A_156, %lt3A_157 : i32
      %convert_element_type3A_159 = arith.extui %lt3A_158 : i1 to i32
      %cond3A_160 = arith.constant 0 : i32
      %cond3A_161 = arith.cmpi ne, %convert_element_type3A_159, %cond3A_160 : i32
      scf.if %cond3A_161 {
        %dma_wait3A_162 = arith.constant 0 : i32
        %dma_wait3A_163 = arith.constant 0 : i32
        %dma_wait3A_164 = tpu.memref_slice %arg9[%dma_wait3A_162, %dma_wait3A_163] : memref<40x125xi32, #tpu.memory_space<vmem>> -> memref<1x125xi32, #tpu.memory_space<vmem>>
        %dma_wait3A_165 = tpu.memref_squeeze %dma_wait3A_164 : memref<1x125xi32, #tpu.memory_space<vmem>> -> memref<125xi32, #tpu.memory_space<vmem>>
        %dma_wait3A_166 = arith.constant 0 : i32
        %dma_wait3A_167 = arith.constant 0 : i32
        %dma_wait3A_168 = tpu.memref_slice %arg7[%dma_wait3A_166, %dma_wait3A_167] : memref<10000x128xf32, #tpu.memory_space<vmem_shared>> -> memref<10000x128xf32, #tpu.memory_space<vmem_shared>>
        tpu.wait_indirect_dma semaphore(%arg16 : memref<!tpu.dma_semaphore, #tpu.memory_space<semaphore_mem>>) src(%arg11 : memref<125x128xf32, #tpu.memory_space<vmem>>) dst(%dma_wait3A_168 : memref<10000x128xf32, #tpu.memory_space<vmem_shared>>)
        %add3A_169 = arith.constant 2 : i32
        %add3A_170 = arith.addi %add3A_154, %add3A_169 : i32
        %dma_start3A_171 = arith.constant 0 : i32
        %dma_start3A_172 = tpu.memref_slice %arg8[%add3A_170, %dma_start3A_171] : memref<40x125xi32, #tpu.memory_space<vmem>> -> memref<1x125xi32, #tpu.memory_space<vmem>>
        %dma_start3A_173 = tpu.memref_squeeze %dma_start3A_172 : memref<1x125xi32, #tpu.memory_space<vmem>> -> memref<125xi32, #tpu.memory_space<vmem>>
        %dma_start3A_174 = arith.constant 0 : i32
        %dma_start3A_175 = arith.constant 0 : i32
        %dma_start3A_176 = tpu.memref_slice %arg2[%dma_start3A_174, %dma_start3A_175] : memref<10000x128xf32, #tpu.memory_space<hbm>> -> memref<10000x128xf32, #tpu.memory_space<hbm>>
        tpu.enqueue_indirect_dma source(%dma_start3A_176 : memref<10000x128xf32, #tpu.memory_space<hbm>>) target(%arg11 : memref<125x128xf32, #tpu.memory_space<vmem>>) offsets(%dma_start3A_173 : memref<125xi32, #tpu.memory_space<vmem>>) semaphore(%arg14 : memref<!tpu.dma_semaphore, #tpu.memory_space<semaphore_mem>>)
      } else {
      }
    }
    %scan3A_79 = arith.constant 20 : i32
    %dma_wait3A_80 = arith.constant 0 : i32
    %dma_wait3A_81 = arith.constant 0 : i32
    %dma_wait3A_82 = tpu.memref_slice %arg9[%dma_wait3A_80, %dma_wait3A_81] : memref<40x125xi32, #tpu.memory_space<vmem>> -> memref<1x125xi32, #tpu.memory_space<vmem>>
    %dma_wait3A_83 = tpu.memref_squeeze %dma_wait3A_82 : memref<1x125xi32, #tpu.memory_space<vmem>> -> memref<125xi32, #tpu.memory_space<vmem>>
    %dma_wait3A_84 = arith.constant 0 : i32
    %dma_wait3A_85 = arith.constant 0 : i32
    %dma_wait3A_86 = tpu.memref_slice %arg7[%dma_wait3A_84, %dma_wait3A_85] : memref<10000x128xf32, #tpu.memory_space<vmem_shared>> -> memref<10000x128xf32, #tpu.memory_space<vmem_shared>>
    tpu.wait_indirect_dma semaphore(%arg15 : memref<!tpu.dma_semaphore, #tpu.memory_space<semaphore_mem>>) src(%arg10 : memref<125x128xf32, #tpu.memory_space<vmem>>) dst(%dma_wait3A_86 : memref<10000x128xf32, #tpu.memory_space<vmem_shared>>)
    %dma_wait3A_87 = arith.constant 0 : i32
    %dma_wait3A_88 = arith.constant 0 : i32
    %dma_wait3A_89 = tpu.memref_slice %arg9[%dma_wait3A_87, %dma_wait3A_88] : memref<40x125xi32, #tpu.memory_space<vmem>> -> memref<1x125xi32, #tpu.memory_space<vmem>>
    %dma_wait3A_90 = tpu.memref_squeeze %dma_wait3A_89 : memref<1x125xi32, #tpu.memory_space<vmem>> -> memref<125xi32, #tpu.memory_space<vmem>>
    %dma_wait3A_91 = arith.constant 0 : i32
    %dma_wait3A_92 = arith.constant 0 : i32
    %dma_wait3A_93 = tpu.memref_slice %arg7[%dma_wait3A_91, %dma_wait3A_92] : memref<10000x128xf32, #tpu.memory_space<vmem_shared>> -> memref<10000x128xf32, #tpu.memory_space<vmem_shared>>
    tpu.wait_indirect_dma semaphore(%arg16 : memref<!tpu.dma_semaphore, #tpu.memory_space<semaphore_mem>>) src(%arg11 : memref<125x128xf32, #tpu.memory_space<vmem>>) dst(%dma_wait3A_93 : memref<10000x128xf32, #tpu.memory_space<vmem_shared>>)
    %barrier3A_94 = arith.constant 0 : index
    tpu.barrier barrier_id(%barrier3A_94)
    %eq3A_95 = arith.constant 0 : i32
    %eq3A_96 = arith.cmpi eq, %arg0, %eq3A_95 : i32
    %convert_element_type3A_97 = arith.extui %eq3A_96 : i1 to i32
    %cond3A_98 = arith.constant 0 : i32
    %cond3A_99 = arith.cmpi ne, %convert_element_type3A_97, %cond3A_98 : i32
    scf.if %cond3A_99 {
      %lt3A_105 = arith.constant 15 : i32
      %lt3A_106 = arith.cmpi slt, %arg1, %lt3A_105 : i32
      %convert_element_type3A_107 = arith.extui %lt3A_106 : i1 to i32
      %cond3A_108 = arith.constant 0 : i32
      %cond3A_109 = arith.cmpi ne, %convert_element_type3A_107, %cond3A_108 : i32
      scf.if %cond3A_109 {
        %mul3A_115 = arith.constant 640 : i32
        %mul3A_116 = arith.muli %arg1, %mul3A_115 : i32
        "tpu.region"() ({
          %run_scoped3A = tpu.sem_alloc : memref<!tpu.dma_semaphore, #tpu.memory_space<semaphore_mem>>
          %dma_start3A_117 = arith.constant 0 : i32
          %dma_start3A_118 = tpu.memref_slice %arg5[%mul3A_116, %dma_start3A_117] : memref<10000x128xf32, #tpu.memory_space<hbm>> -> memref<640x128xf32, #tpu.memory_space<hbm>>
          %dma_start3A_119 = arith.constant 0 : i32
          %dma_start3A_120 = tpu.memref_slice %arg7[%mul3A_116, %dma_start3A_119] : memref<10000x128xf32, #tpu.memory_space<vmem_shared>> -> memref<640x128xf32, #tpu.memory_space<vmem_shared>>
          tpu.enqueue_dma source(%dma_start3A_120 : memref<640x128xf32, #tpu.memory_space<vmem_shared>>) target(%dma_start3A_118 : memref<640x128xf32, #tpu.memory_space<hbm>>) target_semaphore(%run_scoped3A : memref<!tpu.dma_semaphore, #tpu.memory_space<semaphore_mem>>)
          %dma_wait3A_121 = arith.constant 0 : i32
          %dma_wait3A_122 = tpu.memref_slice %arg5[%mul3A_116, %dma_wait3A_121] : memref<10000x128xf32, #tpu.memory_space<hbm>> -> memref<640x128xf32, #tpu.memory_space<hbm>>
          %dma_wait3A_123 = arith.constant 0 : i32
          %dma_wait3A_124 = tpu.memref_slice %arg7[%mul3A_116, %dma_wait3A_123] : memref<10000x128xf32, #tpu.memory_space<vmem_shared>> -> memref<640x128xf32, #tpu.memory_space<vmem_shared>>
          tpu.wait_dma2 semaphore(%run_scoped3A : memref<!tpu.dma_semaphore, #tpu.memory_space<semaphore_mem>>) src(%dma_wait3A_124 : memref<640x128xf32, #tpu.memory_space<vmem_shared>>) dst(%dma_wait3A_122 : memref<640x128xf32, #tpu.memory_space<hbm>>)
          tpu.yield
        }) : () -> ()
      } else {
      }
      %eq3A_110 = arith.constant 15 : i32
      %eq3A_111 = arith.cmpi eq, %arg1, %eq3A_110 : i32
      %convert_element_type3A_112 = arith.extui %eq3A_111 : i1 to i32
      %cond3A_113 = arith.constant 0 : i32
      %cond3A_114 = arith.cmpi ne, %convert_element_type3A_112, %cond3A_113 : i32
      scf.if %cond3A_114 {
        "tpu.region"() ({
          %run_scoped3A = tpu.sem_alloc : memref<!tpu.dma_semaphore, #tpu.memory_space<semaphore_mem>>
          %dma_start3A_115 = arith.constant 9600 : i32
          %dma_start3A_116 = arith.constant 0 : i32
          %dma_start3A_117 = tpu.memref_slice %arg5[%dma_start3A_115, %dma_start3A_116] : memref<10000x128xf32, #tpu.memory_space<hbm>> -> memref<400x128xf32, #tpu.memory_space<hbm>>
          %dma_start3A_118 = arith.constant 9600 : i32
          %dma_start3A_119 = arith.constant 0 : i32
          %dma_start3A_120 = tpu.memref_slice %arg7[%dma_start3A_118, %dma_start3A_119] : memref<10000x128xf32, #tpu.memory_space<vmem_shared>> -> memref<400x128xf32, #tpu.memory_space<vmem_shared>>
          tpu.enqueue_dma source(%dma_start3A_120 : memref<400x128xf32, #tpu.memory_space<vmem_shared>>) target(%dma_start3A_117 : memref<400x128xf32, #tpu.memory_space<hbm>>) target_semaphore(%run_scoped3A : memref<!tpu.dma_semaphore, #tpu.memory_space<semaphore_mem>>)
          %dma_wait3A_121 = arith.constant 9600 : i32
          %dma_wait3A_122 = arith.constant 0 : i32
          %dma_wait3A_123 = tpu.memref_slice %arg5[%dma_wait3A_121, %dma_wait3A_122] : memref<10000x128xf32, #tpu.memory_space<hbm>> -> memref<400x128xf32, #tpu.memory_space<hbm>>
          %dma_wait3A_124 = arith.constant 9600 : i32
          %dma_wait3A_125 = arith.constant 0 : i32
          %dma_wait3A_126 = tpu.memref_slice %arg7[%dma_wait3A_124, %dma_wait3A_125] : memref<10000x128xf32, #tpu.memory_space<vmem_shared>> -> memref<400x128xf32, #tpu.memory_space<vmem_shared>>
          tpu.wait_dma2 semaphore(%run_scoped3A : memref<!tpu.dma_semaphore, #tpu.memory_space<semaphore_mem>>) src(%dma_wait3A_126 : memref<400x128xf32, #tpu.memory_space<vmem_shared>>) dst(%dma_wait3A_123 : memref<400x128xf32, #tpu.memory_space<hbm>>)
          tpu.yield
        }) : () -> ()
      } else {
      }
    } else {
    }
    %eq3A_100 = arith.constant 1 : i32
    %eq3A_101 = arith.cmpi eq, %arg0, %eq3A_100 : i32
    %convert_element_type3A_102 = arith.extui %eq3A_101 : i1 to i32
    %cond3A_103 = arith.constant 0 : i32
    %cond3A_104 = arith.cmpi ne, %convert_element_type3A_102, %cond3A_103 : i32
    scf.if %cond3A_104 {
      %lt3A_105 = arith.constant 15 : i32
      %lt3A_106 = arith.cmpi slt, %arg1, %lt3A_105 : i32
      %convert_element_type3A_107 = arith.extui %lt3A_106 : i1 to i32
      %cond3A_108 = arith.constant 0 : i32
      %cond3A_109 = arith.cmpi ne, %convert_element_type3A_107, %cond3A_108 : i32
      scf.if %cond3A_109 {
        %mul3A_115 = arith.constant 640 : i32
        %mul3A_116 = arith.muli %arg1, %mul3A_115 : i32
        "tpu.region"() ({
          %run_scoped3A = tpu.sem_alloc : memref<!tpu.dma_semaphore, #tpu.memory_space<semaphore_mem>>
          %dma_start3A_117 = arith.constant 0 : i32
          %dma_start3A_118 = tpu.memref_slice %arg6[%mul3A_116, %dma_start3A_117] : memref<10000x128xf32, #tpu.memory_space<hbm>> -> memref<640x128xf32, #tpu.memory_space<hbm>>
          %dma_start3A_119 = arith.constant 0 : i32
          %dma_start3A_120 = tpu.memref_slice %arg7[%mul3A_116, %dma_start3A_119] : memref<10000x128xf32, #tpu.memory_space<vmem_shared>> -> memref<640x128xf32, #tpu.memory_space<vmem_shared>>
          tpu.enqueue_dma source(%dma_start3A_120 : memref<640x128xf32, #tpu.memory_space<vmem_shared>>) target(%dma_start3A_118 : memref<640x128xf32, #tpu.memory_space<hbm>>) target_semaphore(%run_scoped3A : memref<!tpu.dma_semaphore, #tpu.memory_space<semaphore_mem>>)
          %dma_wait3A_121 = arith.constant 0 : i32
          %dma_wait3A_122 = tpu.memref_slice %arg6[%mul3A_116, %dma_wait3A_121] : memref<10000x128xf32, #tpu.memory_space<hbm>> -> memref<640x128xf32, #tpu.memory_space<hbm>>
          %dma_wait3A_123 = arith.constant 0 : i32
          %dma_wait3A_124 = tpu.memref_slice %arg7[%mul3A_116, %dma_wait3A_123] : memref<10000x128xf32, #tpu.memory_space<vmem_shared>> -> memref<640x128xf32, #tpu.memory_space<vmem_shared>>
          tpu.wait_dma2 semaphore(%run_scoped3A : memref<!tpu.dma_semaphore, #tpu.memory_space<semaphore_mem>>) src(%dma_wait3A_124 : memref<640x128xf32, #tpu.memory_space<vmem_shared>>) dst(%dma_wait3A_122 : memref<640x128xf32, #tpu.memory_space<hbm>>)
          tpu.yield
        }) : () -> ()
      } else {
      }
      %eq3A_110 = arith.constant 15 : i32
      %eq3A_111 = arith.cmpi eq, %arg1, %eq3A_110 : i32
      %convert_element_type3A_112 = arith.extui %eq3A_111 : i1 to i32
      %cond3A_113 = arith.constant 0 : i32
      %cond3A_114 = arith.cmpi ne, %convert_element_type3A_112, %cond3A_113 : i32
      scf.if %cond3A_114 {
        "tpu.region"() ({
          %run_scoped3A = tpu.sem_alloc : memref<!tpu.dma_semaphore, #tpu.memory_space<semaphore_mem>>
          %dma_start3A_115 = arith.constant 9600 : i32
          %dma_start3A_116 = arith.constant 0 : i32
          %dma_start3A_117 = tpu.memref_slice %arg6[%dma_start3A_115, %dma_start3A_116] : memref<10000x128xf32, #tpu.memory_space<hbm>> -> memref<400x128xf32, #tpu.memory_space<hbm>>
          %dma_start3A_118 = arith.constant 9600 : i32
          %dma_start3A_119 = arith.constant 0 : i32
          %dma_start3A_120 = tpu.memref_slice %arg7[%dma_start3A_118, %dma_start3A_119] : memref<10000x128xf32, #tpu.memory_space<vmem_shared>> -> memref<400x128xf32, #tpu.memory_space<vmem_shared>>
          tpu.enqueue_dma source(%dma_start3A_120 : memref<400x128xf32, #tpu.memory_space<vmem_shared>>) target(%dma_start3A_117 : memref<400x128xf32, #tpu.memory_space<hbm>>) target_semaphore(%run_scoped3A : memref<!tpu.dma_semaphore, #tpu.memory_space<semaphore_mem>>)
          %dma_wait3A_121 = arith.constant 9600 : i32
          %dma_wait3A_122 = arith.constant 0 : i32
          %dma_wait3A_123 = tpu.memref_slice %arg6[%dma_wait3A_121, %dma_wait3A_122] : memref<10000x128xf32, #tpu.memory_space<hbm>> -> memref<400x128xf32, #tpu.memory_space<hbm>>
          %dma_wait3A_124 = arith.constant 9600 : i32
          %dma_wait3A_125 = arith.constant 0 : i32
          %dma_wait3A_126 = tpu.memref_slice %arg7[%dma_wait3A_124, %dma_wait3A_125] : memref<10000x128xf32, #tpu.memory_space<vmem_shared>> -> memref<400x128xf32, #tpu.memory_space<vmem_shared>>
          tpu.wait_dma2 semaphore(%run_scoped3A : memref<!tpu.dma_semaphore, #tpu.memory_space<semaphore_mem>>) src(%dma_wait3A_126 : memref<400x128xf32, #tpu.memory_space<vmem_shared>>) dst(%dma_wait3A_123 : memref<400x128xf32, #tpu.memory_space<hbm>>)
          tpu.yield
        }) : () -> ()
      } else {
      }
    } else {
    }
    return
  }
}

module attributes {stable_mosaic.version = 14 : i64} {
  func.func @body(%arg0: memref<10000x128xf32, #tpu.memory_space<vmem>>, %arg1: memref<10000x128xf32, #tpu.memory_space<vmem>>, %arg2: memref<10000x1xf32, #tpu.memory_space<vmem>>, %arg3: memref<10000x1xf32, #tpu.memory_space<vmem>>, %arg4: memref<128x128xf32, #tpu.memory_space<vmem>>, %arg5: memref<1x128xf32, #tpu.memory_space<vmem>>, %arg6: memref<10000x128xf32, #tpu.memory_space<vmem>>) attributes {dimension_semantics = [], scalar_prefetch = 0 : i64, scratch_operands = 0 : i64, tpu.core_type = #tpu.core_type<tc>} {
    %get3A = arith.constant 0 : index
    %get3A_0 = arith.constant 0 : index
    %get3A_1 = vector.load %arg2[%get3A, %get3A_0] : memref<10000x1xf32, #tpu.memory_space<vmem>>, vector<10000x1xf32>
    %get3A_2 = arith.constant 0 : index
    %get3A_3 = arith.constant 0 : index
    %get3A_4 = vector.load %arg3[%get3A_2, %get3A_3] : memref<10000x1xf32, #tpu.memory_space<vmem>>, vector<10000x1xf32>
    %add3A = arith.addf %get3A_1, %get3A_4 : vector<10000x1xf32>
    %max3A = arith.constant 1.000000e+00 : f32
    %max3A_5 = vector.broadcast %max3A : f32 to vector<10000x1xf32>
    %max3A_6 = arith.maximumf %add3A, %max3A_5 : vector<10000x1xf32>
    %div3A = arith.constant 1.000000e+00 : f32
    %div3A_7 = vector.broadcast %div3A : f32 to vector<10000x1xf32>
    %div3A_8 = arith.divf %div3A_7, %max3A_6 : vector<10000x1xf32>
    %get3A_9 = arith.constant 0 : index
    %get3A_10 = arith.constant 0 : index
    %get3A_11 = vector.load %arg0[%get3A_9, %get3A_10] : memref<10000x128xf32, #tpu.memory_space<vmem>>, vector<10000x128xf32>
    %get3A_12 = arith.constant 0 : index
    %get3A_13 = arith.constant 0 : index
    %get3A_14 = vector.load %arg1[%get3A_12, %get3A_13] : memref<10000x128xf32, #tpu.memory_space<vmem>>, vector<10000x128xf32>
    %add3A_15 = arith.addf %get3A_11, %get3A_14 : vector<10000x128xf32>
    %mul3A = vector.broadcast %div3A_8 : vector<10000x1xf32> to vector<10000x128xf32>
    %mul3A_16 = arith.mulf %add3A_15, %mul3A : vector<10000x128xf32>
    %get3A_17 = arith.constant 0 : index
    %get3A_18 = arith.constant 0 : index
    %get3A_19 = vector.load %arg4[%get3A_17, %get3A_18] : memref<128x128xf32, #tpu.memory_space<vmem>>, vector<128x128xf32>
    %dot_general3A = arith.constant dense<0.000000e+00> : vector<10000x128xf32>
    %dot_general3A_20 = tpu.matmul %mul3A_16, %get3A_19, %dot_general3A {dimension_numbers = #tpu.dot_dimension_numbers<[1], [0], [0], [1], [0, 0, 1, 1], [], []>, transpose_lhs_hint = false} : vector<10000x128xf32>, vector<128x128xf32>, vector<10000x128xf32> -> vector<10000x128xf32>
    %get3A_21 = arith.constant 0 : index
    %get3A_22 = arith.constant 0 : index
    %get3A_23 = vector.load %arg5[%get3A_21, %get3A_22] : memref<1x128xf32, #tpu.memory_space<vmem>>, vector<1x128xf32>
    %add3A_24 = vector.broadcast %get3A_23 : vector<1x128xf32> to vector<10000x128xf32>
    %add3A_25 = arith.addf %dot_general3A_20, %add3A_24 : vector<10000x128xf32>
    %max3A_26 = arith.constant 0.000000e+00 : f32
    %max3A_27 = vector.broadcast %max3A_26 : f32 to vector<10000x128xf32>
    %max3A_28 = arith.maximumf %add3A_25, %max3A_27 : vector<10000x128xf32>
    %swap3A = arith.constant 0 : index
    %swap3A_29 = arith.constant 0 : index
    %swap3A_30 = vector.load %arg6[%swap3A, %swap3A_29] : memref<10000x128xf32, #tpu.memory_space<vmem>>, vector<10000x128xf32>
    tpu.vector_store %arg6[%swap3A, %swap3A_29], %max3A_28 {strides = array<i32>} : memref<10000x128xf32, #tpu.memory_space<vmem>>, vector<10000x128xf32>,
    return
  }
}

module attributes {stable_mosaic.version = 14 : i64} {
  func.func @body(%arg0: memref<10000x128xf32, #tpu.memory_space<vmem>>, %arg1: memref<10000x128xf32, #tpu.memory_space<vmem>>, %arg2: memref<10000x1xf32, #tpu.memory_space<vmem>>, %arg3: memref<10000x1xf32, #tpu.memory_space<vmem>>, %arg4: memref<128x16xf32, #tpu.memory_space<vmem>>, %arg5: memref<1x16xf32, #tpu.memory_space<vmem>>, %arg6: memref<10000x16xf32, #tpu.memory_space<vmem>>) attributes {dimension_semantics = [], scalar_prefetch = 0 : i64, scratch_operands = 0 : i64, tpu.core_type = #tpu.core_type<tc>} {
    %get3A = arith.constant 0 : index
    %get3A_0 = arith.constant 0 : index
    %get3A_1 = vector.load %arg2[%get3A, %get3A_0] : memref<10000x1xf32, #tpu.memory_space<vmem>>, vector<10000x1xf32>
    %get3A_2 = arith.constant 0 : index
    %get3A_3 = arith.constant 0 : index
    %get3A_4 = vector.load %arg3[%get3A_2, %get3A_3] : memref<10000x1xf32, #tpu.memory_space<vmem>>, vector<10000x1xf32>
    %add3A = arith.addf %get3A_1, %get3A_4 : vector<10000x1xf32>
    %max3A = arith.constant 1.000000e+00 : f32
    %max3A_5 = vector.broadcast %max3A : f32 to vector<10000x1xf32>
    %max3A_6 = arith.maximumf %add3A, %max3A_5 : vector<10000x1xf32>
    %div3A = arith.constant 1.000000e+00 : f32
    %div3A_7 = vector.broadcast %div3A : f32 to vector<10000x1xf32>
    %div3A_8 = arith.divf %div3A_7, %max3A_6 : vector<10000x1xf32>
    %get3A_9 = arith.constant 0 : index
    %get3A_10 = arith.constant 0 : index
    %get3A_11 = vector.load %arg0[%get3A_9, %get3A_10] : memref<10000x128xf32, #tpu.memory_space<vmem>>, vector<10000x128xf32>
    %get3A_12 = arith.constant 0 : index
    %get3A_13 = arith.constant 0 : index
    %get3A_14 = vector.load %arg1[%get3A_12, %get3A_13] : memref<10000x128xf32, #tpu.memory_space<vmem>>, vector<10000x128xf32>
    %add3A_15 = arith.addf %get3A_11, %get3A_14 : vector<10000x128xf32>
    %mul3A = vector.broadcast %div3A_8 : vector<10000x1xf32> to vector<10000x128xf32>
    %mul3A_16 = arith.mulf %add3A_15, %mul3A : vector<10000x128xf32>
    %get3A_17 = arith.constant 0 : index
    %get3A_18 = arith.constant 0 : index
    %get3A_19 = vector.load %arg4[%get3A_17, %get3A_18] : memref<128x16xf32, #tpu.memory_space<vmem>>, vector<128x16xf32>
    %dot_general3A = arith.constant dense<0.000000e+00> : vector<10000x16xf32>
    %dot_general3A_20 = tpu.matmul %mul3A_16, %get3A_19, %dot_general3A {dimension_numbers = #tpu.dot_dimension_numbers<[1], [0], [0], [1], [0, 0, 1, 1], [], []>, transpose_lhs_hint = false} : vector<10000x128xf32>, vector<128x16xf32>, vector<10000x16xf32> -> vector<10000x16xf32>
    %get3A_21 = arith.constant 0 : index
    %get3A_22 = arith.constant 0 : index
    %get3A_23 = vector.load %arg5[%get3A_21, %get3A_22] : memref<1x16xf32, #tpu.memory_space<vmem>>, vector<1x16xf32>
    %add3A_24 = vector.broadcast %get3A_23 : vector<1x16xf32> to vector<10000x16xf32>
    %add3A_25 = arith.addf %dot_general3A_20, %add3A_24 : vector<10000x16xf32>
    %swap3A = arith.constant 0 : index
    %swap3A_26 = arith.constant 0 : index
    %swap3A_27 = vector.load %arg6[%swap3A, %swap3A_26] : memref<10000x16xf32, #tpu.memory_space<vmem>>, vector<10000x16xf32>
    tpu.vector_store %arg6[%swap3A, %swap3A_26], %add3A_25 {strides = array<i32>} : memref<10000x16xf32, #tpu.memory_space<vmem>>, vector<10000x16xf32>,
    return
  }
}

</mosaic_0001>

<sc_bundles>
// kernel: kernel.11.cloned.1.call-start
scs
__scs_entry_jumppad:
0x0: {  	(pc) =	sbr.rel $0x88, $3  }
0x1: {  	(tag) =	ssettag $0x0;
	lr =	simm.s32 $0x1  }
0x2: {  	[smem:$0x3F99] =	sst lr;
	_ =	strace $0xD0000000  }
0x3: {  	_ = 	snop  }
0x4: {  	_ = 	snop  }
0x5: {  	_ = 	snop  }
0x6: {  	_ = 	snop  }
0x7: {  	_ = 	snop  }
__scs_overlays_trampoline_lowered:
0x8: {  	[smem:$0x3FA8] =	sst s0  }
0x9: {  	[smem:$0x3FA9] =	sst s1  }
0xa: {  	[smem:$0x3FAA] =	sst s2  }
0xb: {  	[smem:$0x3FAB] =	sst s3  }
0xc: {  	[smem:$0x3FAC] =	sst s4  }
0xd: {  	[smem:$0x3FAD] =	sst s5  }
0xe: {  	[smem:$0x3FAE] =	sst s6  }
0xf: {  	[smem:$0x3FAF] =	sst s7  }
0x10: {  	[smem:$0x3FB0] =	sst s8  }
0x11: {  	[smem:$0x3FB1] =	sst s9;
	s0 =	simm.s32 @!p0 $0x0  }
0x12: {  	s1 =	sld [smem:$0x3F97];
	s0 =	simm.s32 @p0 $0x1  }
0x13: {  	[smem:$0x3FB2] =	sst s0;
	s0 =	simm.s32 @!p1 $0x0  }
0x14: {  	s2 =	sld [smem:$0x3F96];
	s0 =	simm.s32 @p1 $0x1  }
0x15: {  	[smem:$0x3FB3] =	sst s0;
	s0 =	simm.s32 @!p2 $0x0  }
0x16: {  	s3 =	sld [smem:$0x3FDB];
	s0 =	simm.s32 @p2 $0x1  }
0x17: {  	s4 =	simm.s32 $0x1BF5;
	[smem:$0x3FB5] =	sst s0  }
0x18: {  	s0 =	sld [smem:$0x3F98];
	_ =	swait.ge [sflag:s4], $0x0  }
0x19: {  	s7 =	sld [smem:$0x3F99]  }
0x1a: {  	s8 =	sadd.s32 $0xFFFFE003, lr  }
0x1b: {  	s9 =	sadd.s32 $0xFFFFFEF7, lr;
	s5 =	simm.s32 $0xFFFFFFFF;
	p2 =	slt.u32 s8, $0xFFFFF086  }
0x1c: {  	p1 =	slt.u32 s9, $0xF7A;
	s5 =	simm.s32 @!p2 $0x0  }
0x1d: {  	s5 =	simm.s32 @p1 $0x1;
	p0 =	seq.s32 s7, s2  }
0x1e: {  	s7 =	smul.u32 @!p0 $0xF7A, s2;
	p2 =	seq.s32 @!p0 s5, $0x0  }
0x1f: {  	s9 =	smul.u32 $0xF7A, s1;
	s8 =	simm.s32 @!p0 $0x1BF5;
	p2 =	por !p2, p0  }
0x20: {  	[sflag:s8] =	ssyncset.s32 @!p0 $0xFFFFF086;
	s6 =	sadd.s32 @!p0 s3, s7;
	s7 =	simm.s32 @!p0 $0x108  }
0x21: {  	s3 =	sadd.s32 s3, s9;
	s6 =	sadd.s32 @!p0 $0x88, s6;
	s7 =	simm.s32 @p2 $0x1082  }
0x22: {  	[simem:s7], [sflag:s8] =	dma.local @!p0 [hbm:s6], $0xF7A  }
0x23: {  	s9 =	sor.u32 $0xD0000000, s2;
	s6 =	simm.s32 $0x108;
	_ =	swait.ge @!p0 [sflag:s8], $0x0  }
0x24: {  	s3 =	sadd.s32 $0x88, s3;
	s6 =	simm.s32 @!p1 $0x1082;
	[sflag:s4] =	ssyncset.s32 $0xFFFFF086  }
0x25: {  	[simem:s6], [sflag:s4] =	dma.local [hbm:s3], $0xF7A  }
0x26: {  	[smem:$0x3F99] =	sst s1;
	(tag) =	ssettag s2;
	_ =	strace s9  }
0x27: {  	s1 =	sld [smem:$0x3FA9]  }
0x28: {  	s2 =	sld [smem:$0x3FAA]  }
0x29: {  	s4 =	sld [smem:$0x3FAC]  }
0x2a: {  	p0 =	seq.s32 s5, $0x0;
	s5 =	sld [smem:$0x3FAD]  }
0x2b: {  	s6 =	sld [smem:$0x3FAE]  }
0x2c: {  	s7 =	sld [smem:$0x3FAF]  }
0x2d: {  	s3 =	simm.s32 $0x108;
	s8 =	sld [smem:$0x3FB0]  }
0x2e: {  	s3 =	simm.s32 @!p0 $0x1082;
	s9 =	sld [smem:$0x3FB1]  }
0x2f: {  	lr =	sadd.s32 s0, s3;
	s0 =	sld [smem:$0x3FA8]  }
0x30: {  	s3 =	sld [smem:$0x3FAB]  }
0x31: {  	[smem:$0x3FB4] =	sst s10  }
0x32: {  	s10 =	sld [smem:$0x3FB2];
	_ =	sdelay $0x3  }
0x33: {  	p0 =	seq.s32 s10, $0x1;
	s10 =	sld [smem:$0x3FB4];
	_ =	sdelay $0x3  }
0x34: {  	[smem:$0x3FB4] =	sst s10  }
0x35: {  	s10 =	sld [smem:$0x3FB3];
	_ =	sdelay $0x3  }
0x36: {  	p1 =	seq.s32 s10, $0x1;
	s10 =	sld [smem:$0x3FB4];
	_ =	sdelay $0x3  }
0x37: {  	[smem:$0x3FB4] =	sst s10  }
0x38: {  	s10 =	sld [smem:$0x3FB5]  }
0x39: {  	_ = 	snop;
	(pc) =	sbr.ind lr, $3  }
0x3a: {  	_ = 	snop  }
0x3b: {  	_ = 	snop  }
0x3c: {  	p2 =	seq.s32 s10, $0x1;
	s10 =	sld [smem:$0x3FB4]  }
0x3d: {  	_ =	shalt  }
0x3e: {  	_ =	shalt  }
0x3f: {  	_ =	shalt  }
0x40: {  	_ =	shalt  }
0x41: {  	_ =	shalt  }
0x42: {  	_ =	shalt  }
0x43: {  	_ =	shalt  }
0x44: {  	_ =	shalt  }
0x45: {  	_ =	shalt  }
0x46: {  	_ =	shalt  }
0x47: {  	_ =	shalt  }
0x48: {  	_ =	shalt  }
0x49: {  	_ =	shalt  }
0x4a: {  	_ =	shalt  }
0x4b: {  	_ =	shalt  }
0x4c: {  	_ =	shalt  }
0x4d: {  	_ =	shalt  }
0x4e: {  	_ =	shalt  }
0x4f: {  	_ =	shalt  }
0x50: {  	_ =	shalt  }
0x51: {  	_ =	shalt  }
0x52: {  	_ =	shalt  }
0x53: {  	_ =	shalt  }
0x54: {  	_ =	shalt  }
0x55: {  	_ =	shalt  }
0x56: {  	_ =	shalt  }
0x57: {  	_ =	shalt  }
0x58: {  	_ =	shalt  }
0x59: {  	_ =	shalt  }
0x5a: {  	_ =	shalt  }
0x5b: {  	_ =	shalt  }
0x5c: {  	_ =	shalt  }
0x5d: {  	_ =	shalt  }
0x5e: {  	_ =	shalt  }
0x5f: {  	_ =	shalt  }
0x60: {  	_ =	shalt  }
0x61: {  	_ =	shalt  }
0x62: {  	_ =	shalt  }
0x63: {  	_ =	shalt  }
0x64: {  	_ =	shalt  }
0x65: {  	_ =	shalt  }
0x66: {  	_ =	shalt  }
0x67: {  	_ =	shalt  }
0x68: {  	_ =	shalt  }
0x69: {  	_ =	shalt  }
0x6a: {  	_ =	shalt  }
0x6b: {  	_ =	shalt  }
0x6c: {  	_ =	shalt  }
0x6d: {  	_ =	shalt  }
0x6e: {  	_ =	shalt  }
0x6f: {  	_ =	shalt  }
0x70: {  	_ =	shalt  }
0x71: {  	_ =	shalt  }
0x72: {  	_ =	shalt  }
0x73: {  	_ =	shalt  }
0x74: {  	_ =	shalt  }
0x75: {  	_ =	shalt  }
0x76: {  	_ =	shalt  }
0x77: {  	_ =	shalt  }
0x78: {  	_ =	shalt  }
0x79: {  	_ =	shalt  }
0x7a: {  	_ =	shalt  }
0x7b: {  	_ =	shalt  }
0x7c: {  	_ =	shalt  }
0x7d: {  	_ =	shalt  }
0x7e: {  	_ =	shalt  }
0x7f: {  	_ =	shalt  }
0x80: {  	_ =	shalt  }
0x81: {  	_ =	shalt  }
0x82: {  	_ =	shalt  }
0x83: {  	_ =	shalt  }
0x84: {  	_ =	shalt  }
0x85: {  	_ =	shalt  }
0x86: {  	_ =	shalt  }
0x87: {  	_ =	shalt  }
.Lfunc_end0:
.L_simem_size_0:
called_computation.1_lowered:
.L_overlay_start_0:
0x88: {  	s2 =	sld [smem:$0x3FD9]  }
0x89: {  	s3 =	sld [smem:$0x3FFE];
	_ =	sdelay $0x1  }
0x8a: {  	s1 =	srdreg.scid  }
0x8b: {  	s0 =	sand.u32 $0x1, s1  }
0x8c: {  	s16 =	sshll.u32 s0, $0xA;
	s2 =	sadd.s32 s3, s2  }
0x8d: {  	s2 =	sadd.s32 s2, s16  }
0x8e: {  	[smem:$0x3FC0] =	sst s2  }
0x8f: {  	_ = 	snop  }
0x90: {  	(tm) =	ssettm $0x1  }
0x91: {  	s17 =	sld [smem:$0x3FFB];
	_ =	sdelay $0x3  }
0x92: {  	_ =	strace s17  }
0x93: {  	s2 =	sld [smem:$0x3FFC];
	_ =	sdelay $0x3  }
0x94: {  	_ =	strace s2  }
0x95: {  	s2 =	sld [smem:$0x3FFD];
	_ =	sdelay $0x3  }
0x96: {  	_ =	strace s2  }
0x97: {  	_ =	strace $0x8FFFFFFF  }
0x98: {  	s18 =	sld [smem:$0x3FDB];
	_ =	sdelay $0x1  }
0x99: {  	s19 =	simm.s32 $_scs_section_size  }
0x9a: {  	s4 =	simm.s32 $_size__tile_overlayer_lowered;
	s5 =	simm.s32 $_tile_overlayer_lowered  }
0x9b: {  	s22 =	simm.s32 $0x1BFF;
	s21 =	sshll.u32 s5, $0x1;
	s2 =	sadd.s32 s19, s18  }
0x9c: {  	s6 =	simm.s32 $0x0;
	s20 =	sshll.u32 s4, $0x1;
	s4 =	sadd.s32 s21, s2  }
0x9d: {  	[timem:s6], [sflag:s22] =	dma.local [hbm:s4], s20  }
0x9e: {  	_ =	swait.ge [sflag:s22], s20  }
0x9f: {  	s3 =	ssub.s32 $0x0, s20;
	[sflag:s22] =	ssyncset.done $0x0  }
0xa0: {  	[sflag:s22] =	ssyncadd.s32 s3;
	_ =	sdelay $0x1  }
0xa1: {  	s23 =	simm.s32 $0x1B8B  }
0xa2: {  	_ =	swait.ge [sflag:s23], $0x1  }
0xa3: {  	[sflag:s23] =	ssyncset.done $0x0  }
0xa4: {  	s25 =	simm.s32 $0x1B8E;
	s24 =	sld [smem:$0x3FFE];
	[sflag:s23] =	ssyncadd.s32 $0xFFFFFFFF  }
0xa5: {  	s26 =	simm.s32 $execute0_lowered;
	[smem:$0x3FD2] =	sst s25  }
0xa6: {  	s4 =	sshll.u32 s26, $0x1;
	_ =	strace $0x80000049;
	[dreg:$0x1] =	wrdreg $0xFFFFFFFF  }
0xa7: {  	s28 =	simm.s32 $_size_execute0_lowered;
	s2 =	sadd.s32 s2, s4;
	[dreg:$0x0] =	wrdreg $0x0  }
0xa8: {  	s4 =	sshll.u32 s28, $0x1;
	[dreg:$0x2] =	wrdreg s2  }
0xa9: {  	[dreg:$0x3] =	wrdreg s4  }
0xaa: {  	[dreg:$0x4] =	wrdreg $0xC0  }
0xab: {  	_ =	task [dreg:s6], $0x5FFFF  }
0xac: {  	[dreg:$0x1] =	wrdreg $0xFFFFFFFF  }
0xad: {  	[dreg:$0x0] =	wrdreg $0x60  }
0xae: {  	[dreg:$0x2] =	wrdreg s24  }
0xaf: {  	[dreg:$0x3] =	wrdreg $0x0  }
0xb0: {  	[dreg:$0x4] =	wrdreg $0x9  }
0xb1: {  	_ =	task.clear_ibuf [dreg:s6], $0x5FFFF;
	_ =	strace $0x90000049  }
0xb2: {  	s29 =	simm.s32 $0x9;
	_ =	strace $0x8000004B  }
0xb3: {  	_ =	swait.ge [sflag:s29], $0x1  }
0xb4: {  	[sflag:s29] =	ssyncadd.s32 $0xFFFFFFFF  }
0xb5: {  	_ =	strace $0x9000004B  }
0xb6: {  	_ =	sfence  }
0xb7: {  	s30 =	sld [smem:$0x0];
	_ =	sdelay $0x2  }
0xb8: {  	s31 =	sshll.u32 s1, $0xD;
	s1 =	sshrl.u32 s1, $0x2  }
0xb9: {  	s3 =	sand.u32 $0x4000, s31;
	s1 =	sadd.s32 s1, s30  }
0xba: {  	s0 =	sor.u32 s3, s0;
	s1 =	sshll.u32 s1, $0x11  }
0xbb: {  	s0 =	sor.u32 s1, s0  }
0xbc: {  	s0 =	sadd.s32 $0x8F2B, s0  }
0xbd: {  	[sflag:s0] =	ssyncadd.remote.s32 $0x1  }
0xbe: {  	_ =	sfence.sel $0xFFFF  }
0xbf: {  	[dreg:$0x0] =	wrdreg $0xFFFFFFFF;
	(pc) =	sbr.abs _section_cstart, $3  }
0xc0: {  	[dreg:$0x1] =	wrdreg $0xFFFFFFFF  }
0xc1: {  	_ =	task.clear_ibuf [dreg:s6], $0x2FFFF;
	_ =	strace $0x9FFFFFFF  }
0xc2: {  	(tm) =	ssettm $0x7FFFFFFF  }
0xc3: {  	_ =	shalt  }
tec
execute0_lowered:
.L_overlay_start_1:
0x0: {  	(tag) =	ssettag $0x1  }
0x1: {  	s0 =	srdreg.scid;
	s26 =	rddreg [dreg:$0x0]  }
0x2: {  	s11 =	stileid.u32;
	s1 =	rddreg [dreg:$0x1]  }
0x3: {  	s31 =	simm.s32 $0x0;
	s28 =	simm.s32 $0x1A080;
	s29 =	simm.s32 $0x5  }
0x4: {  	s3 =	sand.u32 $0x1, s0;
	s5 =	smul.u32 $0x50000, s11;
	s6 =	sadd.s32 $0x2C00, s26  }
0x5: {  	s8 =	sadd.s32 $0xCC00, s26;
	p0 =	seq.s32 s11, $0xF;
	s2 =	sshll.u32 s3, $0x4  }
0x6: {  	[smem:$0x7FF] =	sst s31;
	s4 =	ssub.s32 $0x2, s3;
	s2 =	sor.u32 s11, s2  }
0x7: {  	s9 =	sshrl.u32 s4, $0x1;
	s5 =	sshrl.u32 s5, $0x2;
	s7 =	smul.u32 $0x2800, s2  }
0x8: {  	s10 =	smul.u32 $0x500, s2;
	s4 =	ssub.s32 s4, s9;
	s2 =	sadd.s32 s5, s1  }
0x9: {  	s14 =	sadd.s32 $0xB000, s2;
	s15 =	sadd.s32 $0xB800, s2;
	s16 =	sadd.s32 $0xC000, s2  }
0xa: {  	s17 =	sadd.s32 $0xC800, s2;
	s18 =	sadd.s32 $0xD000, s2;
	s19 =	sadd.s32 $0xD800, s2  }
0xb: {  	s20 =	sadd.s32 $0xE000, s2;
	s21 =	sadd.s32 $0xE800, s2;
	s9 =	sshrl.u32 s7, $0x3  }
0xc: {  	s12 =	sadd.s32 s6, s10;
	s13 =	sadd.s32 s8, s10;
	s7 =	sadd.s32 $0x8000, s2  }
0xd: {  	s10 =	sadd.s32 $0x9800, s2;
	[dreg:$0x3] =	wrdreg s12;
	s5 =	sadd.s32 $0x280, s9  }
0xe: {  	[dreg:$0x4] =	wrdreg s13;
	s9 =	sadd.s32 $0x9000, s2;
	s12 =	sadd.s32 $0xA000, s2  }
0xf: {  	s13 =	sadd.s32 $0xA800, s2;
	s6 =	sadd.s32 s6, s5;
	s5 =	sadd.s32 s8, s5  }
0x10: {  	s8 =	sadd.s32 $0x8800, s2;
	[dreg:$0x6] =	wrdreg s5;
	s5 =	sadd.s32 $0x12C800, s1  }
0x11: {  	[dreg:$0x5] =	wrdreg s6;
	s6 =	sadd.s32 $0x12D000, s1;
	s7 =	smov.u32 @p0 s5  }
0x12: {  	s5 =	sadd.s32 $0x12D800, s1;
	s8 =	smov.u32 @p0 s6;
	[dreg:$0x7] =	wrdreg s7  }
0x13: {  	s6 =	sadd.s32 $0x12E000, s1;
	[dreg:$0x8] =	wrdreg s8;
	s9 =	smov.u32 @p0 s5  }
0x14: {  	s5 =	sadd.s32 $0x12E800, s1;
	s10 =	smov.u32 @p0 s6;
	[dreg:$0x9] =	wrdreg s9  }
0x15: {  	s6 =	sadd.s32 $0x12F000, s1;
	[dreg:$0xa] =	wrdreg s10;
	s12 =	smov.u32 @p0 s5  }
0x16: {  	s7 =	sadd.s32 $0xF000, s2;
	s13 =	smov.u32 @p0 s6;
	[dreg:$0xb] =	wrdreg s12  }
0x17: {  	s5 =	sadd.s32 $0x12F800, s1;
	s6 =	sadd.s32 $0x130000, s1;
	[dreg:$0xc] =	wrdreg s13  }
0x18: {  	s14 =	smov.u32 @p0 s5;
	s5 =	sadd.s32 $0x130800, s1;
	s15 =	smov.u32 @p0 s6  }
0x19: {  	s6 =	sadd.s32 $0x131000, s1;
	s16 =	smov.u32 @p0 s5;
	s5 =	sadd.s32 $0x131800, s1  }
0x1a: {  	s17 =	smov.u32 @p0 s6;
	s6 =	sadd.s32 $0x132000, s1;
	s18 =	smov.u32 @p0 s5  }
0x1b: {  	s5 =	sadd.s32 $0x132800, s1;
	s19 =	smov.u32 @p0 s6;
	s6 =	sadd.s32 $0x133000, s1  }
0x1c: {  	s20 =	smov.u32 @p0 s5;
	s21 =	smov.u32 @p0 s6;
	s5 =	sadd.s32 $0x133800, s1  }
0x1d: {  	s6 =	sadd.s32 $0xF800, s2;
	s7 =	smov.u32 @p0 s5;
	s5 =	sadd.s32 $0x134000, s1  }
0x1e: {  	s30 =	simm.s32 $0x2;
	[dreg:$0xd] =	wrdreg s14;
	s6 =	smov.u32 @p0 s5  }
0x1f: {  	s5 =	sadd.s32 $0x134800, s1;
	[dreg:$0x16] =	wrdreg s6;
	s6 =	sadd.s32 $0x10000, s2  }
0x20: {  	s0 =	sadd.s32 $0xB2000, s26;
	[dreg:$0xe] =	wrdreg s15;
	s6 =	smov.u32 @p0 s5  }
0x21: {  	s5 =	sadd.s32 $0x135000, s1;
	[dreg:$0x17] =	wrdreg s6;
	s6 =	sadd.s32 $0x10800, s2  }
0x22: {  	p1 =	sne.s32 s11, $0xF;
	[dreg:$0xf] =	wrdreg s16;
	s6 =	smov.u32 @p0 s5  }
0x23: {  	s5 =	sadd.s32 $0x135800, s1;
	[dreg:$0x18] =	wrdreg s6;
	s6 =	sadd.s32 $0x11000, s2  }
0x24: {  	p5 =	seq.s32 s3, $0x1;
	[dreg:$0x10] =	wrdreg s17;
	s6 =	smov.u32 @p0 s5  }
0x25: {  	s5 =	sadd.s32 $0x136000, s1;
	[dreg:$0x19] =	wrdreg s6;
	s6 =	sadd.s32 $0x11800, s2  }
0x26: {  	p3 =	seq.s32 @p5 s11, $0xF;
	[dreg:$0x11] =	wrdreg s18;
	s6 =	smov.u32 @p0 s5  }
0x27: {  	s5 =	sadd.s32 $0x136800, s1;
	[dreg:$0x1a] =	wrdreg s6;
	s6 =	sadd.s32 $0x12000, s2  }
0x28: {  	p6 =	seq.s32 @!p5 s11, $0xF;
	[dreg:$0x12] =	wrdreg s19;
	s6 =	smov.u32 @p0 s5  }
0x29: {  	s5 =	sadd.s32 $0x137000, s1;
	[dreg:$0x1b] =	wrdreg s6;
	s6 =	sadd.s32 $0x12800, s2  }
0x2a: {  	p2 =	por !p3, !p5;
	[dreg:$0x13] =	wrdreg s20;
	s6 =	smov.u32 @p0 s5  }
0x2b: {  	s5 =	sadd.s32 $0x137800, s1;
	[dreg:$0x1c] =	wrdreg s6;
	s6 =	sadd.s32 $0x13000, s2  }
0x2c: {  	s14 =	smul.u32 $0x2800, s11;
	[dreg:$0x14] =	wrdreg s21;
	s6 =	smov.u32 @p0 s5  }
0x2d: {  	s5 =	sadd.s32 $0x138000, s1;
	[dreg:$0x1d] =	wrdreg s6;
	s6 =	sadd.s32 $0x13800, s2  }
0x2e: {  	s3 =	sadd.s32 s14, s26;
	[dreg:$0x15] =	wrdreg s7;
	s6 =	smov.u32 @p0 s5  }
0x2f: {  	p3 =	por p3, !p5;
	s15 =	sadd.s32 $0x3DE00, s3;
	[dreg:$0x1e] =	wrdreg s6  }
0x30: {  	s3 =	sadd.s32 $0x8C800, s3;
	_ =	strace $0x8000004A;
	[dreg:$0x1f] =	wrdreg s15  }
0x31: {  	p4 =	por !p6, p5;
	s16 =	sadd.s32 $0x63600, s26;
	[smem:$0x7F1] =	sst s3  }
0x32: {  	p5 =	por p6, p5;
	s22 =	sadd.s32 $0x2800, s2;
	[smem:$0x7F2] =	sst s16  }
0x33: {  	s23 =	sadd.s32 $0x3000, s2;
	s17 =	smax.u32 s4, $0x1;
	[smem:$0x7F3] =	sst s0  }
0x34: {  	s24 =	sadd.s32 $0x3800, s2;
	s18 =	sadd.s32 $0x800, s2;
	[smem:$0x7F4] =	sst s17  }
0x35: {  	s25 =	sadd.s32 $0x4000, s2;
	s19 =	sadd.s32 $0x1000, s2;
	[smem:$0x7F5] =	sst s18  }
0x36: {  	s8 =	sadd.s32 $0x12C000, s1;
	s20 =	sadd.s32 $0x1800, s2;
	[smem:$0x7F6] =	sst s19  }
0x37: {  	s9 =	sadd.s32 $0x7800, s2;
	s21 =	sadd.s32 $0x2000, s2;
	[smem:$0x7F7] =	sst s20  }
0x38: {  	s10 =	simm.s32 $0x13900;
	s9 =	smov.u32 @p0 s8;
	[smem:$0x7F8] =	sst s21  }
0x39: {  	s12 =	simm.s32 $0x3;
	s13 =	simm.s32 $0x4;
	[smem:$0x7F9] =	sst s22  }
0x3a: {  	s11 =	simm.s32 $0x1;
	s4 =	simm.s32 $0x1E080;
	[smem:$0x7FA] =	sst s23  }
0x3b: {  	s14 =	simm.s32 $0x15F80;
	s7 =	simm.s32 $0x7D;
	[smem:$0x7FB] =	sst s24  }
0x3c: {  	s6 =	sadd.s32 $0x16C00, s26;
	s26 =	sadd.s32 $0x4800, s2;
	[smem:$0x7FC] =	sst s25  }
0x3d: {  	s5 =	simm.s32 $0x13880;
	[smem:$0x7FD] =	sst s26;
	s20 =	sadd.s32 $0x5000, s2  }
0x3e: {  	s21 =	sadd.s32 $0x5800, s2;
	s22 =	sadd.s32 $0x6000, s2;
	s23 =	sadd.s32 $0x6800, s2  }
0x3f: {  	s24 =	sadd.s32 $0x7000, s2;
	s25 =	simm.s32 $0x6;
	s0 =	simm.s32 $0x14C80  }
0x40: {  	v0 =	vimm.f32 $0.0e+00;
	s26 =	simm.s32 $0x16080;
	s15 =	simm.s32 $0x16000;
	s16 =	simm.s32 $0x0  }
.LBB2_1:
0x41: {  	s3 =	sand.u32 $0x1E00, s31  }
0x42: {  	s18 =	sand.u32 $0x70, s31;
	s3 =	sshrl.u32 s3, $0x2  }
0x43: {  	s17 =	simm.s32 $0x40;
	s18 =	sor.u32 s18, s3;
	s3 =	simm.s32 $0x0  }
.LBB2_2:
0x44: {  	p6 =	sne.s32 s17, $0x1FC0  }
0x45: {  	[tilespmem:s18+$0x1E080] =	vst v0;
	s3 =	sadd.s32 $0x10, s3;
	s18 =	smov.u32 s17;
	s17 =	sadd.s32 $0x40, s17  }
.Ltmp0:
0x46: {  	(pc) =	sbr.rel @p6 .LBB2_2-.Ltmp0, $4  }
0x47: {  	_ = 	snop  }
0x48: {  	s18 =	sand.u32 $0x1E00, s18  }
0x49: {  	s19 =	sand.u32 $0x70, s3;
	s18 =	sshrl.u32 s18, $0x2  }
0x4a: {  	s18 =	sor.u32 s19, s18  }
0x4b: {  	[tilespmem:s18+$0x1E080] =	vst v0;
	s3 =	simm.s32 @!p0 $0x1E080;
	s17 =	sld [smem:$0x7F5]  }
0x4c: {  	[spmem:s2] =	stream.linear.scatter @!p0 [tilespmem:s3], [sflag:$0x5], $0x800, $0x38;
	[tilespmem:$0x1E880] =	vst v63  }
0x4d: {  	_ = 	snop  }
0x4e: {  	[spmem:s17] =	stream.linear.scatter @!p0 [tilespmem:s3], [sflag:$0x5], $0x800, $0x38;
	[tilespmem:$0x1E880] =	vst v63  }
0x4f: {  	s17 =	sld [smem:$0x7F6];
	_ =	sdelay $0x2  }
0x50: {  	[spmem:s17] =	stream.linear.scatter @!p0 [tilespmem:s3], [sflag:$0x5], $0x800, $0x38;
	[tilespmem:$0x1E880] =	vst v63  }
0x51: {  	s17 =	sld [smem:$0x7F7];
	_ =	sdelay $0x2  }
0x52: {  	[spmem:s17] =	stream.linear.scatter @!p0 [tilespmem:s3], [sflag:$0x5], $0x800, $0x38;
	[tilespmem:$0x1E880] =	vst v63  }
0x53: {  	s17 =	sld [smem:$0x7F8];
	_ =	sdelay $0x2  }
0x54: {  	[spmem:s17] =	stream.linear.scatter @!p0 [tilespmem:s3], [sflag:$0x5], $0x800, $0x38;
	[tilespmem:$0x1E880] =	vst v63  }
0x55: {  	s17 =	sld [smem:$0x7F9];
	_ =	sdelay $0x2  }
0x56: {  	[spmem:s17] =	stream.linear.scatter @!p0 [tilespmem:s3], [sflag:$0x5], $0x800, $0x38;
	[tilespmem:$0x1E880] =	vst v63  }
0x57: {  	s17 =	sld [smem:$0x7FA];
	_ =	sdelay $0x2  }
0x58: {  	[spmem:s17] =	stream.linear.scatter @!p0 [tilespmem:s3], [sflag:$0x5], $0x800, $0x38;
	[tilespmem:$0x1E880] =	vst v63  }
0x59: {  	s17 =	sld [smem:$0x7FB];
	_ =	sdelay $0x2  }
0x5a: {  	[spmem:s17] =	stream.linear.scatter @!p0 [tilespmem:s3], [sflag:$0x5], $0x800, $0x38;
	[tilespmem:$0x1E880] =	vst v63  }
0x5b: {  	s17 =	sld [smem:$0x7FC];
	_ =	sdelay $0x2  }
0x5c: {  	[spmem:s17] =	stream.linear.scatter @!p0 [tilespmem:s3], [sflag:$0x5], $0x800, $0x38;
	[tilespmem:$0x1E880] =	vst v63  }
0x5d: {  	s17 =	sld [smem:$0x7FD];
	_ =	sdelay $0x2  }
0x5e: {  	[spmem:s17] =	stream.linear.scatter @!p0 [tilespmem:s3], [sflag:$0x5], $0x800, $0x38;
	[tilespmem:$0x1E880] =	vst v63  }
0x5f: {  	_ = 	snop  }
0x60: {  	[spmem:s20] =	stream.linear.scatter @!p0 [tilespmem:s3], [sflag:$0x5], $0x800, $0x38;
	[tilespmem:$0x1E880] =	vst v63  }
0x61: {  	_ = 	snop  }
0x62: {  	[spmem:s21] =	stream.linear.scatter @!p0 [tilespmem:s3], [sflag:$0x5], $0x800, $0x38;
	[tilespmem:$0x1E880] =	vst v63  }
0x63: {  	_ = 	snop  }
0x64: {  	[spmem:s22] =	stream.linear.scatter @!p0 [tilespmem:s3], [sflag:$0x5], $0x800, $0x38;
	[tilespmem:$0x1E880] =	vst v63  }
0x65: {  	_ = 	snop  }
0x66: {  	[spmem:s23] =	stream.linear.scatter @!p0 [tilespmem:s3], [sflag:$0x5], $0x800, $0x38;
	[tilespmem:$0x1E880] =	vst v63  }
0x67: {  	_ = 	snop  }
0x68: {  	[spmem:s24] =	stream.linear.scatter @!p0 [tilespmem:s3], [sflag:$0x5], $0x800, $0x38;
	[tilespmem:$0x1E880] =	vst v63  }
0x69: {  	_ = 	snop  }
0x6a: {  	[spmem:s9] =	stream.linear.scatter [tilespmem:s4], [sflag:$0x5], $0x800, $0x38;
	[tilespmem:$0x1E880] =	vst v63  }
0x6b: {  	s18 =	rddreg [dreg:$0x7]  }
0x6c: {  	[spmem:s18] =	stream.linear.scatter [tilespmem:s4], [sflag:$0x5], $0x800, $0x38;
	[tilespmem:$0x1E880] =	vst v63  }
0x6d: {  	s19 =	rddreg [dreg:$0x8]  }
0x6e: {  	[spmem:s19] =	stream.linear.scatter [tilespmem:s4], [sflag:$0x5], $0x800, $0x38;
	[tilespmem:$0x1E880] =	vst v63  }
0x6f: {  	s17 =	rddreg [dreg:$0x9]  }
0x70: {  	[spmem:s17] =	stream.linear.scatter [tilespmem:s4], [sflag:$0x5], $0x800, $0x38;
	[tilespmem:$0x1E880] =	vst v63  }
0x71: {  	s18 =	rddreg [dreg:$0xa]  }
0x72: {  	[spmem:s18] =	stream.linear.scatter [tilespmem:s4], [sflag:$0x5], $0x800, $0x38;
	[tilespmem:$0x1E880] =	vst v63  }
0x73: {  	s19 =	rddreg [dreg:$0xb]  }
0x74: {  	[spmem:s19] =	stream.linear.scatter [tilespmem:s4], [sflag:$0x5], $0x800, $0x38;
	[tilespmem:$0x1E880] =	vst v63  }
0x75: {  	s17 =	rddreg [dreg:$0xc]  }
0x76: {  	[spmem:s17] =	stream.linear.scatter [tilespmem:s4], [sflag:$0x5], $0x800, $0x38;
	[tilespmem:$0x1E880] =	vst v63  }
0x77: {  	s18 =	rddreg [dreg:$0xd]  }
0x78: {  	[spmem:s18] =	stream.linear.scatter [tilespmem:s4], [sflag:$0x5], $0x800, $0x38;
	[tilespmem:$0x1E880] =	vst v63  }
0x79: {  	s19 =	rddreg [dreg:$0xe]  }
0x7a: {  	[spmem:s19] =	stream.linear.scatter [tilespmem:s4], [sflag:$0x5], $0x800, $0x38;
	[tilespmem:$0x1E880] =	vst v63  }
0x7b: {  	s17 =	rddreg [dreg:$0xf]  }
0x7c: {  	[spmem:s17] =	stream.linear.scatter [tilespmem:s4], [sflag:$0x5], $0x800, $0x38;
	[tilespmem:$0x1E880] =	vst v63  }
0x7d: {  	s18 =	rddreg [dreg:$0x10]  }
0x7e: {  	[spmem:s18] =	stream.linear.scatter [tilespmem:s4], [sflag:$0x5], $0x800, $0x38;
	[tilespmem:$0x1E880] =	vst v63  }
0x7f: {  	s19 =	rddreg [dreg:$0x11]  }
0x80: {  	[spmem:s19] =	stream.linear.scatter [tilespmem:s4], [sflag:$0x5], $0x800, $0x38;
	[tilespmem:$0x1E880] =	vst v63  }
0x81: {  	s17 =	rddreg [dreg:$0x12]  }
0x82: {  	[spmem:s17] =	stream.linear.scatter [tilespmem:s4], [sflag:$0x5], $0x800, $0x38;
	[tilespmem:$0x1E880] =	vst v63  }
0x83: {  	s18 =	rddreg [dreg:$0x13]  }
0x84: {  	[spmem:s18] =	stream.linear.scatter [tilespmem:s4], [sflag:$0x5], $0x800, $0x38;
	[tilespmem:$0x1E880] =	vst v63  }
0x85: {  	s19 =	rddreg [dreg:$0x14]  }
0x86: {  	[spmem:s19] =	stream.linear.scatter [tilespmem:s4], [sflag:$0x5], $0x800, $0x38;
	[tilespmem:$0x1E880] =	vst v63  }
0x87: {  	s17 =	rddreg [dreg:$0x15]  }
0x88: {  	[spmem:s17] =	stream.linear.scatter [tilespmem:s4], [sflag:$0x5], $0x800, $0x38;
	[tilespmem:$0x1E880] =	vst v63  }
0x89: {  	s18 =	rddreg [dreg:$0x16]  }
0x8a: {  	[spmem:s18] =	stream.linear.scatter [tilespmem:s4], [sflag:$0x5], $0x800, $0x38;
	[tilespmem:$0x1E880] =	vst v63  }
0x8b: {  	s19 =	rddreg [dreg:$0x17]  }
0x8c: {  	[spmem:s19] =	stream.linear.scatter [tilespmem:s4], [sflag:$0x5], $0x800, $0x38;
	[tilespmem:$0x1E880] =	vst v63  }
0x8d: {  	s17 =	rddreg [dreg:$0x18]  }
0x8e: {  	[spmem:s17] =	stream.linear.scatter [tilespmem:s4], [sflag:$0x5], $0x800, $0x38;
	[tilespmem:$0x1E880] =	vst v63  }
0x8f: {  	s18 =	rddreg [dreg:$0x19]  }
0x90: {  	[spmem:s18] =	stream.linear.scatter [tilespmem:s4], [sflag:$0x5], $0x800, $0x38;
	[tilespmem:$0x1E880] =	vst v63  }
0x91: {  	s19 =	rddreg [dreg:$0x1a]  }
0x92: {  	[spmem:s19] =	stream.linear.scatter [tilespmem:s4], [sflag:$0x5], $0x800, $0x38;
	[tilespmem:$0x1E880] =	vst v63  }
0x93: {  	s17 =	rddreg [dreg:$0x1b]  }
0x94: {  	[spmem:s17] =	stream.linear.scatter [tilespmem:s4], [sflag:$0x5], $0x800, $0x38;
	[tilespmem:$0x1E880] =	vst v63  }
0x95: {  	s18 =	rddreg [dreg:$0x1c]  }
0x96: {  	[spmem:s18] =	stream.linear.scatter [tilespmem:s4], [sflag:$0x5], $0x800, $0x38;
	[tilespmem:$0x1E880] =	vst v63  }
0x97: {  	s19 =	rddreg [dreg:$0x1d]  }
0x98: {  	[spmem:s19] =	stream.linear.scatter [tilespmem:s4], [sflag:$0x5], $0x800, $0x38;
	[tilespmem:$0x1E880] =	vst v63  }
0x99: {  	s17 =	rddreg [dreg:$0x1e]  }
0x9a: {  	[spmem:s17] =	stream.linear.scatter [tilespmem:s4], [sflag:$0x5], $0x800, $0x38;
	[tilespmem:$0x1E880] =	vst v63  }
0x9b: {  	s18 =	rddreg [dreg:$0x3]  }
0x9c: {  	[tilespmem:s5], [sflag:$0x6] =	stream.linear.gather [hbm4b:s18+s31], $0x1400, $0x38;
	[tilespmem:$0x1E880] =	vst v63  }
0x9d: {  	_ =	swait.ge [sflag:s25], $0x1400  }
0x9e: {  	[sflag:s25] =	ssyncset.done $0x0  }
0x9f: {  	s19 =	rddreg [dreg:$0x4];
	[sflag:s25] =	ssyncadd.s32 $0xFFFFEC00  }
0xa0: {  	[tilespmem:s0], [sflag:$0x6] =	stream.linear.gather [hbm4b:s19+s31], $0x1400, $0x38;
	[tilespmem:$0x1E880] =	vst v63  }
0xa1: {  	_ =	swait.ge [sflag:s25], $0x1400  }
.Ltmp1:
0xa2: {  	[sflag:s25] =	ssyncset.done $0x0;
	(pc) =	sbr.rel @p1 .LBB2_5-.Ltmp1, $4  }
0xa3: {  	[sflag:s25] =	ssyncadd.s32 $0xFFFFEC00  }
0xa4: {  	[tilespmem:s26], [sflag:$0x1] =	stream.indirect.gather [hbm4b:s6+s7], $0x80, s5, s7, $0xb8;
	[tilespmem:$0x1E880] =	vst v63  }
0xa5: {  	s3 =	simm.s32 $0x28  }
0xa6: {  	[tilespmem:s28], [sflag:$0x2] =	stream.indirect.gather [hbm4b:s6+s7], $0x80, s10, s7, $0xb8;
	[tilespmem:$0x1E880] =	vst v63  }
0xa7: {  	_ =	swait.ge [sflag:s29], $0x800  }
0xa8: {  	[sflag:s29] =	ssyncset.done $0x0  }
0xa9: {  	[sflag:s29] =	ssyncadd.s32 $0xFFFFF800  }
0xaa: {  	_ =	swait.ge [sflag:s29], $0x800  }
0xab: {  	[sflag:s29] =	ssyncset.done $0x0  }
0xac: {  	[sflag:s29] =	ssyncadd.s32 $0xFFFFF800  }
0xad: {  	_ =	swait.ge [sflag:s29], $0x800  }
0xae: {  	[sflag:s29] =	ssyncset.done $0x0  }
0xaf: {  	[sflag:s29] =	ssyncadd.s32 $0xFFFFF800  }
0xb0: {  	_ =	swait.ge [sflag:s29], $0x800  }
0xb1: {  	[sflag:s29] =	ssyncset.done $0x0  }
0xb2: {  	[sflag:s29] =	ssyncadd.s32 $0xFFFFF800  }
0xb3: {  	_ =	swait.ge [sflag:s29], $0x800  }
0xb4: {  	[sflag:s29] =	ssyncset.done $0x0  }
0xb5: {  	[sflag:s29] =	ssyncadd.s32 $0xFFFFF800  }
0xb6: {  	_ =	swait.ge [sflag:s29], $0x800  }
0xb7: {  	[sflag:s29] =	ssyncset.done $0x0  }
0xb8: {  	[sflag:s29] =	ssyncadd.s32 $0xFFFFF800  }
0xb9: {  	_ =	swait.ge [sflag:s29], $0x800  }
0xba: {  	[sflag:s29] =	ssyncset.done $0x0  }
0xbb: {  	[sflag:s29] =	ssyncadd.s32 $0xFFFFF800  }
0xbc: {  	_ =	swait.ge [sflag:s29], $0x800  }
0xbd: {  	[sflag:s29] =	ssyncset.done $0x0  }
0xbe: {  	[sflag:s29] =	ssyncadd.s32 $0xFFFFF800  }
0xbf: {  	_ =	swait.ge [sflag:s29], $0x800  }
0xc0: {  	[sflag:s29] =	ssyncset.done $0x0  }
0xc1: {  	[sflag:s29] =	ssyncadd.s32 $0xFFFFF800  }
0xc2: {  	_ =	swait.ge [sflag:s29], $0x800  }
0xc3: {  	[sflag:s29] =	ssyncset.done $0x0  }
0xc4: {  	[sflag:s29] =	ssyncadd.s32 $0xFFFFF800  }
0xc5: {  	_ =	swait.ge [sflag:s29], $0x800  }
0xc6: {  	[sflag:s29] =	ssyncset.done $0x0  }
0xc7: {  	[sflag:s29] =	ssyncadd.s32 $0xFFFFF800  }
0xc8: {  	_ =	swait.ge [sflag:s29], $0x800  }
0xc9: {  	[sflag:s29] =	ssyncset.done $0x0  }
0xca: {  	[sflag:s29] =	ssyncadd.s32 $0xFFFFF800  }
0xcb: {  	_ =	swait.ge [sflag:s29], $0x800  }
0xcc: {  	[sflag:s29] =	ssyncset.done $0x0  }
0xcd: {  	[sflag:s29] =	ssyncadd.s32 $0xFFFFF800  }
0xce: {  	_ =	swait.ge [sflag:s29], $0x800  }
0xcf: {  	[sflag:s29] =	ssyncset.done $0x0  }
0xd0: {  	[sflag:s29] =	ssyncadd.s32 $0xFFFFF800  }
0xd1: {  	_ =	swait.ge [sflag:s29], $0x800  }
0xd2: {  	[sflag:s29] =	ssyncset.done $0x0  }
0xd3: {  	[sflag:s29] =	ssyncadd.s32 $0xFFFFF800  }
0xd4: {  	_ =	swait.ge [sflag:s29], $0x800  }
0xd5: {  	[sflag:s29] =	ssyncset.done $0x0  }
0xd6: {  	[sflag:s29] =	ssyncadd.s32 $0xFFFFF800  }
0xd7: {  	_ =	swait.ge [sflag:s29], $0x800  }
0xd8: {  	[sflag:s29] =	ssyncset.done $0x0  }
0xd9: {  	[sflag:s29] =	ssyncadd.s32 $0xFFFFF800  }
0xda: {  	_ =	swait.ge [sflag:s29], $0x800  }
0xdb: {  	[sflag:s29] =	ssyncset.done $0x0  }
0xdc: {  	[sflag:s29] =	ssyncadd.s32 $0xFFFFF800  }
0xdd: {  	_ =	swait.ge [sflag:s29], $0x800  }
0xde: {  	[sflag:s29] =	ssyncset.done $0x0  }
0xdf: {  	[sflag:s29] =	ssyncadd.s32 $0xFFFFF800  }
0xe0: {  	_ =	swait.ge [sflag:s29], $0x800  }
0xe1: {  	[sflag:s29] =	ssyncset.done $0x0  }
0xe2: {  	[sflag:s29] =	ssyncadd.s32 $0xFFFFF800  }
0xe3: {  	_ =	swait.ge [sflag:s29], $0x800  }
0xe4: {  	[sflag:s29] =	ssyncset.done $0x0  }
0xe5: {  	[sflag:s29] =	ssyncadd.s32 $0xFFFFF800  }
0xe6: {  	_ =	swait.ge [sflag:s29], $0x800  }
0xe7: {  	[sflag:s29] =	ssyncset.done $0x0  }
0xe8: {  	[sflag:s29] =	ssyncadd.s32 $0xFFFFF800  }
0xe9: {  	_ =	swait.ge [sflag:s29], $0x800  }
0xea: {  	[sflag:s29] =	ssyncset.done $0x0  }
0xeb: {  	[sflag:s29] =	ssyncadd.s32 $0xFFFFF800  }
0xec: {  	_ =	swait.ge [sflag:s29], $0x800  }
.Ltmp2:
0xed: {  	[sflag:s29] =	ssyncset.done $0x0;
	(pc) =	sbr.rel .LBB2_8-.Ltmp2, $4  }
0xee: {  	[sflag:s29] =	ssyncadd.s32 $0xFFFFF800  }
0xef: {  	_ =	swait.ge [sflag:s29], $0x800  }
0xf0: {  	[sflag:s29] =	ssyncset.done $0x0  }
0xf1: {  	[sflag:s29] =	ssyncadd.s32 $0xFFFFF800  }
.LBB2_5:
0xf2: {  	_ =	swait.ge [sflag:s29], $0x800  }
0xf3: {  	s3 =	sadd.s32 $0xFFFFFFFF, s3;
	[sflag:s29] =	ssyncset.done $0x0  }
.LBB2_6:
0xf4: {  	p6 =	sne.s32 s3, $0x1;
	s3 =	sadd.s32 $0xFFFFFFFF, s3;
	[sflag:s29] =	ssyncadd.s32 $0xFFFFF800  }
.Ltmp3:
0xf5: {  	(pc) =	sbr.rel @p6 .LBB2_6-.Ltmp3, $3  }
0xf6: {  	_ =	sdelay $0x1  }
0xf7: {  	_ =	swait.ge [sflag:s29], $0x800  }
0xf8: {  	[sflag:s29] =	ssyncset.done $0x0  }
0xf9: {  	[sflag:s29] =	ssyncadd.s32 $0xFFFFF800  }
.LBB2_8:
0xfa: {  	[bflag:$0x0] =	sbarrier.arrive $0xFFFF  }
0xfb: {  	_ =	swait.ge [sflag:s11], $0x3E80  }
0xfc: {  	[sflag:s11] =	ssyncset.done $0x0  }
0xfd: {  	s3 =	simm.s32 $0x14C80;
	[sflag:s11] =	ssyncadd.s32 $0xFFFFC180  }
0xfe: {  	[spmem:s1] =	stream.indirect.scatter.add.f32 [tilespmem:s26], [sflag:$0x3], $0x80, s3, s7, $0xb8;
	[tilespmem:$0x1E880] =	vst v63  }
0xff: {  	_ =	swait.ge [sflag:s30], $0x3E80  }
0x100: {  	[sflag:s30] =	ssyncset.done $0x0  }
0x101: {  	s18 =	simm.s32 $0x14D00;
	[sflag:s30] =	ssyncadd.s32 $0xFFFFC180  }
0x102: {  	[spmem:s1] =	stream.indirect.scatter.add.f32 [tilespmem:s28], [sflag:$0x4], $0x80, s18, s7, $0xb8;
	[tilespmem:$0x1E880] =	vst v63  }
0x103: {  	_ =	swait.ge [sflag:s12], $0x3E80  }
0x104: {  	[sflag:s12] =	ssyncset.done $0x0  }
0x105: {  	s19 =	simm.s32 $0x13980;
	[sflag:s12] =	ssyncadd.s32 $0xFFFFC180  }
0x106: {  	[tilespmem:s26], [sflag:$0x1] =	stream.indirect.gather [hbm4b:s6+s7], $0x80, s19, s7, $0xb8;
	[tilespmem:$0x1E880] =	vst v63  }
0x107: {  	_ =	swait.ge [sflag:s13], $0x3E80  }
0x108: {  	[sflag:s13] =	ssyncset.done $0x0  }
0x109: {  	s17 =	simm.s32 $0x400;
	s3 =	simm.s32 $0x13A00;
	[sflag:s13] =	ssyncadd.s32 $0xFFFFC180  }
.LBB2_9:
0x10a: {  	[tilespmem:s28], [sflag:$0x2] =	stream.indirect.gather [hbm4b:s6+s7], $0x80, s3, s7, $0xb8;
	[tilespmem:$0x1E880] =	vst v63  }
0x10b: {  	s3 =	smov.u32 s17  }
0x10c: {  	p6 =	sne.s32 s17, $0x4800;
	s17 =	sadd.s32 $0x400, s17;
	_ =	swait.ge [sflag:s11], $0x3E80  }
0x10d: {  	s3 =	sshra.s32 s3, $0x2;
	[sflag:s11] =	ssyncset.done $0x0  }
0x10e: {  	s18 =	sadd.s32 $0x14C80, s3;
	[sflag:s11] =	ssyncadd.s32 $0xFFFFC180  }
0x10f: {  	[spmem:s1] =	stream.indirect.scatter.add.f32 [tilespmem:s26], [sflag:$0x3], $0x80, s18, s7, $0xb8;
	[tilespmem:$0x1E880] =	vst v63  }
0x110: {  	_ =	swait.ge [sflag:s30], $0x3E80  }
0x111: {  	[sflag:s30] =	ssyncset.done $0x0  }
0x112: {  	s18 =	sadd.s32 $0x14D00, s3;
	[sflag:s30] =	ssyncadd.s32 $0xFFFFC180  }
0x113: {  	[spmem:s1] =	stream.indirect.scatter.add.f32 [tilespmem:s28], [sflag:$0x4], $0x80, s18, s7, $0xb8;
	[tilespmem:$0x1E880] =	vst v63  }
0x114: {  	_ =	swait.ge [sflag:s12], $0x3E80  }
0x115: {  	[sflag:s12] =	ssyncset.done $0x0  }
.Ltmp4:
0x116: {  	s18 =	sadd.s32 $0x13980, s3;
	[sflag:s12] =	ssyncadd.s32 $0xFFFFC180;
	(pc) =	sbr.rel @p6 .LBB2_9-.Ltmp4, $4  }
0x117: {  	[tilespmem:s26], [sflag:$0x1] =	stream.indirect.gather [hbm4b:s6+s7], $0x80, s18, s7, $0xb8;
	[tilespmem:$0x1E880] =	vst v63  }
0x118: {  	_ =	swait.ge [sflag:s13], $0x3E80  }
0x119: {  	[sflag:s13] =	ssyncset.done $0x0  }
0x11a: {  	s3 =	sadd.s32 $0x13A00, s3;
	[sflag:s13] =	ssyncadd.s32 $0xFFFFC180  }
0x11b: {  	[tilespmem:s28], [sflag:$0x2] =	stream.indirect.gather [hbm4b:s6+s7], $0x80, s3, s7, $0xb8;
	[tilespmem:$0x1E880] =	vst v63  }
0x11c: {  	_ =	swait.ge [sflag:s11], $0x3E80  }
0x11d: {  	[sflag:s11] =	ssyncset.done $0x0  }
0x11e: {  	[sflag:s11] =	ssyncadd.s32 $0xFFFFC180  }
0x11f: {  	[spmem:s1] =	stream.indirect.scatter.add.f32 [tilespmem:s26], [sflag:$0x3], $0x80, s14, s7, $0xb8;
	[tilespmem:$0x1E880] =	vst v63  }
0x120: {  	_ =	swait.ge [sflag:s30], $0x3E80  }
0x121: {  	[sflag:s30] =	ssyncset.done $0x0  }
0x122: {  	[sflag:s30] =	ssyncadd.s32 $0xFFFFC180  }
0x123: {  	[spmem:s1] =	stream.indirect.scatter.add.f32 [tilespmem:s28], [sflag:$0x4], $0x80, s15, s7, $0xb8;
	[tilespmem:$0x1E880] =	vst v63  }
0x124: {  	_ =	swait.ge [sflag:s12], $0x3E80  }
0x125: {  	[sflag:s12] =	ssyncset.done $0x0  }
0x126: {  	[sflag:s12] =	ssyncadd.s32 $0xFFFFC180  }
0x127: {  	_ =	swait.ge [sflag:s13], $0x3E80  }
0x128: {  	[sflag:s13] =	ssyncset.done $0x0  }
0x129: {  	s18 =	simm.s32 $0x0;
	s17 =	rddreg [dreg:$0x5];
	[sflag:s13] =	ssyncadd.s32 $0xFFFFC180  }
0x12a: {  	[tilespmem:s5], [sflag:$0x6] =	stream.linear.gather [hbm4b:s17+s18], $0x1400, $0x38;
	[tilespmem:$0x1E880] =	vst v63  }
0x12b: {  	_ =	swait.ge [sflag:s25], $0x1400  }
0x12c: {  	[sflag:s25] =	ssyncset.done $0x0  }
0x12d: {  	s19 =	rddreg [dreg:$0x6];
	[sflag:s25] =	ssyncadd.s32 $0xFFFFEC00  }
0x12e: {  	[tilespmem:s0], [sflag:$0x6] =	stream.linear.gather [hbm4b:s19+s18], $0x1400, $0x38;
	[tilespmem:$0x1E880] =	vst v63  }
0x12f: {  	_ =	swait.ge [sflag:s25], $0x1400  }
0x130: {  	[sflag:s25] =	ssyncset.done $0x0  }
0x131: {  	[sflag:s25] =	ssyncadd.s32 $0xFFFFEC00  }
0x132: {  	[tilespmem:s26], [sflag:$0x1] =	stream.indirect.gather [hbm4b:s6+s7], $0x80, s5, s7, $0xb8;
	[tilespmem:$0x1E880] =	vst v63  }
0x133: {  	_ = 	snop  }
0x134: {  	[tilespmem:s28], [sflag:$0x2] =	stream.indirect.gather [hbm4b:s6+s7], $0x80, s10, s7, $0xb8;
	[tilespmem:$0x1E880] =	vst v63  }
0x135: {  	_ =	swait.ge [sflag:s11], $0x3E80  }
0x136: {  	[sflag:s11] =	ssyncset.done $0x0  }
0x137: {  	s17 =	simm.s32 $0x14C80;
	[sflag:s11] =	ssyncadd.s32 $0xFFFFC180  }
0x138: {  	[spmem:s1] =	stream.indirect.scatter.add.f32 [tilespmem:s26], [sflag:$0x3], $0x80, s17, s7, $0xb8;
	[tilespmem:$0x1E880] =	vst v63  }
0x139: {  	_ =	swait.ge [sflag:s30], $0x3E80  }
0x13a: {  	[sflag:s30] =	ssyncset.done $0x0  }
0x13b: {  	s18 =	simm.s32 $0x14D00;
	[sflag:s30] =	ssyncadd.s32 $0xFFFFC180  }
0x13c: {  	[spmem:s1] =	stream.indirect.scatter.add.f32 [tilespmem:s28], [sflag:$0x4], $0x80, s18, s7, $0xb8;
	[tilespmem:$0x1E880] =	vst v63  }
0x13d: {  	_ =	swait.ge [sflag:s12], $0x3E80  }
0x13e: {  	[sflag:s12] =	ssyncset.done $0x0  }
0x13f: {  	s19 =	simm.s32 $0x13980;
	[sflag:s12] =	ssyncadd.s32 $0xFFFFC180  }
0x140: {  	[tilespmem:s26], [sflag:$0x1] =	stream.indirect.gather [hbm4b:s6+s7], $0x80, s19, s7, $0xb8;
	[tilespmem:$0x1E880] =	vst v63  }
0x141: {  	_ =	swait.ge [sflag:s13], $0x3E80  }
0x142: {  	[sflag:s13] =	ssyncset.done $0x0  }
0x143: {  	s3 =	simm.s32 $0x13A00;
	s17 =	simm.s32 $0x400;
	[sflag:s13] =	ssyncadd.s32 $0xFFFFC180  }
.LBB2_11:
0x144: {  	[tilespmem:s28], [sflag:$0x2] =	stream.indirect.gather [hbm4b:s6+s7], $0x80, s3, s7, $0xb8;
	[tilespmem:$0x1E880] =	vst v63  }
0x145: {  	s3 =	smov.u32 s17  }
0x146: {  	p6 =	sne.s32 s17, $0x4800;
	s17 =	sadd.s32 $0x400, s17;
	_ =	swait.ge [sflag:s11], $0x3E80  }
0x147: {  	s3 =	sshra.s32 s3, $0x2;
	[sflag:s11] =	ssyncset.done $0x0  }
0x148: {  	s18 =	sadd.s32 $0x14C80, s3;
	[sflag:s11] =	ssyncadd.s32 $0xFFFFC180  }
0x149: {  	[spmem:s1] =	stream.indirect.scatter.add.f32 [tilespmem:s26], [sflag:$0x3], $0x80, s18, s7, $0xb8;
	[tilespmem:$0x1E880] =	vst v63  }
0x14a: {  	_ =	swait.ge [sflag:s30], $0x3E80  }
0x14b: {  	[sflag:s30] =	ssyncset.done $0x0  }
0x14c: {  	s18 =	sadd.s32 $0x14D00, s3;
	[sflag:s30] =	ssyncadd.s32 $0xFFFFC180  }
0x14d: {  	[spmem:s1] =	stream.indirect.scatter.add.f32 [tilespmem:s28], [sflag:$0x4], $0x80, s18, s7, $0xb8;
	[tilespmem:$0x1E880] =	vst v63  }
0x14e: {  	_ =	swait.ge [sflag:s12], $0x3E80  }
0x14f: {  	[sflag:s12] =	ssyncset.done $0x0  }
.Ltmp5:
0x150: {  	s18 =	sadd.s32 $0x13980, s3;
	[sflag:s12] =	ssyncadd.s32 $0xFFFFC180;
	(pc) =	sbr.rel @p6 .LBB2_11-.Ltmp5, $4  }
0x151: {  	[tilespmem:s26], [sflag:$0x1] =	stream.indirect.gather [hbm4b:s6+s7], $0x80, s18, s7, $0xb8;
	[tilespmem:$0x1E880] =	vst v63  }
0x152: {  	_ =	swait.ge [sflag:s13], $0x3E80  }
0x153: {  	[sflag:s13] =	ssyncset.done $0x0  }
0x154: {  	s3 =	sadd.s32 $0x13A00, s3;
	[sflag:s13] =	ssyncadd.s32 $0xFFFFC180  }
0x155: {  	[tilespmem:s28], [sflag:$0x2] =	stream.indirect.gather [hbm4b:s6+s7], $0x80, s3, s7, $0xb8;
	[tilespmem:$0x1E880] =	vst v63  }
0x156: {  	_ =	swait.ge [sflag:s11], $0x3E80  }
0x157: {  	[sflag:s11] =	ssyncset.done $0x0  }
0x158: {  	[sflag:s11] =	ssyncadd.s32 $0xFFFFC180  }
0x159: {  	[spmem:s1] =	stream.indirect.scatter.add.f32 [tilespmem:s26], [sflag:$0x3], $0x80, s14, s7, $0xb8;
	[tilespmem:$0x1E880] =	vst v63  }
0x15a: {  	_ =	swait.ge [sflag:s30], $0x3E80  }
0x15b: {  	[sflag:s30] =	ssyncset.done $0x0  }
0x15c: {  	[sflag:s30] =	ssyncadd.s32 $0xFFFFC180  }
0x15d: {  	[spmem:s1] =	stream.indirect.scatter.add.f32 [tilespmem:s28], [sflag:$0x4], $0x80, s15, s7, $0xb8;
	[tilespmem:$0x1E880] =	vst v63  }
0x15e: {  	_ =	swait.ge [sflag:s12], $0x3E80  }
0x15f: {  	[sflag:s12] =	ssyncset.done $0x0  }
0x160: {  	[sflag:s12] =	ssyncadd.s32 $0xFFFFC180  }
0x161: {  	_ =	swait.ge [sflag:s13], $0x3E80  }
0x162: {  	[sflag:s13] =	ssyncset.done $0x0  }
0x163: {  	[sflag:s13] =	ssyncadd.s32 $0xFFFFC180  }
0x164: {  	[bflag:$0x0] =	sbarrier.arrive $0xFFFF  }
0x165: {  	s18 =	sld [smem:$0x7F3];
	_ =	sdelay $0x1  }
0x166: {  	s3 =	sshrl.u32 @!p2 s8, $0x3;
	s17 =	simm.s32 @!p2 $0x1FC6  }
0x167: {  	[hbm:s18], [sflag:s17] =	dma.local @!p2 [spmem:s3], $0x1900  }
0x168: {  	s3 =	simm.s32 @!p2 $0x6  }
0x169: {  	_ =	swait.ge @!p2 [sflag:s3], $0x1900  }
0x16a: {  	s19 =	stileid.u32;
	s18 =	sld [smem:$0x7F1]  }
0x16b: {  	s17 =	sshll.u32 @!p3 s19, $0x6;
	[sflag:s3] =	ssyncset.done @!p2 $0x0  }
0x16c: {  	[sflag:s3] =	ssyncadd.s32 @!p2 $0xFFFFE700;
	s3 =	sor.u32 @!p3 $0x1C06, s17;
	s17 =	sshrl.u32 @!p3 s2, $0x3  }
0x16d: {  	[hbm:s18], [sflag:s3] =	dma.local @!p3 [spmem:s17], $0x2800  }
0x16e: {  	s3 =	simm.s32 @!p3 $0x6  }
0x16f: {  	_ =	swait.ge @!p3 [sflag:s3], $0x2800  }
0x170: {  	s18 =	sld [smem:$0x7F2]  }
0x171: {  	[sflag:s3] =	ssyncset.done @!p3 $0x0  }
0x172: {  	s17 =	simm.s32 @!p4 $0x1FC6;
	[sflag:s3] =	ssyncadd.s32 @!p3 $0xFFFFD800;
	s3 =	sshrl.u32 @!p4 s8, $0x3  }
0x173: {  	[hbm:s18], [sflag:s17] =	dma.local @!p4 [spmem:s3], $0x1900  }
0x174: {  	s3 =	simm.s32 @!p4 $0x6  }
0x175: {  	_ =	swait.ge @!p4 [sflag:s3], $0x1900  }
0x176: {  	s17 =	sshll.u32 @!p5 s19, $0x6;
	[sflag:s3] =	ssyncset.done @!p4 $0x0;
	s19 =	rddreg [dreg:$0x1f]  }
0x177: {  	[sflag:s3] =	ssyncadd.s32 @!p4 $0xFFFFE700;
	s3 =	sor.u32 @!p5 $0x1C06, s17;
	s17 =	sshrl.u32 @!p5 s2, $0x3  }
0x178: {  	[hbm:s19], [sflag:s3] =	dma.local @!p5 [spmem:s17], $0x2800  }
0x179: {  	s3 =	simm.s32 @!p5 $0x6  }
0x17a: {  	_ =	swait.ge @!p5 [sflag:s3], $0x2800  }
0x17b: {  	s19 =	sld [smem:$0x7F4];
	_ =	sdelay $0x1  }
0x17c: {  	s16 =	sadd.s32 $0x1, s16  }
0x17d: {  	p6 =	sne.s32 s16, s19  }
.Ltmp6:
0x17e: {  	_ = 	snop;
	(pc) =	sbr.rel @p6 .LBB2_1-.Ltmp6, $3  }
0x17f: {  	_ =	sdelay $0x1  }
0x180: {  	[sflag:s3] =	ssyncset.done @!p5 $0x0  }
0x181: {  	s18 =	stileid.u32;
	[sflag:s3] =	ssyncadd.s32 @!p5 $0xFFFFD800  }
0x182: {  	_ =	sfence.sel $0x180000  }
0x183: {  	[bflag:$0x0] =	sbarrier.arrive $0xFFFF  }
0x184: {  	_ =	strace $0x9000004A  }
0x185: {  	[bflag:$0x2] =	sbarrier.arrive $0xFFFF  }
0x186: {  	p0 =	sne.s32 s18, $0x0;
	s0 =	rddreg [dreg:$0x2]  }
0x187: {  	s0 =	sadd.s32 @!p0 $0x100000, s0  }
0x188: {  	[sflag:s0] =	ssyncadd.tile.s32 @!p0 $0x1;
	_ =	shalt  }
.Lfunc_end2:
_tile_overlayer_lowered:
.L_overlay_start_2:
0x189: {  	(tag) =	ssettag $0x2  }
0x18a: {  	s0 =	rddreg [dreg:$0x0];
	s2 =	stileid.u32  }
0x18b: {  	s1 =	rddreg [dreg:$0x1];
	p0 =	sne.s32 s2, $0x0  }
0x18c: {  	s3 =	rddreg [dreg:$0x2];
	[bflag:$0x3] =	sbarrier.arrive $0xFFFF;
	s2 =	simm.s32 @!p0 $0x1C06  }
0x18d: {  	[timem:s3], [sflag:s2] =	dma.local @!p0 [hbm:s0], s1  }
0x18e: {  	s0 =	simm.s32 @!p0 $0x6  }
0x18f: {  	_ =	swait.ge @!p0 [sflag:s0], s1  }
0x190: {  	s1 =	ssub.s32 @!p0 $0x0, s1;
	[sflag:s0] =	ssyncset.done @!p0 $0x0  }
0x191: {  	[sflag:s0] =	ssyncadd.s32 @!p0 s1  }
0x192: {  	[bflag:$0x3] =	sbarrier.arrive $0xFFFF  }
0x193: {  	_ =	shalt  }

// kernel: kernel.14.cloned.1.call-start
scs
__scs_entry_jumppad:
0x0: {  	(pc) =	sbr.rel $0x88, $3  }
0x1: {  	(tag) =	ssettag $0x0;
	lr =	simm.s32 $0x1  }
0x2: {  	[smem:$0x3F99] =	sst lr;
	_ =	strace $0xD0000000  }
0x3: {  	_ = 	snop  }
0x4: {  	_ = 	snop  }
0x5: {  	_ = 	snop  }
0x6: {  	_ = 	snop  }
0x7: {  	_ = 	snop  }
__scs_overlays_trampoline_lowered:
0x8: {  	[smem:$0x3FA8] =	sst s0  }
0x9: {  	[smem:$0x3FA9] =	sst s1  }
0xa: {  	[smem:$0x3FAA] =	sst s2  }
0xb: {  	[smem:$0x3FAB] =	sst s3  }
0xc: {  	[smem:$0x3FAC] =	sst s4  }
0xd: {  	[smem:$0x3FAD] =	sst s5  }
0xe: {  	[smem:$0x3FAE] =	sst s6  }
0xf: {  	[smem:$0x3FAF] =	sst s7  }
0x10: {  	[smem:$0x3FB0] =	sst s8  }
0x11: {  	[smem:$0x3FB1] =	sst s9;
	s0 =	simm.s32 @!p0 $0x0  }
0x12: {  	s1 =	sld [smem:$0x3F97];
	s0 =	simm.s32 @p0 $0x1  }
0x13: {  	[smem:$0x3FB2] =	sst s0;
	s0 =	simm.s32 @!p1 $0x0  }
0x14: {  	s2 =	sld [smem:$0x3F96];
	s0 =	simm.s32 @p1 $0x1  }
0x15: {  	[smem:$0x3FB3] =	sst s0;
	s0 =	simm.s32 @!p2 $0x0  }
0x16: {  	s3 =	sld [smem:$0x3FDB];
	s0 =	simm.s32 @p2 $0x1  }
0x17: {  	s4 =	simm.s32 $0x1BF5;
	[smem:$0x3FB5] =	sst s0  }
0x18: {  	s0 =	sld [smem:$0x3F98];
	_ =	swait.ge [sflag:s4], $0x0  }
0x19: {  	s7 =	sld [smem:$0x3F99]  }
0x1a: {  	s8 =	sadd.s32 $0xFFFFE003, lr  }
0x1b: {  	s9 =	sadd.s32 $0xFFFFFEF7, lr;
	s5 =	simm.s32 $0xFFFFFFFF;
	p2 =	slt.u32 s8, $0xFFFFF086  }
0x1c: {  	p1 =	slt.u32 s9, $0xF7A;
	s5 =	simm.s32 @!p2 $0x0  }
0x1d: {  	s5 =	simm.s32 @p1 $0x1;
	p0 =	seq.s32 s7, s2  }
0x1e: {  	s7 =	smul.u32 @!p0 $0xF7A, s2;
	p2 =	seq.s32 @!p0 s5, $0x0  }
0x1f: {  	s9 =	smul.u32 $0xF7A, s1;
	s8 =	simm.s32 @!p0 $0x1BF5;
	p2 =	por !p2, p0  }
0x20: {  	[sflag:s8] =	ssyncset.s32 @!p0 $0xFFFFF086;
	s6 =	sadd.s32 @!p0 s3, s7;
	s7 =	simm.s32 @!p0 $0x108  }
0x21: {  	s3 =	sadd.s32 s3, s9;
	s6 =	sadd.s32 @!p0 $0x88, s6;
	s7 =	simm.s32 @p2 $0x1082  }
0x22: {  	[simem:s7], [sflag:s8] =	dma.local @!p0 [hbm:s6], $0xF7A  }
0x23: {  	s9 =	sor.u32 $0xD0000000, s2;
	s6 =	simm.s32 $0x108;
	_ =	swait.ge @!p0 [sflag:s8], $0x0  }
0x24: {  	s3 =	sadd.s32 $0x88, s3;
	s6 =	simm.s32 @!p1 $0x1082;
	[sflag:s4] =	ssyncset.s32 $0xFFFFF086  }
0x25: {  	[simem:s6], [sflag:s4] =	dma.local [hbm:s3], $0xF7A  }
0x26: {  	[smem:$0x3F99] =	sst s1;
	(tag) =	ssettag s2;
	_ =	strace s9  }
0x27: {  	s1 =	sld [smem:$0x3FA9]  }
0x28: {  	s2 =	sld [smem:$0x3FAA]  }
0x29: {  	s4 =	sld [smem:$0x3FAC]  }
0x2a: {  	p0 =	seq.s32 s5, $0x0;
	s5 =	sld [smem:$0x3FAD]  }
0x2b: {  	s6 =	sld [smem:$0x3FAE]  }
0x2c: {  	s7 =	sld [smem:$0x3FAF]  }
0x2d: {  	s3 =	simm.s32 $0x108;
	s8 =	sld [smem:$0x3FB0]  }
0x2e: {  	s3 =	simm.s32 @!p0 $0x1082;
	s9 =	sld [smem:$0x3FB1]  }
0x2f: {  	lr =	sadd.s32 s0, s3;
	s0 =	sld [smem:$0x3FA8]  }
0x30: {  	s3 =	sld [smem:$0x3FAB]  }
0x31: {  	[smem:$0x3FB4] =	sst s10  }
0x32: {  	s10 =	sld [smem:$0x3FB2];
	_ =	sdelay $0x3  }
0x33: {  	p0 =	seq.s32 s10, $0x1;
	s10 =	sld [smem:$0x3FB4];
	_ =	sdelay $0x3  }
0x34: {  	[smem:$0x3FB4] =	sst s10  }
0x35: {  	s10 =	sld [smem:$0x3FB3];
	_ =	sdelay $0x3  }
0x36: {  	p1 =	seq.s32 s10, $0x1;
	s10 =	sld [smem:$0x3FB4];
	_ =	sdelay $0x3  }
0x37: {  	[smem:$0x3FB4] =	sst s10  }
0x38: {  	s10 =	sld [smem:$0x3FB5]  }
0x39: {  	_ = 	snop;
	(pc) =	sbr.ind lr, $3  }
0x3a: {  	_ = 	snop  }
0x3b: {  	_ = 	snop  }
0x3c: {  	p2 =	seq.s32 s10, $0x1;
	s10 =	sld [smem:$0x3FB4]  }
0x3d: {  	_ =	shalt  }
0x3e: {  	_ =	shalt  }
0x3f: {  	_ =	shalt  }
0x40: {  	_ =	shalt  }
0x41: {  	_ =	shalt  }
0x42: {  	_ =	shalt  }
0x43: {  	_ =	shalt  }
0x44: {  	_ =	shalt  }
0x45: {  	_ =	shalt  }
0x46: {  	_ =	shalt  }
0x47: {  	_ =	shalt  }
0x48: {  	_ =	shalt  }
0x49: {  	_ =	shalt  }
0x4a: {  	_ =	shalt  }
0x4b: {  	_ =	shalt  }
0x4c: {  	_ =	shalt  }
0x4d: {  	_ =	shalt  }
0x4e: {  	_ =	shalt  }
0x4f: {  	_ =	shalt  }
0x50: {  	_ =	shalt  }
0x51: {  	_ =	shalt  }
0x52: {  	_ =	shalt  }
0x53: {  	_ =	shalt  }
0x54: {  	_ =	shalt  }
0x55: {  	_ =	shalt  }
0x56: {  	_ =	shalt  }
0x57: {  	_ =	shalt  }
0x58: {  	_ =	shalt  }
0x59: {  	_ =	shalt  }
0x5a: {  	_ =	shalt  }
0x5b: {  	_ =	shalt  }
0x5c: {  	_ =	shalt  }
0x5d: {  	_ =	shalt  }
0x5e: {  	_ =	shalt  }
0x5f: {  	_ =	shalt  }
0x60: {  	_ =	shalt  }
0x61: {  	_ =	shalt  }
0x62: {  	_ =	shalt  }
0x63: {  	_ =	shalt  }
0x64: {  	_ =	shalt  }
0x65: {  	_ =	shalt  }
0x66: {  	_ =	shalt  }
0x67: {  	_ =	shalt  }
0x68: {  	_ =	shalt  }
0x69: {  	_ =	shalt  }
0x6a: {  	_ =	shalt  }
0x6b: {  	_ =	shalt  }
0x6c: {  	_ =	shalt  }
0x6d: {  	_ =	shalt  }
0x6e: {  	_ =	shalt  }
0x6f: {  	_ =	shalt  }
0x70: {  	_ =	shalt  }
0x71: {  	_ =	shalt  }
0x72: {  	_ =	shalt  }
0x73: {  	_ =	shalt  }
0x74: {  	_ =	shalt  }
0x75: {  	_ =	shalt  }
0x76: {  	_ =	shalt  }
0x77: {  	_ =	shalt  }
0x78: {  	_ =	shalt  }
0x79: {  	_ =	shalt  }
0x7a: {  	_ =	shalt  }
0x7b: {  	_ =	shalt  }
0x7c: {  	_ =	shalt  }
0x7d: {  	_ =	shalt  }
0x7e: {  	_ =	shalt  }
0x7f: {  	_ =	shalt  }
0x80: {  	_ =	shalt  }
0x81: {  	_ =	shalt  }
0x82: {  	_ =	shalt  }
0x83: {  	_ =	shalt  }
0x84: {  	_ =	shalt  }
0x85: {  	_ =	shalt  }
0x86: {  	_ =	shalt  }
0x87: {  	_ =	shalt  }
.Lfunc_end0:
.L_simem_size_0:
called_computation.2_lowered:
.L_overlay_start_0:
0x88: {  	s2 =	sld [smem:$0x3FD9]  }
0x89: {  	s3 =	sld [smem:$0x3FFE];
	_ =	sdelay $0x1  }
0x8a: {  	s1 =	srdreg.scid  }
0x8b: {  	s0 =	sand.u32 $0x1, s1  }
0x8c: {  	s16 =	sshll.u32 s0, $0xA;
	s2 =	sadd.s32 s3, s2  }
0x8d: {  	s2 =	sadd.s32 s2, s16  }
0x8e: {  	[smem:$0x3FC0] =	sst s2  }
0x8f: {  	_ = 	snop  }
0x90: {  	(tm) =	ssettm $0x1  }
0x91: {  	s17 =	sld [smem:$0x3FFB];
	_ =	sdelay $0x3  }
0x92: {  	_ =	strace s17  }
0x93: {  	s2 =	sld [smem:$0x3FFC];
	_ =	sdelay $0x3  }
0x94: {  	_ =	strace s2  }
0x95: {  	s2 =	sld [smem:$0x3FFD];
	_ =	sdelay $0x3  }
0x96: {  	_ =	strace s2  }
0x97: {  	_ =	strace $0x8FFFFFFF  }
0x98: {  	s18 =	sld [smem:$0x3FDB];
	_ =	sdelay $0x1  }
0x99: {  	s19 =	simm.s32 $_scs_section_size  }
0x9a: {  	s4 =	simm.s32 $_size__tile_overlayer_lowered;
	s5 =	simm.s32 $_tile_overlayer_lowered  }
0x9b: {  	s22 =	simm.s32 $0x1BFF;
	s21 =	sshll.u32 s5, $0x1;
	s2 =	sadd.s32 s19, s18  }
0x9c: {  	s6 =	simm.s32 $0x0;
	s20 =	sshll.u32 s4, $0x1;
	s4 =	sadd.s32 s21, s2  }
0x9d: {  	[timem:s6], [sflag:s22] =	dma.local [hbm:s4], s20  }
0x9e: {  	_ =	swait.ge [sflag:s22], s20  }
0x9f: {  	s3 =	ssub.s32 $0x0, s20;
	[sflag:s22] =	ssyncset.done $0x0  }
0xa0: {  	[sflag:s22] =	ssyncadd.s32 s3;
	_ =	sdelay $0x1  }
0xa1: {  	s23 =	simm.s32 $0x1B8B  }
0xa2: {  	_ =	swait.ge [sflag:s23], $0x1  }
0xa3: {  	[sflag:s23] =	ssyncset.done $0x0  }
0xa4: {  	s25 =	simm.s32 $0x1B8E;
	s24 =	sld [smem:$0x3FFE];
	[sflag:s23] =	ssyncadd.s32 $0xFFFFFFFF  }
0xa5: {  	s26 =	simm.s32 $execute0_lowered;
	[smem:$0x3FD2] =	sst s25  }
0xa6: {  	s4 =	sshll.u32 s26, $0x1;
	_ =	strace $0x8000004C;
	[dreg:$0x1] =	wrdreg $0xFFFFFFFF  }
0xa7: {  	s28 =	simm.s32 $_size_execute0_lowered;
	s2 =	sadd.s32 s2, s4;
	[dreg:$0x0] =	wrdreg $0x0  }
0xa8: {  	s4 =	sshll.u32 s28, $0x1;
	[dreg:$0x2] =	wrdreg s2  }
0xa9: {  	[dreg:$0x3] =	wrdreg s4  }
0xaa: {  	[dreg:$0x4] =	wrdreg $0xC0  }
0xab: {  	_ =	task [dreg:s6], $0x5FFFF  }
0xac: {  	[dreg:$0x1] =	wrdreg $0xFFFFFFFF  }
0xad: {  	[dreg:$0x0] =	wrdreg $0x60  }
0xae: {  	[dreg:$0x2] =	wrdreg s24  }
0xaf: {  	[dreg:$0x3] =	wrdreg $0x0  }
0xb0: {  	[dreg:$0x4] =	wrdreg $0x9  }
0xb1: {  	_ =	task.clear_ibuf [dreg:s6], $0x5FFFF;
	_ =	strace $0x9000004C  }
0xb2: {  	s29 =	simm.s32 $0x9;
	_ =	strace $0x8000004E  }
0xb3: {  	_ =	swait.ge [sflag:s29], $0x1  }
0xb4: {  	[sflag:s29] =	ssyncadd.s32 $0xFFFFFFFF  }
0xb5: {  	_ =	strace $0x9000004E  }
0xb6: {  	_ =	sfence  }
0xb7: {  	s30 =	sld [smem:$0x0];
	_ =	sdelay $0x2  }
0xb8: {  	s31 =	sshll.u32 s1, $0xD;
	s1 =	sshrl.u32 s1, $0x2  }
0xb9: {  	s3 =	sand.u32 $0x4000, s31;
	s1 =	sadd.s32 s1, s30  }
0xba: {  	s0 =	sor.u32 s3, s0;
	s1 =	sshll.u32 s1, $0x11  }
0xbb: {  	s0 =	sor.u32 s1, s0  }
0xbc: {  	s0 =	sadd.s32 $0x8F2B, s0  }
0xbd: {  	[sflag:s0] =	ssyncadd.remote.s32 $0x1  }
0xbe: {  	_ =	sfence.sel $0xFFFF  }
0xbf: {  	[dreg:$0x0] =	wrdreg $0xFFFFFFFF;
	(pc) =	sbr.abs _section_cstart, $3  }
0xc0: {  	[dreg:$0x1] =	wrdreg $0xFFFFFFFF  }
0xc1: {  	_ =	task.clear_ibuf [dreg:s6], $0x2FFFF;
	_ =	strace $0x9FFFFFFF  }
0xc2: {  	(tm) =	ssettm $0x7FFFFFFF  }
0xc3: {  	_ =	shalt  }
tec
execute0_lowered:
.L_overlay_start_1:
0x0: {  	(tag) =	ssettag $0x1  }
0x1: {  	s0 =	srdreg.scid;
	s26 =	rddreg [dreg:$0x0]  }
0x2: {  	s11 =	stileid.u32;
	s1 =	rddreg [dreg:$0x1]  }
0x3: {  	s31 =	simm.s32 $0x0;
	s28 =	simm.s32 $0x1A080;
	s29 =	simm.s32 $0x5  }
0x4: {  	s3 =	sand.u32 $0x1, s0;
	s5 =	smul.u32 $0x50000, s11;
	s6 =	sadd.s32 $0x2C00, s26  }
0x5: {  	s8 =	sadd.s32 $0xCC00, s26;
	p0 =	seq.s32 s11, $0xF;
	s2 =	sshll.u32 s3, $0x4  }
0x6: {  	[smem:$0x7FF] =	sst s31;
	s4 =	ssub.s32 $0x2, s3;
	s2 =	sor.u32 s11, s2  }
0x7: {  	s9 =	sshrl.u32 s4, $0x1;
	s5 =	sshrl.u32 s5, $0x2;
	s7 =	smul.u32 $0x2800, s2  }
0x8: {  	s10 =	smul.u32 $0x500, s2;
	s4 =	ssub.s32 s4, s9;
	s2 =	sadd.s32 s5, s1  }
0x9: {  	s14 =	sadd.s32 $0xB000, s2;
	s15 =	sadd.s32 $0xB800, s2;
	s16 =	sadd.s32 $0xC000, s2  }
0xa: {  	s17 =	sadd.s32 $0xC800, s2;
	s18 =	sadd.s32 $0xD000, s2;
	s19 =	sadd.s32 $0xD800, s2  }
0xb: {  	s20 =	sadd.s32 $0xE000, s2;
	s21 =	sadd.s32 $0xE800, s2;
	s9 =	sshrl.u32 s7, $0x3  }
0xc: {  	s12 =	sadd.s32 s6, s10;
	s13 =	sadd.s32 s8, s10;
	s7 =	sadd.s32 $0x8000, s2  }
0xd: {  	s10 =	sadd.s32 $0x9800, s2;
	[dreg:$0x3] =	wrdreg s12;
	s5 =	sadd.s32 $0x280, s9  }
0xe: {  	[dreg:$0x4] =	wrdreg s13;
	s9 =	sadd.s32 $0x9000, s2;
	s12 =	sadd.s32 $0xA000, s2  }
0xf: {  	s13 =	sadd.s32 $0xA800, s2;
	s6 =	sadd.s32 s6, s5;
	s5 =	sadd.s32 s8, s5  }
0x10: {  	s8 =	sadd.s32 $0x8800, s2;
	[dreg:$0x6] =	wrdreg s5;
	s5 =	sadd.s32 $0x12C800, s1  }
0x11: {  	[dreg:$0x5] =	wrdreg s6;
	s6 =	sadd.s32 $0x12D000, s1;
	s7 =	smov.u32 @p0 s5  }
0x12: {  	s5 =	sadd.s32 $0x12D800, s1;
	s8 =	smov.u32 @p0 s6;
	[dreg:$0x7] =	wrdreg s7  }
0x13: {  	s6 =	sadd.s32 $0x12E000, s1;
	[dreg:$0x8] =	wrdreg s8;
	s9 =	smov.u32 @p0 s5  }
0x14: {  	s5 =	sadd.s32 $0x12E800, s1;
	s10 =	smov.u32 @p0 s6;
	[dreg:$0x9] =	wrdreg s9  }
0x15: {  	s6 =	sadd.s32 $0x12F000, s1;
	[dreg:$0xa] =	wrdreg s10;
	s12 =	smov.u32 @p0 s5  }
0x16: {  	s7 =	sadd.s32 $0xF000, s2;
	s13 =	smov.u32 @p0 s6;
	[dreg:$0xb] =	wrdreg s12  }
0x17: {  	s5 =	sadd.s32 $0x12F800, s1;
	s6 =	sadd.s32 $0x130000, s1;
	[dreg:$0xc] =	wrdreg s13  }
0x18: {  	s14 =	smov.u32 @p0 s5;
	s5 =	sadd.s32 $0x130800, s1;
	s15 =	smov.u32 @p0 s6  }
0x19: {  	s6 =	sadd.s32 $0x131000, s1;
	s16 =	smov.u32 @p0 s5;
	s5 =	sadd.s32 $0x131800, s1  }
0x1a: {  	s17 =	smov.u32 @p0 s6;
	s6 =	sadd.s32 $0x132000, s1;
	s18 =	smov.u32 @p0 s5  }
0x1b: {  	s5 =	sadd.s32 $0x132800, s1;
	s19 =	smov.u32 @p0 s6;
	s6 =	sadd.s32 $0x133000, s1  }
0x1c: {  	s20 =	smov.u32 @p0 s5;
	s21 =	smov.u32 @p0 s6;
	s5 =	sadd.s32 $0x133800, s1  }
0x1d: {  	s6 =	sadd.s32 $0xF800, s2;
	s7 =	smov.u32 @p0 s5;
	s5 =	sadd.s32 $0x134000, s1  }
0x1e: {  	s30 =	simm.s32 $0x2;
	[dreg:$0xd] =	wrdreg s14;
	s6 =	smov.u32 @p0 s5  }
0x1f: {  	s5 =	sadd.s32 $0x134800, s1;
	[dreg:$0x16] =	wrdreg s6;
	s6 =	sadd.s32 $0x10000, s2  }
0x20: {  	s0 =	sadd.s32 $0xB2000, s26;
	[dreg:$0xe] =	wrdreg s15;
	s6 =	smov.u32 @p0 s5  }
0x21: {  	s5 =	sadd.s32 $0x135000, s1;
	[dreg:$0x17] =	wrdreg s6;
	s6 =	sadd.s32 $0x10800, s2  }
0x22: {  	p1 =	sne.s32 s11, $0xF;
	[dreg:$0xf] =	wrdreg s16;
	s6 =	smov.u32 @p0 s5  }
0x23: {  	s5 =	sadd.s32 $0x135800, s1;
	[dreg:$0x18] =	wrdreg s6;
	s6 =	sadd.s32 $0x11000, s2  }
0x24: {  	p5 =	seq.s32 s3, $0x1;
	[dreg:$0x10] =	wrdreg s17;
	s6 =	smov.u32 @p0 s5  }
0x25: {  	s5 =	sadd.s32 $0x136000, s1;
	[dreg:$0x19] =	wrdreg s6;
	s6 =	sadd.s32 $0x11800, s2  }
0x26: {  	p3 =	seq.s32 @p5 s11, $0xF;
	[dreg:$0x11] =	wrdreg s18;
	s6 =	smov.u32 @p0 s5  }
0x27: {  	s5 =	sadd.s32 $0x136800, s1;
	[dreg:$0x1a] =	wrdreg s6;
	s6 =	sadd.s32 $0x12000, s2  }
0x28: {  	p6 =	seq.s32 @!p5 s11, $0xF;
	[dreg:$0x12] =	wrdreg s19;
	s6 =	smov.u32 @p0 s5  }
0x29: {  	s5 =	sadd.s32 $0x137000, s1;
	[dreg:$0x1b] =	wrdreg s6;
	s6 =	sadd.s32 $0x12800, s2  }
0x2a: {  	p2 =	por !p3, !p5;
	[dreg:$0x13] =	wrdreg s20;
	s6 =	smov.u32 @p0 s5  }
0x2b: {  	s5 =	sadd.s32 $0x137800, s1;
	[dreg:$0x1c] =	wrdreg s6;
	s6 =	sadd.s32 $0x13000, s2  }
0x2c: {  	s14 =	smul.u32 $0x2800, s11;
	[dreg:$0x14] =	wrdreg s21;
	s6 =	smov.u32 @p0 s5  }
0x2d: {  	s5 =	sadd.s32 $0x138000, s1;
	[dreg:$0x1d] =	wrdreg s6;
	s6 =	sadd.s32 $0x13800, s2  }
0x2e: {  	s3 =	sadd.s32 s14, s26;
	[dreg:$0x15] =	wrdreg s7;
	s6 =	smov.u32 @p0 s5  }
0x2f: {  	p3 =	por p3, !p5;
	s15 =	sadd.s32 $0x3DE00, s3;
	[dreg:$0x1e] =	wrdreg s6  }
0x30: {  	s3 =	sadd.s32 $0x8C800, s3;
	_ =	strace $0x8000004D;
	[dreg:$0x1f] =	wrdreg s15  }
0x31: {  	p4 =	por !p6, p5;
	s16 =	sadd.s32 $0x63600, s26;
	[smem:$0x7F1] =	sst s3  }
0x32: {  	p5 =	por p6, p5;
	s22 =	sadd.s32 $0x2800, s2;
	[smem:$0x7F2] =	sst s16  }
0x33: {  	s23 =	sadd.s32 $0x3000, s2;
	s17 =	smax.u32 s4, $0x1;
	[smem:$0x7F3] =	sst s0  }
0x34: {  	s24 =	sadd.s32 $0x3800, s2;
	s18 =	sadd.s32 $0x800, s2;
	[smem:$0x7F4] =	sst s17  }
0x35: {  	s25 =	sadd.s32 $0x4000, s2;
	s19 =	sadd.s32 $0x1000, s2;
	[smem:$0x7F5] =	sst s18  }
0x36: {  	s8 =	sadd.s32 $0x12C000, s1;
	s20 =	sadd.s32 $0x1800, s2;
	[smem:$0x7F6] =	sst s19  }
0x37: {  	s9 =	sadd.s32 $0x7800, s2;
	s21 =	sadd.s32 $0x2000, s2;
	[smem:$0x7F7] =	sst s20  }
0x38: {  	s10 =	simm.s32 $0x13900;
	s9 =	smov.u32 @p0 s8;
	[smem:$0x7F8] =	sst s21  }
0x39: {  	s12 =	simm.s32 $0x3;
	s13 =	simm.s32 $0x4;
	[smem:$0x7F9] =	sst s22  }
0x3a: {  	s11 =	simm.s32 $0x1;
	s4 =	simm.s32 $0x1E080;
	[smem:$0x7FA] =	sst s23  }
0x3b: {  	s14 =	simm.s32 $0x15F80;
	s7 =	simm.s32 $0x7D;
	[smem:$0x7FB] =	sst s24  }
0x3c: {  	s6 =	sadd.s32 $0x16C00, s26;
	s26 =	sadd.s32 $0x4800, s2;
	[smem:$0x7FC] =	sst s25  }
0x3d: {  	s5 =	simm.s32 $0x13880;
	[smem:$0x7FD] =	sst s26;
	s20 =	sadd.s32 $0x5000, s2  }
0x3e: {  	s21 =	sadd.s32 $0x5800, s2;
	s22 =	sadd.s32 $0x6000, s2;
	s23 =	sadd.s32 $0x6800, s2  }
0x3f: {  	s24 =	sadd.s32 $0x7000, s2;
	s25 =	simm.s32 $0x6;
	s0 =	simm.s32 $0x14C80  }
0x40: {  	v0 =	vimm.f32 $0.0e+00;
	s26 =	simm.s32 $0x16080;
	s15 =	simm.s32 $0x16000;
	s16 =	simm.s32 $0x0  }
.LBB2_1:
0x41: {  	s3 =	sand.u32 $0x1E00, s31  }
0x42: {  	s18 =	sand.u32 $0x70, s31;
	s3 =	sshrl.u32 s3, $0x2  }
0x43: {  	s17 =	simm.s32 $0x40;
	s18 =	sor.u32 s18, s3;
	s3 =	simm.s32 $0x0  }
.LBB2_2:
0x44: {  	p6 =	sne.s32 s17, $0x1FC0  }
0x45: {  	[tilespmem:s18+$0x1E080] =	vst v0;
	s3 =	sadd.s32 $0x10, s3;
	s18 =	smov.u32 s17;
	s17 =	sadd.s32 $0x40, s17  }
.Ltmp0:
0x46: {  	(pc) =	sbr.rel @p6 .LBB2_2-.Ltmp0, $4  }
0x47: {  	_ = 	snop  }
0x48: {  	s18 =	sand.u32 $0x1E00, s18  }
0x49: {  	s19 =	sand.u32 $0x70, s3;
	s18 =	sshrl.u32 s18, $0x2  }
0x4a: {  	s18 =	sor.u32 s19, s18  }
0x4b: {  	[tilespmem:s18+$0x1E080] =	vst v0;
	s3 =	simm.s32 @!p0 $0x1E080;
	s17 =	sld [smem:$0x7F5]  }
0x4c: {  	[spmem:s2] =	stream.linear.scatter @!p0 [tilespmem:s3], [sflag:$0x5], $0x800, $0x38;
	[tilespmem:$0x1E880] =	vst v63  }
0x4d: {  	_ = 	snop  }
0x4e: {  	[spmem:s17] =	stream.linear.scatter @!p0 [tilespmem:s3], [sflag:$0x5], $0x800, $0x38;
	[tilespmem:$0x1E880] =	vst v63  }
0x4f: {  	s17 =	sld [smem:$0x7F6];
	_ =	sdelay $0x2  }
0x50: {  	[spmem:s17] =	stream.linear.scatter @!p0 [tilespmem:s3], [sflag:$0x5], $0x800, $0x38;
	[tilespmem:$0x1E880] =	vst v63  }
0x51: {  	s17 =	sld [smem:$0x7F7];
	_ =	sdelay $0x2  }
0x52: {  	[spmem:s17] =	stream.linear.scatter @!p0 [tilespmem:s3], [sflag:$0x5], $0x800, $0x38;
	[tilespmem:$0x1E880] =	vst v63  }
0x53: {  	s17 =	sld [smem:$0x7F8];
	_ =	sdelay $0x2  }
0x54: {  	[spmem:s17] =	stream.linear.scatter @!p0 [tilespmem:s3], [sflag:$0x5], $0x800, $0x38;
	[tilespmem:$0x1E880] =	vst v63  }
0x55: {  	s17 =	sld [smem:$0x7F9];
	_ =	sdelay $0x2  }
0x56: {  	[spmem:s17] =	stream.linear.scatter @!p0 [tilespmem:s3], [sflag:$0x5], $0x800, $0x38;
	[tilespmem:$0x1E880] =	vst v63  }
0x57: {  	s17 =	sld [smem:$0x7FA];
	_ =	sdelay $0x2  }
0x58: {  	[spmem:s17] =	stream.linear.scatter @!p0 [tilespmem:s3], [sflag:$0x5], $0x800, $0x38;
	[tilespmem:$0x1E880] =	vst v63  }
0x59: {  	s17 =	sld [smem:$0x7FB];
	_ =	sdelay $0x2  }
0x5a: {  	[spmem:s17] =	stream.linear.scatter @!p0 [tilespmem:s3], [sflag:$0x5], $0x800, $0x38;
	[tilespmem:$0x1E880] =	vst v63  }
0x5b: {  	s17 =	sld [smem:$0x7FC];
	_ =	sdelay $0x2  }
0x5c: {  	[spmem:s17] =	stream.linear.scatter @!p0 [tilespmem:s3], [sflag:$0x5], $0x800, $0x38;
	[tilespmem:$0x1E880] =	vst v63  }
0x5d: {  	s17 =	sld [smem:$0x7FD];
	_ =	sdelay $0x2  }
0x5e: {  	[spmem:s17] =	stream.linear.scatter @!p0 [tilespmem:s3], [sflag:$0x5], $0x800, $0x38;
	[tilespmem:$0x1E880] =	vst v63  }
0x5f: {  	_ = 	snop  }
0x60: {  	[spmem:s20] =	stream.linear.scatter @!p0 [tilespmem:s3], [sflag:$0x5], $0x800, $0x38;
	[tilespmem:$0x1E880] =	vst v63  }
0x61: {  	_ = 	snop  }
0x62: {  	[spmem:s21] =	stream.linear.scatter @!p0 [tilespmem:s3], [sflag:$0x5], $0x800, $0x38;
	[tilespmem:$0x1E880] =	vst v63  }
0x63: {  	_ = 	snop  }
0x64: {  	[spmem:s22] =	stream.linear.scatter @!p0 [tilespmem:s3], [sflag:$0x5], $0x800, $0x38;
	[tilespmem:$0x1E880] =	vst v63  }
0x65: {  	_ = 	snop  }
0x66: {  	[spmem:s23] =	stream.linear.scatter @!p0 [tilespmem:s3], [sflag:$0x5], $0x800, $0x38;
	[tilespmem:$0x1E880] =	vst v63  }
0x67: {  	_ = 	snop  }
0x68: {  	[spmem:s24] =	stream.linear.scatter @!p0 [tilespmem:s3], [sflag:$0x5], $0x800, $0x38;
	[tilespmem:$0x1E880] =	vst v63  }
0x69: {  	_ = 	snop  }
0x6a: {  	[spmem:s9] =	stream.linear.scatter [tilespmem:s4], [sflag:$0x5], $0x800, $0x38;
	[tilespmem:$0x1E880] =	vst v63  }
0x6b: {  	s18 =	rddreg [dreg:$0x7]  }
0x6c: {  	[spmem:s18] =	stream.linear.scatter [tilespmem:s4], [sflag:$0x5], $0x800, $0x38;
	[tilespmem:$0x1E880] =	vst v63  }
0x6d: {  	s19 =	rddreg [dreg:$0x8]  }
0x6e: {  	[spmem:s19] =	stream.linear.scatter [tilespmem:s4], [sflag:$0x5], $0x800, $0x38;
	[tilespmem:$0x1E880] =	vst v63  }
0x6f: {  	s17 =	rddreg [dreg:$0x9]  }
0x70: {  	[spmem:s17] =	stream.linear.scatter [tilespmem:s4], [sflag:$0x5], $0x800, $0x38;
	[tilespmem:$0x1E880] =	vst v63  }
0x71: {  	s18 =	rddreg [dreg:$0xa]  }
0x72: {  	[spmem:s18] =	stream.linear.scatter [tilespmem:s4], [sflag:$0x5], $0x800, $0x38;
	[tilespmem:$0x1E880] =	vst v63  }
0x73: {  	s19 =	rddreg [dreg:$0xb]  }
0x74: {  	[spmem:s19] =	stream.linear.scatter [tilespmem:s4], [sflag:$0x5], $0x800, $0x38;
	[tilespmem:$0x1E880] =	vst v63  }
0x75: {  	s17 =	rddreg [dreg:$0xc]  }
0x76: {  	[spmem:s17] =	stream.linear.scatter [tilespmem:s4], [sflag:$0x5], $0x800, $0x38;
	[tilespmem:$0x1E880] =	vst v63  }
0x77: {  	s18 =	rddreg [dreg:$0xd]  }
0x78: {  	[spmem:s18] =	stream.linear.scatter [tilespmem:s4], [sflag:$0x5], $0x800, $0x38;
	[tilespmem:$0x1E880] =	vst v63  }
0x79: {  	s19 =	rddreg [dreg:$0xe]  }
0x7a: {  	[spmem:s19] =	stream.linear.scatter [tilespmem:s4], [sflag:$0x5], $0x800, $0x38;
	[tilespmem:$0x1E880] =	vst v63  }
0x7b: {  	s17 =	rddreg [dreg:$0xf]  }
0x7c: {  	[spmem:s17] =	stream.linear.scatter [tilespmem:s4], [sflag:$0x5], $0x800, $0x38;
	[tilespmem:$0x1E880] =	vst v63  }
0x7d: {  	s18 =	rddreg [dreg:$0x10]  }
0x7e: {  	[spmem:s18] =	stream.linear.scatter [tilespmem:s4], [sflag:$0x5], $0x800, $0x38;
	[tilespmem:$0x1E880] =	vst v63  }
0x7f: {  	s19 =	rddreg [dreg:$0x11]  }
0x80: {  	[spmem:s19] =	stream.linear.scatter [tilespmem:s4], [sflag:$0x5], $0x800, $0x38;
	[tilespmem:$0x1E880] =	vst v63  }
0x81: {  	s17 =	rddreg [dreg:$0x12]  }
0x82: {  	[spmem:s17] =	stream.linear.scatter [tilespmem:s4], [sflag:$0x5], $0x800, $0x38;
	[tilespmem:$0x1E880] =	vst v63  }
0x83: {  	s18 =	rddreg [dreg:$0x13]  }
0x84: {  	[spmem:s18] =	stream.linear.scatter [tilespmem:s4], [sflag:$0x5], $0x800, $0x38;
	[tilespmem:$0x1E880] =	vst v63  }
0x85: {  	s19 =	rddreg [dreg:$0x14]  }
0x86: {  	[spmem:s19] =	stream.linear.scatter [tilespmem:s4], [sflag:$0x5], $0x800, $0x38;
	[tilespmem:$0x1E880] =	vst v63  }
0x87: {  	s17 =	rddreg [dreg:$0x15]  }
0x88: {  	[spmem:s17] =	stream.linear.scatter [tilespmem:s4], [sflag:$0x5], $0x800, $0x38;
	[tilespmem:$0x1E880] =	vst v63  }
0x89: {  	s18 =	rddreg [dreg:$0x16]  }
0x8a: {  	[spmem:s18] =	stream.linear.scatter [tilespmem:s4], [sflag:$0x5], $0x800, $0x38;
	[tilespmem:$0x1E880] =	vst v63  }
0x8b: {  	s19 =	rddreg [dreg:$0x17]  }
0x8c: {  	[spmem:s19] =	stream.linear.scatter [tilespmem:s4], [sflag:$0x5], $0x800, $0x38;
	[tilespmem:$0x1E880] =	vst v63  }
0x8d: {  	s17 =	rddreg [dreg:$0x18]  }
0x8e: {  	[spmem:s17] =	stream.linear.scatter [tilespmem:s4], [sflag:$0x5], $0x800, $0x38;
	[tilespmem:$0x1E880] =	vst v63  }
0x8f: {  	s18 =	rddreg [dreg:$0x19]  }
0x90: {  	[spmem:s18] =	stream.linear.scatter [tilespmem:s4], [sflag:$0x5], $0x800, $0x38;
	[tilespmem:$0x1E880] =	vst v63  }
0x91: {  	s19 =	rddreg [dreg:$0x1a]  }
0x92: {  	[spmem:s19] =	stream.linear.scatter [tilespmem:s4], [sflag:$0x5], $0x800, $0x38;
	[tilespmem:$0x1E880] =	vst v63  }
0x93: {  	s17 =	rddreg [dreg:$0x1b]  }
0x94: {  	[spmem:s17] =	stream.linear.scatter [tilespmem:s4], [sflag:$0x5], $0x800, $0x38;
	[tilespmem:$0x1E880] =	vst v63  }
0x95: {  	s18 =	rddreg [dreg:$0x1c]  }
0x96: {  	[spmem:s18] =	stream.linear.scatter [tilespmem:s4], [sflag:$0x5], $0x800, $0x38;
	[tilespmem:$0x1E880] =	vst v63  }
0x97: {  	s19 =	rddreg [dreg:$0x1d]  }
0x98: {  	[spmem:s19] =	stream.linear.scatter [tilespmem:s4], [sflag:$0x5], $0x800, $0x38;
	[tilespmem:$0x1E880] =	vst v63  }
0x99: {  	s17 =	rddreg [dreg:$0x1e]  }
0x9a: {  	[spmem:s17] =	stream.linear.scatter [tilespmem:s4], [sflag:$0x5], $0x800, $0x38;
	[tilespmem:$0x1E880] =	vst v63  }
0x9b: {  	s18 =	rddreg [dreg:$0x3]  }
0x9c: {  	[tilespmem:s5], [sflag:$0x6] =	stream.linear.gather [hbm4b:s18+s31], $0x1400, $0x38;
	[tilespmem:$0x1E880] =	vst v63  }
0x9d: {  	_ =	swait.ge [sflag:s25], $0x1400  }
0x9e: {  	[sflag:s25] =	ssyncset.done $0x0  }
0x9f: {  	s19 =	rddreg [dreg:$0x4];
	[sflag:s25] =	ssyncadd.s32 $0xFFFFEC00  }
0xa0: {  	[tilespmem:s0], [sflag:$0x6] =	stream.linear.gather [hbm4b:s19+s31], $0x1400, $0x38;
	[tilespmem:$0x1E880] =	vst v63  }
0xa1: {  	_ =	swait.ge [sflag:s25], $0x1400  }
.Ltmp1:
0xa2: {  	[sflag:s25] =	ssyncset.done $0x0;
	(pc) =	sbr.rel @p1 .LBB2_5-.Ltmp1, $4  }
0xa3: {  	[sflag:s25] =	ssyncadd.s32 $0xFFFFEC00  }
0xa4: {  	[tilespmem:s26], [sflag:$0x1] =	stream.indirect.gather [hbm4b:s6+s7], $0x80, s5, s7, $0xb8;
	[tilespmem:$0x1E880] =	vst v63  }
0xa5: {  	s3 =	simm.s32 $0x28  }
0xa6: {  	[tilespmem:s28], [sflag:$0x2] =	stream.indirect.gather [hbm4b:s6+s7], $0x80, s10, s7, $0xb8;
	[tilespmem:$0x1E880] =	vst v63  }
0xa7: {  	_ =	swait.ge [sflag:s29], $0x800  }
0xa8: {  	[sflag:s29] =	ssyncset.done $0x0  }
0xa9: {  	[sflag:s29] =	ssyncadd.s32 $0xFFFFF800  }
0xaa: {  	_ =	swait.ge [sflag:s29], $0x800  }
0xab: {  	[sflag:s29] =	ssyncset.done $0x0  }
0xac: {  	[sflag:s29] =	ssyncadd.s32 $0xFFFFF800  }
0xad: {  	_ =	swait.ge [sflag:s29], $0x800  }
0xae: {  	[sflag:s29] =	ssyncset.done $0x0  }
0xaf: {  	[sflag:s29] =	ssyncadd.s32 $0xFFFFF800  }
0xb0: {  	_ =	swait.ge [sflag:s29], $0x800  }
0xb1: {  	[sflag:s29] =	ssyncset.done $0x0  }
0xb2: {  	[sflag:s29] =	ssyncadd.s32 $0xFFFFF800  }
0xb3: {  	_ =	swait.ge [sflag:s29], $0x800  }
0xb4: {  	[sflag:s29] =	ssyncset.done $0x0  }
0xb5: {  	[sflag:s29] =	ssyncadd.s32 $0xFFFFF800  }
0xb6: {  	_ =	swait.ge [sflag:s29], $0x800  }
0xb7: {  	[sflag:s29] =	ssyncset.done $0x0  }
0xb8: {  	[sflag:s29] =	ssyncadd.s32 $0xFFFFF800  }
0xb9: {  	_ =	swait.ge [sflag:s29], $0x800  }
0xba: {  	[sflag:s29] =	ssyncset.done $0x0  }
0xbb: {  	[sflag:s29] =	ssyncadd.s32 $0xFFFFF800  }
0xbc: {  	_ =	swait.ge [sflag:s29], $0x800  }
0xbd: {  	[sflag:s29] =	ssyncset.done $0x0  }
0xbe: {  	[sflag:s29] =	ssyncadd.s32 $0xFFFFF800  }
0xbf: {  	_ =	swait.ge [sflag:s29], $0x800  }
0xc0: {  	[sflag:s29] =	ssyncset.done $0x0  }
0xc1: {  	[sflag:s29] =	ssyncadd.s32 $0xFFFFF800  }
0xc2: {  	_ =	swait.ge [sflag:s29], $0x800  }
0xc3: {  	[sflag:s29] =	ssyncset.done $0x0  }
0xc4: {  	[sflag:s29] =	ssyncadd.s32 $0xFFFFF800  }
0xc5: {  	_ =	swait.ge [sflag:s29], $0x800  }
0xc6: {  	[sflag:s29] =	ssyncset.done $0x0  }
0xc7: {  	[sflag:s29] =	ssyncadd.s32 $0xFFFFF800  }
0xc8: {  	_ =	swait.ge [sflag:s29], $0x800  }
0xc9: {  	[sflag:s29] =	ssyncset.done $0x0  }
0xca: {  	[sflag:s29] =	ssyncadd.s32 $0xFFFFF800  }
0xcb: {  	_ =	swait.ge [sflag:s29], $0x800  }
0xcc: {  	[sflag:s29] =	ssyncset.done $0x0  }
0xcd: {  	[sflag:s29] =	ssyncadd.s32 $0xFFFFF800  }
0xce: {  	_ =	swait.ge [sflag:s29], $0x800  }
0xcf: {  	[sflag:s29] =	ssyncset.done $0x0  }
0xd0: {  	[sflag:s29] =	ssyncadd.s32 $0xFFFFF800  }
0xd1: {  	_ =	swait.ge [sflag:s29], $0x800  }
0xd2: {  	[sflag:s29] =	ssyncset.done $0x0  }
0xd3: {  	[sflag:s29] =	ssyncadd.s32 $0xFFFFF800  }
0xd4: {  	_ =	swait.ge [sflag:s29], $0x800  }
0xd5: {  	[sflag:s29] =	ssyncset.done $0x0  }
0xd6: {  	[sflag:s29] =	ssyncadd.s32 $0xFFFFF800  }
0xd7: {  	_ =	swait.ge [sflag:s29], $0x800  }
0xd8: {  	[sflag:s29] =	ssyncset.done $0x0  }
0xd9: {  	[sflag:s29] =	ssyncadd.s32 $0xFFFFF800  }
0xda: {  	_ =	swait.ge [sflag:s29], $0x800  }
0xdb: {  	[sflag:s29] =	ssyncset.done $0x0  }
0xdc: {  	[sflag:s29] =	ssyncadd.s32 $0xFFFFF800  }
0xdd: {  	_ =	swait.ge [sflag:s29], $0x800  }
0xde: {  	[sflag:s29] =	ssyncset.done $0x0  }
0xdf: {  	[sflag:s29] =	ssyncadd.s32 $0xFFFFF800  }
0xe0: {  	_ =	swait.ge [sflag:s29], $0x800  }
0xe1: {  	[sflag:s29] =	ssyncset.done $0x0  }
0xe2: {  	[sflag:s29] =	ssyncadd.s32 $0xFFFFF800  }
0xe3: {  	_ =	swait.ge [sflag:s29], $0x800  }
0xe4: {  	[sflag:s29] =	ssyncset.done $0x0  }
0xe5: {  	[sflag:s29] =	ssyncadd.s32 $0xFFFFF800  }
0xe6: {  	_ =	swait.ge [sflag:s29], $0x800  }
0xe7: {  	[sflag:s29] =	ssyncset.done $0x0  }
0xe8: {  	[sflag:s29] =	ssyncadd.s32 $0xFFFFF800  }
0xe9: {  	_ =	swait.ge [sflag:s29], $0x800  }
0xea: {  	[sflag:s29] =	ssyncset.done $0x0  }
0xeb: {  	[sflag:s29] =	ssyncadd.s32 $0xFFFFF800  }
0xec: {  	_ =	swait.ge [sflag:s29], $0x800  }
.Ltmp2:
0xed: {  	[sflag:s29] =	ssyncset.done $0x0;
	(pc) =	sbr.rel .LBB2_8-.Ltmp2, $4  }
0xee: {  	[sflag:s29] =	ssyncadd.s32 $0xFFFFF800  }
0xef: {  	_ =	swait.ge [sflag:s29], $0x800  }
0xf0: {  	[sflag:s29] =	ssyncset.done $0x0  }
0xf1: {  	[sflag:s29] =	ssyncadd.s32 $0xFFFFF800  }
.LBB2_5:
0xf2: {  	_ =	swait.ge [sflag:s29], $0x800  }
0xf3: {  	s3 =	sadd.s32 $0xFFFFFFFF, s3;
	[sflag:s29] =	ssyncset.done $0x0  }
.LBB2_6:
0xf4: {  	p6 =	sne.s32 s3, $0x1;
	s3 =	sadd.s32 $0xFFFFFFFF, s3;
	[sflag:s29] =	ssyncadd.s32 $0xFFFFF800  }
.Ltmp3:
0xf5: {  	(pc) =	sbr.rel @p6 .LBB2_6-.Ltmp3, $3  }
0xf6: {  	_ =	sdelay $0x1  }
0xf7: {  	_ =	swait.ge [sflag:s29], $0x800  }
0xf8: {  	[sflag:s29] =	ssyncset.done $0x0  }
0xf9: {  	[sflag:s29] =	ssyncadd.s32 $0xFFFFF800  }
.LBB2_8:
0xfa: {  	[bflag:$0x0] =	sbarrier.arrive $0xFFFF  }
0xfb: {  	_ =	swait.ge [sflag:s11], $0x3E80  }
0xfc: {  	[sflag:s11] =	ssyncset.done $0x0  }
0xfd: {  	s3 =	simm.s32 $0x14C80;
	[sflag:s11] =	ssyncadd.s32 $0xFFFFC180  }
0xfe: {  	[spmem:s1] =	stream.indirect.scatter.add.f32 [tilespmem:s26], [sflag:$0x3], $0x80, s3, s7, $0xb8;
	[tilespmem:$0x1E880] =	vst v63  }
0xff: {  	_ =	swait.ge [sflag:s30], $0x3E80  }
0x100: {  	[sflag:s30] =	ssyncset.done $0x0  }
0x101: {  	s18 =	simm.s32 $0x14D00;
	[sflag:s30] =	ssyncadd.s32 $0xFFFFC180  }
0x102: {  	[spmem:s1] =	stream.indirect.scatter.add.f32 [tilespmem:s28], [sflag:$0x4], $0x80, s18, s7, $0xb8;
	[tilespmem:$0x1E880] =	vst v63  }
0x103: {  	_ =	swait.ge [sflag:s12], $0x3E80  }
0x104: {  	[sflag:s12] =	ssyncset.done $0x0  }
0x105: {  	s19 =	simm.s32 $0x13980;
	[sflag:s12] =	ssyncadd.s32 $0xFFFFC180  }
0x106: {  	[tilespmem:s26], [sflag:$0x1] =	stream.indirect.gather [hbm4b:s6+s7], $0x80, s19, s7, $0xb8;
	[tilespmem:$0x1E880] =	vst v63  }
0x107: {  	_ =	swait.ge [sflag:s13], $0x3E80  }
0x108: {  	[sflag:s13] =	ssyncset.done $0x0  }
0x109: {  	s17 =	simm.s32 $0x400;
	s3 =	simm.s32 $0x13A00;
	[sflag:s13] =	ssyncadd.s32 $0xFFFFC180  }
.LBB2_9:
0x10a: {  	[tilespmem:s28], [sflag:$0x2] =	stream.indirect.gather [hbm4b:s6+s7], $0x80, s3, s7, $0xb8;
	[tilespmem:$0x1E880] =	vst v63  }
0x10b: {  	s3 =	smov.u32 s17  }
0x10c: {  	p6 =	sne.s32 s17, $0x4800;
	s17 =	sadd.s32 $0x400, s17;
	_ =	swait.ge [sflag:s11], $0x3E80  }
0x10d: {  	s3 =	sshra.s32 s3, $0x2;
	[sflag:s11] =	ssyncset.done $0x0  }
0x10e: {  	s18 =	sadd.s32 $0x14C80, s3;
	[sflag:s11] =	ssyncadd.s32 $0xFFFFC180  }
0x10f: {  	[spmem:s1] =	stream.indirect.scatter.add.f32 [tilespmem:s26], [sflag:$0x3], $0x80, s18, s7, $0xb8;
	[tilespmem:$0x1E880] =	vst v63  }
0x110: {  	_ =	swait.ge [sflag:s30], $0x3E80  }
0x111: {  	[sflag:s30] =	ssyncset.done $0x0  }
0x112: {  	s18 =	sadd.s32 $0x14D00, s3;
	[sflag:s30] =	ssyncadd.s32 $0xFFFFC180  }
0x113: {  	[spmem:s1] =	stream.indirect.scatter.add.f32 [tilespmem:s28], [sflag:$0x4], $0x80, s18, s7, $0xb8;
	[tilespmem:$0x1E880] =	vst v63  }
0x114: {  	_ =	swait.ge [sflag:s12], $0x3E80  }
0x115: {  	[sflag:s12] =	ssyncset.done $0x0  }
.Ltmp4:
0x116: {  	s18 =	sadd.s32 $0x13980, s3;
	[sflag:s12] =	ssyncadd.s32 $0xFFFFC180;
	(pc) =	sbr.rel @p6 .LBB2_9-.Ltmp4, $4  }
0x117: {  	[tilespmem:s26], [sflag:$0x1] =	stream.indirect.gather [hbm4b:s6+s7], $0x80, s18, s7, $0xb8;
	[tilespmem:$0x1E880] =	vst v63  }
0x118: {  	_ =	swait.ge [sflag:s13], $0x3E80  }
0x119: {  	[sflag:s13] =	ssyncset.done $0x0  }
0x11a: {  	s3 =	sadd.s32 $0x13A00, s3;
	[sflag:s13] =	ssyncadd.s32 $0xFFFFC180  }
0x11b: {  	[tilespmem:s28], [sflag:$0x2] =	stream.indirect.gather [hbm4b:s6+s7], $0x80, s3, s7, $0xb8;
	[tilespmem:$0x1E880] =	vst v63  }
0x11c: {  	_ =	swait.ge [sflag:s11], $0x3E80  }
0x11d: {  	[sflag:s11] =	ssyncset.done $0x0  }
0x11e: {  	[sflag:s11] =	ssyncadd.s32 $0xFFFFC180  }
0x11f: {  	[spmem:s1] =	stream.indirect.scatter.add.f32 [tilespmem:s26], [sflag:$0x3], $0x80, s14, s7, $0xb8;
	[tilespmem:$0x1E880] =	vst v63  }
0x120: {  	_ =	swait.ge [sflag:s30], $0x3E80  }
0x121: {  	[sflag:s30] =	ssyncset.done $0x0  }
0x122: {  	[sflag:s30] =	ssyncadd.s32 $0xFFFFC180  }
0x123: {  	[spmem:s1] =	stream.indirect.scatter.add.f32 [tilespmem:s28], [sflag:$0x4], $0x80, s15, s7, $0xb8;
	[tilespmem:$0x1E880] =	vst v63  }
0x124: {  	_ =	swait.ge [sflag:s12], $0x3E80  }
0x125: {  	[sflag:s12] =	ssyncset.done $0x0  }
0x126: {  	[sflag:s12] =	ssyncadd.s32 $0xFFFFC180  }
0x127: {  	_ =	swait.ge [sflag:s13], $0x3E80  }
0x128: {  	[sflag:s13] =	ssyncset.done $0x0  }
0x129: {  	s18 =	simm.s32 $0x0;
	s17 =	rddreg [dreg:$0x5];
	[sflag:s13] =	ssyncadd.s32 $0xFFFFC180  }
0x12a: {  	[tilespmem:s5], [sflag:$0x6] =	stream.linear.gather [hbm4b:s17+s18], $0x1400, $0x38;
	[tilespmem:$0x1E880] =	vst v63  }
0x12b: {  	_ =	swait.ge [sflag:s25], $0x1400  }
0x12c: {  	[sflag:s25] =	ssyncset.done $0x0  }
0x12d: {  	s19 =	rddreg [dreg:$0x6];
	[sflag:s25] =	ssyncadd.s32 $0xFFFFEC00  }
0x12e: {  	[tilespmem:s0], [sflag:$0x6] =	stream.linear.gather [hbm4b:s19+s18], $0x1400, $0x38;
	[tilespmem:$0x1E880] =	vst v63  }
0x12f: {  	_ =	swait.ge [sflag:s25], $0x1400  }
0x130: {  	[sflag:s25] =	ssyncset.done $0x0  }
0x131: {  	[sflag:s25] =	ssyncadd.s32 $0xFFFFEC00  }
0x132: {  	[tilespmem:s26], [sflag:$0x1] =	stream.indirect.gather [hbm4b:s6+s7], $0x80, s5, s7, $0xb8;
	[tilespmem:$0x1E880] =	vst v63  }
0x133: {  	_ = 	snop  }
0x134: {  	[tilespmem:s28], [sflag:$0x2] =	stream.indirect.gather [hbm4b:s6+s7], $0x80, s10, s7, $0xb8;
	[tilespmem:$0x1E880] =	vst v63  }
0x135: {  	_ =	swait.ge [sflag:s11], $0x3E80  }
0x136: {  	[sflag:s11] =	ssyncset.done $0x0  }
0x137: {  	s17 =	simm.s32 $0x14C80;
	[sflag:s11] =	ssyncadd.s32 $0xFFFFC180  }
0x138: {  	[spmem:s1] =	stream.indirect.scatter.add.f32 [tilespmem:s26], [sflag:$0x3], $0x80, s17, s7, $0xb8;
	[tilespmem:$0x1E880] =	vst v63  }
0x139: {  	_ =	swait.ge [sflag:s30], $0x3E80  }
0x13a: {  	[sflag:s30] =	ssyncset.done $0x0  }
0x13b: {  	s18 =	simm.s32 $0x14D00;
	[sflag:s30] =	ssyncadd.s32 $0xFFFFC180  }
0x13c: {  	[spmem:s1] =	stream.indirect.scatter.add.f32 [tilespmem:s28], [sflag:$0x4], $0x80, s18, s7, $0xb8;
	[tilespmem:$0x1E880] =	vst v63  }
0x13d: {  	_ =	swait.ge [sflag:s12], $0x3E80  }
0x13e: {  	[sflag:s12] =	ssyncset.done $0x0  }
0x13f: {  	s19 =	simm.s32 $0x13980;
	[sflag:s12] =	ssyncadd.s32 $0xFFFFC180  }
0x140: {  	[tilespmem:s26], [sflag:$0x1] =	stream.indirect.gather [hbm4b:s6+s7], $0x80, s19, s7, $0xb8;
	[tilespmem:$0x1E880] =	vst v63  }
0x141: {  	_ =	swait.ge [sflag:s13], $0x3E80  }
0x142: {  	[sflag:s13] =	ssyncset.done $0x0  }
0x143: {  	s3 =	simm.s32 $0x13A00;
	s17 =	simm.s32 $0x400;
	[sflag:s13] =	ssyncadd.s32 $0xFFFFC180  }
.LBB2_11:
0x144: {  	[tilespmem:s28], [sflag:$0x2] =	stream.indirect.gather [hbm4b:s6+s7], $0x80, s3, s7, $0xb8;
	[tilespmem:$0x1E880] =	vst v63  }
0x145: {  	s3 =	smov.u32 s17  }
0x146: {  	p6 =	sne.s32 s17, $0x4800;
	s17 =	sadd.s32 $0x400, s17;
	_ =	swait.ge [sflag:s11], $0x3E80  }
0x147: {  	s3 =	sshra.s32 s3, $0x2;
	[sflag:s11] =	ssyncset.done $0x0  }
0x148: {  	s18 =	sadd.s32 $0x14C80, s3;
	[sflag:s11] =	ssyncadd.s32 $0xFFFFC180  }
0x149: {  	[spmem:s1] =	stream.indirect.scatter.add.f32 [tilespmem:s26], [sflag:$0x3], $0x80, s18, s7, $0xb8;
	[tilespmem:$0x1E880] =	vst v63  }
0x14a: {  	_ =	swait.ge [sflag:s30], $0x3E80  }
0x14b: {  	[sflag:s30] =	ssyncset.done $0x0  }
0x14c: {  	s18 =	sadd.s32 $0x14D00, s3;
	[sflag:s30] =	ssyncadd.s32 $0xFFFFC180  }
0x14d: {  	[spmem:s1] =	stream.indirect.scatter.add.f32 [tilespmem:s28], [sflag:$0x4], $0x80, s18, s7, $0xb8;
	[tilespmem:$0x1E880] =	vst v63  }
0x14e: {  	_ =	swait.ge [sflag:s12], $0x3E80  }
0x14f: {  	[sflag:s12] =	ssyncset.done $0x0  }
.Ltmp5:
0x150: {  	s18 =	sadd.s32 $0x13980, s3;
	[sflag:s12] =	ssyncadd.s32 $0xFFFFC180;
	(pc) =	sbr.rel @p6 .LBB2_11-.Ltmp5, $4  }
0x151: {  	[tilespmem:s26], [sflag:$0x1] =	stream.indirect.gather [hbm4b:s6+s7], $0x80, s18, s7, $0xb8;
	[tilespmem:$0x1E880] =	vst v63  }
0x152: {  	_ =	swait.ge [sflag:s13], $0x3E80  }
0x153: {  	[sflag:s13] =	ssyncset.done $0x0  }
0x154: {  	s3 =	sadd.s32 $0x13A00, s3;
	[sflag:s13] =	ssyncadd.s32 $0xFFFFC180  }
0x155: {  	[tilespmem:s28], [sflag:$0x2] =	stream.indirect.gather [hbm4b:s6+s7], $0x80, s3, s7, $0xb8;
	[tilespmem:$0x1E880] =	vst v63  }
0x156: {  	_ =	swait.ge [sflag:s11], $0x3E80  }
0x157: {  	[sflag:s11] =	ssyncset.done $0x0  }
0x158: {  	[sflag:s11] =	ssyncadd.s32 $0xFFFFC180  }
0x159: {  	[spmem:s1] =	stream.indirect.scatter.add.f32 [tilespmem:s26], [sflag:$0x3], $0x80, s14, s7, $0xb8;
	[tilespmem:$0x1E880] =	vst v63  }
0x15a: {  	_ =	swait.ge [sflag:s30], $0x3E80  }
0x15b: {  	[sflag:s30] =	ssyncset.done $0x0  }
0x15c: {  	[sflag:s30] =	ssyncadd.s32 $0xFFFFC180  }
0x15d: {  	[spmem:s1] =	stream.indirect.scatter.add.f32 [tilespmem:s28], [sflag:$0x4], $0x80, s15, s7, $0xb8;
	[tilespmem:$0x1E880] =	vst v63  }
0x15e: {  	_ =	swait.ge [sflag:s12], $0x3E80  }
0x15f: {  	[sflag:s12] =	ssyncset.done $0x0  }
0x160: {  	[sflag:s12] =	ssyncadd.s32 $0xFFFFC180  }
0x161: {  	_ =	swait.ge [sflag:s13], $0x3E80  }
0x162: {  	[sflag:s13] =	ssyncset.done $0x0  }
0x163: {  	[sflag:s13] =	ssyncadd.s32 $0xFFFFC180  }
0x164: {  	[bflag:$0x0] =	sbarrier.arrive $0xFFFF  }
0x165: {  	s18 =	sld [smem:$0x7F3];
	_ =	sdelay $0x1  }
0x166: {  	s3 =	sshrl.u32 @!p2 s8, $0x3;
	s17 =	simm.s32 @!p2 $0x1FC6  }
0x167: {  	[hbm:s18], [sflag:s17] =	dma.local @!p2 [spmem:s3], $0x1900  }
0x168: {  	s3 =	simm.s32 @!p2 $0x6  }
0x169: {  	_ =	swait.ge @!p2 [sflag:s3], $0x1900  }
0x16a: {  	s19 =	stileid.u32;
	s18 =	sld [smem:$0x7F1]  }
0x16b: {  	s17 =	sshll.u32 @!p3 s19, $0x6;
	[sflag:s3] =	ssyncset.done @!p2 $0x0  }
0x16c: {  	[sflag:s3] =	ssyncadd.s32 @!p2 $0xFFFFE700;
	s3 =	sor.u32 @!p3 $0x1C06, s17;
	s17 =	sshrl.u32 @!p3 s2, $0x3  }
0x16d: {  	[hbm:s18], [sflag:s3] =	dma.local @!p3 [spmem:s17], $0x2800  }
0x16e: {  	s3 =	simm.s32 @!p3 $0x6  }
0x16f: {  	_ =	swait.ge @!p3 [sflag:s3], $0x2800  }
0x170: {  	s18 =	sld [smem:$0x7F2]  }
0x171: {  	[sflag:s3] =	ssyncset.done @!p3 $0x0  }
0x172: {  	s17 =	simm.s32 @!p4 $0x1FC6;
	[sflag:s3] =	ssyncadd.s32 @!p3 $0xFFFFD800;
	s3 =	sshrl.u32 @!p4 s8, $0x3  }
0x173: {  	[hbm:s18], [sflag:s17] =	dma.local @!p4 [spmem:s3], $0x1900  }
0x174: {  	s3 =	simm.s32 @!p4 $0x6  }
0x175: {  	_ =	swait.ge @!p4 [sflag:s3], $0x1900  }
0x176: {  	s17 =	sshll.u32 @!p5 s19, $0x6;
	[sflag:s3] =	ssyncset.done @!p4 $0x0;
	s19 =	rddreg [dreg:$0x1f]  }
0x177: {  	[sflag:s3] =	ssyncadd.s32 @!p4 $0xFFFFE700;
	s3 =	sor.u32 @!p5 $0x1C06, s17;
	s17 =	sshrl.u32 @!p5 s2, $0x3  }
0x178: {  	[hbm:s19], [sflag:s3] =	dma.local @!p5 [spmem:s17], $0x2800  }
0x179: {  	s3 =	simm.s32 @!p5 $0x6  }
0x17a: {  	_ =	swait.ge @!p5 [sflag:s3], $0x2800  }
0x17b: {  	s19 =	sld [smem:$0x7F4];
	_ =	sdelay $0x1  }
0x17c: {  	s16 =	sadd.s32 $0x1, s16  }
0x17d: {  	p6 =	sne.s32 s16, s19  }
.Ltmp6:
0x17e: {  	_ = 	snop;
	(pc) =	sbr.rel @p6 .LBB2_1-.Ltmp6, $3  }
0x17f: {  	_ =	sdelay $0x1  }
0x180: {  	[sflag:s3] =	ssyncset.done @!p5 $0x0  }
0x181: {  	s18 =	stileid.u32;
	[sflag:s3] =	ssyncadd.s32 @!p5 $0xFFFFD800  }
0x182: {  	_ =	sfence.sel $0x180000  }
0x183: {  	[bflag:$0x0] =	sbarrier.arrive $0xFFFF  }
0x184: {  	_ =	strace $0x9000004D  }
0x185: {  	[bflag:$0x2] =	sbarrier.arrive $0xFFFF  }
0x186: {  	p0 =	sne.s32 s18, $0x0;
	s0 =	rddreg [dreg:$0x2]  }
0x187: {  	s0 =	sadd.s32 @!p0 $0x100000, s0  }
0x188: {  	[sflag:s0] =	ssyncadd.tile.s32 @!p0 $0x1;
	_ =	shalt  }
.Lfunc_end2:
_tile_overlayer_lowered:
.L_overlay_start_2:
0x189: {  	(tag) =	ssettag $0x2  }
0x18a: {  	s0 =	rddreg [dreg:$0x0];
	s2 =	stileid.u32  }
0x18b: {  	s1 =	rddreg [dreg:$0x1];
	p0 =	sne.s32 s2, $0x0  }
0x18c: {  	s3 =	rddreg [dreg:$0x2];
	[bflag:$0x3] =	sbarrier.arrive $0xFFFF;
	s2 =	simm.s32 @!p0 $0x1C06  }
0x18d: {  	[timem:s3], [sflag:s2] =	dma.local @!p0 [hbm:s0], s1  }
0x18e: {  	s0 =	simm.s32 @!p0 $0x6  }
0x18f: {  	_ =	swait.ge @!p0 [sflag:s0], s1  }
0x190: {  	s1 =	ssub.s32 @!p0 $0x0, s1;
	[sflag:s0] =	ssyncset.done @!p0 $0x0  }
0x191: {  	[sflag:s0] =	ssyncadd.s32 @!p0 s1  }
0x192: {  	[bflag:$0x3] =	sbarrier.arrive $0xFFFF  }
0x193: {  	_ =	shalt  }

// kernel: kernel.8.cloned.1.call-start
scs
__scs_entry_jumppad:
0x0: {  	(pc) =	sbr.rel $0x88, $3  }
0x1: {  	(tag) =	ssettag $0x0;
	lr =	simm.s32 $0x1  }
0x2: {  	[smem:$0x3F99] =	sst lr;
	_ =	strace $0xD0000000  }
0x3: {  	_ = 	snop  }
0x4: {  	_ = 	snop  }
0x5: {  	_ = 	snop  }
0x6: {  	_ = 	snop  }
0x7: {  	_ = 	snop  }
__scs_overlays_trampoline_lowered:
0x8: {  	[smem:$0x3FA8] =	sst s0  }
0x9: {  	[smem:$0x3FA9] =	sst s1  }
0xa: {  	[smem:$0x3FAA] =	sst s2  }
0xb: {  	[smem:$0x3FAB] =	sst s3  }
0xc: {  	[smem:$0x3FAC] =	sst s4  }
0xd: {  	[smem:$0x3FAD] =	sst s5  }
0xe: {  	[smem:$0x3FAE] =	sst s6  }
0xf: {  	[smem:$0x3FAF] =	sst s7  }
0x10: {  	[smem:$0x3FB0] =	sst s8  }
0x11: {  	[smem:$0x3FB1] =	sst s9;
	s0 =	simm.s32 @!p0 $0x0  }
0x12: {  	s1 =	sld [smem:$0x3F97];
	s0 =	simm.s32 @p0 $0x1  }
0x13: {  	[smem:$0x3FB2] =	sst s0;
	s0 =	simm.s32 @!p1 $0x0  }
0x14: {  	s2 =	sld [smem:$0x3F96];
	s0 =	simm.s32 @p1 $0x1  }
0x15: {  	[smem:$0x3FB3] =	sst s0;
	s0 =	simm.s32 @!p2 $0x0  }
0x16: {  	s3 =	sld [smem:$0x3FDB];
	s0 =	simm.s32 @p2 $0x1  }
0x17: {  	s4 =	simm.s32 $0x1BF5;
	[smem:$0x3FB5] =	sst s0  }
0x18: {  	s0 =	sld [smem:$0x3F98];
	_ =	swait.ge [sflag:s4], $0x0  }
0x19: {  	s7 =	sld [smem:$0x3F99]  }
0x1a: {  	s8 =	sadd.s32 $0xFFFFE003, lr  }
0x1b: {  	s9 =	sadd.s32 $0xFFFFFEF7, lr;
	s5 =	simm.s32 $0xFFFFFFFF;
	p2 =	slt.u32 s8, $0xFFFFF086  }
0x1c: {  	p1 =	slt.u32 s9, $0xF7A;
	s5 =	simm.s32 @!p2 $0x0  }
0x1d: {  	s5 =	simm.s32 @p1 $0x1;
	p0 =	seq.s32 s7, s2  }
0x1e: {  	s7 =	smul.u32 @!p0 $0xF7A, s2;
	p2 =	seq.s32 @!p0 s5, $0x0  }
0x1f: {  	s9 =	smul.u32 $0xF7A, s1;
	s8 =	simm.s32 @!p0 $0x1BF5;
	p2 =	por !p2, p0  }
0x20: {  	[sflag:s8] =	ssyncset.s32 @!p0 $0xFFFFF086;
	s6 =	sadd.s32 @!p0 s3, s7;
	s7 =	simm.s32 @!p0 $0x108  }
0x21: {  	s3 =	sadd.s32 s3, s9;
	s6 =	sadd.s32 @!p0 $0x88, s6;
	s7 =	simm.s32 @p2 $0x1082  }
0x22: {  	[simem:s7], [sflag:s8] =	dma.local @!p0 [hbm:s6], $0xF7A  }
0x23: {  	s9 =	sor.u32 $0xD0000000, s2;
	s6 =	simm.s32 $0x108;
	_ =	swait.ge @!p0 [sflag:s8], $0x0  }
0x24: {  	s3 =	sadd.s32 $0x88, s3;
	s6 =	simm.s32 @!p1 $0x1082;
	[sflag:s4] =	ssyncset.s32 $0xFFFFF086  }
0x25: {  	[simem:s6], [sflag:s4] =	dma.local [hbm:s3], $0xF7A  }
0x26: {  	[smem:$0x3F99] =	sst s1;
	(tag) =	ssettag s2;
	_ =	strace s9  }
0x27: {  	s1 =	sld [smem:$0x3FA9]  }
0x28: {  	s2 =	sld [smem:$0x3FAA]  }
0x29: {  	s4 =	sld [smem:$0x3FAC]  }
0x2a: {  	p0 =	seq.s32 s5, $0x0;
	s5 =	sld [smem:$0x3FAD]  }
0x2b: {  	s6 =	sld [smem:$0x3FAE]  }
0x2c: {  	s7 =	sld [smem:$0x3FAF]  }
0x2d: {  	s3 =	simm.s32 $0x108;
	s8 =	sld [smem:$0x3FB0]  }
0x2e: {  	s3 =	simm.s32 @!p0 $0x1082;
	s9 =	sld [smem:$0x3FB1]  }
0x2f: {  	lr =	sadd.s32 s0, s3;
	s0 =	sld [smem:$0x3FA8]  }
0x30: {  	s3 =	sld [smem:$0x3FAB]  }
0x31: {  	[smem:$0x3FB4] =	sst s10  }
0x32: {  	s10 =	sld [smem:$0x3FB2];
	_ =	sdelay $0x3  }
0x33: {  	p0 =	seq.s32 s10, $0x1;
	s10 =	sld [smem:$0x3FB4];
	_ =	sdelay $0x3  }
0x34: {  	[smem:$0x3FB4] =	sst s10  }
0x35: {  	s10 =	sld [smem:$0x3FB3];
	_ =	sdelay $0x3  }
0x36: {  	p1 =	seq.s32 s10, $0x1;
	s10 =	sld [smem:$0x3FB4];
	_ =	sdelay $0x3  }
0x37: {  	[smem:$0x3FB4] =	sst s10  }
0x38: {  	s10 =	sld [smem:$0x3FB5]  }
0x39: {  	_ = 	snop;
	(pc) =	sbr.ind lr, $3  }
0x3a: {  	_ = 	snop  }
0x3b: {  	_ = 	snop  }
0x3c: {  	p2 =	seq.s32 s10, $0x1;
	s10 =	sld [smem:$0x3FB4]  }
0x3d: {  	_ =	shalt  }
0x3e: {  	_ =	shalt  }
0x3f: {  	_ =	shalt  }
0x40: {  	_ =	shalt  }
0x41: {  	_ =	shalt  }
0x42: {  	_ =	shalt  }
0x43: {  	_ =	shalt  }
0x44: {  	_ =	shalt  }
0x45: {  	_ =	shalt  }
0x46: {  	_ =	shalt  }
0x47: {  	_ =	shalt  }
0x48: {  	_ =	shalt  }
0x49: {  	_ =	shalt  }
0x4a: {  	_ =	shalt  }
0x4b: {  	_ =	shalt  }
0x4c: {  	_ =	shalt  }
0x4d: {  	_ =	shalt  }
0x4e: {  	_ =	shalt  }
0x4f: {  	_ =	shalt  }
0x50: {  	_ =	shalt  }
0x51: {  	_ =	shalt  }
0x52: {  	_ =	shalt  }
0x53: {  	_ =	shalt  }
0x54: {  	_ =	shalt  }
0x55: {  	_ =	shalt  }
0x56: {  	_ =	shalt  }
0x57: {  	_ =	shalt  }
0x58: {  	_ =	shalt  }
0x59: {  	_ =	shalt  }
0x5a: {  	_ =	shalt  }
0x5b: {  	_ =	shalt  }
0x5c: {  	_ =	shalt  }
0x5d: {  	_ =	shalt  }
0x5e: {  	_ =	shalt  }
0x5f: {  	_ =	shalt  }
0x60: {  	_ =	shalt  }
0x61: {  	_ =	shalt  }
0x62: {  	_ =	shalt  }
0x63: {  	_ =	shalt  }
0x64: {  	_ =	shalt  }
0x65: {  	_ =	shalt  }
0x66: {  	_ =	shalt  }
0x67: {  	_ =	shalt  }
0x68: {  	_ =	shalt  }
0x69: {  	_ =	shalt  }
0x6a: {  	_ =	shalt  }
0x6b: {  	_ =	shalt  }
0x6c: {  	_ =	shalt  }
0x6d: {  	_ =	shalt  }
0x6e: {  	_ =	shalt  }
0x6f: {  	_ =	shalt  }
0x70: {  	_ =	shalt  }
0x71: {  	_ =	shalt  }
0x72: {  	_ =	shalt  }
0x73: {  	_ =	shalt  }
0x74: {  	_ =	shalt  }
0x75: {  	_ =	shalt  }
0x76: {  	_ =	shalt  }
0x77: {  	_ =	shalt  }
0x78: {  	_ =	shalt  }
0x79: {  	_ =	shalt  }
0x7a: {  	_ =	shalt  }
0x7b: {  	_ =	shalt  }
0x7c: {  	_ =	shalt  }
0x7d: {  	_ =	shalt  }
0x7e: {  	_ =	shalt  }
0x7f: {  	_ =	shalt  }
0x80: {  	_ =	shalt  }
0x81: {  	_ =	shalt  }
0x82: {  	_ =	shalt  }
0x83: {  	_ =	shalt  }
0x84: {  	_ =	shalt  }
0x85: {  	_ =	shalt  }
0x86: {  	_ =	shalt  }
0x87: {  	_ =	shalt  }
.Lfunc_end0:
.L_simem_size_0:
called_computation_lowered:
.L_overlay_start_0:
0x88: {  	s2 =	sld [smem:$0x3FD9]  }
0x89: {  	s3 =	sld [smem:$0x3FFE];
	_ =	sdelay $0x1  }
0x8a: {  	s1 =	srdreg.scid  }
0x8b: {  	s0 =	sand.u32 $0x1, s1  }
0x8c: {  	s17 =	sshll.u32 s0, $0xA;
	s2 =	sadd.s32 s3, s2  }
0x8d: {  	s2 =	sadd.s32 s2, s17  }
0x8e: {  	[smem:$0x3FC0] =	sst s2  }
0x8f: {  	_ = 	snop  }
0x90: {  	s2 =	sld [smem:$0x3FC9]  }
0x91: {  	s18 =	sld [smem:$0x3FD0];
	(tm) =	ssettm $0x1  }
0x92: {  	s4 =	sld [smem:$0x3FFB];
	_ =	sdelay $0x3  }
0x93: {  	_ =	strace s4  }
0x94: {  	s4 =	sld [smem:$0x3FFC];
	_ =	sdelay $0x3  }
0x95: {  	_ =	strace s4  }
0x96: {  	s4 =	sld [smem:$0x3FFD];
	_ =	sdelay $0x3  }
0x97: {  	_ =	strace s4  }
0x98: {  	_ =	strace $0x8FFFFFFF  }
0x99: {  	s19 =	sld [smem:$0x3FDB];
	_ =	sdelay $0x1  }
0x9a: {  	s5 =	simm.s32 $_scs_section_size  }
0x9b: {  	s6 =	simm.s32 $_size__tile_overlayer_lowered;
	s7 =	simm.s32 $_tile_overlayer_lowered  }
0x9c: {  	s22 =	simm.s32 $0x1BFF;
	s21 =	sshll.u32 s7, $0x1;
	s4 =	sadd.s32 s5, s19  }
0x9d: {  	s8 =	simm.s32 $0x0;
	s20 =	sshll.u32 s6, $0x1;
	s6 =	sadd.s32 s21, s4  }
0x9e: {  	[timem:s8], [sflag:s22] =	dma.local [hbm:s6], s20  }
0x9f: {  	_ =	swait.ge [sflag:s22], s20  }
0xa0: {  	s5 =	ssub.s32 $0x0, s20;
	[sflag:s22] =	ssyncset.done $0x0  }
0xa1: {  	[sflag:s22] =	ssyncadd.s32 s5;
	_ =	sdelay $0x1  }
0xa2: {  	s23 =	simm.s32 $0x1B8B  }
0xa3: {  	_ =	swait.ge [sflag:s23], $0x1  }
0xa4: {  	[sflag:s23] =	ssyncset.done $0x0  }
0xa5: {  	s25 =	simm.s32 $0x1B8E;
	s24 =	sld [smem:$0x3FFE];
	[sflag:s23] =	ssyncadd.s32 $0xFFFFFFFF  }
0xa6: {  	s26 =	simm.s32 $execute0_lowered;
	[smem:$0x3FD2] =	sst s25  }
0xa7: {  	s6 =	sshll.u32 s26, $0x1;
	_ =	strace $0x80000046;
	[dreg:$0x1] =	wrdreg $0xFFFFFFFF  }
0xa8: {  	s28 =	simm.s32 $_size_execute0_lowered;
	s4 =	sadd.s32 s4, s6;
	[dreg:$0x0] =	wrdreg $0x0  }
0xa9: {  	s6 =	sshll.u32 s28, $0x1;
	[dreg:$0x2] =	wrdreg s4  }
0xaa: {  	[dreg:$0x3] =	wrdreg s6  }
0xab: {  	[dreg:$0x4] =	wrdreg $0xC0  }
0xac: {  	_ =	task [dreg:s8], $0x5FFFF  }
0xad: {  	[dreg:$0x1] =	wrdreg $0xFFFFFFFF  }
0xae: {  	[dreg:$0x0] =	wrdreg $0x60  }
0xaf: {  	[dreg:$0x2] =	wrdreg s2  }
0xb0: {  	[dreg:$0x3] =	wrdreg s24  }
0xb1: {  	[dreg:$0x4] =	wrdreg s18  }
0xb2: {  	[dreg:$0x5] =	wrdreg $0x0  }
0xb3: {  	[dreg:$0x6] =	wrdreg $0x1E8800  }
0xb4: {  	[dreg:$0x7] =	wrdreg $0x9  }
0xb5: {  	_ =	task.clear_ibuf [dreg:s8], $0x8FFFF;
	_ =	strace $0x90000046  }
0xb6: {  	s29 =	simm.s32 $0x9;
	_ =	strace $0x80000048  }
0xb7: {  	_ =	swait.ge [sflag:s29], $0x1  }
0xb8: {  	[sflag:s29] =	ssyncadd.s32 $0xFFFFFFFF  }
0xb9: {  	_ =	strace $0x90000048  }
0xba: {  	_ =	sfence  }
0xbb: {  	s30 =	sld [smem:$0x0];
	_ =	sdelay $0x2  }
0xbc: {  	s31 =	sshll.u32 s1, $0xD;
	s1 =	sshrl.u32 s1, $0x2  }
0xbd: {  	s3 =	sand.u32 $0x4000, s31;
	s1 =	sadd.s32 s1, s30  }
0xbe: {  	s0 =	sor.u32 s3, s0;
	s1 =	sshll.u32 s1, $0x11  }
0xbf: {  	s0 =	sor.u32 s1, s0  }
0xc0: {  	s0 =	sadd.s32 $0x8F2B, s0  }
0xc1: {  	[sflag:s0] =	ssyncadd.remote.s32 $0x1  }
0xc2: {  	_ =	sfence.sel $0xFFFF  }
0xc3: {  	[dreg:$0x0] =	wrdreg $0xFFFFFFFF;
	(pc) =	sbr.abs _section_cstart, $3  }
0xc4: {  	[dreg:$0x1] =	wrdreg $0xFFFFFFFF  }
0xc5: {  	_ =	task.clear_ibuf [dreg:s8], $0x2FFFF;
	_ =	strace $0x9FFFFFFF  }
0xc6: {  	(tm) =	ssettm $0x7FFFFFFF  }
0xc7: {  	_ =	shalt  }
tec
execute0_lowered:
.L_overlay_start_1:
0x0: {  	(tag) =	ssettag $0x1  }
0x1: {  	s11 =	stileid.u32  }
0x2: {  	s1 =	rddreg [dreg:$0x3];
	s2 =	srdreg.scid  }
0x3: {  	s31 =	rddreg [dreg:$0x0];
	s28 =	simm.s32 $0x1A080;
	s0 =	smul.u32 $0x50000, s11  }
0x4: {  	s29 =	simm.s32 $0x3;
	s30 =	simm.s32 $0x6;
	p0 =	seq.s32 s11, $0xF  }
0x5: {  	s4 =	sadd.s32 $0x12D000, s1;
	p1 =	sne.s32 s11, $0xF;
	s3 =	sshrl.u32 s0, $0x2  }
0x6: {  	s0 =	sand.u32 $0x1, s2;
	s2 =	sadd.s32 s3, s1;
	s3 =	sadd.s32 $0x12C800, s1  }
0x7: {  	s26 =	sshll.u32 s0, $0x4;
	p5 =	sne.s32 s0, $0x0;
	s5 =	sadd.s32 $0x8000, s2  }
0x8: {  	s6 =	sadd.s32 $0x8800, s2;
	s7 =	sadd.s32 $0x9000, s2;
	s8 =	sadd.s32 $0x9800, s2  }
0x9: {  	s9 =	sadd.s32 $0xA000, s2;
	s10 =	sadd.s32 $0xA800, s2;
	s12 =	sadd.s32 $0xB000, s2  }
0xa: {  	s13 =	sadd.s32 $0xB800, s2;
	s14 =	sadd.s32 $0xC000, s2;
	s15 =	sadd.s32 $0xC800, s2  }
0xb: {  	s16 =	sadd.s32 $0xD000, s2;
	s17 =	sadd.s32 $0xD800, s2;
	s18 =	sadd.s32 $0xE000, s2  }
0xc: {  	s19 =	sadd.s32 $0xE800, s2;
	s20 =	sadd.s32 $0xF000, s2;
	s21 =	sadd.s32 $0xF800, s2  }
0xd: {  	s22 =	sadd.s32 $0x10000, s2;
	s23 =	sadd.s32 $0x10800, s2;
	s24 =	sadd.s32 $0x11000, s2  }
0xe: {  	s25 =	sadd.s32 $0x11800, s2;
	p3 =	seq.s32 @p5 s11, $0xF;
	p6 =	seq.s32 @!p5 s11, $0xF  }
0xf: {  	s5 =	smov.u32 @p0 s3;
	s3 =	sadd.s32 $0x12D800, s1;
	s6 =	smov.u32 @p0 s4  }
0x10: {  	s4 =	sadd.s32 $0x12E000, s1;
	p2 =	por !p3, !p5;
	[dreg:$0x6] =	wrdreg s5  }
0x11: {  	p3 =	por p3, !p5;
	[dreg:$0x7] =	wrdreg s6;
	s7 =	smov.u32 @p0 s3  }
0x12: {  	s3 =	sadd.s32 $0x12E800, s1;
	s8 =	smov.u32 @p0 s4;
	s4 =	sadd.s32 $0x12F000, s1  }
0x13: {  	s6 =	sadd.s32 $0x12000, s2;
	s5 =	sadd.s32 $0x137000, s1;
	[dreg:$0x8] =	wrdreg s7  }
0x14: {  	[dreg:$0x9] =	wrdreg s8;
	s9 =	smov.u32 @p0 s3;
	s3 =	sadd.s32 $0x12F800, s1  }
0x15: {  	s10 =	smov.u32 @p0 s4;
	s4 =	sadd.s32 $0x130000, s1;
	[dreg:$0xa] =	wrdreg s9  }
0x16: {  	s7 =	sadd.s32 $0x12800, s2;
	[dreg:$0xb] =	wrdreg s10;
	s12 =	smov.u32 @p0 s3  }
0x17: {  	s3 =	sadd.s32 $0x130800, s1;
	s13 =	smov.u32 @p0 s4;
	[dreg:$0xc] =	wrdreg s12  }
0x18: {  	s4 =	sadd.s32 $0x131000, s1;
	s7 =	smov.u32 @p0 s5;
	[dreg:$0xd] =	wrdreg s13  }
0x19: {  	s5 =	sadd.s32 $0x137800, s1;
	s14 =	smov.u32 @p0 s3;
	[dreg:$0x1b] =	wrdreg s7  }
0x1a: {  	s3 =	sadd.s32 $0x131800, s1;
	s15 =	smov.u32 @p0 s4;
	s12 =	rddreg [dreg:$0x1]  }
0x1b: {  	s4 =	sadd.s32 $0x132000, s1;
	s7 =	sadd.s32 $0x13800, s2;
	[dreg:$0xe] =	wrdreg s14  }
0x1c: {  	[dreg:$0xf] =	wrdreg s15;
	s16 =	smov.u32 @p0 s3;
	s3 =	sadd.s32 $0x132800, s1  }
0x1d: {  	s17 =	smov.u32 @p0 s4;
	s4 =	sadd.s32 $0x133000, s1;
	[dreg:$0x10] =	wrdreg s16  }
0x1e: {  	s13 =	sadd.s32 $0x2C00, s12;
	s14 =	sadd.s32 $0xCC00, s12;
	[dreg:$0x11] =	wrdreg s17  }
0x1f: {  	s18 =	smov.u32 @p0 s3;
	s3 =	sadd.s32 $0x133800, s1;
	s16 =	rddreg [dreg:$0x2]  }
0x20: {  	s19 =	smov.u32 @p0 s4;
	s4 =	sadd.s32 $0x134000, s1;
	[dreg:$0x12] =	wrdreg s18  }
0x21: {  	[dreg:$0x13] =	wrdreg s19;
	s20 =	smov.u32 @p0 s3;
	s3 =	sadd.s32 $0x134800, s1  }
0x22: {  	s21 =	smov.u32 @p0 s4;
	s4 =	sadd.s32 $0x135000, s1;
	[dreg:$0x14] =	wrdreg s20  }
0x23: {  	[dreg:$0x15] =	wrdreg s21;
	s22 =	smov.u32 @p0 s3;
	s3 =	sadd.s32 $0x135800, s1  }
0x24: {  	s23 =	smov.u32 @p0 s4;
	s4 =	sadd.s32 $0x136000, s1;
	[dreg:$0x16] =	wrdreg s22  }
0x25: {  	[dreg:$0x17] =	wrdreg s23;
	s24 =	smov.u32 @p0 s3;
	s25 =	smov.u32 @p0 s4  }
0x26: {  	s4 =	sadd.s32 $0x136800, s1;
	s3 =	sor.u32 s11, s26;
	[dreg:$0x18] =	wrdreg s24  }
0x27: {  	s26 =	simm.s32 $0x0;
	[dreg:$0x19] =	wrdreg s25;
	s6 =	smov.u32 @p0 s4  }
0x28: {  	s10 =	smul.u32 $0x500, s3;
	[dreg:$0x1a] =	wrdreg s6;
	s6 =	sadd.s32 $0x13000, s2  }
0x29: {  	s3 =	smul.u32 $0x2800, s3;
	[smem:$0x7FF] =	sst s26;
	s6 =	smov.u32 @p0 s5  }
0x2a: {  	s5 =	sadd.s32 $0x138000, s1;
	s15 =	sadd.s32 s13, s10;
	[dreg:$0x1c] =	wrdreg s6  }
0x2b: {  	s3 =	sshrl.u32 s3, $0x3;
	s7 =	smov.u32 @p0 s5;
	[dreg:$0x1e] =	wrdreg s15  }
0x2c: {  	s6 =	sadd.s32 s14, s10;
	s3 =	sadd.s32 $0x280, s3;
	[dreg:$0x1d] =	wrdreg s7  }
0x2d: {  	s19 =	smul.u32 $0x2800, s11;
	[dreg:$0x1f] =	wrdreg s6;
	s5 =	sadd.s32 s13, s3  }
0x2e: {  	s17 =	smul.u32 $0x280, s11;
	s3 =	sadd.s32 s14, s3;
	[smem:$0x7E4] =	sst s5  }
0x2f: {  	s8 =	ssub.s32 $0x2, s0;
	s0 =	sadd.s32 s19, s12;
	[smem:$0x7E5] =	sst s3  }
0x30: {  	s20 =	sshrl.u32 s17, $0x3;
	s22 =	sadd.s32 $0x3E400, s0;
	s5 =	rddreg [dreg:$0x4]  }
0x31: {  	s0 =	sadd.s32 $0x17200, s0;
	_ =	strace $0x80000047;
	[smem:$0x7E8] =	sst s22  }
0x32: {  	p4 =	por !p6, p5;
	s23 =	sadd.s32 s16, s20;
	[smem:$0x7E9] =	sst s0  }
0x33: {  	p5 =	por p6, p5;
	s24 =	sadd.s32 $0x63C00, s12;
	[smem:$0x7EA] =	sst s23  }
0x34: {  	s9 =	sshrl.u32 s8, $0x1;
	s25 =	sadd.s32 $0x170B0, s12;
	[smem:$0x7EB] =	sst s24  }
0x35: {  	s4 =	ssub.s32 s8, s9;
	s6 =	sadd.s32 $0x4B0, s16;
	[smem:$0x7EC] =	sst s25  }
0x36: {  	s18 =	smul.u32 $0xA00, s11;
	s8 =	smax.u32 s4, $0x1;
	[smem:$0x7EE] =	sst s6  }
0x37: {  	s21 =	sadd.s32 s20, s12;
	s9 =	sadd.s32 $0x800, s2;
	[smem:$0x7EF] =	sst s8  }
0x38: {  	s11 =	sadd.s32 $0x1800, s2;
	s10 =	sadd.s32 $0x1000, s2;
	[smem:$0x7F0] =	sst s9  }
0x39: {  	s20 =	sadd.s32 $0x4800, s2;
	s4 =	simm.s32 $0x7;
	[smem:$0x7F1] =	sst s10  }
0x3a: {  	s15 =	sadd.s32 $0x3800, s2;
	s13 =	sadd.s32 $0x2800, s2;
	[smem:$0x7F2] =	sst s11  }
0x3b: {  	s14 =	sadd.s32 $0x3000, s2;
	s16 =	sadd.s32 $0x4000, s2;
	[smem:$0x7F4] =	sst s13  }
0x3c: {  	s3 =	sshrl.u32 s18, $0x2;
	s18 =	sadd.s32 $0x7800, s2;
	[smem:$0x7F5] =	sst s14  }
0x3d: {  	s3 =	sadd.s32 s3, s5;
	s7 =	sadd.s32 s17, s5;
	[smem:$0x7F6] =	sst s15  }
0x3e: {  	s17 =	sadd.s32 $0x12C000, s1;
	s19 =	sadd.s32 $0x2580, s5;
	[smem:$0x7F7] =	sst s16  }
0x3f: {  	[smem:$0x7F8] =	sst s20;
	s22 =	sadd.s32 $0x5800, s2;
	s23 =	sadd.s32 $0x6000, s2  }
0x40: {  	s24 =	sadd.s32 $0x6800, s2;
	s25 =	sadd.s32 $0x7000, s2;
	s11 =	simm.s32 $0x13880  }
0x41: {  	s10 =	simm.s32 $0x14C80;
	s14 =	simm.s32 $0x7D;
	[smem:$0x7E6] =	sst s3  }
0x42: {  	s15 =	simm.s32 $0x16080;
	s20 =	simm.s32 $0x5;
	[smem:$0x7FA] =	sst s22  }
0x43: {  	s0 =	simm.s32 $0x2;
	s13 =	simm.s32 $0x15F80;
	[smem:$0x7FB] =	sst s23  }
0x44: {  	s3 =	sadd.s32 $0x16C00, s21;
	s18 =	smov.u32 @p0 s17;
	[smem:$0x7FC] =	sst s24  }
0x45: {  	s21 =	sadd.s32 $0x5000, s2;
	[smem:$0x7FD] =	sst s25;
	s25 =	simm.s32 $0x1E080  }
0x46: {  	s22 =	simm.s32 $0x1EAF8;
	s23 =	simm.s32 $0x16000;
	[smem:$0x7E7] =	sst s3  }
0x47: {  	s24 =	simm.s32 $0x0;
	s3 =	sadd.s32 $0x3CA00, s12;
	[smem:$0x7F9] =	sst s21  }
0x48: {  	s12 =	sadd.s32 $0x2000, s2;
	s21 =	simm.s32 $0x1;
	[smem:$0x7ED] =	sst s3  }
0x49: {  	v0 =	vimm.f32 $0.0e+00;
	v1 =	vimm.f32 $1.000000000e+00;
	[smem:$0x7F3] =	sst s12;
	s12 =	simm.s32 $0x8;
	s3 =	simm.s32 $0x4  }
.LBB2_1:
0x4a: {  	s6 =	sand.u32 $0x1E00, s26  }
0x4b: {  	s8 =	sand.u32 $0x70, s26;
	s16 =	sshrl.u32 s6, $0x2  }
0x4c: {  	s6 =	simm.s32 $0x40;
	s8 =	sor.u32 s8, s16;
	s16 =	simm.s32 $0x0  }
.LBB2_2:
0x4d: {  	p6 =	sne.s32 s6, $0x1FC0  }
0x4e: {  	[tilespmem:s8+$0x1E080] =	vst v0;
	s16 =	sadd.s32 $0x10, s16;
	s8 =	smov.u32 s6;
	s6 =	sadd.s32 $0x40, s6  }
.Ltmp0:
0x4f: {  	(pc) =	sbr.rel @p6 .LBB2_2-.Ltmp0, $4  }
0x50: {  	_ = 	snop  }
0x51: {  	s8 =	sand.u32 $0x1E00, s8  }
0x52: {  	s9 =	sand.u32 $0x70, s16;
	s8 =	sshrl.u32 s8, $0x2  }
0x53: {  	s8 =	sor.u32 s9, s8  }
0x54: {  	[tilespmem:s8+$0x1E080] =	vst v0;
	s6 =	simm.s32 @!p0 $0x1E080;
	s8 =	sld [smem:$0x7F0]  }
0x55: {  	[spmem:s2] =	stream.linear.scatter @!p0 [tilespmem:s6], [sflag:$0x5], $0x800, $0x38;
	[tilespmem:$0x1EDF8] =	vst v63  }
0x56: {  	_ = 	snop  }
0x57: {  	[spmem:s8] =	stream.linear.scatter @!p0 [tilespmem:s6], [sflag:$0x5], $0x800, $0x38;
	[tilespmem:$0x1EDF8] =	vst v63  }
0x58: {  	s8 =	sld [smem:$0x7F1];
	_ =	sdelay $0x2  }
0x59: {  	[spmem:s8] =	stream.linear.scatter @!p0 [tilespmem:s6], [sflag:$0x5], $0x800, $0x38;
	[tilespmem:$0x1EDF8] =	vst v63  }
0x5a: {  	s8 =	sld [smem:$0x7F2];
	_ =	sdelay $0x2  }
0x5b: {  	[spmem:s8] =	stream.linear.scatter @!p0 [tilespmem:s6], [sflag:$0x5], $0x800, $0x38;
	[tilespmem:$0x1EDF8] =	vst v63  }
0x5c: {  	s8 =	sld [smem:$0x7F3];
	_ =	sdelay $0x2  }
0x5d: {  	[spmem:s8] =	stream.linear.scatter @!p0 [tilespmem:s6], [sflag:$0x5], $0x800, $0x38;
	[tilespmem:$0x1EDF8] =	vst v63  }
0x5e: {  	s8 =	sld [smem:$0x7F4];
	_ =	sdelay $0x2  }
0x5f: {  	[spmem:s8] =	stream.linear.scatter @!p0 [tilespmem:s6], [sflag:$0x5], $0x800, $0x38;
	[tilespmem:$0x1EDF8] =	vst v63  }
0x60: {  	s8 =	sld [smem:$0x7F5];
	_ =	sdelay $0x2  }
0x61: {  	[spmem:s8] =	stream.linear.scatter @!p0 [tilespmem:s6], [sflag:$0x5], $0x800, $0x38;
	[tilespmem:$0x1EDF8] =	vst v63  }
0x62: {  	s8 =	sld [smem:$0x7F6];
	_ =	sdelay $0x2  }
0x63: {  	[spmem:s8] =	stream.linear.scatter @!p0 [tilespmem:s6], [sflag:$0x5], $0x800, $0x38;
	[tilespmem:$0x1EDF8] =	vst v63  }
0x64: {  	s8 =	sld [smem:$0x7F7];
	_ =	sdelay $0x2  }
0x65: {  	[spmem:s8] =	stream.linear.scatter @!p0 [tilespmem:s6], [sflag:$0x5], $0x800, $0x38;
	[tilespmem:$0x1EDF8] =	vst v63  }
0x66: {  	s8 =	sld [smem:$0x7F8];
	_ =	sdelay $0x2  }
0x67: {  	[spmem:s8] =	stream.linear.scatter @!p0 [tilespmem:s6], [sflag:$0x5], $0x800, $0x38;
	[tilespmem:$0x1EDF8] =	vst v63  }
0x68: {  	s8 =	sld [smem:$0x7F9];
	_ =	sdelay $0x2  }
0x69: {  	[spmem:s8] =	stream.linear.scatter @!p0 [tilespmem:s6], [sflag:$0x5], $0x800, $0x38;
	[tilespmem:$0x1EDF8] =	vst v63  }
0x6a: {  	s8 =	sld [smem:$0x7FA];
	_ =	sdelay $0x2  }
0x6b: {  	[spmem:s8] =	stream.linear.scatter @!p0 [tilespmem:s6], [sflag:$0x5], $0x800, $0x38;
	[tilespmem:$0x1EDF8] =	vst v63  }
0x6c: {  	s8 =	sld [smem:$0x7FB];
	_ =	sdelay $0x2  }
0x6d: {  	[spmem:s8] =	stream.linear.scatter @!p0 [tilespmem:s6], [sflag:$0x5], $0x800, $0x38;
	[tilespmem:$0x1EDF8] =	vst v63  }
0x6e: {  	s8 =	sld [smem:$0x7FC];
	_ =	sdelay $0x2  }
0x6f: {  	[spmem:s8] =	stream.linear.scatter @!p0 [tilespmem:s6], [sflag:$0x5], $0x800, $0x38;
	[tilespmem:$0x1EDF8] =	vst v63  }
0x70: {  	s8 =	sld [smem:$0x7FD];
	_ =	sdelay $0x2  }
0x71: {  	[spmem:s8] =	stream.linear.scatter @!p0 [tilespmem:s6], [sflag:$0x5], $0x800, $0x38;
	[tilespmem:$0x1EDF8] =	vst v63  }
0x72: {  	_ = 	snop  }
0x73: {  	[spmem:s18] =	stream.linear.scatter [tilespmem:s25], [sflag:$0x5], $0x800, $0x38;
	[tilespmem:$0x1EDF8] =	vst v63  }
0x74: {  	s8 =	rddreg [dreg:$0x6]  }
0x75: {  	[spmem:s8] =	stream.linear.scatter [tilespmem:s25], [sflag:$0x5], $0x800, $0x38;
	[tilespmem:$0x1EDF8] =	vst v63  }
0x76: {  	s9 =	rddreg [dreg:$0x7]  }
0x77: {  	[spmem:s9] =	stream.linear.scatter [tilespmem:s25], [sflag:$0x5], $0x800, $0x38;
	[tilespmem:$0x1EDF8] =	vst v63  }
0x78: {  	s16 =	rddreg [dreg:$0x8]  }
0x79: {  	[spmem:s16] =	stream.linear.scatter [tilespmem:s25], [sflag:$0x5], $0x800, $0x38;
	[tilespmem:$0x1EDF8] =	vst v63  }
0x7a: {  	s8 =	rddreg [dreg:$0x9]  }
0x7b: {  	[spmem:s8] =	stream.linear.scatter [tilespmem:s25], [sflag:$0x5], $0x800, $0x38;
	[tilespmem:$0x1EDF8] =	vst v63  }
0x7c: {  	s9 =	rddreg [dreg:$0xa]  }
0x7d: {  	[spmem:s9] =	stream.linear.scatter [tilespmem:s25], [sflag:$0x5], $0x800, $0x38;
	[tilespmem:$0x1EDF8] =	vst v63  }
0x7e: {  	s16 =	rddreg [dreg:$0xb]  }
0x7f: {  	[spmem:s16] =	stream.linear.scatter [tilespmem:s25], [sflag:$0x5], $0x800, $0x38;
	[tilespmem:$0x1EDF8] =	vst v63  }
0x80: {  	s8 =	rddreg [dreg:$0xc]  }
0x81: {  	[spmem:s8] =	stream.linear.scatter [tilespmem:s25], [sflag:$0x5], $0x800, $0x38;
	[tilespmem:$0x1EDF8] =	vst v63  }
0x82: {  	s9 =	rddreg [dreg:$0xd]  }
0x83: {  	[spmem:s9] =	stream.linear.scatter [tilespmem:s25], [sflag:$0x5], $0x800, $0x38;
	[tilespmem:$0x1EDF8] =	vst v63  }
0x84: {  	s16 =	rddreg [dreg:$0xe]  }
0x85: {  	[spmem:s16] =	stream.linear.scatter [tilespmem:s25], [sflag:$0x5], $0x800, $0x38;
	[tilespmem:$0x1EDF8] =	vst v63  }
0x86: {  	s8 =	rddreg [dreg:$0xf]  }
0x87: {  	[spmem:s8] =	stream.linear.scatter [tilespmem:s25], [sflag:$0x5], $0x800, $0x38;
	[tilespmem:$0x1EDF8] =	vst v63  }
0x88: {  	s9 =	rddreg [dreg:$0x10]  }
0x89: {  	[spmem:s9] =	stream.linear.scatter [tilespmem:s25], [sflag:$0x5], $0x800, $0x38;
	[tilespmem:$0x1EDF8] =	vst v63  }
0x8a: {  	s16 =	rddreg [dreg:$0x11]  }
0x8b: {  	[spmem:s16] =	stream.linear.scatter [tilespmem:s25], [sflag:$0x5], $0x800, $0x38;
	[tilespmem:$0x1EDF8] =	vst v63  }
0x8c: {  	s8 =	rddreg [dreg:$0x12]  }
0x8d: {  	[spmem:s8] =	stream.linear.scatter [tilespmem:s25], [sflag:$0x5], $0x800, $0x38;
	[tilespmem:$0x1EDF8] =	vst v63  }
0x8e: {  	s9 =	rddreg [dreg:$0x13]  }
0x8f: {  	[spmem:s9] =	stream.linear.scatter [tilespmem:s25], [sflag:$0x5], $0x800, $0x38;
	[tilespmem:$0x1EDF8] =	vst v63  }
0x90: {  	s16 =	rddreg [dreg:$0x14]  }
0x91: {  	[spmem:s16] =	stream.linear.scatter [tilespmem:s25], [sflag:$0x5], $0x800, $0x38;
	[tilespmem:$0x1EDF8] =	vst v63  }
0x92: {  	s8 =	rddreg [dreg:$0x15]  }
0x93: {  	[spmem:s8] =	stream.linear.scatter [tilespmem:s25], [sflag:$0x5], $0x800, $0x38;
	[tilespmem:$0x1EDF8] =	vst v63  }
0x94: {  	s9 =	rddreg [dreg:$0x16]  }
0x95: {  	[spmem:s9] =	stream.linear.scatter [tilespmem:s25], [sflag:$0x5], $0x800, $0x38;
	[tilespmem:$0x1EDF8] =	vst v63  }
0x96: {  	s16 =	rddreg [dreg:$0x17]  }
0x97: {  	[spmem:s16] =	stream.linear.scatter [tilespmem:s25], [sflag:$0x5], $0x800, $0x38;
	[tilespmem:$0x1EDF8] =	vst v63  }
0x98: {  	s8 =	rddreg [dreg:$0x18]  }
0x99: {  	[spmem:s8] =	stream.linear.scatter [tilespmem:s25], [sflag:$0x5], $0x800, $0x38;
	[tilespmem:$0x1EDF8] =	vst v63  }
0x9a: {  	s9 =	rddreg [dreg:$0x19]  }
0x9b: {  	[spmem:s9] =	stream.linear.scatter [tilespmem:s25], [sflag:$0x5], $0x800, $0x38;
	[tilespmem:$0x1EDF8] =	vst v63  }
0x9c: {  	s16 =	rddreg [dreg:$0x1a]  }
0x9d: {  	[spmem:s16] =	stream.linear.scatter [tilespmem:s25], [sflag:$0x5], $0x800, $0x38;
	[tilespmem:$0x1EDF8] =	vst v63  }
0x9e: {  	s8 =	rddreg [dreg:$0x1b]  }
0x9f: {  	[spmem:s8] =	stream.linear.scatter [tilespmem:s25], [sflag:$0x5], $0x800, $0x38;
	[tilespmem:$0x1EDF8] =	vst v63  }
0xa0: {  	s9 =	rddreg [dreg:$0x1c]  }
0xa1: {  	[spmem:s9] =	stream.linear.scatter [tilespmem:s25], [sflag:$0x5], $0x800, $0x38;
	[tilespmem:$0x1EDF8] =	vst v63  }
0xa2: {  	s16 =	rddreg [dreg:$0x1d]  }
0xa3: {  	[spmem:s16] =	stream.linear.scatter [tilespmem:s25], [sflag:$0x5], $0x800, $0x38;
	[tilespmem:$0x1EDF8] =	vst v63  }
0xa4: {  	[tilespmem:$0x1EB78] =	vst v0  }
0xa5: {  	[tilespmem:$0x1EB88] =	vst v0  }
0xa6: {  	[tilespmem:$0x1EB98] =	vst v0  }
0xa7: {  	[tilespmem:$0x1EBA8] =	vst v0  }
0xa8: {  	[tilespmem:$0x1EBB8] =	vst v0  }
0xa9: {  	[tilespmem:$0x1EBC8] =	vst v0  }
0xaa: {  	[tilespmem:$0x1EBD8] =	vst v0  }
0xab: {  	[tilespmem:$0x1EBE8] =	vst v0  }
0xac: {  	[tilespmem:$0x1EBF8] =	vst v0  }
0xad: {  	[tilespmem:$0x1EC08] =	vst v0  }
0xae: {  	[tilespmem:$0x1EC18] =	vst v0  }
0xaf: {  	[tilespmem:$0x1EC28] =	vst v0  }
0xb0: {  	[tilespmem:$0x1EC38] =	vst v0  }
0xb1: {  	[tilespmem:$0x1EC48] =	vst v0  }
0xb2: {  	[tilespmem:$0x1EC58] =	vst v0  }
0xb3: {  	[tilespmem:$0x1EC68] =	vst v0  }
0xb4: {  	[tilespmem:$0x1EC78] =	vst v0  }
0xb5: {  	[tilespmem:$0x1EC88] =	vst v0  }
0xb6: {  	[tilespmem:$0x1EC98] =	vst v0  }
0xb7: {  	[tilespmem:$0x1ECA8] =	vst v0  }
0xb8: {  	[tilespmem:$0x1ECB8] =	vst v0  }
0xb9: {  	[tilespmem:$0x1ECC8] =	vst v0  }
0xba: {  	[tilespmem:$0x1ECD8] =	vst v0  }
0xbb: {  	[tilespmem:$0x1ECE8] =	vst v0  }
0xbc: {  	[tilespmem:$0x1ECF8] =	vst v0  }
0xbd: {  	[tilespmem:$0x1ED08] =	vst v0  }
0xbe: {  	[tilespmem:$0x1ED18] =	vst v0  }
0xbf: {  	[tilespmem:$0x1ED28] =	vst v0  }
0xc0: {  	[tilespmem:$0x1ED38] =	vst v0  }
0xc1: {  	[tilespmem:$0x1ED48] =	vst v0  }
0xc2: {  	[tilespmem:$0x1ED58] =	vst v0  }
0xc3: {  	[tilespmem:$0x1ED68] =	vst v0  }
0xc4: {  	[tilespmem:$0x1ED78] =	vst v0  }
0xc5: {  	[tilespmem:$0x1ED88] =	vst v0  }
0xc6: {  	[tilespmem:$0x1ED98] =	vst v0  }
0xc7: {  	[tilespmem:$0x1EDA8] =	vst v0  }
0xc8: {  	[tilespmem:$0x1EDB8] =	vst v0  }
0xc9: {  	[tilespmem:$0x1EDC8] =	vst v0  }
0xca: {  	[tilespmem:$0x1EDD8] =	vst v0  }
0xcb: {  	[tilespmem:$0x1EDE8] =	vst v0  }
0xcc: {  	[tilespmem:$0x1EAF8] =	vst v1  }
0xcd: {  	[tilespmem:$0x1EB08] =	vst v1  }
0xce: {  	[tilespmem:$0x1EB18] =	vst v1  }
0xcf: {  	[tilespmem:$0x1EB28] =	vst v1  }
0xd0: {  	[tilespmem:$0x1EB38] =	vst v1  }
0xd1: {  	[tilespmem:$0x1EB48] =	vst v1  }
0xd2: {  	[tilespmem:$0x1EB58] =	vst v1  }
0xd3: {  	s6 =	simm.s32 @p0 $0x1EB78;
	[tilespmem:$0x1EB68] =	vst v1  }
0xd4: {  	[spmem:s19] =	stream.linear.scatter @p0 [tilespmem:s6], [sflag:$0x8], $0x190, $0x38;
	[tilespmem:$0x1EDF8] =	vst v63  }
0xd5: {  	s6 =	simm.s32 @p0 $0x8  }
0xd6: {  	_ =	swait.ge @p0 [sflag:s6], $0x190  }
0xd7: {  	s8 =	sld [smem:$0x7E6]  }
0xd8: {  	[sflag:s6] =	ssyncset.done @p0 $0x0  }
0xd9: {  	[sflag:s6] =	ssyncadd.s32 @p0 $0xFFFFFE70;
	s6 =	simm.s32 @!p0 $0x1EB78  }
0xda: {  	[spmem:s8] =	stream.linear.scatter @!p0 [tilespmem:s6], [sflag:$0x8], $0x280, $0x38;
	[tilespmem:$0x1EDF8] =	vst v63  }
0xdb: {  	s6 =	simm.s32 @!p0 $0x8  }
0xdc: {  	_ =	swait.ge @!p0 [sflag:s6], $0x280  }
0xdd: {  	[sflag:s6] =	ssyncset.done @!p0 $0x0  }
0xde: {  	s8 =	rddreg [dreg:$0x1e];
	[sflag:s6] =	ssyncadd.s32 @!p0 $0xFFFFFD80  }
0xdf: {  	[tilespmem:s11], [sflag:$0x8] =	stream.linear.gather [hbm4b:s8+s26], $0x1400, $0x38;
	[tilespmem:$0x1EDF8] =	vst v63  }
0xe0: {  	_ =	swait.ge [sflag:s12], $0x1400  }
0xe1: {  	[sflag:s12] =	ssyncset.done $0x0  }
0xe2: {  	s9 =	rddreg [dreg:$0x1f];
	[sflag:s12] =	ssyncadd.s32 $0xFFFFEC00  }
0xe3: {  	[tilespmem:s10], [sflag:$0x8] =	stream.linear.gather [hbm4b:s9+s26], $0x1400, $0x38;
	[tilespmem:$0x1EDF8] =	vst v63  }
0xe4: {  	_ =	swait.ge [sflag:s12], $0x1400  }
.Ltmp1:
0xe5: {  	[sflag:s12] =	ssyncset.done $0x0;
	(pc) =	sbr.rel @p1 .LBB2_5-.Ltmp1, $4  }
0xe6: {  	[sflag:s12] =	ssyncadd.s32 $0xFFFFEC00  }
0xe7: {  	[tilespmem:s15], [sflag:$0x1] =	stream.indirect.gather [hbm4b:s31+s14], $0x80, s11, s14, $0xb8;
	[tilespmem:$0x1EDF8] =	vst v63  }
0xe8: {  	s16 =	simm.s32 $0x13900;
	s6 =	simm.s32 $0x28  }
0xe9: {  	[tilespmem:s28], [sflag:$0x2] =	stream.indirect.gather [hbm4b:s31+s14], $0x80, s16, s14, $0xb8;
	[tilespmem:$0x1EDF8] =	vst v63  }
0xea: {  	_ =	swait.ge [sflag:s20], $0x800  }
0xeb: {  	[sflag:s20] =	ssyncset.done $0x0  }
0xec: {  	[sflag:s20] =	ssyncadd.s32 $0xFFFFF800  }
0xed: {  	_ =	swait.ge [sflag:s20], $0x800  }
0xee: {  	[sflag:s20] =	ssyncset.done $0x0  }
0xef: {  	[sflag:s20] =	ssyncadd.s32 $0xFFFFF800  }
0xf0: {  	_ =	swait.ge [sflag:s20], $0x800  }
0xf1: {  	[sflag:s20] =	ssyncset.done $0x0  }
0xf2: {  	[sflag:s20] =	ssyncadd.s32 $0xFFFFF800  }
0xf3: {  	_ =	swait.ge [sflag:s20], $0x800  }
0xf4: {  	[sflag:s20] =	ssyncset.done $0x0  }
0xf5: {  	[sflag:s20] =	ssyncadd.s32 $0xFFFFF800  }
0xf6: {  	_ =	swait.ge [sflag:s20], $0x800  }
0xf7: {  	[sflag:s20] =	ssyncset.done $0x0  }
0xf8: {  	[sflag:s20] =	ssyncadd.s32 $0xFFFFF800  }
0xf9: {  	_ =	swait.ge [sflag:s20], $0x800  }
0xfa: {  	[sflag:s20] =	ssyncset.done $0x0  }
0xfb: {  	[sflag:s20] =	ssyncadd.s32 $0xFFFFF800  }
0xfc: {  	_ =	swait.ge [sflag:s20], $0x800  }
0xfd: {  	[sflag:s20] =	ssyncset.done $0x0  }
0xfe: {  	[sflag:s20] =	ssyncadd.s32 $0xFFFFF800  }
0xff: {  	_ =	swait.ge [sflag:s20], $0x800  }
0x100: {  	[sflag:s20] =	ssyncset.done $0x0  }
0x101: {  	[sflag:s20] =	ssyncadd.s32 $0xFFFFF800  }
0x102: {  	_ =	swait.ge [sflag:s20], $0x800  }
0x103: {  	[sflag:s20] =	ssyncset.done $0x0  }
0x104: {  	[sflag:s20] =	ssyncadd.s32 $0xFFFFF800  }
0x105: {  	_ =	swait.ge [sflag:s20], $0x800  }
0x106: {  	[sflag:s20] =	ssyncset.done $0x0  }
0x107: {  	[sflag:s20] =	ssyncadd.s32 $0xFFFFF800  }
0x108: {  	_ =	swait.ge [sflag:s20], $0x800  }
0x109: {  	[sflag:s20] =	ssyncset.done $0x0  }
0x10a: {  	[sflag:s20] =	ssyncadd.s32 $0xFFFFF800  }
0x10b: {  	_ =	swait.ge [sflag:s20], $0x800  }
0x10c: {  	[sflag:s20] =	ssyncset.done $0x0  }
0x10d: {  	[sflag:s20] =	ssyncadd.s32 $0xFFFFF800  }
0x10e: {  	_ =	swait.ge [sflag:s20], $0x800  }
0x10f: {  	[sflag:s20] =	ssyncset.done $0x0  }
0x110: {  	[sflag:s20] =	ssyncadd.s32 $0xFFFFF800  }
0x111: {  	_ =	swait.ge [sflag:s20], $0x800  }
0x112: {  	[sflag:s20] =	ssyncset.done $0x0  }
0x113: {  	[sflag:s20] =	ssyncadd.s32 $0xFFFFF800  }
0x114: {  	_ =	swait.ge [sflag:s20], $0x800  }
0x115: {  	[sflag:s20] =	ssyncset.done $0x0  }
0x116: {  	[sflag:s20] =	ssyncadd.s32 $0xFFFFF800  }
0x117: {  	_ =	swait.ge [sflag:s20], $0x800  }
0x118: {  	[sflag:s20] =	ssyncset.done $0x0  }
0x119: {  	[sflag:s20] =	ssyncadd.s32 $0xFFFFF800  }
0x11a: {  	_ =	swait.ge [sflag:s20], $0x800  }
0x11b: {  	[sflag:s20] =	ssyncset.done $0x0  }
0x11c: {  	[sflag:s20] =	ssyncadd.s32 $0xFFFFF800  }
0x11d: {  	_ =	swait.ge [sflag:s20], $0x800  }
0x11e: {  	[sflag:s20] =	ssyncset.done $0x0  }
0x11f: {  	[sflag:s20] =	ssyncadd.s32 $0xFFFFF800  }
0x120: {  	_ =	swait.ge [sflag:s20], $0x800  }
0x121: {  	[sflag:s20] =	ssyncset.done $0x0  }
0x122: {  	[sflag:s20] =	ssyncadd.s32 $0xFFFFF800  }
0x123: {  	_ =	swait.ge [sflag:s20], $0x800  }
0x124: {  	[sflag:s20] =	ssyncset.done $0x0  }
0x125: {  	[sflag:s20] =	ssyncadd.s32 $0xFFFFF800  }
0x126: {  	_ =	swait.ge [sflag:s20], $0x800  }
0x127: {  	[sflag:s20] =	ssyncset.done $0x0  }
0x128: {  	[sflag:s20] =	ssyncadd.s32 $0xFFFFF800  }
0x129: {  	_ =	swait.ge [sflag:s20], $0x800  }
0x12a: {  	[sflag:s20] =	ssyncset.done $0x0  }
0x12b: {  	[sflag:s20] =	ssyncadd.s32 $0xFFFFF800  }
0x12c: {  	_ =	swait.ge [sflag:s20], $0x800  }
0x12d: {  	[sflag:s20] =	ssyncset.done $0x0  }
0x12e: {  	[sflag:s20] =	ssyncadd.s32 $0xFFFFF800  }
0x12f: {  	_ =	swait.ge [sflag:s20], $0x800  }
.Ltmp2:
0x130: {  	[sflag:s20] =	ssyncset.done $0x0;
	(pc) =	sbr.rel .LBB2_8-.Ltmp2, $4  }
0x131: {  	[sflag:s20] =	ssyncadd.s32 $0xFFFFF800  }
0x132: {  	_ =	swait.ge [sflag:s20], $0x800  }
0x133: {  	[sflag:s20] =	ssyncset.done $0x0  }
0x134: {  	[sflag:s20] =	ssyncadd.s32 $0xFFFFF800  }
.LBB2_5:
0x135: {  	_ =	swait.ge [sflag:s20], $0x800  }
0x136: {  	s6 =	sadd.s32 $0xFFFFFFFF, s6;
	[sflag:s20] =	ssyncset.done $0x0  }
.LBB2_6:
0x137: {  	p6 =	sne.s32 s6, $0x1;
	s6 =	sadd.s32 $0xFFFFFFFF, s6;
	[sflag:s20] =	ssyncadd.s32 $0xFFFFF800  }
.Ltmp3:
0x138: {  	(pc) =	sbr.rel @p6 .LBB2_6-.Ltmp3, $3  }
0x139: {  	_ =	sdelay $0x1  }
0x13a: {  	_ =	swait.ge [sflag:s20], $0x800  }
0x13b: {  	[sflag:s20] =	ssyncset.done $0x0  }
0x13c: {  	[sflag:s20] =	ssyncadd.s32 $0xFFFFF800  }
.LBB2_8:
0x13d: {  	[bflag:$0x0] =	sbarrier.arrive $0xFFFF  }
0x13e: {  	_ =	swait.ge [sflag:s21], $0x3E80  }
0x13f: {  	[sflag:s21] =	ssyncset.done $0x0  }
0x140: {  	s6 =	simm.s32 $0x14C80;
	[sflag:s21] =	ssyncadd.s32 $0xFFFFC180  }
0x141: {  	[spmem:s1] =	stream.indirect.scatter.add.f32 [tilespmem:s15], [sflag:$0x3], $0x80, s6, s14, $0xb8;
	[tilespmem:$0x1EDF8] =	vst v63  }
0x142: {  	_ = 	snop  }
0x143: {  	[spmem:s5] =	stream.indirect.scatter.add.f32 [tilespmem:s22], [sflag:$0x6], $0x1, s6, s14, $0xb8;
	[tilespmem:$0x1EDF8] =	vst v63  }
0x144: {  	_ =	swait.ge [sflag:s0], $0x3E80  }
0x145: {  	[sflag:s0] =	ssyncset.done $0x0  }
0x146: {  	s9 =	simm.s32 $0x14D00;
	[sflag:s0] =	ssyncadd.s32 $0xFFFFC180  }
0x147: {  	[spmem:s1] =	stream.indirect.scatter.add.f32 [tilespmem:s28], [sflag:$0x4], $0x80, s9, s14, $0xb8;
	[tilespmem:$0x1EDF8] =	vst v63  }
0x148: {  	_ = 	snop  }
0x149: {  	[spmem:s5] =	stream.indirect.scatter.add.f32 [tilespmem:s22], [sflag:$0x7], $0x1, s9, s14, $0xb8;
	[tilespmem:$0x1EDF8] =	vst v63  }
0x14a: {  	_ =	swait.ge [sflag:s29], $0x3E80  }
0x14b: {  	[sflag:s29] =	ssyncset.done $0x0  }
0x14c: {  	[sflag:s29] =	ssyncadd.s32 $0xFFFFC180  }
0x14d: {  	_ =	swait.ge [sflag:s30], $0x7D  }
0x14e: {  	[sflag:s30] =	ssyncset.done $0x0  }
0x14f: {  	s16 =	simm.s32 $0x13980;
	[sflag:s30] =	ssyncadd.s32 $0xFFFFFF83  }
0x150: {  	[tilespmem:s15], [sflag:$0x1] =	stream.indirect.gather [hbm4b:s31+s14], $0x80, s16, s14, $0xb8;
	[tilespmem:$0x1EDF8] =	vst v63  }
0x151: {  	_ =	swait.ge [sflag:s3], $0x3E80  }
0x152: {  	[sflag:s3] =	ssyncset.done $0x0  }
0x153: {  	[sflag:s3] =	ssyncadd.s32 $0xFFFFC180  }
0x154: {  	_ =	swait.ge [sflag:s4], $0x7D  }
0x155: {  	[sflag:s4] =	ssyncset.done $0x0  }
0x156: {  	s8 =	simm.s32 $0x13A00;
	s6 =	simm.s32 $0x400;
	[sflag:s4] =	ssyncadd.s32 $0xFFFFFF83  }
.LBB2_9:
0x157: {  	[tilespmem:s28], [sflag:$0x2] =	stream.indirect.gather [hbm4b:s31+s14], $0x80, s8, s14, $0xb8;
	[tilespmem:$0x1EDF8] =	vst v63  }
0x158: {  	s8 =	smov.u32 s6  }
0x159: {  	p6 =	sne.s32 s6, $0x4800;
	s6 =	sadd.s32 $0x400, s6;
	_ =	swait.ge [sflag:s21], $0x3E80  }
0x15a: {  	s8 =	sshra.s32 s8, $0x2;
	[sflag:s21] =	ssyncset.done $0x0  }
0x15b: {  	s9 =	sadd.s32 $0x14C80, s8;
	[sflag:s21] =	ssyncadd.s32 $0xFFFFC180  }
0x15c: {  	[spmem:s1] =	stream.indirect.scatter.add.f32 [tilespmem:s15], [sflag:$0x3], $0x80, s9, s14, $0xb8;
	[tilespmem:$0x1EDF8] =	vst v63  }
0x15d: {  	_ = 	snop  }
0x15e: {  	[spmem:s5] =	stream.indirect.scatter.add.f32 [tilespmem:s22], [sflag:$0x6], $0x1, s9, s14, $0xb8;
	[tilespmem:$0x1EDF8] =	vst v63  }
0x15f: {  	_ =	swait.ge [sflag:s0], $0x3E80  }
0x160: {  	[sflag:s0] =	ssyncset.done $0x0  }
0x161: {  	s9 =	sadd.s32 $0x14D00, s8;
	[sflag:s0] =	ssyncadd.s32 $0xFFFFC180  }
0x162: {  	[spmem:s1] =	stream.indirect.scatter.add.f32 [tilespmem:s28], [sflag:$0x4], $0x80, s9, s14, $0xb8;
	[tilespmem:$0x1EDF8] =	vst v63  }
0x163: {  	_ = 	snop  }
0x164: {  	[spmem:s5] =	stream.indirect.scatter.add.f32 [tilespmem:s22], [sflag:$0x7], $0x1, s9, s14, $0xb8;
	[tilespmem:$0x1EDF8] =	vst v63  }
0x165: {  	_ =	swait.ge [sflag:s29], $0x3E80  }
0x166: {  	[sflag:s29] =	ssyncset.done $0x0  }
0x167: {  	[sflag:s29] =	ssyncadd.s32 $0xFFFFC180  }
0x168: {  	_ =	swait.ge [sflag:s30], $0x7D  }
0x169: {  	[sflag:s30] =	ssyncset.done $0x0  }
0x16a: {  	s9 =	sadd.s32 $0x13980, s8;
	[sflag:s30] =	ssyncadd.s32 $0xFFFFFF83  }
0x16b: {  	[tilespmem:s15], [sflag:$0x1] =	stream.indirect.gather [hbm4b:s31+s14], $0x80, s9, s14, $0xb8;
	[tilespmem:$0x1EDF8] =	vst v63  }
0x16c: {  	_ =	swait.ge [sflag:s3], $0x3E80  }
.Ltmp4:
0x16d: {  	[sflag:s3] =	ssyncset.done $0x0;
	(pc) =	sbr.rel @p6 .LBB2_9-.Ltmp4, $4  }
0x16e: {  	[sflag:s3] =	ssyncadd.s32 $0xFFFFC180  }
0x16f: {  	_ =	swait.ge [sflag:s4], $0x7D  }
0x170: {  	[sflag:s4] =	ssyncset.done $0x0  }
0x171: {  	s8 =	sadd.s32 $0x13A00, s8;
	[sflag:s4] =	ssyncadd.s32 $0xFFFFFF83  }
0x172: {  	[tilespmem:s28], [sflag:$0x2] =	stream.indirect.gather [hbm4b:s31+s14], $0x80, s8, s14, $0xb8;
	[tilespmem:$0x1EDF8] =	vst v63  }
0x173: {  	_ =	swait.ge [sflag:s21], $0x3E80  }
0x174: {  	[sflag:s21] =	ssyncset.done $0x0  }
0x175: {  	[sflag:s21] =	ssyncadd.s32 $0xFFFFC180  }
0x176: {  	[spmem:s1] =	stream.indirect.scatter.add.f32 [tilespmem:s15], [sflag:$0x3], $0x80, s13, s14, $0xb8;
	[tilespmem:$0x1EDF8] =	vst v63  }
0x177: {  	_ = 	snop  }
0x178: {  	[spmem:s5] =	stream.indirect.scatter.add.f32 [tilespmem:s22], [sflag:$0x6], $0x1, s13, s14, $0xb8;
	[tilespmem:$0x1EDF8] =	vst v63  }
0x179: {  	_ =	swait.ge [sflag:s0], $0x3E80  }
0x17a: {  	[sflag:s0] =	ssyncset.done $0x0  }
0x17b: {  	[sflag:s0] =	ssyncadd.s32 $0xFFFFC180  }
0x17c: {  	[spmem:s1] =	stream.indirect.scatter.add.f32 [tilespmem:s28], [sflag:$0x4], $0x80, s23, s14, $0xb8;
	[tilespmem:$0x1EDF8] =	vst v63  }
0x17d: {  	_ = 	snop  }
0x17e: {  	[spmem:s5] =	stream.indirect.scatter.add.f32 [tilespmem:s22], [sflag:$0x7], $0x1, s23, s14, $0xb8;
	[tilespmem:$0x1EDF8] =	vst v63  }
0x17f: {  	_ =	swait.ge [sflag:s29], $0x3E80  }
0x180: {  	[sflag:s29] =	ssyncset.done $0x0  }
0x181: {  	[sflag:s29] =	ssyncadd.s32 $0xFFFFC180  }
0x182: {  	_ =	swait.ge [sflag:s30], $0x7D  }
0x183: {  	[sflag:s30] =	ssyncset.done $0x0  }
0x184: {  	[sflag:s30] =	ssyncadd.s32 $0xFFFFFF83  }
0x185: {  	_ =	swait.ge [sflag:s3], $0x3E80  }
0x186: {  	[sflag:s3] =	ssyncset.done $0x0  }
0x187: {  	[sflag:s3] =	ssyncadd.s32 $0xFFFFC180  }
0x188: {  	_ =	swait.ge [sflag:s4], $0x7D  }
0x189: {  	s9 =	sld [smem:$0x7E4]  }
0x18a: {  	[sflag:s4] =	ssyncset.done $0x0  }
0x18b: {  	s6 =	simm.s32 $0x0;
	[sflag:s4] =	ssyncadd.s32 $0xFFFFFF83  }
0x18c: {  	[tilespmem:s11], [sflag:$0x8] =	stream.linear.gather [hbm4b:s9+s6], $0x1400, $0x38;
	[tilespmem:$0x1EDF8] =	vst v63  }
0x18d: {  	_ =	swait.ge [sflag:s12], $0x1400  }
0x18e: {  	s16 =	sld [smem:$0x7E5]  }
0x18f: {  	[sflag:s12] =	ssyncset.done $0x0  }
0x190: {  	[sflag:s12] =	ssyncadd.s32 $0xFFFFEC00  }
0x191: {  	[tilespmem:s10], [sflag:$0x8] =	stream.linear.gather [hbm4b:s16+s6], $0x1400, $0x38;
	[tilespmem:$0x1EDF8] =	vst v63  }
0x192: {  	_ =	swait.ge [sflag:s12], $0x1400  }
0x193: {  	[sflag:s12] =	ssyncset.done $0x0  }
0x194: {  	[sflag:s12] =	ssyncadd.s32 $0xFFFFEC00  }
0x195: {  	[tilespmem:s15], [sflag:$0x1] =	stream.indirect.gather [hbm4b:s31+s14], $0x80, s11, s14, $0xb8;
	[tilespmem:$0x1EDF8] =	vst v63  }
0x196: {  	s8 =	simm.s32 $0x13900  }
0x197: {  	[tilespmem:s28], [sflag:$0x2] =	stream.indirect.gather [hbm4b:s31+s14], $0x80, s8, s14, $0xb8;
	[tilespmem:$0x1EDF8] =	vst v63  }
0x198: {  	_ =	swait.ge [sflag:s21], $0x3E80  }
0x199: {  	[sflag:s21] =	ssyncset.done $0x0  }
0x19a: {  	s9 =	simm.s32 $0x14C80;
	[sflag:s21] =	ssyncadd.s32 $0xFFFFC180  }
0x19b: {  	[spmem:s1] =	stream.indirect.scatter.add.f32 [tilespmem:s15], [sflag:$0x3], $0x80, s9, s14, $0xb8;
	[tilespmem:$0x1EDF8] =	vst v63  }
0x19c: {  	_ = 	snop  }
0x19d: {  	[spmem:s5] =	stream.indirect.scatter.add.f32 [tilespmem:s22], [sflag:$0x6], $0x1, s9, s14, $0xb8;
	[tilespmem:$0x1EDF8] =	vst v63  }
0x19e: {  	_ =	swait.ge [sflag:s0], $0x3E80  }
0x19f: {  	[sflag:s0] =	ssyncset.done $0x0  }
0x1a0: {  	s10 =	simm.s32 $0x14D00;
	[sflag:s0] =	ssyncadd.s32 $0xFFFFC180  }
0x1a1: {  	[spmem:s1] =	stream.indirect.scatter.add.f32 [tilespmem:s28], [sflag:$0x4], $0x80, s10, s14, $0xb8;
	[tilespmem:$0x1EDF8] =	vst v63  }
0x1a2: {  	_ = 	snop  }
0x1a3: {  	[spmem:s5] =	stream.indirect.scatter.add.f32 [tilespmem:s22], [sflag:$0x7], $0x1, s10, s14, $0xb8;
	[tilespmem:$0x1EDF8] =	vst v63  }
0x1a4: {  	_ =	swait.ge [sflag:s29], $0x3E80  }
0x1a5: {  	[sflag:s29] =	ssyncset.done $0x0  }
0x1a6: {  	[sflag:s29] =	ssyncadd.s32 $0xFFFFC180  }
0x1a7: {  	_ =	swait.ge [sflag:s30], $0x7D  }
0x1a8: {  	[sflag:s30] =	ssyncset.done $0x0  }
0x1a9: {  	s16 =	simm.s32 $0x13980;
	[sflag:s30] =	ssyncadd.s32 $0xFFFFFF83  }
0x1aa: {  	[tilespmem:s15], [sflag:$0x1] =	stream.indirect.gather [hbm4b:s31+s14], $0x80, s16, s14, $0xb8;
	[tilespmem:$0x1EDF8] =	vst v63  }
0x1ab: {  	_ =	swait.ge [sflag:s3], $0x3E80  }
0x1ac: {  	[sflag:s3] =	ssyncset.done $0x0  }
0x1ad: {  	[sflag:s3] =	ssyncadd.s32 $0xFFFFC180  }
0x1ae: {  	_ =	swait.ge [sflag:s4], $0x7D  }
0x1af: {  	[sflag:s4] =	ssyncset.done $0x0  }
0x1b0: {  	s6 =	simm.s32 $0x400;
	s8 =	simm.s32 $0x13A00;
	[sflag:s4] =	ssyncadd.s32 $0xFFFFFF83  }
.LBB2_11:
0x1b1: {  	[tilespmem:s28], [sflag:$0x2] =	stream.indirect.gather [hbm4b:s31+s14], $0x80, s8, s14, $0xb8;
	[tilespmem:$0x1EDF8] =	vst v63  }
0x1b2: {  	s8 =	smov.u32 s6  }
0x1b3: {  	p6 =	sne.s32 s6, $0x4800;
	s6 =	sadd.s32 $0x400, s6;
	_ =	swait.ge [sflag:s21], $0x3E80  }
0x1b4: {  	s8 =	sshra.s32 s8, $0x2;
	[sflag:s21] =	ssyncset.done $0x0  }
0x1b5: {  	s9 =	sadd.s32 $0x14C80, s8;
	[sflag:s21] =	ssyncadd.s32 $0xFFFFC180  }
0x1b6: {  	[spmem:s1] =	stream.indirect.scatter.add.f32 [tilespmem:s15], [sflag:$0x3], $0x80, s9, s14, $0xb8;
	[tilespmem:$0x1EDF8] =	vst v63  }
0x1b7: {  	_ = 	snop  }
0x1b8: {  	[spmem:s5] =	stream.indirect.scatter.add.f32 [tilespmem:s22], [sflag:$0x6], $0x1, s9, s14, $0xb8;
	[tilespmem:$0x1EDF8] =	vst v63  }
0x1b9: {  	_ =	swait.ge [sflag:s0], $0x3E80  }
0x1ba: {  	[sflag:s0] =	ssyncset.done $0x0  }
0x1bb: {  	s9 =	sadd.s32 $0x14D00, s8;
	[sflag:s0] =	ssyncadd.s32 $0xFFFFC180  }
0x1bc: {  	[spmem:s1] =	stream.indirect.scatter.add.f32 [tilespmem:s28], [sflag:$0x4], $0x80, s9, s14, $0xb8;
	[tilespmem:$0x1EDF8] =	vst v63  }
0x1bd: {  	_ = 	snop  }
0x1be: {  	[spmem:s5] =	stream.indirect.scatter.add.f32 [tilespmem:s22], [sflag:$0x7], $0x1, s9, s14, $0xb8;
	[tilespmem:$0x1EDF8] =	vst v63  }
0x1bf: {  	_ =	swait.ge [sflag:s29], $0x3E80  }
0x1c0: {  	[sflag:s29] =	ssyncset.done $0x0  }
0x1c1: {  	[sflag:s29] =	ssyncadd.s32 $0xFFFFC180  }
0x1c2: {  	_ =	swait.ge [sflag:s30], $0x7D  }
0x1c3: {  	[sflag:s30] =	ssyncset.done $0x0  }
0x1c4: {  	s9 =	sadd.s32 $0x13980, s8;
	[sflag:s30] =	ssyncadd.s32 $0xFFFFFF83  }
0x1c5: {  	[tilespmem:s15], [sflag:$0x1] =	stream.indirect.gather [hbm4b:s31+s14], $0x80, s9, s14, $0xb8;
	[tilespmem:$0x1EDF8] =	vst v63  }
0x1c6: {  	_ =	swait.ge [sflag:s3], $0x3E80  }
.Ltmp5:
0x1c7: {  	[sflag:s3] =	ssyncset.done $0x0;
	(pc) =	sbr.rel @p6 .LBB2_11-.Ltmp5, $4  }
0x1c8: {  	[sflag:s3] =	ssyncadd.s32 $0xFFFFC180  }
0x1c9: {  	_ =	swait.ge [sflag:s4], $0x7D  }
0x1ca: {  	[sflag:s4] =	ssyncset.done $0x0  }
0x1cb: {  	s8 =	sadd.s32 $0x13A00, s8;
	[sflag:s4] =	ssyncadd.s32 $0xFFFFFF83  }
0x1cc: {  	[tilespmem:s28], [sflag:$0x2] =	stream.indirect.gather [hbm4b:s31+s14], $0x80, s8, s14, $0xb8;
	[tilespmem:$0x1EDF8] =	vst v63  }
0x1cd: {  	_ =	swait.ge [sflag:s21], $0x3E80  }
0x1ce: {  	[sflag:s21] =	ssyncset.done $0x0  }
0x1cf: {  	[sflag:s21] =	ssyncadd.s32 $0xFFFFC180  }
0x1d0: {  	[spmem:s1] =	stream.indirect.scatter.add.f32 [tilespmem:s15], [sflag:$0x3], $0x80, s13, s14, $0xb8;
	[tilespmem:$0x1EDF8] =	vst v63  }
0x1d1: {  	_ = 	snop  }
0x1d2: {  	[spmem:s5] =	stream.indirect.scatter.add.f32 [tilespmem:s22], [sflag:$0x6], $0x1, s13, s14, $0xb8;
	[tilespmem:$0x1EDF8] =	vst v63  }
0x1d3: {  	_ =	swait.ge [sflag:s0], $0x3E80  }
0x1d4: {  	[sflag:s0] =	ssyncset.done $0x0  }
0x1d5: {  	[sflag:s0] =	ssyncadd.s32 $0xFFFFC180  }
0x1d6: {  	[spmem:s1] =	stream.indirect.scatter.add.f32 [tilespmem:s28], [sflag:$0x4], $0x80, s23, s14, $0xb8;
	[tilespmem:$0x1EDF8] =	vst v63  }
0x1d7: {  	_ = 	snop  }
0x1d8: {  	[spmem:s5] =	stream.indirect.scatter.add.f32 [tilespmem:s22], [sflag:$0x7], $0x1, s23, s14, $0xb8;
	[tilespmem:$0x1EDF8] =	vst v63  }
0x1d9: {  	_ =	swait.ge [sflag:s29], $0x3E80  }
0x1da: {  	[sflag:s29] =	ssyncset.done $0x0  }
0x1db: {  	[sflag:s29] =	ssyncadd.s32 $0xFFFFC180  }
0x1dc: {  	_ =	swait.ge [sflag:s30], $0x7D  }
0x1dd: {  	[sflag:s30] =	ssyncset.done $0x0  }
0x1de: {  	[sflag:s30] =	ssyncadd.s32 $0xFFFFFF83  }
0x1df: {  	_ =	swait.ge [sflag:s3], $0x3E80  }
0x1e0: {  	[sflag:s3] =	ssyncset.done $0x0  }
0x1e1: {  	[sflag:s3] =	ssyncadd.s32 $0xFFFFC180  }
0x1e2: {  	_ =	swait.ge [sflag:s4], $0x7D  }
0x1e3: {  	[sflag:s4] =	ssyncset.done $0x0  }
0x1e4: {  	[sflag:s4] =	ssyncadd.s32 $0xFFFFFF83  }
0x1e5: {  	[bflag:$0x0] =	sbarrier.arrive $0xFFFF  }
0x1e6: {  	s9 =	sld [smem:$0x7EB];
	_ =	sdelay $0x1  }
0x1e7: {  	s6 =	sshrl.u32 @!p2 s17, $0x3;
	s8 =	simm.s32 @!p2 $0x1FC8  }
0x1e8: {  	[hbm:s9], [sflag:s8] =	dma.local @!p2 [spmem:s6], $0x1900  }
0x1e9: {  	s6 =	simm.s32 @!p2 $0x8  }
0x1ea: {  	_ =	swait.ge @!p2 [sflag:s6], $0x1900  }
0x1eb: {  	[sflag:s6] =	ssyncset.done @!p2 $0x0  }
0x1ec: {  	s8 =	simm.s32 @!p2 $0x1EB78;
	[sflag:s6] =	ssyncadd.s32 @!p2 $0xFFFFE700  }
0x1ed: {  	[tilespmem:s8], [sflag:$0x8] =	stream.linear.gather @!p2 [spmem:s19], $0x190, $0x38;
	[tilespmem:$0x1EDF8] =	vst v63  }
0x1ee: {  	_ =	swait.ge @!p2 [sflag:s6], $0x190  }
0x1ef: {  	s10 =	sld [smem:$0x7EC]  }
0x1f0: {  	[sflag:s6] =	ssyncset.done @!p2 $0x0  }
0x1f1: {  	s9 =	simm.s32 @!p2 $0x0;
	[sflag:s6] =	ssyncadd.s32 @!p2 $0xFFFFFE70  }
0x1f2: {  	[hbm4b:s10+s9] =	stream.linear.scatter @!p2 [tilespmem:s8], [sflag:$0x8], $0x190, $0x38;
	[tilespmem:$0x1EDF8] =	vst v63  }
0x1f3: {  	_ =	swait.ge @!p2 [sflag:s6], $0x190  }
0x1f4: {  	s10 =	stileid.u32;
	s9 =	sld [smem:$0x7E8]  }
0x1f5: {  	s8 =	sshll.u32 @!p3 s10, $0x6;
	[sflag:s6] =	ssyncset.done @!p2 $0x0  }
0x1f6: {  	[sflag:s6] =	ssyncadd.s32 @!p2 $0xFFFFFE70;
	s6 =	sor.u32 @!p3 $0x1C08, s8;
	s8 =	sshrl.u32 @!p3 s2, $0x3  }
0x1f7: {  	[hbm:s9], [sflag:s6] =	dma.local @!p3 [spmem:s8], $0x2800  }
0x1f8: {  	s6 =	simm.s32 @!p3 $0x8  }
0x1f9: {  	_ =	swait.ge @!p3 [sflag:s6], $0x2800  }
0x1fa: {  	[sflag:s6] =	ssyncset.done @!p3 $0x0  }
0x1fb: {  	s8 =	simm.s32 @!p3 $0x1EB78;
	[sflag:s6] =	ssyncadd.s32 @!p3 $0xFFFFD800  }
0x1fc: {  	[tilespmem:s8], [sflag:$0x8] =	stream.linear.gather @!p3 [spmem:s7], $0x280, $0x38;
	[tilespmem:$0x1EDF8] =	vst v63  }
0x1fd: {  	_ =	swait.ge @!p3 [sflag:s6], $0x280  }
0x1fe: {  	s16 =	sld [smem:$0x7E7]  }
0x1ff: {  	[sflag:s6] =	ssyncset.done @!p3 $0x0  }
0x200: {  	s9 =	simm.s32 @!p3 $0x0;
	[sflag:s6] =	ssyncadd.s32 @!p3 $0xFFFFFD80  }
0x201: {  	[hbm4b:s16+s9] =	stream.linear.scatter @!p3 [tilespmem:s8], [sflag:$0x8], $0x280, $0x38;
	[tilespmem:$0x1EDF8] =	vst v63  }
0x202: {  	_ =	swait.ge @!p3 [sflag:s6], $0x280  }
0x203: {  	s9 =	sld [smem:$0x7ED]  }
0x204: {  	[sflag:s6] =	ssyncset.done @!p3 $0x0  }
0x205: {  	s8 =	simm.s32 @!p4 $0x1FC8;
	[sflag:s6] =	ssyncadd.s32 @!p3 $0xFFFFFD80;
	s6 =	sshrl.u32 @!p4 s17, $0x3  }
0x206: {  	[hbm:s9], [sflag:s8] =	dma.local @!p4 [spmem:s6], $0x1900  }
0x207: {  	s6 =	simm.s32 @!p4 $0x8  }
0x208: {  	_ =	swait.ge @!p4 [sflag:s6], $0x1900  }
0x209: {  	[sflag:s6] =	ssyncset.done @!p4 $0x0  }
0x20a: {  	s8 =	simm.s32 @!p4 $0x1EB78;
	[sflag:s6] =	ssyncadd.s32 @!p4 $0xFFFFE700  }
0x20b: {  	[tilespmem:s8], [sflag:$0x8] =	stream.linear.gather @!p4 [spmem:s19], $0x190, $0x38;
	[tilespmem:$0x1EDF8] =	vst v63  }
0x20c: {  	_ =	swait.ge @!p4 [sflag:s6], $0x190  }
0x20d: {  	s16 =	sld [smem:$0x7EE]  }
0x20e: {  	[sflag:s6] =	ssyncset.done @!p4 $0x0  }
0x20f: {  	s9 =	simm.s32 @!p4 $0x0;
	[sflag:s6] =	ssyncadd.s32 @!p4 $0xFFFFFE70  }
0x210: {  	[hbm4b:s16+s9] =	stream.linear.scatter @!p4 [tilespmem:s8], [sflag:$0x8], $0x190, $0x38;
	[tilespmem:$0x1EDF8] =	vst v63  }
0x211: {  	_ =	swait.ge @!p4 [sflag:s6], $0x190  }
0x212: {  	s9 =	sld [smem:$0x7E9]  }
0x213: {  	s8 =	sshll.u32 @!p5 s10, $0x6;
	[sflag:s6] =	ssyncset.done @!p4 $0x0  }
0x214: {  	[sflag:s6] =	ssyncadd.s32 @!p4 $0xFFFFFE70;
	s6 =	sor.u32 @!p5 $0x1C08, s8;
	s8 =	sshrl.u32 @!p5 s2, $0x3  }
0x215: {  	[hbm:s9], [sflag:s6] =	dma.local @!p5 [spmem:s8], $0x2800  }
0x216: {  	s6 =	simm.s32 @!p5 $0x8  }
0x217: {  	_ =	swait.ge @!p5 [sflag:s6], $0x2800  }
0x218: {  	[sflag:s6] =	ssyncset.done @!p5 $0x0  }
0x219: {  	s8 =	simm.s32 @!p5 $0x1EB78;
	[sflag:s6] =	ssyncadd.s32 @!p5 $0xFFFFD800  }
0x21a: {  	[tilespmem:s8], [sflag:$0x8] =	stream.linear.gather @!p5 [spmem:s7], $0x280, $0x38;
	[tilespmem:$0x1EDF8] =	vst v63  }
0x21b: {  	_ =	swait.ge @!p5 [sflag:s6], $0x280  }
0x21c: {  	s10 =	sld [smem:$0x7EA]  }
0x21d: {  	[sflag:s6] =	ssyncset.done @!p5 $0x0  }
0x21e: {  	s9 =	simm.s32 @!p5 $0x0;
	[sflag:s6] =	ssyncadd.s32 @!p5 $0xFFFFFD80  }
0x21f: {  	[hbm4b:s10+s9] =	stream.linear.scatter @!p5 [tilespmem:s8], [sflag:$0x8], $0x280, $0x38;
	[tilespmem:$0x1EDF8] =	vst v63  }
0x220: {  	_ =	swait.ge @!p5 [sflag:s6], $0x280  }
0x221: {  	s10 =	sld [smem:$0x7EF];
	_ =	sdelay $0x1  }
0x222: {  	s24 =	sadd.s32 $0x1, s24  }
0x223: {  	p6 =	sne.s32 s24, s10  }
.Ltmp6:
0x224: {  	_ = 	snop;
	(pc) =	sbr.rel @p6 .LBB2_1-.Ltmp6, $3  }
0x225: {  	_ =	sdelay $0x1  }
0x226: {  	[sflag:s6] =	ssyncset.done @!p5 $0x0  }
0x227: {  	s16 =	stileid.u32;
	[sflag:s6] =	ssyncadd.s32 @!p5 $0xFFFFFD80;
	s10 =	simm.s32 $0x14C80  }
0x228: {  	_ =	sfence.sel $0x180000  }
0x229: {  	[bflag:$0x0] =	sbarrier.arrive $0xFFFF  }
0x22a: {  	_ =	strace $0x90000047  }
0x22b: {  	[bflag:$0x2] =	sbarrier.arrive $0xFFFF  }
0x22c: {  	p0 =	sne.s32 s16, $0x0;
	s0 =	rddreg [dreg:$0x5]  }
0x22d: {  	s0 =	sadd.s32 @!p0 $0x100000, s0  }
0x22e: {  	[sflag:s0] =	ssyncadd.tile.s32 @!p0 $0x1;
	_ =	shalt  }
.Lfunc_end2:
_tile_overlayer_lowered:
.L_overlay_start_2:
0x22f: {  	(tag) =	ssettag $0x2  }
0x230: {  	s0 =	rddreg [dreg:$0x0];
	s2 =	stileid.u32  }
0x231: {  	s1 =	rddreg [dreg:$0x1];
	p0 =	sne.s32 s2, $0x0  }
0x232: {  	s3 =	rddreg [dreg:$0x2];
	[bflag:$0x3] =	sbarrier.arrive $0xFFFF;
	s2 =	simm.s32 @!p0 $0x1C08  }
0x233: {  	[timem:s3], [sflag:s2] =	dma.local @!p0 [hbm:s0], s1  }
0x234: {  	s0 =	simm.s32 @!p0 $0x8  }
0x235: {  	_ =	swait.ge @!p0 [sflag:s0], s1  }
0x236: {  	s1 =	ssub.s32 @!p0 $0x0, s1;
	[sflag:s0] =	ssyncset.done @!p0 $0x0  }
0x237: {  	[sflag:s0] =	ssyncadd.s32 @!p0 s1  }
0x238: {  	[bflag:$0x3] =	sbarrier.arrive $0xFFFF  }
0x239: {  	_ =	shalt  }

</sc_bundles>
